<compile_context>
chip_gen: v7x
topology: tpu7x:2x2x1
jax: 0.10.2.dev20260603
libtpu: 0.0.44.dev20260713+nightly
codegen_flags: <defaults>
</compile_context>

<pallas_src>
import functools
import math

import jax
import jax.numpy as jnp
from jax import lax
from jax.experimental import pallas as pl
from jax.experimental.pallas import tpu as pltpu
from jax.experimental.pallas import tpu_sc as plsc

D = 64
H = D // 2
SCALE = math.sqrt(D)
NUM_CORES = 2
NUM_SUBCORES = 16
NW = NUM_CORES * NUM_SUBCORES
LANES = 16
CHUNK = 400
ROW_UNROLL = 8


def _scale_chunk(srcA, srcB, dst):

    def rows(i, c):
        for r in range(ROW_UNROLL):
            row = i * ROW_UNROLL + r
            for j in range(H // LANES):
                sl = pl.ds(j * LANES, LANES)
                dst[row, sl] = srcA[row, sl] * SCALE
            for j in range(H // LANES):
                sl = pl.ds(j * LANES, LANES)
                dst[row, pl.ds(H + j * LANES, LANES)] = srcB[row, sl] * SCALE
        return c

    lax.fori_loop(0, CHUNK // ROW_UNROLL, rows, 0, unroll=False)


@jax.jit
def _embed(tokens_flat, tableA, tableB):
    B = tokens_flat.shape[0]
    b_per_w = B // NW
    n_chunks = b_per_w // CHUNK
    mesh = plsc.VectorSubcoreMesh(core_axis_name="c", subcore_axis_name="s")

    @functools.partial(
        pl.kernel,
        mesh=mesh,
        out_type=jax.ShapeDtypeStruct((B, D), jnp.float32),
        scratch_types=[
            pltpu.VMEM((CHUNK,), jnp.int32),
            pltpu.VMEM((CHUNK,), jnp.int32),
            pltpu.VMEM((CHUNK, H), jnp.float32),
            pltpu.VMEM((CHUNK, H), jnp.float32),
            pltpu.VMEM((CHUNK, H), jnp.float32),
            pltpu.VMEM((CHUNK, H), jnp.float32),
            pltpu.VMEM((CHUNK, D), jnp.float32),
            pltpu.VMEM((CHUNK, D), jnp.float32),
            pltpu.SemaphoreType.DMA,
            pltpu.SemaphoreType.DMA,
            pltpu.SemaphoreType.DMA,
            pltpu.SemaphoreType.DMA,
        ],
        compiler_params=pltpu.CompilerParams(use_tc_tiling_on_sc=False),
    )
    def k(tok_hbm, tblA_hbm, tblB_hbm, out_hbm,
          idx0, idx1, a0, a1, b0, b1, o0, o1, gs0, gs1, ss0, ss1):
        idx = (idx0, idx1)
        abuf = (a0, a1)
        bbuf = (b0, b1)
        obuf = (o0, o1)
        gsem = (gs0, gs1)
        ssem = (ss0, ss1)
        wid = lax.axis_index("s") * NUM_CORES + lax.axis_index("c")
        base = wid * b_per_w

        def start_gather(c, b):
            off = base + c * CHUNK
            pltpu.sync_copy(tok_hbm.at[pl.ds(off, CHUNK)], idx[b])
            pltpu.make_async_copy(tblA_hbm.at[idx[b]], abuf[b], gsem[b]).start()
            pltpu.make_async_copy(tblB_hbm.at[idx[b]], bbuf[b], gsem[b]).start()

        def wait_gather(b):
            pltpu.make_async_copy(tblA_hbm.at[idx[b]], abuf[b], gsem[b]).wait()
            pltpu.make_async_copy(tblB_hbm.at[idx[b]], bbuf[b], gsem[b]).wait()

        def start_scatter(c, b):
            off = base + c * CHUNK
            pltpu.make_async_copy(obuf[b], out_hbm.at[pl.ds(off, CHUNK)],
                                  ssem[b]).start()

        def wait_scatter(c, b):
            off = base + c * CHUNK
            pltpu.make_async_copy(obuf[b], out_hbm.at[pl.ds(off, CHUNK)],
                                  ssem[b]).wait()

        start_gather(0, 0)
        start_gather(1, 1)
        for c in (0, 1):
            b = c & 1
            wait_gather(b)
            _scale_chunk(abuf[b], bbuf[b], obuf[b])
            start_scatter(c, b)
            start_gather(c + 2, b)

        def body(i, carry):
            for b in (0, 1):
                c = 2 + 2 * i + b
                wait_gather(b)
                wait_scatter(c - 2, b)
                _scale_chunk(abuf[b], bbuf[b], obuf[b])
                start_scatter(c, b)
                start_gather(c + 2, b)
            return carry

        lax.fori_loop(0, (n_chunks - 4) // 2, body, 0, unroll=False)

        for c in (n_chunks - 2, n_chunks - 1):
            b = c & 1
            wait_gather(b)
            wait_scatter(c - 2, b)
            _scale_chunk(abuf[b], bbuf[b], obuf[b])
            start_scatter(c, b)
        for c in (n_chunks - 2, n_chunks - 1):
            wait_scatter(c, c & 1)

    return k(tokens_flat, tableA, tableB)


def kernel(tokens, table):
    BATCH, SEQ = tokens.shape
    B = BATCH * SEQ
    flat = tokens.reshape(B).astype(jnp.int32)
    out = _embed(flat, table[:, :H], table[:, H:])
    return out.reshape(BATCH, SEQ, D)

# --- scband reference (transcript-rebuilt; emitter-appended) ---
"""Pipeline reference for scband-token-embedding-41137196761569 (READ-ONLY COPY).

The authoritative reference and input builder live on the scoring server;
editing this copy changes nothing except your own understanding.
"""

import jax, jax.numpy as jnp
import numpy as np
import math

VOCAB_SIZE = 1000000
EMBED_SIZE = 64
BATCH = 4096
SEQ = 200

def setup_inputs(seed: int = 0) -> dict:
    key = jax.random.key(seed)
    k_tok, k_w = jax.random.split(key)
    tokens = jax.random.randint(k_tok, (BATCH, SEQ), 0, VOCAB_SIZE, dtype=jnp.int64 if jax.config.jax_enable_x64 else jnp.int32)
    # embedding table, initialized like nn.Embedding default: N(0, 1)
    table = jax.random.normal(k_w, (VOCAB_SIZE, EMBED_SIZE), dtype=jnp.float32)
    return {"tokens": tokens, "table": table}

def reference(tokens, table):
    # Faithful to: self.embedding(tokens.long()) * math.sqrt(self.embed_size)
    emb = jnp.take(table, tokens, axis=0)
    return emb * math.sqrt(EMBED_SIZE)

if __name__ == "__main__":
    import jax
    _d = setup_inputs()
    print(jax.jit(kernel)(*tuple(_d.values())))

</pallas_src>

<mosaic_0001>
#map = affine_map<(d0, d1) -> (0)>
#map1 = affine_map<(d0, d1) -> (0, 0)>
module attributes {stable_mosaic.version = 14 : i64} {
  func.func @k(%arg0: i32, %arg1: i32, %arg2: memref<819200xi32, #tpu.memory_space<hbm>>, %arg3: memref<1000000x32xf32, #tpu.memory_space<hbm>>, %arg4: memref<1000000x32xf32, #tpu.memory_space<hbm>>, %arg5: memref<819200x64xf32, #tpu.memory_space<hbm>>, %arg6: memref<400xi32, #tpu.memory_space<vmem>>, %arg7: memref<400xi32, #tpu.memory_space<vmem>>, %arg8: memref<400x32xf32, #tpu.memory_space<vmem>>, %arg9: memref<400x32xf32, #tpu.memory_space<vmem>>, %arg10: memref<400x32xf32, #tpu.memory_space<vmem>>, %arg11: memref<400x32xf32, #tpu.memory_space<vmem>>, %arg12: memref<400x64xf32, #tpu.memory_space<vmem>>, %arg13: memref<400x64xf32, #tpu.memory_space<vmem>>, %arg14: memref<!tpu.dma_semaphore, #tpu.memory_space<semaphore_mem>>, %arg15: memref<!tpu.dma_semaphore, #tpu.memory_space<semaphore_mem>>, %arg16: memref<!tpu.dma_semaphore, #tpu.memory_space<semaphore_mem>>, %arg17: memref<!tpu.dma_semaphore, #tpu.memory_space<semaphore_mem>>) attributes {dimension_semantics = [#tpu.dimension_semantics<core_parallel>, #tpu.dimension_semantics<subcore_parallel>], iteration_bounds = array<i64: 2, 16>, scalar_prefetch = 0 : i64, scratch_operands = 12 : i64, tpu.core_type = #tpu.core_type<sc_vector_subcore>, window_params = [{transform_indices = #map}, {transform_indices = #map1}, {transform_indices = #map1}, {transform_indices = #map1}]} {
    %mul3A = arith.constant 2 : i32
    %mul3A_0 = arith.muli %arg1, %mul3A : i32
    %add3A = arith.addi %mul3A_0, %arg0 : i32
    %mul3A_1 = arith.constant 25600 : i32
    %mul3A_2 = arith.muli %add3A, %mul3A_1 : i32
    %add3A_3 = arith.constant 0 : i32
    %add3A_4 = arith.addi %mul3A_2, %add3A_3 : i32
    "tpu.region"() ({
      %run_scoped3A = tpu.sem_alloc : memref<!tpu.dma_semaphore, #tpu.memory_space<semaphore_mem>>
      %dma_start3A_134 = tpu.memref_slice %arg2[%add3A_4] : memref<819200xi32, #tpu.memory_space<hbm>> -> memref<400xi32, #tpu.memory_space<hbm>>
      %dma_start3A_135 = tpu.memref_slice %arg2[%add3A_4] : memref<819200xi32, #tpu.memory_space<hbm>> -> memref<400xi32, #tpu.memory_space<hbm>>
      tpu.enqueue_dma source(%dma_start3A_135 : memref<400xi32, #tpu.memory_space<hbm>>) target(%arg6 : memref<400xi32, #tpu.memory_space<vmem>>) target_semaphore(%run_scoped3A : memref<!tpu.dma_semaphore, #tpu.memory_space<semaphore_mem>>)
      %dma_wait3A_136 = tpu.memref_slice %arg2[%add3A_4] : memref<819200xi32, #tpu.memory_space<hbm>> -> memref<400xi32, #tpu.memory_space<hbm>>
      %dma_wait3A_137 = tpu.memref_slice %arg2[%add3A_4] : memref<819200xi32, #tpu.memory_space<hbm>> -> memref<400xi32, #tpu.memory_space<hbm>>
      tpu.wait_dma2 semaphore(%run_scoped3A : memref<!tpu.dma_semaphore, #tpu.memory_space<semaphore_mem>>) src(%dma_wait3A_137 : memref<400xi32, #tpu.memory_space<hbm>>) dst(%arg6 : memref<400xi32, #tpu.memory_space<vmem>>)
      tpu.yield
    }) : () -> ()
    %dma_start3A = arith.constant 0 : i32
    %dma_start3A_5 = arith.constant 0 : i32
    %dma_start3A_6 = tpu.memref_slice %arg3[%dma_start3A, %dma_start3A_5] : memref<1000000x32xf32, #tpu.memory_space<hbm>> -> memref<1000000x32xf32, #tpu.memory_space<hbm>>
    tpu.enqueue_indirect_dma source(%dma_start3A_6 : memref<1000000x32xf32, #tpu.memory_space<hbm>>) target(%arg8 : memref<400x32xf32, #tpu.memory_space<vmem>>) offsets(%arg6 : memref<400xi32, #tpu.memory_space<vmem>>) semaphore(%arg14 : memref<!tpu.dma_semaphore, #tpu.memory_space<semaphore_mem>>)
    %dma_start3A_7 = arith.constant 0 : i32
    %dma_start3A_8 = arith.constant 0 : i32
    %dma_start3A_9 = tpu.memref_slice %arg4[%dma_start3A_7, %dma_start3A_8] : memref<1000000x32xf32, #tpu.memory_space<hbm>> -> memref<1000000x32xf32, #tpu.memory_space<hbm>>
    tpu.enqueue_indirect_dma source(%dma_start3A_9 : memref<1000000x32xf32, #tpu.memory_space<hbm>>) target(%arg10 : memref<400x32xf32, #tpu.memory_space<vmem>>) offsets(%arg6 : memref<400xi32, #tpu.memory_space<vmem>>) semaphore(%arg14 : memref<!tpu.dma_semaphore, #tpu.memory_space<semaphore_mem>>)
    %add3A_10 = arith.constant 400 : i32
    %add3A_11 = arith.addi %mul3A_2, %add3A_10 : i32
    "tpu.region"() ({
      %run_scoped3A = tpu.sem_alloc : memref<!tpu.dma_semaphore, #tpu.memory_space<semaphore_mem>>
      %dma_start3A_134 = tpu.memref_slice %arg2[%add3A_11] : memref<819200xi32, #tpu.memory_space<hbm>> -> memref<400xi32, #tpu.memory_space<hbm>>
      %dma_start3A_135 = tpu.memref_slice %arg2[%add3A_11] : memref<819200xi32, #tpu.memory_space<hbm>> -> memref<400xi32, #tpu.memory_space<hbm>>
      tpu.enqueue_dma source(%dma_start3A_135 : memref<400xi32, #tpu.memory_space<hbm>>) target(%arg7 : memref<400xi32, #tpu.memory_space<vmem>>) target_semaphore(%run_scoped3A : memref<!tpu.dma_semaphore, #tpu.memory_space<semaphore_mem>>)
      %dma_wait3A_136 = tpu.memref_slice %arg2[%add3A_11] : memref<819200xi32, #tpu.memory_space<hbm>> -> memref<400xi32, #tpu.memory_space<hbm>>
      %dma_wait3A_137 = tpu.memref_slice %arg2[%add3A_11] : memref<819200xi32, #tpu.memory_space<hbm>> -> memref<400xi32, #tpu.memory_space<hbm>>
      tpu.wait_dma2 semaphore(%run_scoped3A : memref<!tpu.dma_semaphore, #tpu.memory_space<semaphore_mem>>) src(%dma_wait3A_137 : memref<400xi32, #tpu.memory_space<hbm>>) dst(%arg7 : memref<400xi32, #tpu.memory_space<vmem>>)
      tpu.yield
    }) : () -> ()
    %dma_start3A_12 = arith.constant 0 : i32
    %dma_start3A_13 = arith.constant 0 : i32
    %dma_start3A_14 = tpu.memref_slice %arg3[%dma_start3A_12, %dma_start3A_13] : memref<1000000x32xf32, #tpu.memory_space<hbm>> -> memref<1000000x32xf32, #tpu.memory_space<hbm>>
    tpu.enqueue_indirect_dma source(%dma_start3A_14 : memref<1000000x32xf32, #tpu.memory_space<hbm>>) target(%arg9 : memref<400x32xf32, #tpu.memory_space<vmem>>) offsets(%arg7 : memref<400xi32, #tpu.memory_space<vmem>>) semaphore(%arg15 : memref<!tpu.dma_semaphore, #tpu.memory_space<semaphore_mem>>)
    %dma_start3A_15 = arith.constant 0 : i32
    %dma_start3A_16 = arith.constant 0 : i32
    %dma_start3A_17 = tpu.memref_slice %arg4[%dma_start3A_15, %dma_start3A_16] : memref<1000000x32xf32, #tpu.memory_space<hbm>> -> memref<1000000x32xf32, #tpu.memory_space<hbm>>
    tpu.enqueue_indirect_dma source(%dma_start3A_17 : memref<1000000x32xf32, #tpu.memory_space<hbm>>) target(%arg11 : memref<400x32xf32, #tpu.memory_space<vmem>>) offsets(%arg7 : memref<400xi32, #tpu.memory_space<vmem>>) semaphore(%arg15 : memref<!tpu.dma_semaphore, #tpu.memory_space<semaphore_mem>>)
    %dma_wait3A = arith.constant 0 : i32
    %dma_wait3A_18 = arith.constant 0 : i32
    %dma_wait3A_19 = tpu.memref_slice %arg3[%dma_wait3A, %dma_wait3A_18] : memref<1000000x32xf32, #tpu.memory_space<hbm>> -> memref<1000000x32xf32, #tpu.memory_space<hbm>>
    tpu.wait_indirect_dma semaphore(%arg14 : memref<!tpu.dma_semaphore, #tpu.memory_space<semaphore_mem>>) src(%dma_wait3A_19 : memref<1000000x32xf32, #tpu.memory_space<hbm>>) dst(%arg8 : memref<400x32xf32, #tpu.memory_space<vmem>>)
    %dma_wait3A_20 = arith.constant 0 : i32
    %dma_wait3A_21 = arith.constant 0 : i32
    %dma_wait3A_22 = tpu.memref_slice %arg4[%dma_wait3A_20, %dma_wait3A_21] : memref<1000000x32xf32, #tpu.memory_space<hbm>> -> memref<1000000x32xf32, #tpu.memory_space<hbm>>
    tpu.wait_indirect_dma semaphore(%arg14 : memref<!tpu.dma_semaphore, #tpu.memory_space<semaphore_mem>>) src(%dma_wait3A_22 : memref<1000000x32xf32, #tpu.memory_space<hbm>>) dst(%arg10 : memref<400x32xf32, #tpu.memory_space<vmem>>)
    %scan3A = arith.constant 0 : i32
    %scan3A_23 = arith.constant 0 : i32
    %scan3A_24 = arith.constant 50 : i32
    %scan3A_25 = arith.addi %scan3A_23, %scan3A_24 : i32
    %scan3A_26 = arith.constant 1 : i32
    scf.for %scan3A_134 = %scan3A_23 to %scan3A_25 step %scan3A_26  : i32 {
      %mul3A_135 = arith.constant 8 : i32
      %mul3A_136 = arith.muli %scan3A_134, %mul3A_135 : i32
      %add3A_137 = arith.constant 0 : i32
      %add3A_138 = arith.addi %mul3A_136, %add3A_137 : i32
      %get3A = arith.index_cast %add3A_138 : i32 to index
      %get3A_139 = arith.constant 0 : index
      %get3A_140 = tpu.vector_load %arg8[%get3A, %get3A_139] {strides = array<i32>} : memref<400x32xf32, #tpu.memory_space<vmem>>, vector<1x16xf32>,
      %get3A_141 = vector.shape_cast %get3A_140 : vector<1x16xf32> to vector<16xf32>
      %mul3A_142 = arith.constant 8.000000e+00 : f32
      %mul3A_143 = vector.broadcast %mul3A_142 : f32 to vector<16xf32>
      %mul3A_144 = arith.mulf %get3A_141, %mul3A_143 : vector<16xf32>
      %swap3A = arith.index_cast %add3A_138 : i32 to index
      %swap3A_145 = arith.constant 0 : index
      %swap3A_146 = tpu.vector_load %arg12[%swap3A, %swap3A_145] {strides = array<i32>} : memref<400x64xf32, #tpu.memory_space<vmem>>, vector<1x16xf32>,
      %swap3A_147 = vector.shape_cast %swap3A_146 : vector<1x16xf32> to vector<16xf32>
      %swap3A_148 = vector.shape_cast %mul3A_144 : vector<16xf32> to vector<1x16xf32>
      tpu.vector_store %arg12[%swap3A, %swap3A_145], %swap3A_148 {strides = array<i32>} : memref<400x64xf32, #tpu.memory_space<vmem>>, vector<1x16xf32>,
      %get3A_149 = arith.index_cast %add3A_138 : i32 to index
      %get3A_150 = arith.constant 16 : index
      %get3A_151 = tpu.vector_load %arg8[%get3A_149, %get3A_150] {strides = array<i32>} : memref<400x32xf32, #tpu.memory_space<vmem>>, vector<1x16xf32>,
      %get3A_152 = vector.shape_cast %get3A_151 : vector<1x16xf32> to vector<16xf32>
      %mul3A_153 = arith.constant 8.000000e+00 : f32
      %mul3A_154 = vector.broadcast %mul3A_153 : f32 to vector<16xf32>
      %mul3A_155 = arith.mulf %get3A_152, %mul3A_154 : vector<16xf32>
      %swap3A_156 = arith.index_cast %add3A_138 : i32 to index
      %swap3A_157 = arith.constant 16 : index
      %swap3A_158 = tpu.vector_load %arg12[%swap3A_156, %swap3A_157] {strides = array<i32>} : memref<400x64xf32, #tpu.memory_space<vmem>>, vector<1x16xf32>,
      %swap3A_159 = vector.shape_cast %swap3A_158 : vector<1x16xf32> to vector<16xf32>
      %swap3A_160 = vector.shape_cast %mul3A_155 : vector<16xf32> to vector<1x16xf32>
      tpu.vector_store %arg12[%swap3A_156, %swap3A_157], %swap3A_160 {strides = array<i32>} : memref<400x64xf32, #tpu.memory_space<vmem>>, vector<1x16xf32>,
      %get3A_161 = arith.index_cast %add3A_138 : i32 to index
      %get3A_162 = arith.constant 0 : index
      %get3A_163 = tpu.vector_load %arg10[%get3A_161, %get3A_162] {strides = array<i32>} : memref<400x32xf32, #tpu.memory_space<vmem>>, vector<1x16xf32>,
      %get3A_164 = vector.shape_cast %get3A_163 : vector<1x16xf32> to vector<16xf32>
      %mul3A_165 = arith.constant 8.000000e+00 : f32
      %mul3A_166 = vector.broadcast %mul3A_165 : f32 to vector<16xf32>
      %mul3A_167 = arith.mulf %get3A_164, %mul3A_166 : vector<16xf32>
      %swap3A_168 = arith.index_cast %add3A_138 : i32 to index
      %swap3A_169 = arith.constant 32 : index
      %swap3A_170 = tpu.vector_load %arg12[%swap3A_168, %swap3A_169] {strides = array<i32>} : memref<400x64xf32, #tpu.memory_space<vmem>>, vector<1x16xf32>,
      %swap3A_171 = vector.shape_cast %swap3A_170 : vector<1x16xf32> to vector<16xf32>
      %swap3A_172 = vector.shape_cast %mul3A_167 : vector<16xf32> to vector<1x16xf32>
      tpu.vector_store %arg12[%swap3A_168, %swap3A_169], %swap3A_172 {strides = array<i32>} : memref<400x64xf32, #tpu.memory_space<vmem>>, vector<1x16xf32>,
      %get3A_173 = arith.index_cast %add3A_138 : i32 to index
      %get3A_174 = arith.constant 16 : index
      %get3A_175 = tpu.vector_load %arg10[%get3A_173, %get3A_174] {strides = array<i32>} : memref<400x32xf32, #tpu.memory_space<vmem>>, vector<1x16xf32>,
      %get3A_176 = vector.shape_cast %get3A_175 : vector<1x16xf32> to vector<16xf32>
      %mul3A_177 = arith.constant 8.000000e+00 : f32
      %mul3A_178 = vector.broadcast %mul3A_177 : f32 to vector<16xf32>
      %mul3A_179 = arith.mulf %get3A_176, %mul3A_178 : vector<16xf32>
      %swap3A_180 = arith.index_cast %add3A_138 : i32 to index
      %swap3A_181 = arith.constant 48 : index
      %swap3A_182 = tpu.vector_load %arg12[%swap3A_180, %swap3A_181] {strides = array<i32>} : memref<400x64xf32, #tpu.memory_space<vmem>>, vector<1x16xf32>,
      %swap3A_183 = vector.shape_cast %swap3A_182 : vector<1x16xf32> to vector<16xf32>
      %swap3A_184 = vector.shape_cast %mul3A_179 : vector<16xf32> to vector<1x16xf32>
      tpu.vector_store %arg12[%swap3A_180, %swap3A_181], %swap3A_184 {strides = array<i32>} : memref<400x64xf32, #tpu.memory_space<vmem>>, vector<1x16xf32>,
      %mul3A_185 = arith.constant 8 : i32
      %mul3A_186 = arith.muli %scan3A_134, %mul3A_185 : i32
      %add3A_187 = arith.constant 1 : i32
      %add3A_188 = arith.addi %mul3A_186, %add3A_187 : i32
      %get3A_189 = arith.index_cast %add3A_188 : i32 to index
      %get3A_190 = arith.constant 0 : index
      %get3A_191 = tpu.vector_load %arg8[%get3A_189, %get3A_190] {strides = array<i32>} : memref<400x32xf32, #tpu.memory_space<vmem>>, vector<1x16xf32>,
      %get3A_192 = vector.shape_cast %get3A_191 : vector<1x16xf32> to vector<16xf32>
      %mul3A_193 = arith.constant 8.000000e+00 : f32
      %mul3A_194 = vector.broadcast %mul3A_193 : f32 to vector<16xf32>
      %mul3A_195 = arith.mulf %get3A_192, %mul3A_194 : vector<16xf32>
      %swap3A_196 = arith.index_cast %add3A_188 : i32 to index
      %swap3A_197 = arith.constant 0 : index
      %swap3A_198 = tpu.vector_load %arg12[%swap3A_196, %swap3A_197] {strides = array<i32>} : memref<400x64xf32, #tpu.memory_space<vmem>>, vector<1x16xf32>,
      %swap3A_199 = vector.shape_cast %swap3A_198 : vector<1x16xf32> to vector<16xf32>
      %swap3A_200 = vector.shape_cast %mul3A_195 : vector<16xf32> to vector<1x16xf32>
      tpu.vector_store %arg12[%swap3A_196, %swap3A_197], %swap3A_200 {strides = array<i32>} : memref<400x64xf32, #tpu.memory_space<vmem>>, vector<1x16xf32>,
      %get3A_201 = arith.index_cast %add3A_188 : i32 to index
      %get3A_202 = arith.constant 16 : index
      %get3A_203 = tpu.vector_load %arg8[%get3A_201, %get3A_202] {strides = array<i32>} : memref<400x32xf32, #tpu.memory_space<vmem>>, vector<1x16xf32>,
      %get3A_204 = vector.shape_cast %get3A_203 : vector<1x16xf32> to vector<16xf32>
      %mul3A_205 = arith.constant 8.000000e+00 : f32
      %mul3A_206 = vector.broadcast %mul3A_205 : f32 to vector<16xf32>
      %mul3A_207 = arith.mulf %get3A_204, %mul3A_206 : vector<16xf32>
      %swap3A_208 = arith.index_cast %add3A_188 : i32 to index
      %swap3A_209 = arith.constant 16 : index
      %swap3A_210 = tpu.vector_load %arg12[%swap3A_208, %swap3A_209] {strides = array<i32>} : memref<400x64xf32, #tpu.memory_space<vmem>>, vector<1x16xf32>,
      %swap3A_211 = vector.shape_cast %swap3A_210 : vector<1x16xf32> to vector<16xf32>
      %swap3A_212 = vector.shape_cast %mul3A_207 : vector<16xf32> to vector<1x16xf32>
      tpu.vector_store %arg12[%swap3A_208, %swap3A_209], %swap3A_212 {strides = array<i32>} : memref<400x64xf32, #tpu.memory_space<vmem>>, vector<1x16xf32>,
      %get3A_213 = arith.index_cast %add3A_188 : i32 to index
      %get3A_214 = arith.constant 0 : index
      %get3A_215 = tpu.vector_load %arg10[%get3A_213, %get3A_214] {strides = array<i32>} : memref<400x32xf32, #tpu.memory_space<vmem>>, vector<1x16xf32>,
      %get3A_216 = vector.shape_cast %get3A_215 : vector<1x16xf32> to vector<16xf32>
      %mul3A_217 = arith.constant 8.000000e+00 : f32
      %mul3A_218 = vector.broadcast %mul3A_217 : f32 to vector<16xf32>
      %mul3A_219 = arith.mulf %get3A_216, %mul3A_218 : vector<16xf32>
      %swap3A_220 = arith.index_cast %add3A_188 : i32 to index
      %swap3A_221 = arith.constant 32 : index
      %swap3A_222 = tpu.vector_load %arg12[%swap3A_220, %swap3A_221] {strides = array<i32>} : memref<400x64xf32, #tpu.memory_space<vmem>>, vector<1x16xf32>,
      %swap3A_223 = vector.shape_cast %swap3A_222 : vector<1x16xf32> to vector<16xf32>
      %swap3A_224 = vector.shape_cast %mul3A_219 : vector<16xf32> to vector<1x16xf32>
      tpu.vector_store %arg12[%swap3A_220, %swap3A_221], %swap3A_224 {strides = array<i32>} : memref<400x64xf32, #tpu.memory_space<vmem>>, vector<1x16xf32>,
      %get3A_225 = arith.index_cast %add3A_188 : i32 to index
      %get3A_226 = arith.constant 16 : index
      %get3A_227 = tpu.vector_load %arg10[%get3A_225, %get3A_226] {strides = array<i32>} : memref<400x32xf32, #tpu.memory_space<vmem>>, vector<1x16xf32>,
      %get3A_228 = vector.shape_cast %get3A_227 : vector<1x16xf32> to vector<16xf32>
      %mul3A_229 = arith.constant 8.000000e+00 : f32
      %mul3A_230 = vector.broadcast %mul3A_229 : f32 to vector<16xf32>
      %mul3A_231 = arith.mulf %get3A_228, %mul3A_230 : vector<16xf32>
      %swap3A_232 = arith.index_cast %add3A_188 : i32 to index
      %swap3A_233 = arith.constant 48 : index
      %swap3A_234 = tpu.vector_load %arg12[%swap3A_232, %swap3A_233] {strides = array<i32>} : memref<400x64xf32, #tpu.memory_space<vmem>>, vector<1x16xf32>,
      %swap3A_235 = vector.shape_cast %swap3A_234 : vector<1x16xf32> to vector<16xf32>
      %swap3A_236 = vector.shape_cast %mul3A_231 : vector<16xf32> to vector<1x16xf32>
      tpu.vector_store %arg12[%swap3A_232, %swap3A_233], %swap3A_236 {strides = array<i32>} : memref<400x64xf32, #tpu.memory_space<vmem>>, vector<1x16xf32>,
      %mul3A_237 = arith.constant 8 : i32
      %mul3A_238 = arith.muli %scan3A_134, %mul3A_237 : i32
      %add3A_239 = arith.constant 2 : i32
      %add3A_240 = arith.addi %mul3A_238, %add3A_239 : i32
      %get3A_241 = arith.index_cast %add3A_240 : i32 to index
      %get3A_242 = arith.constant 0 : index
      %get3A_243 = tpu.vector_load %arg8[%get3A_241, %get3A_242] {strides = array<i32>} : memref<400x32xf32, #tpu.memory_space<vmem>>, vector<1x16xf32>,
      %get3A_244 = vector.shape_cast %get3A_243 : vector<1x16xf32> to vector<16xf32>
      %mul3A_245 = arith.constant 8.000000e+00 : f32
      %mul3A_246 = vector.broadcast %mul3A_245 : f32 to vector<16xf32>
      %mul3A_247 = arith.mulf %get3A_244, %mul3A_246 : vector<16xf32>
      %swap3A_248 = arith.index_cast %add3A_240 : i32 to index
      %swap3A_249 = arith.constant 0 : index
      %swap3A_250 = tpu.vector_load %arg12[%swap3A_248, %swap3A_249] {strides = array<i32>} : memref<400x64xf32, #tpu.memory_space<vmem>>, vector<1x16xf32>,
      %swap3A_251 = vector.shape_cast %swap3A_250 : vector<1x16xf32> to vector<16xf32>
      %swap3A_252 = vector.shape_cast %mul3A_247 : vector<16xf32> to vector<1x16xf32>
      tpu.vector_store %arg12[%swap3A_248, %swap3A_249], %swap3A_252 {strides = array<i32>} : memref<400x64xf32, #tpu.memory_space<vmem>>, vector<1x16xf32>,
      %get3A_253 = arith.index_cast %add3A_240 : i32 to index
      %get3A_254 = arith.constant 16 : index
      %get3A_255 = tpu.vector_load %arg8[%get3A_253, %get3A_254] {strides = array<i32>} : memref<400x32xf32, #tpu.memory_space<vmem>>, vector<1x16xf32>,
      %get3A_256 = vector.shape_cast %get3A_255 : vector<1x16xf32> to vector<16xf32>
      %mul3A_257 = arith.constant 8.000000e+00 : f32
      %mul3A_258 = vector.broadcast %mul3A_257 : f32 to vector<16xf32>
      %mul3A_259 = arith.mulf %get3A_256, %mul3A_258 : vector<16xf32>
      %swap3A_260 = arith.index_cast %add3A_240 : i32 to index
      %swap3A_261 = arith.constant 16 : index
      %swap3A_262 = tpu.vector_load %arg12[%swap3A_260, %swap3A_261] {strides = array<i32>} : memref<400x64xf32, #tpu.memory_space<vmem>>, vector<1x16xf32>,
      %swap3A_263 = vector.shape_cast %swap3A_262 : vector<1x16xf32> to vector<16xf32>
      %swap3A_264 = vector.shape_cast %mul3A_259 : vector<16xf32> to vector<1x16xf32>
      tpu.vector_store %arg12[%swap3A_260, %swap3A_261], %swap3A_264 {strides = array<i32>} : memref<400x64xf32, #tpu.memory_space<vmem>>, vector<1x16xf32>,
      %get3A_265 = arith.index_cast %add3A_240 : i32 to index
      %get3A_266 = arith.constant 0 : index
      %get3A_267 = tpu.vector_load %arg10[%get3A_265, %get3A_266] {strides = array<i32>} : memref<400x32xf32, #tpu.memory_space<vmem>>, vector<1x16xf32>,
      %get3A_268 = vector.shape_cast %get3A_267 : vector<1x16xf32> to vector<16xf32>
      %mul3A_269 = arith.constant 8.000000e+00 : f32
      %mul3A_270 = vector.broadcast %mul3A_269 : f32 to vector<16xf32>
      %mul3A_271 = arith.mulf %get3A_268, %mul3A_270 : vector<16xf32>
      %swap3A_272 = arith.index_cast %add3A_240 : i32 to index
      %swap3A_273 = arith.constant 32 : index
      %swap3A_274 = tpu.vector_load %arg12[%swap3A_272, %swap3A_273] {strides = array<i32>} : memref<400x64xf32, #tpu.memory_space<vmem>>, vector<1x16xf32>,
      %swap3A_275 = vector.shape_cast %swap3A_274 : vector<1x16xf32> to vector<16xf32>
      %swap3A_276 = vector.shape_cast %mul3A_271 : vector<16xf32> to vector<1x16xf32>
      tpu.vector_store %arg12[%swap3A_272, %swap3A_273], %swap3A_276 {strides = array<i32>} : memref<400x64xf32, #tpu.memory_space<vmem>>, vector<1x16xf32>,
      %get3A_277 = arith.index_cast %add3A_240 : i32 to index
      %get3A_278 = arith.constant 16 : index
      %get3A_279 = tpu.vector_load %arg10[%get3A_277, %get3A_278] {strides = array<i32>} : memref<400x32xf32, #tpu.memory_space<vmem>>, vector<1x16xf32>,
      %get3A_280 = vector.shape_cast %get3A_279 : vector<1x16xf32> to vector<16xf32>
      %mul3A_281 = arith.constant 8.000000e+00 : f32
      %mul3A_282 = vector.broadcast %mul3A_281 : f32 to vector<16xf32>
      %mul3A_283 = arith.mulf %get3A_280, %mul3A_282 : vector<16xf32>
      %swap3A_284 = arith.index_cast %add3A_240 : i32 to index
      %swap3A_285 = arith.constant 48 : index
      %swap3A_286 = tpu.vector_load %arg12[%swap3A_284, %swap3A_285] {strides = array<i32>} : memref<400x64xf32, #tpu.memory_space<vmem>>, vector<1x16xf32>,
      %swap3A_287 = vector.shape_cast %swap3A_286 : vector<1x16xf32> to vector<16xf32>
      %swap3A_288 = vector.shape_cast %mul3A_283 : vector<16xf32> to vector<1x16xf32>
      tpu.vector_store %arg12[%swap3A_284, %swap3A_285], %swap3A_288 {strides = array<i32>} : memref<400x64xf32, #tpu.memory_space<vmem>>, vector<1x16xf32>,
      %mul3A_289 = arith.constant 8 : i32
      %mul3A_290 = arith.muli %scan3A_134, %mul3A_289 : i32
      %add3A_291 = arith.constant 3 : i32
      %add3A_292 = arith.addi %mul3A_290, %add3A_291 : i32
      %get3A_293 = arith.index_cast %add3A_292 : i32 to index
      %get3A_294 = arith.constant 0 : index
      %get3A_295 = tpu.vector_load %arg8[%get3A_293, %get3A_294] {strides = array<i32>} : memref<400x32xf32, #tpu.memory_space<vmem>>, vector<1x16xf32>,
      %get3A_296 = vector.shape_cast %get3A_295 : vector<1x16xf32> to vector<16xf32>
      %mul3A_297 = arith.constant 8.000000e+00 : f32
      %mul3A_298 = vector.broadcast %mul3A_297 : f32 to vector<16xf32>
      %mul3A_299 = arith.mulf %get3A_296, %mul3A_298 : vector<16xf32>
      %swap3A_300 = arith.index_cast %add3A_292 : i32 to index
      %swap3A_301 = arith.constant 0 : index
      %swap3A_302 = tpu.vector_load %arg12[%swap3A_300, %swap3A_301] {strides = array<i32>} : memref<400x64xf32, #tpu.memory_space<vmem>>, vector<1x16xf32>,
      %swap3A_303 = vector.shape_cast %swap3A_302 : vector<1x16xf32> to vector<16xf32>
      %swap3A_304 = vector.shape_cast %mul3A_299 : vector<16xf32> to vector<1x16xf32>
      tpu.vector_store %arg12[%swap3A_300, %swap3A_301], %swap3A_304 {strides = array<i32>} : memref<400x64xf32, #tpu.memory_space<vmem>>, vector<1x16xf32>,
      %get3A_305 = arith.index_cast %add3A_292 : i32 to index
      %get3A_306 = arith.constant 16 : index
      %get3A_307 = tpu.vector_load %arg8[%get3A_305, %get3A_306] {strides = array<i32>} : memref<400x32xf32, #tpu.memory_space<vmem>>, vector<1x16xf32>,
      %get3A_308 = vector.shape_cast %get3A_307 : vector<1x16xf32> to vector<16xf32>
      %mul3A_309 = arith.constant 8.000000e+00 : f32
      %mul3A_310 = vector.broadcast %mul3A_309 : f32 to vector<16xf32>
      %mul3A_311 = arith.mulf %get3A_308, %mul3A_310 : vector<16xf32>
      %swap3A_312 = arith.index_cast %add3A_292 : i32 to index
      %swap3A_313 = arith.constant 16 : index
      %swap3A_314 = tpu.vector_load %arg12[%swap3A_312, %swap3A_313] {strides = array<i32>} : memref<400x64xf32, #tpu.memory_space<vmem>>, vector<1x16xf32>,
      %swap3A_315 = vector.shape_cast %swap3A_314 : vector<1x16xf32> to vector<16xf32>
      %swap3A_316 = vector.shape_cast %mul3A_311 : vector<16xf32> to vector<1x16xf32>
      tpu.vector_store %arg12[%swap3A_312, %swap3A_313], %swap3A_316 {strides = array<i32>} : memref<400x64xf32, #tpu.memory_space<vmem>>, vector<1x16xf32>,
      %get3A_317 = arith.index_cast %add3A_292 : i32 to index
      %get3A_318 = arith.constant 0 : index
      %get3A_319 = tpu.vector_load %arg10[%get3A_317, %get3A_318] {strides = array<i32>} : memref<400x32xf32, #tpu.memory_space<vmem>>, vector<1x16xf32>,
      %get3A_320 = vector.shape_cast %get3A_319 : vector<1x16xf32> to vector<16xf32>
      %mul3A_321 = arith.constant 8.000000e+00 : f32
      %mul3A_322 = vector.broadcast %mul3A_321 : f32 to vector<16xf32>
      %mul3A_323 = arith.mulf %get3A_320, %mul3A_322 : vector<16xf32>
      %swap3A_324 = arith.index_cast %add3A_292 : i32 to index
      %swap3A_325 = arith.constant 32 : index
      %swap3A_326 = tpu.vector_load %arg12[%swap3A_324, %swap3A_325] {strides = array<i32>} : memref<400x64xf32, #tpu.memory_space<vmem>>, vector<1x16xf32>,
      %swap3A_327 = vector.shape_cast %swap3A_326 : vector<1x16xf32> to vector<16xf32>
      %swap3A_328 = vector.shape_cast %mul3A_323 : vector<16xf32> to vector<1x16xf32>
      tpu.vector_store %arg12[%swap3A_324, %swap3A_325], %swap3A_328 {strides = array<i32>} : memref<400x64xf32, #tpu.memory_space<vmem>>, vector<1x16xf32>,
      %get3A_329 = arith.index_cast %add3A_292 : i32 to index
      %get3A_330 = arith.constant 16 : index
      %get3A_331 = tpu.vector_load %arg10[%get3A_329, %get3A_330] {strides = array<i32>} : memref<400x32xf32, #tpu.memory_space<vmem>>, vector<1x16xf32>,
      %get3A_332 = vector.shape_cast %get3A_331 : vector<1x16xf32> to vector<16xf32>
      %mul3A_333 = arith.constant 8.000000e+00 : f32
      %mul3A_334 = vector.broadcast %mul3A_333 : f32 to vector<16xf32>
      %mul3A_335 = arith.mulf %get3A_332, %mul3A_334 : vector<16xf32>
      %swap3A_336 = arith.index_cast %add3A_292 : i32 to index
      %swap3A_337 = arith.constant 48 : index
      %swap3A_338 = tpu.vector_load %arg12[%swap3A_336, %swap3A_337] {strides = array<i32>} : memref<400x64xf32, #tpu.memory_space<vmem>>, vector<1x16xf32>,
      %swap3A_339 = vector.shape_cast %swap3A_338 : vector<1x16xf32> to vector<16xf32>
      %swap3A_340 = vector.shape_cast %mul3A_335 : vector<16xf32> to vector<1x16xf32>
      tpu.vector_store %arg12[%swap3A_336, %swap3A_337], %swap3A_340 {strides = array<i32>} : memref<400x64xf32, #tpu.memory_space<vmem>>, vector<1x16xf32>,
      %mul3A_341 = arith.constant 8 : i32
      %mul3A_342 = arith.muli %scan3A_134, %mul3A_341 : i32
      %add3A_343 = arith.constant 4 : i32
      %add3A_344 = arith.addi %mul3A_342, %add3A_343 : i32
      %get3A_345 = arith.index_cast %add3A_344 : i32 to index
      %get3A_346 = arith.constant 0 : index
      %get3A_347 = tpu.vector_load %arg8[%get3A_345, %get3A_346] {strides = array<i32>} : memref<400x32xf32, #tpu.memory_space<vmem>>, vector<1x16xf32>,
      %get3A_348 = vector.shape_cast %get3A_347 : vector<1x16xf32> to vector<16xf32>
      %mul3A_349 = arith.constant 8.000000e+00 : f32
      %mul3A_350 = vector.broadcast %mul3A_349 : f32 to vector<16xf32>
      %mul3A_351 = arith.mulf %get3A_348, %mul3A_350 : vector<16xf32>
      %swap3A_352 = arith.index_cast %add3A_344 : i32 to index
      %swap3A_353 = arith.constant 0 : index
      %swap3A_354 = tpu.vector_load %arg12[%swap3A_352, %swap3A_353] {strides = array<i32>} : memref<400x64xf32, #tpu.memory_space<vmem>>, vector<1x16xf32>,
      %swap3A_355 = vector.shape_cast %swap3A_354 : vector<1x16xf32> to vector<16xf32>
      %swap3A_356 = vector.shape_cast %mul3A_351 : vector<16xf32> to vector<1x16xf32>
      tpu.vector_store %arg12[%swap3A_352, %swap3A_353], %swap3A_356 {strides = array<i32>} : memref<400x64xf32, #tpu.memory_space<vmem>>, vector<1x16xf32>,
      %get3A_357 = arith.index_cast %add3A_344 : i32 to index
      %get3A_358 = arith.constant 16 : index
      %get3A_359 = tpu.vector_load %arg8[%get3A_357, %get3A_358] {strides = array<i32>} : memref<400x32xf32, #tpu.memory_space<vmem>>, vector<1x16xf32>,
      %get3A_360 = vector.shape_cast %get3A_359 : vector<1x16xf32> to vector<16xf32>
      %mul3A_361 = arith.constant 8.000000e+00 : f32
      %mul3A_362 = vector.broadcast %mul3A_361 : f32 to vector<16xf32>
      %mul3A_363 = arith.mulf %get3A_360, %mul3A_362 : vector<16xf32>
      %swap3A_364 = arith.index_cast %add3A_344 : i32 to index
      %swap3A_365 = arith.constant 16 : index
      %swap3A_366 = tpu.vector_load %arg12[%swap3A_364, %swap3A_365] {strides = array<i32>} : memref<400x64xf32, #tpu.memory_space<vmem>>, vector<1x16xf32>,
      %swap3A_367 = vector.shape_cast %swap3A_366 : vector<1x16xf32> to vector<16xf32>
      %swap3A_368 = vector.shape_cast %mul3A_363 : vector<16xf32> to vector<1x16xf32>
      tpu.vector_store %arg12[%swap3A_364, %swap3A_365], %swap3A_368 {strides = array<i32>} : memref<400x64xf32, #tpu.memory_space<vmem>>, vector<1x16xf32>,
      %get3A_369 = arith.index_cast %add3A_344 : i32 to index
      %get3A_370 = arith.constant 0 : index
      %get3A_371 = tpu.vector_load %arg10[%get3A_369, %get3A_370] {strides = array<i32>} : memref<400x32xf32, #tpu.memory_space<vmem>>, vector<1x16xf32>,
      %get3A_372 = vector.shape_cast %get3A_371 : vector<1x16xf32> to vector<16xf32>
      %mul3A_373 = arith.constant 8.000000e+00 : f32
      %mul3A_374 = vector.broadcast %mul3A_373 : f32 to vector<16xf32>
      %mul3A_375 = arith.mulf %get3A_372, %mul3A_374 : vector<16xf32>
      %swap3A_376 = arith.index_cast %add3A_344 : i32 to index
      %swap3A_377 = arith.constant 32 : index
      %swap3A_378 = tpu.vector_load %arg12[%swap3A_376, %swap3A_377] {strides = array<i32>} : memref<400x64xf32, #tpu.memory_space<vmem>>, vector<1x16xf32>,
      %swap3A_379 = vector.shape_cast %swap3A_378 : vector<1x16xf32> to vector<16xf32>
      %swap3A_380 = vector.shape_cast %mul3A_375 : vector<16xf32> to vector<1x16xf32>
      tpu.vector_store %arg12[%swap3A_376, %swap3A_377], %swap3A_380 {strides = array<i32>} : memref<400x64xf32, #tpu.memory_space<vmem>>, vector<1x16xf32>,
      %get3A_381 = arith.index_cast %add3A_344 : i32 to index
      %get3A_382 = arith.constant 16 : index
      %get3A_383 = tpu.vector_load %arg10[%get3A_381, %get3A_382] {strides = array<i32>} : memref<400x32xf32, #tpu.memory_space<vmem>>, vector<1x16xf32>,
      %get3A_384 = vector.shape_cast %get3A_383 : vector<1x16xf32> to vector<16xf32>
      %mul3A_385 = arith.constant 8.000000e+00 : f32
      %mul3A_386 = vector.broadcast %mul3A_385 : f32 to vector<16xf32>
      %mul3A_387 = arith.mulf %get3A_384, %mul3A_386 : vector<16xf32>
      %swap3A_388 = arith.index_cast %add3A_344 : i32 to index
      %swap3A_389 = arith.constant 48 : index
      %swap3A_390 = tpu.vector_load %arg12[%swap3A_388, %swap3A_389] {strides = array<i32>} : memref<400x64xf32, #tpu.memory_space<vmem>>, vector<1x16xf32>,
      %swap3A_391 = vector.shape_cast %swap3A_390 : vector<1x16xf32> to vector<16xf32>
      %swap3A_392 = vector.shape_cast %mul3A_387 : vector<16xf32> to vector<1x16xf32>
      tpu.vector_store %arg12[%swap3A_388, %swap3A_389], %swap3A_392 {strides = array<i32>} : memref<400x64xf32, #tpu.memory_space<vmem>>, vector<1x16xf32>,
      %mul3A_393 = arith.constant 8 : i32
      %mul3A_394 = arith.muli %scan3A_134, %mul3A_393 : i32
      %add3A_395 = arith.constant 5 : i32
      %add3A_396 = arith.addi %mul3A_394, %add3A_395 : i32
      %get3A_397 = arith.index_cast %add3A_396 : i32 to index
      %get3A_398 = arith.constant 0 : index
      %get3A_399 = tpu.vector_load %arg8[%get3A_397, %get3A_398] {strides = array<i32>} : memref<400x32xf32, #tpu.memory_space<vmem>>, vector<1x16xf32>,
      %get3A_400 = vector.shape_cast %get3A_399 : vector<1x16xf32> to vector<16xf32>
      %mul3A_401 = arith.constant 8.000000e+00 : f32
      %mul3A_402 = vector.broadcast %mul3A_401 : f32 to vector<16xf32>
      %mul3A_403 = arith.mulf %get3A_400, %mul3A_402 : vector<16xf32>
      %swap3A_404 = arith.index_cast %add3A_396 : i32 to index
      %swap3A_405 = arith.constant 0 : index
      %swap3A_406 = tpu.vector_load %arg12[%swap3A_404, %swap3A_405] {strides = array<i32>} : memref<400x64xf32, #tpu.memory_space<vmem>>, vector<1x16xf32>,
      %swap3A_407 = vector.shape_cast %swap3A_406 : vector<1x16xf32> to vector<16xf32>
      %swap3A_408 = vector.shape_cast %mul3A_403 : vector<16xf32> to vector<1x16xf32>
      tpu.vector_store %arg12[%swap3A_404, %swap3A_405], %swap3A_408 {strides = array<i32>} : memref<400x64xf32, #tpu.memory_space<vmem>>, vector<1x16xf32>,
      %get3A_409 = arith.index_cast %add3A_396 : i32 to index
      %get3A_410 = arith.constant 16 : index
      %get3A_411 = tpu.vector_load %arg8[%get3A_409, %get3A_410] {strides = array<i32>} : memref<400x32xf32, #tpu.memory_space<vmem>>, vector<1x16xf32>,
      %get3A_412 = vector.shape_cast %get3A_411 : vector<1x16xf32> to vector<16xf32>
      %mul3A_413 = arith.constant 8.000000e+00 : f32
      %mul3A_414 = vector.broadcast %mul3A_413 : f32 to vector<16xf32>
      %mul3A_415 = arith.mulf %get3A_412, %mul3A_414 : vector<16xf32>
      %swap3A_416 = arith.index_cast %add3A_396 : i32 to index
      %swap3A_417 = arith.constant 16 : index
      %swap3A_418 = tpu.vector_load %arg12[%swap3A_416, %swap3A_417] {strides = array<i32>} : memref<400x64xf32, #tpu.memory_space<vmem>>, vector<1x16xf32>,
      %swap3A_419 = vector.shape_cast %swap3A_418 : vector<1x16xf32> to vector<16xf32>
      %swap3A_420 = vector.shape_cast %mul3A_415 : vector<16xf32> to vector<1x16xf32>
      tpu.vector_store %arg12[%swap3A_416, %swap3A_417], %swap3A_420 {strides = array<i32>} : memref<400x64xf32, #tpu.memory_space<vmem>>, vector<1x16xf32>,
      %get3A_421 = arith.index_cast %add3A_396 : i32 to index
      %get3A_422 = arith.constant 0 : index
      %get3A_423 = tpu.vector_load %arg10[%get3A_421, %get3A_422] {strides = array<i32>} : memref<400x32xf32, #tpu.memory_space<vmem>>, vector<1x16xf32>,
      %get3A_424 = vector.shape_cast %get3A_423 : vector<1x16xf32> to vector<16xf32>
      %mul3A_425 = arith.constant 8.000000e+00 : f32
      %mul3A_426 = vector.broadcast %mul3A_425 : f32 to vector<16xf32>
      %mul3A_427 = arith.mulf %get3A_424, %mul3A_426 : vector<16xf32>
      %swap3A_428 = arith.index_cast %add3A_396 : i32 to index
      %swap3A_429 = arith.constant 32 : index
      %swap3A_430 = tpu.vector_load %arg12[%swap3A_428, %swap3A_429] {strides = array<i32>} : memref<400x64xf32, #tpu.memory_space<vmem>>, vector<1x16xf32>,
      %swap3A_431 = vector.shape_cast %swap3A_430 : vector<1x16xf32> to vector<16xf32>
      %swap3A_432 = vector.shape_cast %mul3A_427 : vector<16xf32> to vector<1x16xf32>
      tpu.vector_store %arg12[%swap3A_428, %swap3A_429], %swap3A_432 {strides = array<i32>} : memref<400x64xf32, #tpu.memory_space<vmem>>, vector<1x16xf32>,
      %get3A_433 = arith.index_cast %add3A_396 : i32 to index
      %get3A_434 = arith.constant 16 : index
      %get3A_435 = tpu.vector_load %arg10[%get3A_433, %get3A_434] {strides = array<i32>} : memref<400x32xf32, #tpu.memory_space<vmem>>, vector<1x16xf32>,
      %get3A_436 = vector.shape_cast %get3A_435 : vector<1x16xf32> to vector<16xf32>
      %mul3A_437 = arith.constant 8.000000e+00 : f32
      %mul3A_438 = vector.broadcast %mul3A_437 : f32 to vector<16xf32>
      %mul3A_439 = arith.mulf %get3A_436, %mul3A_438 : vector<16xf32>
      %swap3A_440 = arith.index_cast %add3A_396 : i32 to index
      %swap3A_441 = arith.constant 48 : index
      %swap3A_442 = tpu.vector_load %arg12[%swap3A_440, %swap3A_441] {strides = array<i32>} : memref<400x64xf32, #tpu.memory_space<vmem>>, vector<1x16xf32>,
      %swap3A_443 = vector.shape_cast %swap3A_442 : vector<1x16xf32> to vector<16xf32>
      %swap3A_444 = vector.shape_cast %mul3A_439 : vector<16xf32> to vector<1x16xf32>
      tpu.vector_store %arg12[%swap3A_440, %swap3A_441], %swap3A_444 {strides = array<i32>} : memref<400x64xf32, #tpu.memory_space<vmem>>, vector<1x16xf32>,
      %mul3A_445 = arith.constant 8 : i32
      %mul3A_446 = arith.muli %scan3A_134, %mul3A_445 : i32
      %add3A_447 = arith.constant 6 : i32
      %add3A_448 = arith.addi %mul3A_446, %add3A_447 : i32
      %get3A_449 = arith.index_cast %add3A_448 : i32 to index
      %get3A_450 = arith.constant 0 : index
      %get3A_451 = tpu.vector_load %arg8[%get3A_449, %get3A_450] {strides = array<i32>} : memref<400x32xf32, #tpu.memory_space<vmem>>, vector<1x16xf32>,
      %get3A_452 = vector.shape_cast %get3A_451 : vector<1x16xf32> to vector<16xf32>
      %mul3A_453 = arith.constant 8.000000e+00 : f32
      %mul3A_454 = vector.broadcast %mul3A_453 : f32 to vector<16xf32>
      %mul3A_455 = arith.mulf %get3A_452, %mul3A_454 : vector<16xf32>
      %swap3A_456 = arith.index_cast %add3A_448 : i32 to index
      %swap3A_457 = arith.constant 0 : index
      %swap3A_458 = tpu.vector_load %arg12[%swap3A_456, %swap3A_457] {strides = array<i32>} : memref<400x64xf32, #tpu.memory_space<vmem>>, vector<1x16xf32>,
      %swap3A_459 = vector.shape_cast %swap3A_458 : vector<1x16xf32> to vector<16xf32>
      %swap3A_460 = vector.shape_cast %mul3A_455 : vector<16xf32> to vector<1x16xf32>
      tpu.vector_store %arg12[%swap3A_456, %swap3A_457], %swap3A_460 {strides = array<i32>} : memref<400x64xf32, #tpu.memory_space<vmem>>, vector<1x16xf32>,
      %get3A_461 = arith.index_cast %add3A_448 : i32 to index
      %get3A_462 = arith.constant 16 : index
      %get3A_463 = tpu.vector_load %arg8[%get3A_461, %get3A_462] {strides = array<i32>} : memref<400x32xf32, #tpu.memory_space<vmem>>, vector<1x16xf32>,
      %get3A_464 = vector.shape_cast %get3A_463 : vector<1x16xf32> to vector<16xf32>
      %mul3A_465 = arith.constant 8.000000e+00 : f32
      %mul3A_466 = vector.broadcast %mul3A_465 : f32 to vector<16xf32>
      %mul3A_467 = arith.mulf %get3A_464, %mul3A_466 : vector<16xf32>
      %swap3A_468 = arith.index_cast %add3A_448 : i32 to index
      %swap3A_469 = arith.constant 16 : index
      %swap3A_470 = tpu.vector_load %arg12[%swap3A_468, %swap3A_469] {strides = array<i32>} : memref<400x64xf32, #tpu.memory_space<vmem>>, vector<1x16xf32>,
      %swap3A_471 = vector.shape_cast %swap3A_470 : vector<1x16xf32> to vector<16xf32>
      %swap3A_472 = vector.shape_cast %mul3A_467 : vector<16xf32> to vector<1x16xf32>
      tpu.vector_store %arg12[%swap3A_468, %swap3A_469], %swap3A_472 {strides = array<i32>} : memref<400x64xf32, #tpu.memory_space<vmem>>, vector<1x16xf32>,
      %get3A_473 = arith.index_cast %add3A_448 : i32 to index
      %get3A_474 = arith.constant 0 : index
      %get3A_475 = tpu.vector_load %arg10[%get3A_473, %get3A_474] {strides = array<i32>} : memref<400x32xf32, #tpu.memory_space<vmem>>, vector<1x16xf32>,
      %get3A_476 = vector.shape_cast %get3A_475 : vector<1x16xf32> to vector<16xf32>
      %mul3A_477 = arith.constant 8.000000e+00 : f32
      %mul3A_478 = vector.broadcast %mul3A_477 : f32 to vector<16xf32>
      %mul3A_479 = arith.mulf %get3A_476, %mul3A_478 : vector<16xf32>
      %swap3A_480 = arith.index_cast %add3A_448 : i32 to index
      %swap3A_481 = arith.constant 32 : index
      %swap3A_482 = tpu.vector_load %arg12[%swap3A_480, %swap3A_481] {strides = array<i32>} : memref<400x64xf32, #tpu.memory_space<vmem>>, vector<1x16xf32>,
      %swap3A_483 = vector.shape_cast %swap3A_482 : vector<1x16xf32> to vector<16xf32>
      %swap3A_484 = vector.shape_cast %mul3A_479 : vector<16xf32> to vector<1x16xf32>
      tpu.vector_store %arg12[%swap3A_480, %swap3A_481], %swap3A_484 {strides = array<i32>} : memref<400x64xf32, #tpu.memory_space<vmem>>, vector<1x16xf32>,
      %get3A_485 = arith.index_cast %add3A_448 : i32 to index
      %get3A_486 = arith.constant 16 : index
      %get3A_487 = tpu.vector_load %arg10[%get3A_485, %get3A_486] {strides = array<i32>} : memref<400x32xf32, #tpu.memory_space<vmem>>, vector<1x16xf32>,
      %get3A_488 = vector.shape_cast %get3A_487 : vector<1x16xf32> to vector<16xf32>
      %mul3A_489 = arith.constant 8.000000e+00 : f32
      %mul3A_490 = vector.broadcast %mul3A_489 : f32 to vector<16xf32>
      %mul3A_491 = arith.mulf %get3A_488, %mul3A_490 : vector<16xf32>
      %swap3A_492 = arith.index_cast %add3A_448 : i32 to index
      %swap3A_493 = arith.constant 48 : index
      %swap3A_494 = tpu.vector_load %arg12[%swap3A_492, %swap3A_493] {strides = array<i32>} : memref<400x64xf32, #tpu.memory_space<vmem>>, vector<1x16xf32>,
      %swap3A_495 = vector.shape_cast %swap3A_494 : vector<1x16xf32> to vector<16xf32>
      %swap3A_496 = vector.shape_cast %mul3A_491 : vector<16xf32> to vector<1x16xf32>
      tpu.vector_store %arg12[%swap3A_492, %swap3A_493], %swap3A_496 {strides = array<i32>} : memref<400x64xf32, #tpu.memory_space<vmem>>, vector<1x16xf32>,
      %mul3A_497 = arith.constant 8 : i32
      %mul3A_498 = arith.muli %scan3A_134, %mul3A_497 : i32
      %add3A_499 = arith.constant 7 : i32
      %add3A_500 = arith.addi %mul3A_498, %add3A_499 : i32
      %get3A_501 = arith.index_cast %add3A_500 : i32 to index
      %get3A_502 = arith.constant 0 : index
      %get3A_503 = tpu.vector_load %arg8[%get3A_501, %get3A_502] {strides = array<i32>} : memref<400x32xf32, #tpu.memory_space<vmem>>, vector<1x16xf32>,
      %get3A_504 = vector.shape_cast %get3A_503 : vector<1x16xf32> to vector<16xf32>
      %mul3A_505 = arith.constant 8.000000e+00 : f32
      %mul3A_506 = vector.broadcast %mul3A_505 : f32 to vector<16xf32>
      %mul3A_507 = arith.mulf %get3A_504, %mul3A_506 : vector<16xf32>
      %swap3A_508 = arith.index_cast %add3A_500 : i32 to index
      %swap3A_509 = arith.constant 0 : index
      %swap3A_510 = tpu.vector_load %arg12[%swap3A_508, %swap3A_509] {strides = array<i32>} : memref<400x64xf32, #tpu.memory_space<vmem>>, vector<1x16xf32>,
      %swap3A_511 = vector.shape_cast %swap3A_510 : vector<1x16xf32> to vector<16xf32>
      %swap3A_512 = vector.shape_cast %mul3A_507 : vector<16xf32> to vector<1x16xf32>
      tpu.vector_store %arg12[%swap3A_508, %swap3A_509], %swap3A_512 {strides = array<i32>} : memref<400x64xf32, #tpu.memory_space<vmem>>, vector<1x16xf32>,
      %get3A_513 = arith.index_cast %add3A_500 : i32 to index
      %get3A_514 = arith.constant 16 : index
      %get3A_515 = tpu.vector_load %arg8[%get3A_513, %get3A_514] {strides = array<i32>} : memref<400x32xf32, #tpu.memory_space<vmem>>, vector<1x16xf32>,
      %get3A_516 = vector.shape_cast %get3A_515 : vector<1x16xf32> to vector<16xf32>
      %mul3A_517 = arith.constant 8.000000e+00 : f32
      %mul3A_518 = vector.broadcast %mul3A_517 : f32 to vector<16xf32>
      %mul3A_519 = arith.mulf %get3A_516, %mul3A_518 : vector<16xf32>
      %swap3A_520 = arith.index_cast %add3A_500 : i32 to index
      %swap3A_521 = arith.constant 16 : index
      %swap3A_522 = tpu.vector_load %arg12[%swap3A_520, %swap3A_521] {strides = array<i32>} : memref<400x64xf32, #tpu.memory_space<vmem>>, vector<1x16xf32>,
      %swap3A_523 = vector.shape_cast %swap3A_522 : vector<1x16xf32> to vector<16xf32>
      %swap3A_524 = vector.shape_cast %mul3A_519 : vector<16xf32> to vector<1x16xf32>
      tpu.vector_store %arg12[%swap3A_520, %swap3A_521], %swap3A_524 {strides = array<i32>} : memref<400x64xf32, #tpu.memory_space<vmem>>, vector<1x16xf32>,
      %get3A_525 = arith.index_cast %add3A_500 : i32 to index
      %get3A_526 = arith.constant 0 : index
      %get3A_527 = tpu.vector_load %arg10[%get3A_525, %get3A_526] {strides = array<i32>} : memref<400x32xf32, #tpu.memory_space<vmem>>, vector<1x16xf32>,
      %get3A_528 = vector.shape_cast %get3A_527 : vector<1x16xf32> to vector<16xf32>
      %mul3A_529 = arith.constant 8.000000e+00 : f32
      %mul3A_530 = vector.broadcast %mul3A_529 : f32 to vector<16xf32>
      %mul3A_531 = arith.mulf %get3A_528, %mul3A_530 : vector<16xf32>
      %swap3A_532 = arith.index_cast %add3A_500 : i32 to index
      %swap3A_533 = arith.constant 32 : index
      %swap3A_534 = tpu.vector_load %arg12[%swap3A_532, %swap3A_533] {strides = array<i32>} : memref<400x64xf32, #tpu.memory_space<vmem>>, vector<1x16xf32>,
      %swap3A_535 = vector.shape_cast %swap3A_534 : vector<1x16xf32> to vector<16xf32>
      %swap3A_536 = vector.shape_cast %mul3A_531 : vector<16xf32> to vector<1x16xf32>
      tpu.vector_store %arg12[%swap3A_532, %swap3A_533], %swap3A_536 {strides = array<i32>} : memref<400x64xf32, #tpu.memory_space<vmem>>, vector<1x16xf32>,
      %get3A_537 = arith.index_cast %add3A_500 : i32 to index
      %get3A_538 = arith.constant 16 : index
      %get3A_539 = tpu.vector_load %arg10[%get3A_537, %get3A_538] {strides = array<i32>} : memref<400x32xf32, #tpu.memory_space<vmem>>, vector<1x16xf32>,
      %get3A_540 = vector.shape_cast %get3A_539 : vector<1x16xf32> to vector<16xf32>
      %mul3A_541 = arith.constant 8.000000e+00 : f32
      %mul3A_542 = vector.broadcast %mul3A_541 : f32 to vector<16xf32>
      %mul3A_543 = arith.mulf %get3A_540, %mul3A_542 : vector<16xf32>
      %swap3A_544 = arith.index_cast %add3A_500 : i32 to index
      %swap3A_545 = arith.constant 48 : index
      %swap3A_546 = tpu.vector_load %arg12[%swap3A_544, %swap3A_545] {strides = array<i32>} : memref<400x64xf32, #tpu.memory_space<vmem>>, vector<1x16xf32>,
      %swap3A_547 = vector.shape_cast %swap3A_546 : vector<1x16xf32> to vector<16xf32>
      %swap3A_548 = vector.shape_cast %mul3A_543 : vector<16xf32> to vector<1x16xf32>
      tpu.vector_store %arg12[%swap3A_544, %swap3A_545], %swap3A_548 {strides = array<i32>} : memref<400x64xf32, #tpu.memory_space<vmem>>, vector<1x16xf32>,
    }
    %scan3A_27 = arith.constant 50 : i32
    %add3A_28 = arith.constant 0 : i32
    %add3A_29 = arith.addi %mul3A_2, %add3A_28 : i32
    %dma_start3A_30 = arith.constant 0 : i32
    %dma_start3A_31 = tpu.memref_slice %arg5[%add3A_29, %dma_start3A_30] : memref<819200x64xf32, #tpu.memory_space<hbm>> -> memref<400x64xf32, #tpu.memory_space<hbm>>
    %dma_start3A_32 = arith.constant 0 : i32
    %dma_start3A_33 = tpu.memref_slice %arg5[%add3A_29, %dma_start3A_32] : memref<819200x64xf32, #tpu.memory_space<hbm>> -> memref<400x64xf32, #tpu.memory_space<hbm>>
    tpu.enqueue_dma source(%arg12 : memref<400x64xf32, #tpu.memory_space<vmem>>) target(%dma_start3A_33 : memref<400x64xf32, #tpu.memory_space<hbm>>) target_semaphore(%arg16 : memref<!tpu.dma_semaphore, #tpu.memory_space<semaphore_mem>>)
    %add3A_34 = arith.constant 800 : i32
    %add3A_35 = arith.addi %mul3A_2, %add3A_34 : i32
    "tpu.region"() ({
      %run_scoped3A = tpu.sem_alloc : memref<!tpu.dma_semaphore, #tpu.memory_space<semaphore_mem>>
      %dma_start3A_134 = tpu.memref_slice %arg2[%add3A_35] : memref<819200xi32, #tpu.memory_space<hbm>> -> memref<400xi32, #tpu.memory_space<hbm>>
      %dma_start3A_135 = tpu.memref_slice %arg2[%add3A_35] : memref<819200xi32, #tpu.memory_space<hbm>> -> memref<400xi32, #tpu.memory_space<hbm>>
      tpu.enqueue_dma source(%dma_start3A_135 : memref<400xi32, #tpu.memory_space<hbm>>) target(%arg6 : memref<400xi32, #tpu.memory_space<vmem>>) target_semaphore(%run_scoped3A : memref<!tpu.dma_semaphore, #tpu.memory_space<semaphore_mem>>)
      %dma_wait3A_136 = tpu.memref_slice %arg2[%add3A_35] : memref<819200xi32, #tpu.memory_space<hbm>> -> memref<400xi32, #tpu.memory_space<hbm>>
      %dma_wait3A_137 = tpu.memref_slice %arg2[%add3A_35] : memref<819200xi32, #tpu.memory_space<hbm>> -> memref<400xi32, #tpu.memory_space<hbm>>
      tpu.wait_dma2 semaphore(%run_scoped3A : memref<!tpu.dma_semaphore, #tpu.memory_space<semaphore_mem>>) src(%dma_wait3A_137 : memref<400xi32, #tpu.memory_space<hbm>>) dst(%arg6 : memref<400xi32, #tpu.memory_space<vmem>>)
      tpu.yield
    }) : () -> ()
    %dma_start3A_36 = arith.constant 0 : i32
    %dma_start3A_37 = arith.constant 0 : i32
    %dma_start3A_38 = tpu.memref_slice %arg3[%dma_start3A_36, %dma_start3A_37] : memref<1000000x32xf32, #tpu.memory_space<hbm>> -> memref<1000000x32xf32, #tpu.memory_space<hbm>>
    tpu.enqueue_indirect_dma source(%dma_start3A_38 : memref<1000000x32xf32, #tpu.memory_space<hbm>>) target(%arg8 : memref<400x32xf32, #tpu.memory_space<vmem>>) offsets(%arg6 : memref<400xi32, #tpu.memory_space<vmem>>) semaphore(%arg14 : memref<!tpu.dma_semaphore, #tpu.memory_space<semaphore_mem>>)
    %dma_start3A_39 = arith.constant 0 : i32
    %dma_start3A_40 = arith.constant 0 : i32
    %dma_start3A_41 = tpu.memref_slice %arg4[%dma_start3A_39, %dma_start3A_40] : memref<1000000x32xf32, #tpu.memory_space<hbm>> -> memref<1000000x32xf32, #tpu.memory_space<hbm>>
    tpu.enqueue_indirect_dma source(%dma_start3A_41 : memref<1000000x32xf32, #tpu.memory_space<hbm>>) target(%arg10 : memref<400x32xf32, #tpu.memory_space<vmem>>) offsets(%arg6 : memref<400xi32, #tpu.memory_space<vmem>>) semaphore(%arg14 : memref<!tpu.dma_semaphore, #tpu.memory_space<semaphore_mem>>)
    %dma_wait3A_42 = arith.constant 0 : i32
    %dma_wait3A_43 = arith.constant 0 : i32
    %dma_wait3A_44 = tpu.memref_slice %arg3[%dma_wait3A_42, %dma_wait3A_43] : memref<1000000x32xf32, #tpu.memory_space<hbm>> -> memref<1000000x32xf32, #tpu.memory_space<hbm>>
    tpu.wait_indirect_dma semaphore(%arg15 : memref<!tpu.dma_semaphore, #tpu.memory_space<semaphore_mem>>) src(%dma_wait3A_44 : memref<1000000x32xf32, #tpu.memory_space<hbm>>) dst(%arg9 : memref<400x32xf32, #tpu.memory_space<vmem>>)
    %dma_wait3A_45 = arith.constant 0 : i32
    %dma_wait3A_46 = arith.constant 0 : i32
    %dma_wait3A_47 = tpu.memref_slice %arg4[%dma_wait3A_45, %dma_wait3A_46] : memref<1000000x32xf32, #tpu.memory_space<hbm>> -> memref<1000000x32xf32, #tpu.memory_space<hbm>>
    tpu.wait_indirect_dma semaphore(%arg15 : memref<!tpu.dma_semaphore, #tpu.memory_space<semaphore_mem>>) src(%dma_wait3A_47 : memref<1000000x32xf32, #tpu.memory_space<hbm>>) dst(%arg11 : memref<400x32xf32, #tpu.memory_space<vmem>>)
    %scan3A_48 = arith.constant 0 : i32
    %scan3A_49 = arith.constant 0 : i32
    %scan3A_50 = arith.constant 50 : i32
    %scan3A_51 = arith.addi %scan3A_49, %scan3A_50 : i32
    %scan3A_52 = arith.constant 1 : i32
    scf.for %scan3A_134 = %scan3A_49 to %scan3A_51 step %scan3A_52  : i32 {
      %mul3A_135 = arith.constant 8 : i32
      %mul3A_136 = arith.muli %scan3A_134, %mul3A_135 : i32
      %add3A_137 = arith.constant 0 : i32
      %add3A_138 = arith.addi %mul3A_136, %add3A_137 : i32
      %get3A = arith.index_cast %add3A_138 : i32 to index
      %get3A_139 = arith.constant 0 : index
      %get3A_140 = tpu.vector_load %arg9[%get3A, %get3A_139] {strides = array<i32>} : memref<400x32xf32, #tpu.memory_space<vmem>>, vector<1x16xf32>,
      %get3A_141 = vector.shape_cast %get3A_140 : vector<1x16xf32> to vector<16xf32>
      %mul3A_142 = arith.constant 8.000000e+00 : f32
      %mul3A_143 = vector.broadcast %mul3A_142 : f32 to vector<16xf32>
      %mul3A_144 = arith.mulf %get3A_141, %mul3A_143 : vector<16xf32>
      %swap3A = arith.index_cast %add3A_138 : i32 to index
      %swap3A_145 = arith.constant 0 : index
      %swap3A_146 = tpu.vector_load %arg13[%swap3A, %swap3A_145] {strides = array<i32>} : memref<400x64xf32, #tpu.memory_space<vmem>>, vector<1x16xf32>,
      %swap3A_147 = vector.shape_cast %swap3A_146 : vector<1x16xf32> to vector<16xf32>
      %swap3A_148 = vector.shape_cast %mul3A_144 : vector<16xf32> to vector<1x16xf32>
      tpu.vector_store %arg13[%swap3A, %swap3A_145], %swap3A_148 {strides = array<i32>} : memref<400x64xf32, #tpu.memory_space<vmem>>, vector<1x16xf32>,
      %get3A_149 = arith.index_cast %add3A_138 : i32 to index
      %get3A_150 = arith.constant 16 : index
      %get3A_151 = tpu.vector_load %arg9[%get3A_149, %get3A_150] {strides = array<i32>} : memref<400x32xf32, #tpu.memory_space<vmem>>, vector<1x16xf32>,
      %get3A_152 = vector.shape_cast %get3A_151 : vector<1x16xf32> to vector<16xf32>
      %mul3A_153 = arith.constant 8.000000e+00 : f32
      %mul3A_154 = vector.broadcast %mul3A_153 : f32 to vector<16xf32>
      %mul3A_155 = arith.mulf %get3A_152, %mul3A_154 : vector<16xf32>
      %swap3A_156 = arith.index_cast %add3A_138 : i32 to index
      %swap3A_157 = arith.constant 16 : index
      %swap3A_158 = tpu.vector_load %arg13[%swap3A_156, %swap3A_157] {strides = array<i32>} : memref<400x64xf32, #tpu.memory_space<vmem>>, vector<1x16xf32>,
      %swap3A_159 = vector.shape_cast %swap3A_158 : vector<1x16xf32> to vector<16xf32>
      %swap3A_160 = vector.shape_cast %mul3A_155 : vector<16xf32> to vector<1x16xf32>
      tpu.vector_store %arg13[%swap3A_156, %swap3A_157], %swap3A_160 {strides = array<i32>} : memref<400x64xf32, #tpu.memory_space<vmem>>, vector<1x16xf32>,
      %get3A_161 = arith.index_cast %add3A_138 : i32 to index
      %get3A_162 = arith.constant 0 : index
      %get3A_163 = tpu.vector_load %arg11[%get3A_161, %get3A_162] {strides = array<i32>} : memref<400x32xf32, #tpu.memory_space<vmem>>, vector<1x16xf32>,
      %get3A_164 = vector.shape_cast %get3A_163 : vector<1x16xf32> to vector<16xf32>
      %mul3A_165 = arith.constant 8.000000e+00 : f32
      %mul3A_166 = vector.broadcast %mul3A_165 : f32 to vector<16xf32>
      %mul3A_167 = arith.mulf %get3A_164, %mul3A_166 : vector<16xf32>
      %swap3A_168 = arith.index_cast %add3A_138 : i32 to index
      %swap3A_169 = arith.constant 32 : index
      %swap3A_170 = tpu.vector_load %arg13[%swap3A_168, %swap3A_169] {strides = array<i32>} : memref<400x64xf32, #tpu.memory_space<vmem>>, vector<1x16xf32>,
      %swap3A_171 = vector.shape_cast %swap3A_170 : vector<1x16xf32> to vector<16xf32>
      %swap3A_172 = vector.shape_cast %mul3A_167 : vector<16xf32> to vector<1x16xf32>
      tpu.vector_store %arg13[%swap3A_168, %swap3A_169], %swap3A_172 {strides = array<i32>} : memref<400x64xf32, #tpu.memory_space<vmem>>, vector<1x16xf32>,
      %get3A_173 = arith.index_cast %add3A_138 : i32 to index
      %get3A_174 = arith.constant 16 : index
      %get3A_175 = tpu.vector_load %arg11[%get3A_173, %get3A_174] {strides = array<i32>} : memref<400x32xf32, #tpu.memory_space<vmem>>, vector<1x16xf32>,
      %get3A_176 = vector.shape_cast %get3A_175 : vector<1x16xf32> to vector<16xf32>
      %mul3A_177 = arith.constant 8.000000e+00 : f32
      %mul3A_178 = vector.broadcast %mul3A_177 : f32 to vector<16xf32>
      %mul3A_179 = arith.mulf %get3A_176, %mul3A_178 : vector<16xf32>
      %swap3A_180 = arith.index_cast %add3A_138 : i32 to index
      %swap3A_181 = arith.constant 48 : index
      %swap3A_182 = tpu.vector_load %arg13[%swap3A_180, %swap3A_181] {strides = array<i32>} : memref<400x64xf32, #tpu.memory_space<vmem>>, vector<1x16xf32>,
      %swap3A_183 = vector.shape_cast %swap3A_182 : vector<1x16xf32> to vector<16xf32>
      %swap3A_184 = vector.shape_cast %mul3A_179 : vector<16xf32> to vector<1x16xf32>
      tpu.vector_store %arg13[%swap3A_180, %swap3A_181], %swap3A_184 {strides = array<i32>} : memref<400x64xf32, #tpu.memory_space<vmem>>, vector<1x16xf32>,
      %mul3A_185 = arith.constant 8 : i32
      %mul3A_186 = arith.muli %scan3A_134, %mul3A_185 : i32
      %add3A_187 = arith.constant 1 : i32
      %add3A_188 = arith.addi %mul3A_186, %add3A_187 : i32
      %get3A_189 = arith.index_cast %add3A_188 : i32 to index
      %get3A_190 = arith.constant 0 : index
      %get3A_191 = tpu.vector_load %arg9[%get3A_189, %get3A_190] {strides = array<i32>} : memref<400x32xf32, #tpu.memory_space<vmem>>, vector<1x16xf32>,
      %get3A_192 = vector.shape_cast %get3A_191 : vector<1x16xf32> to vector<16xf32>
      %mul3A_193 = arith.constant 8.000000e+00 : f32
      %mul3A_194 = vector.broadcast %mul3A_193 : f32 to vector<16xf32>
      %mul3A_195 = arith.mulf %get3A_192, %mul3A_194 : vector<16xf32>
      %swap3A_196 = arith.index_cast %add3A_188 : i32 to index
      %swap3A_197 = arith.constant 0 : index
      %swap3A_198 = tpu.vector_load %arg13[%swap3A_196, %swap3A_197] {strides = array<i32>} : memref<400x64xf32, #tpu.memory_space<vmem>>, vector<1x16xf32>,
      %swap3A_199 = vector.shape_cast %swap3A_198 : vector<1x16xf32> to vector<16xf32>
      %swap3A_200 = vector.shape_cast %mul3A_195 : vector<16xf32> to vector<1x16xf32>
      tpu.vector_store %arg13[%swap3A_196, %swap3A_197], %swap3A_200 {strides = array<i32>} : memref<400x64xf32, #tpu.memory_space<vmem>>, vector<1x16xf32>,
      %get3A_201 = arith.index_cast %add3A_188 : i32 to index
      %get3A_202 = arith.constant 16 : index
      %get3A_203 = tpu.vector_load %arg9[%get3A_201, %get3A_202] {strides = array<i32>} : memref<400x32xf32, #tpu.memory_space<vmem>>, vector<1x16xf32>,
      %get3A_204 = vector.shape_cast %get3A_203 : vector<1x16xf32> to vector<16xf32>
      %mul3A_205 = arith.constant 8.000000e+00 : f32
      %mul3A_206 = vector.broadcast %mul3A_205 : f32 to vector<16xf32>
      %mul3A_207 = arith.mulf %get3A_204, %mul3A_206 : vector<16xf32>
      %swap3A_208 = arith.index_cast %add3A_188 : i32 to index
      %swap3A_209 = arith.constant 16 : index
      %swap3A_210 = tpu.vector_load %arg13[%swap3A_208, %swap3A_209] {strides = array<i32>} : memref<400x64xf32, #tpu.memory_space<vmem>>, vector<1x16xf32>,
      %swap3A_211 = vector.shape_cast %swap3A_210 : vector<1x16xf32> to vector<16xf32>
      %swap3A_212 = vector.shape_cast %mul3A_207 : vector<16xf32> to vector<1x16xf32>
      tpu.vector_store %arg13[%swap3A_208, %swap3A_209], %swap3A_212 {strides = array<i32>} : memref<400x64xf32, #tpu.memory_space<vmem>>, vector<1x16xf32>,
      %get3A_213 = arith.index_cast %add3A_188 : i32 to index
      %get3A_214 = arith.constant 0 : index
      %get3A_215 = tpu.vector_load %arg11[%get3A_213, %get3A_214] {strides = array<i32>} : memref<400x32xf32, #tpu.memory_space<vmem>>, vector<1x16xf32>,
      %get3A_216 = vector.shape_cast %get3A_215 : vector<1x16xf32> to vector<16xf32>
      %mul3A_217 = arith.constant 8.000000e+00 : f32
      %mul3A_218 = vector.broadcast %mul3A_217 : f32 to vector<16xf32>
      %mul3A_219 = arith.mulf %get3A_216, %mul3A_218 : vector<16xf32>
      %swap3A_220 = arith.index_cast %add3A_188 : i32 to index
      %swap3A_221 = arith.constant 32 : index
      %swap3A_222 = tpu.vector_load %arg13[%swap3A_220, %swap3A_221] {strides = array<i32>} : memref<400x64xf32, #tpu.memory_space<vmem>>, vector<1x16xf32>,
      %swap3A_223 = vector.shape_cast %swap3A_222 : vector<1x16xf32> to vector<16xf32>
      %swap3A_224 = vector.shape_cast %mul3A_219 : vector<16xf32> to vector<1x16xf32>
      tpu.vector_store %arg13[%swap3A_220, %swap3A_221], %swap3A_224 {strides = array<i32>} : memref<400x64xf32, #tpu.memory_space<vmem>>, vector<1x16xf32>,
      %get3A_225 = arith.index_cast %add3A_188 : i32 to index
      %get3A_226 = arith.constant 16 : index
      %get3A_227 = tpu.vector_load %arg11[%get3A_225, %get3A_226] {strides = array<i32>} : memref<400x32xf32, #tpu.memory_space<vmem>>, vector<1x16xf32>,
      %get3A_228 = vector.shape_cast %get3A_227 : vector<1x16xf32> to vector<16xf32>
      %mul3A_229 = arith.constant 8.000000e+00 : f32
      %mul3A_230 = vector.broadcast %mul3A_229 : f32 to vector<16xf32>
      %mul3A_231 = arith.mulf %get3A_228, %mul3A_230 : vector<16xf32>
      %swap3A_232 = arith.index_cast %add3A_188 : i32 to index
      %swap3A_233 = arith.constant 48 : index
      %swap3A_234 = tpu.vector_load %arg13[%swap3A_232, %swap3A_233] {strides = array<i32>} : memref<400x64xf32, #tpu.memory_space<vmem>>, vector<1x16xf32>,
      %swap3A_235 = vector.shape_cast %swap3A_234 : vector<1x16xf32> to vector<16xf32>
      %swap3A_236 = vector.shape_cast %mul3A_231 : vector<16xf32> to vector<1x16xf32>
      tpu.vector_store %arg13[%swap3A_232, %swap3A_233], %swap3A_236 {strides = array<i32>} : memref<400x64xf32, #tpu.memory_space<vmem>>, vector<1x16xf32>,
      %mul3A_237 = arith.constant 8 : i32
      %mul3A_238 = arith.muli %scan3A_134, %mul3A_237 : i32
      %add3A_239 = arith.constant 2 : i32
      %add3A_240 = arith.addi %mul3A_238, %add3A_239 : i32
      %get3A_241 = arith.index_cast %add3A_240 : i32 to index
      %get3A_242 = arith.constant 0 : index
      %get3A_243 = tpu.vector_load %arg9[%get3A_241, %get3A_242] {strides = array<i32>} : memref<400x32xf32, #tpu.memory_space<vmem>>, vector<1x16xf32>,
      %get3A_244 = vector.shape_cast %get3A_243 : vector<1x16xf32> to vector<16xf32>
      %mul3A_245 = arith.constant 8.000000e+00 : f32
      %mul3A_246 = vector.broadcast %mul3A_245 : f32 to vector<16xf32>
      %mul3A_247 = arith.mulf %get3A_244, %mul3A_246 : vector<16xf32>
      %swap3A_248 = arith.index_cast %add3A_240 : i32 to index
      %swap3A_249 = arith.constant 0 : index
      %swap3A_250 = tpu.vector_load %arg13[%swap3A_248, %swap3A_249] {strides = array<i32>} : memref<400x64xf32, #tpu.memory_space<vmem>>, vector<1x16xf32>,
      %swap3A_251 = vector.shape_cast %swap3A_250 : vector<1x16xf32> to vector<16xf32>
      %swap3A_252 = vector.shape_cast %mul3A_247 : vector<16xf32> to vector<1x16xf32>
      tpu.vector_store %arg13[%swap3A_248, %swap3A_249], %swap3A_252 {strides = array<i32>} : memref<400x64xf32, #tpu.memory_space<vmem>>, vector<1x16xf32>,
      %get3A_253 = arith.index_cast %add3A_240 : i32 to index
      %get3A_254 = arith.constant 16 : index
      %get3A_255 = tpu.vector_load %arg9[%get3A_253, %get3A_254] {strides = array<i32>} : memref<400x32xf32, #tpu.memory_space<vmem>>, vector<1x16xf32>,
      %get3A_256 = vector.shape_cast %get3A_255 : vector<1x16xf32> to vector<16xf32>
      %mul3A_257 = arith.constant 8.000000e+00 : f32
      %mul3A_258 = vector.broadcast %mul3A_257 : f32 to vector<16xf32>
      %mul3A_259 = arith.mulf %get3A_256, %mul3A_258 : vector<16xf32>
      %swap3A_260 = arith.index_cast %add3A_240 : i32 to index
      %swap3A_261 = arith.constant 16 : index
      %swap3A_262 = tpu.vector_load %arg13[%swap3A_260, %swap3A_261] {strides = array<i32>} : memref<400x64xf32, #tpu.memory_space<vmem>>, vector<1x16xf32>,
      %swap3A_263 = vector.shape_cast %swap3A_262 : vector<1x16xf32> to vector<16xf32>
      %swap3A_264 = vector.shape_cast %mul3A_259 : vector<16xf32> to vector<1x16xf32>
      tpu.vector_store %arg13[%swap3A_260, %swap3A_261], %swap3A_264 {strides = array<i32>} : memref<400x64xf32, #tpu.memory_space<vmem>>, vector<1x16xf32>,
      %get3A_265 = arith.index_cast %add3A_240 : i32 to index
      %get3A_266 = arith.constant 0 : index
      %get3A_267 = tpu.vector_load %arg11[%get3A_265, %get3A_266] {strides = array<i32>} : memref<400x32xf32, #tpu.memory_space<vmem>>, vector<1x16xf32>,
      %get3A_268 = vector.shape_cast %get3A_267 : vector<1x16xf32> to vector<16xf32>
      %mul3A_269 = arith.constant 8.000000e+00 : f32
      %mul3A_270 = vector.broadcast %mul3A_269 : f32 to vector<16xf32>
      %mul3A_271 = arith.mulf %get3A_268, %mul3A_270 : vector<16xf32>
      %swap3A_272 = arith.index_cast %add3A_240 : i32 to index
      %swap3A_273 = arith.constant 32 : index
      %swap3A_274 = tpu.vector_load %arg13[%swap3A_272, %swap3A_273] {strides = array<i32>} : memref<400x64xf32, #tpu.memory_space<vmem>>, vector<1x16xf32>,
      %swap3A_275 = vector.shape_cast %swap3A_274 : vector<1x16xf32> to vector<16xf32>
      %swap3A_276 = vector.shape_cast %mul3A_271 : vector<16xf32> to vector<1x16xf32>
      tpu.vector_store %arg13[%swap3A_272, %swap3A_273], %swap3A_276 {strides = array<i32>} : memref<400x64xf32, #tpu.memory_space<vmem>>, vector<1x16xf32>,
      %get3A_277 = arith.index_cast %add3A_240 : i32 to index
      %get3A_278 = arith.constant 16 : index
      %get3A_279 = tpu.vector_load %arg11[%get3A_277, %get3A_278] {strides = array<i32>} : memref<400x32xf32, #tpu.memory_space<vmem>>, vector<1x16xf32>,
      %get3A_280 = vector.shape_cast %get3A_279 : vector<1x16xf32> to vector<16xf32>
      %mul3A_281 = arith.constant 8.000000e+00 : f32
      %mul3A_282 = vector.broadcast %mul3A_281 : f32 to vector<16xf32>
      %mul3A_283 = arith.mulf %get3A_280, %mul3A_282 : vector<16xf32>
      %swap3A_284 = arith.index_cast %add3A_240 : i32 to index
      %swap3A_285 = arith.constant 48 : index
      %swap3A_286 = tpu.vector_load %arg13[%swap3A_284, %swap3A_285] {strides = array<i32>} : memref<400x64xf32, #tpu.memory_space<vmem>>, vector<1x16xf32>,
      %swap3A_287 = vector.shape_cast %swap3A_286 : vector<1x16xf32> to vector<16xf32>
      %swap3A_288 = vector.shape_cast %mul3A_283 : vector<16xf32> to vector<1x16xf32>
      tpu.vector_store %arg13[%swap3A_284, %swap3A_285], %swap3A_288 {strides = array<i32>} : memref<400x64xf32, #tpu.memory_space<vmem>>, vector<1x16xf32>,
      %mul3A_289 = arith.constant 8 : i32
      %mul3A_290 = arith.muli %scan3A_134, %mul3A_289 : i32
      %add3A_291 = arith.constant 3 : i32
      %add3A_292 = arith.addi %mul3A_290, %add3A_291 : i32
      %get3A_293 = arith.index_cast %add3A_292 : i32 to index
      %get3A_294 = arith.constant 0 : index
      %get3A_295 = tpu.vector_load %arg9[%get3A_293, %get3A_294] {strides = array<i32>} : memref<400x32xf32, #tpu.memory_space<vmem>>, vector<1x16xf32>,
      %get3A_296 = vector.shape_cast %get3A_295 : vector<1x16xf32> to vector<16xf32>
      %mul3A_297 = arith.constant 8.000000e+00 : f32
      %mul3A_298 = vector.broadcast %mul3A_297 : f32 to vector<16xf32>
      %mul3A_299 = arith.mulf %get3A_296, %mul3A_298 : vector<16xf32>
      %swap3A_300 = arith.index_cast %add3A_292 : i32 to index
      %swap3A_301 = arith.constant 0 : index
      %swap3A_302 = tpu.vector_load %arg13[%swap3A_300, %swap3A_301] {strides = array<i32>} : memref<400x64xf32, #tpu.memory_space<vmem>>, vector<1x16xf32>,
      %swap3A_303 = vector.shape_cast %swap3A_302 : vector<1x16xf32> to vector<16xf32>
      %swap3A_304 = vector.shape_cast %mul3A_299 : vector<16xf32> to vector<1x16xf32>
      tpu.vector_store %arg13[%swap3A_300, %swap3A_301], %swap3A_304 {strides = array<i32>} : memref<400x64xf32, #tpu.memory_space<vmem>>, vector<1x16xf32>,
      %get3A_305 = arith.index_cast %add3A_292 : i32 to index
      %get3A_306 = arith.constant 16 : index
      %get3A_307 = tpu.vector_load %arg9[%get3A_305, %get3A_306] {strides = array<i32>} : memref<400x32xf32, #tpu.memory_space<vmem>>, vector<1x16xf32>,
      %get3A_308 = vector.shape_cast %get3A_307 : vector<1x16xf32> to vector<16xf32>
      %mul3A_309 = arith.constant 8.000000e+00 : f32
      %mul3A_310 = vector.broadcast %mul3A_309 : f32 to vector<16xf32>
      %mul3A_311 = arith.mulf %get3A_308, %mul3A_310 : vector<16xf32>
      %swap3A_312 = arith.index_cast %add3A_292 : i32 to index
      %swap3A_313 = arith.constant 16 : index
      %swap3A_314 = tpu.vector_load %arg13[%swap3A_312, %swap3A_313] {strides = array<i32>} : memref<400x64xf32, #tpu.memory_space<vmem>>, vector<1x16xf32>,
      %swap3A_315 = vector.shape_cast %swap3A_314 : vector<1x16xf32> to vector<16xf32>
      %swap3A_316 = vector.shape_cast %mul3A_311 : vector<16xf32> to vector<1x16xf32>
      tpu.vector_store %arg13[%swap3A_312, %swap3A_313], %swap3A_316 {strides = array<i32>} : memref<400x64xf32, #tpu.memory_space<vmem>>, vector<1x16xf32>,
      %get3A_317 = arith.index_cast %add3A_292 : i32 to index
      %get3A_318 = arith.constant 0 : index
      %get3A_319 = tpu.vector_load %arg11[%get3A_317, %get3A_318] {strides = array<i32>} : memref<400x32xf32, #tpu.memory_space<vmem>>, vector<1x16xf32>,
      %get3A_320 = vector.shape_cast %get3A_319 : vector<1x16xf32> to vector<16xf32>
      %mul3A_321 = arith.constant 8.000000e+00 : f32
      %mul3A_322 = vector.broadcast %mul3A_321 : f32 to vector<16xf32>
      %mul3A_323 = arith.mulf %get3A_320, %mul3A_322 : vector<16xf32>
      %swap3A_324 = arith.index_cast %add3A_292 : i32 to index
      %swap3A_325 = arith.constant 32 : index
      %swap3A_326 = tpu.vector_load %arg13[%swap3A_324, %swap3A_325] {strides = array<i32>} : memref<400x64xf32, #tpu.memory_space<vmem>>, vector<1x16xf32>,
      %swap3A_327 = vector.shape_cast %swap3A_326 : vector<1x16xf32> to vector<16xf32>
      %swap3A_328 = vector.shape_cast %mul3A_323 : vector<16xf32> to vector<1x16xf32>
      tpu.vector_store %arg13[%swap3A_324, %swap3A_325], %swap3A_328 {strides = array<i32>} : memref<400x64xf32, #tpu.memory_space<vmem>>, vector<1x16xf32>,
      %get3A_329 = arith.index_cast %add3A_292 : i32 to index
      %get3A_330 = arith.constant 16 : index
      %get3A_331 = tpu.vector_load %arg11[%get3A_329, %get3A_330] {strides = array<i32>} : memref<400x32xf32, #tpu.memory_space<vmem>>, vector<1x16xf32>,
      %get3A_332 = vector.shape_cast %get3A_331 : vector<1x16xf32> to vector<16xf32>
      %mul3A_333 = arith.constant 8.000000e+00 : f32
      %mul3A_334 = vector.broadcast %mul3A_333 : f32 to vector<16xf32>
      %mul3A_335 = arith.mulf %get3A_332, %mul3A_334 : vector<16xf32>
      %swap3A_336 = arith.index_cast %add3A_292 : i32 to index
      %swap3A_337 = arith.constant 48 : index
      %swap3A_338 = tpu.vector_load %arg13[%swap3A_336, %swap3A_337] {strides = array<i32>} : memref<400x64xf32, #tpu.memory_space<vmem>>, vector<1x16xf32>,
      %swap3A_339 = vector.shape_cast %swap3A_338 : vector<1x16xf32> to vector<16xf32>
      %swap3A_340 = vector.shape_cast %mul3A_335 : vector<16xf32> to vector<1x16xf32>
      tpu.vector_store %arg13[%swap3A_336, %swap3A_337], %swap3A_340 {strides = array<i32>} : memref<400x64xf32, #tpu.memory_space<vmem>>, vector<1x16xf32>,
      %mul3A_341 = arith.constant 8 : i32
      %mul3A_342 = arith.muli %scan3A_134, %mul3A_341 : i32
      %add3A_343 = arith.constant 4 : i32
      %add3A_344 = arith.addi %mul3A_342, %add3A_343 : i32
      %get3A_345 = arith.index_cast %add3A_344 : i32 to index
      %get3A_346 = arith.constant 0 : index
      %get3A_347 = tpu.vector_load %arg9[%get3A_345, %get3A_346] {strides = array<i32>} : memref<400x32xf32, #tpu.memory_space<vmem>>, vector<1x16xf32>,
      %get3A_348 = vector.shape_cast %get3A_347 : vector<1x16xf32> to vector<16xf32>
      %mul3A_349 = arith.constant 8.000000e+00 : f32
      %mul3A_350 = vector.broadcast %mul3A_349 : f32 to vector<16xf32>
      %mul3A_351 = arith.mulf %get3A_348, %mul3A_350 : vector<16xf32>
      %swap3A_352 = arith.index_cast %add3A_344 : i32 to index
      %swap3A_353 = arith.constant 0 : index
      %swap3A_354 = tpu.vector_load %arg13[%swap3A_352, %swap3A_353] {strides = array<i32>} : memref<400x64xf32, #tpu.memory_space<vmem>>, vector<1x16xf32>,
      %swap3A_355 = vector.shape_cast %swap3A_354 : vector<1x16xf32> to vector<16xf32>
      %swap3A_356 = vector.shape_cast %mul3A_351 : vector<16xf32> to vector<1x16xf32>
      tpu.vector_store %arg13[%swap3A_352, %swap3A_353], %swap3A_356 {strides = array<i32>} : memref<400x64xf32, #tpu.memory_space<vmem>>, vector<1x16xf32>,
      %get3A_357 = arith.index_cast %add3A_344 : i32 to index
      %get3A_358 = arith.constant 16 : index
      %get3A_359 = tpu.vector_load %arg9[%get3A_357, %get3A_358] {strides = array<i32>} : memref<400x32xf32, #tpu.memory_space<vmem>>, vector<1x16xf32>,
      %get3A_360 = vector.shape_cast %get3A_359 : vector<1x16xf32> to vector<16xf32>
      %mul3A_361 = arith.constant 8.000000e+00 : f32
      %mul3A_362 = vector.broadcast %mul3A_361 : f32 to vector<16xf32>
      %mul3A_363 = arith.mulf %get3A_360, %mul3A_362 : vector<16xf32>
      %swap3A_364 = arith.index_cast %add3A_344 : i32 to index
      %swap3A_365 = arith.constant 16 : index
      %swap3A_366 = tpu.vector_load %arg13[%swap3A_364, %swap3A_365] {strides = array<i32>} : memref<400x64xf32, #tpu.memory_space<vmem>>, vector<1x16xf32>,
      %swap3A_367 = vector.shape_cast %swap3A_366 : vector<1x16xf32> to vector<16xf32>
      %swap3A_368 = vector.shape_cast %mul3A_363 : vector<16xf32> to vector<1x16xf32>
      tpu.vector_store %arg13[%swap3A_364, %swap3A_365], %swap3A_368 {strides = array<i32>} : memref<400x64xf32, #tpu.memory_space<vmem>>, vector<1x16xf32>,
      %get3A_369 = arith.index_cast %add3A_344 : i32 to index
      %get3A_370 = arith.constant 0 : index
      %get3A_371 = tpu.vector_load %arg11[%get3A_369, %get3A_370] {strides = array<i32>} : memref<400x32xf32, #tpu.memory_space<vmem>>, vector<1x16xf32>,
      %get3A_372 = vector.shape_cast %get3A_371 : vector<1x16xf32> to vector<16xf32>
      %mul3A_373 = arith.constant 8.000000e+00 : f32
      %mul3A_374 = vector.broadcast %mul3A_373 : f32 to vector<16xf32>
      %mul3A_375 = arith.mulf %get3A_372, %mul3A_374 : vector<16xf32>
      %swap3A_376 = arith.index_cast %add3A_344 : i32 to index
      %swap3A_377 = arith.constant 32 : index
      %swap3A_378 = tpu.vector_load %arg13[%swap3A_376, %swap3A_377] {strides = array<i32>} : memref<400x64xf32, #tpu.memory_space<vmem>>, vector<1x16xf32>,
      %swap3A_379 = vector.shape_cast %swap3A_378 : vector<1x16xf32> to vector<16xf32>
      %swap3A_380 = vector.shape_cast %mul3A_375 : vector<16xf32> to vector<1x16xf32>
      tpu.vector_store %arg13[%swap3A_376, %swap3A_377], %swap3A_380 {strides = array<i32>} : memref<400x64xf32, #tpu.memory_space<vmem>>, vector<1x16xf32>,
      %get3A_381 = arith.index_cast %add3A_344 : i32 to index
      %get3A_382 = arith.constant 16 : index
      %get3A_383 = tpu.vector_load %arg11[%get3A_381, %get3A_382] {strides = array<i32>} : memref<400x32xf32, #tpu.memory_space<vmem>>, vector<1x16xf32>,
      %get3A_384 = vector.shape_cast %get3A_383 : vector<1x16xf32> to vector<16xf32>
      %mul3A_385 = arith.constant 8.000000e+00 : f32
      %mul3A_386 = vector.broadcast %mul3A_385 : f32 to vector<16xf32>
      %mul3A_387 = arith.mulf %get3A_384, %mul3A_386 : vector<16xf32>
      %swap3A_388 = arith.index_cast %add3A_344 : i32 to index
      %swap3A_389 = arith.constant 48 : index
      %swap3A_390 = tpu.vector_load %arg13[%swap3A_388, %swap3A_389] {strides = array<i32>} : memref<400x64xf32, #tpu.memory_space<vmem>>, vector<1x16xf32>,
      %swap3A_391 = vector.shape_cast %swap3A_390 : vector<1x16xf32> to vector<16xf32>
      %swap3A_392 = vector.shape_cast %mul3A_387 : vector<16xf32> to vector<1x16xf32>
      tpu.vector_store %arg13[%swap3A_388, %swap3A_389], %swap3A_392 {strides = array<i32>} : memref<400x64xf32, #tpu.memory_space<vmem>>, vector<1x16xf32>,
      %mul3A_393 = arith.constant 8 : i32
      %mul3A_394 = arith.muli %scan3A_134, %mul3A_393 : i32
      %add3A_395 = arith.constant 5 : i32
      %add3A_396 = arith.addi %mul3A_394, %add3A_395 : i32
      %get3A_397 = arith.index_cast %add3A_396 : i32 to index
      %get3A_398 = arith.constant 0 : index
      %get3A_399 = tpu.vector_load %arg9[%get3A_397, %get3A_398] {strides = array<i32>} : memref<400x32xf32, #tpu.memory_space<vmem>>, vector<1x16xf32>,
      %get3A_400 = vector.shape_cast %get3A_399 : vector<1x16xf32> to vector<16xf32>
      %mul3A_401 = arith.constant 8.000000e+00 : f32
      %mul3A_402 = vector.broadcast %mul3A_401 : f32 to vector<16xf32>
      %mul3A_403 = arith.mulf %get3A_400, %mul3A_402 : vector<16xf32>
      %swap3A_404 = arith.index_cast %add3A_396 : i32 to index
      %swap3A_405 = arith.constant 0 : index
      %swap3A_406 = tpu.vector_load %arg13[%swap3A_404, %swap3A_405] {strides = array<i32>} : memref<400x64xf32, #tpu.memory_space<vmem>>, vector<1x16xf32>,
      %swap3A_407 = vector.shape_cast %swap3A_406 : vector<1x16xf32> to vector<16xf32>
      %swap3A_408 = vector.shape_cast %mul3A_403 : vector<16xf32> to vector<1x16xf32>
      tpu.vector_store %arg13[%swap3A_404, %swap3A_405], %swap3A_408 {strides = array<i32>} : memref<400x64xf32, #tpu.memory_space<vmem>>, vector<1x16xf32>,
      %get3A_409 = arith.index_cast %add3A_396 : i32 to index
      %get3A_410 = arith.constant 16 : index
      %get3A_411 = tpu.vector_load %arg9[%get3A_409, %get3A_410] {strides = array<i32>} : memref<400x32xf32, #tpu.memory_space<vmem>>, vector<1x16xf32>,
      %get3A_412 = vector.shape_cast %get3A_411 : vector<1x16xf32> to vector<16xf32>
      %mul3A_413 = arith.constant 8.000000e+00 : f32
      %mul3A_414 = vector.broadcast %mul3A_413 : f32 to vector<16xf32>
      %mul3A_415 = arith.mulf %get3A_412, %mul3A_414 : vector<16xf32>
      %swap3A_416 = arith.index_cast %add3A_396 : i32 to index
      %swap3A_417 = arith.constant 16 : index
      %swap3A_418 = tpu.vector_load %arg13[%swap3A_416, %swap3A_417] {strides = array<i32>} : memref<400x64xf32, #tpu.memory_space<vmem>>, vector<1x16xf32>,
      %swap3A_419 = vector.shape_cast %swap3A_418 : vector<1x16xf32> to vector<16xf32>
      %swap3A_420 = vector.shape_cast %mul3A_415 : vector<16xf32> to vector<1x16xf32>
      tpu.vector_store %arg13[%swap3A_416, %swap3A_417], %swap3A_420 {strides = array<i32>} : memref<400x64xf32, #tpu.memory_space<vmem>>, vector<1x16xf32>,
      %get3A_421 = arith.index_cast %add3A_396 : i32 to index
      %get3A_422 = arith.constant 0 : index
      %get3A_423 = tpu.vector_load %arg11[%get3A_421, %get3A_422] {strides = array<i32>} : memref<400x32xf32, #tpu.memory_space<vmem>>, vector<1x16xf32>,
      %get3A_424 = vector.shape_cast %get3A_423 : vector<1x16xf32> to vector<16xf32>
      %mul3A_425 = arith.constant 8.000000e+00 : f32
      %mul3A_426 = vector.broadcast %mul3A_425 : f32 to vector<16xf32>
      %mul3A_427 = arith.mulf %get3A_424, %mul3A_426 : vector<16xf32>
      %swap3A_428 = arith.index_cast %add3A_396 : i32 to index
      %swap3A_429 = arith.constant 32 : index
      %swap3A_430 = tpu.vector_load %arg13[%swap3A_428, %swap3A_429] {strides = array<i32>} : memref<400x64xf32, #tpu.memory_space<vmem>>, vector<1x16xf32>,
      %swap3A_431 = vector.shape_cast %swap3A_430 : vector<1x16xf32> to vector<16xf32>
      %swap3A_432 = vector.shape_cast %mul3A_427 : vector<16xf32> to vector<1x16xf32>
      tpu.vector_store %arg13[%swap3A_428, %swap3A_429], %swap3A_432 {strides = array<i32>} : memref<400x64xf32, #tpu.memory_space<vmem>>, vector<1x16xf32>,
      %get3A_433 = arith.index_cast %add3A_396 : i32 to index
      %get3A_434 = arith.constant 16 : index
      %get3A_435 = tpu.vector_load %arg11[%get3A_433, %get3A_434] {strides = array<i32>} : memref<400x32xf32, #tpu.memory_space<vmem>>, vector<1x16xf32>,
      %get3A_436 = vector.shape_cast %get3A_435 : vector<1x16xf32> to vector<16xf32>
      %mul3A_437 = arith.constant 8.000000e+00 : f32
      %mul3A_438 = vector.broadcast %mul3A_437 : f32 to vector<16xf32>
      %mul3A_439 = arith.mulf %get3A_436, %mul3A_438 : vector<16xf32>
      %swap3A_440 = arith.index_cast %add3A_396 : i32 to index
      %swap3A_441 = arith.constant 48 : index
      %swap3A_442 = tpu.vector_load %arg13[%swap3A_440, %swap3A_441] {strides = array<i32>} : memref<400x64xf32, #tpu.memory_space<vmem>>, vector<1x16xf32>,
      %swap3A_443 = vector.shape_cast %swap3A_442 : vector<1x16xf32> to vector<16xf32>
      %swap3A_444 = vector.shape_cast %mul3A_439 : vector<16xf32> to vector<1x16xf32>
      tpu.vector_store %arg13[%swap3A_440, %swap3A_441], %swap3A_444 {strides = array<i32>} : memref<400x64xf32, #tpu.memory_space<vmem>>, vector<1x16xf32>,
      %mul3A_445 = arith.constant 8 : i32
      %mul3A_446 = arith.muli %scan3A_134, %mul3A_445 : i32
      %add3A_447 = arith.constant 6 : i32
      %add3A_448 = arith.addi %mul3A_446, %add3A_447 : i32
      %get3A_449 = arith.index_cast %add3A_448 : i32 to index
      %get3A_450 = arith.constant 0 : index
      %get3A_451 = tpu.vector_load %arg9[%get3A_449, %get3A_450] {strides = array<i32>} : memref<400x32xf32, #tpu.memory_space<vmem>>, vector<1x16xf32>,
      %get3A_452 = vector.shape_cast %get3A_451 : vector<1x16xf32> to vector<16xf32>
      %mul3A_453 = arith.constant 8.000000e+00 : f32
      %mul3A_454 = vector.broadcast %mul3A_453 : f32 to vector<16xf32>
      %mul3A_455 = arith.mulf %get3A_452, %mul3A_454 : vector<16xf32>
      %swap3A_456 = arith.index_cast %add3A_448 : i32 to index
      %swap3A_457 = arith.constant 0 : index
      %swap3A_458 = tpu.vector_load %arg13[%swap3A_456, %swap3A_457] {strides = array<i32>} : memref<400x64xf32, #tpu.memory_space<vmem>>, vector<1x16xf32>,
      %swap3A_459 = vector.shape_cast %swap3A_458 : vector<1x16xf32> to vector<16xf32>
      %swap3A_460 = vector.shape_cast %mul3A_455 : vector<16xf32> to vector<1x16xf32>
      tpu.vector_store %arg13[%swap3A_456, %swap3A_457], %swap3A_460 {strides = array<i32>} : memref<400x64xf32, #tpu.memory_space<vmem>>, vector<1x16xf32>,
      %get3A_461 = arith.index_cast %add3A_448 : i32 to index
      %get3A_462 = arith.constant 16 : index
      %get3A_463 = tpu.vector_load %arg9[%get3A_461, %get3A_462] {strides = array<i32>} : memref<400x32xf32, #tpu.memory_space<vmem>>, vector<1x16xf32>,
      %get3A_464 = vector.shape_cast %get3A_463 : vector<1x16xf32> to vector<16xf32>
      %mul3A_465 = arith.constant 8.000000e+00 : f32
      %mul3A_466 = vector.broadcast %mul3A_465 : f32 to vector<16xf32>
      %mul3A_467 = arith.mulf %get3A_464, %mul3A_466 : vector<16xf32>
      %swap3A_468 = arith.index_cast %add3A_448 : i32 to index
      %swap3A_469 = arith.constant 16 : index
      %swap3A_470 = tpu.vector_load %arg13[%swap3A_468, %swap3A_469] {strides = array<i32>} : memref<400x64xf32, #tpu.memory_space<vmem>>, vector<1x16xf32>,
      %swap3A_471 = vector.shape_cast %swap3A_470 : vector<1x16xf32> to vector<16xf32>
      %swap3A_472 = vector.shape_cast %mul3A_467 : vector<16xf32> to vector<1x16xf32>
      tpu.vector_store %arg13[%swap3A_468, %swap3A_469], %swap3A_472 {strides = array<i32>} : memref<400x64xf32, #tpu.memory_space<vmem>>, vector<1x16xf32>,
      %get3A_473 = arith.index_cast %add3A_448 : i32 to index
      %get3A_474 = arith.constant 0 : index
      %get3A_475 = tpu.vector_load %arg11[%get3A_473, %get3A_474] {strides = array<i32>} : memref<400x32xf32, #tpu.memory_space<vmem>>, vector<1x16xf32>,
      %get3A_476 = vector.shape_cast %get3A_475 : vector<1x16xf32> to vector<16xf32>
      %mul3A_477 = arith.constant 8.000000e+00 : f32
      %mul3A_478 = vector.broadcast %mul3A_477 : f32 to vector<16xf32>
      %mul3A_479 = arith.mulf %get3A_476, %mul3A_478 : vector<16xf32>
      %swap3A_480 = arith.index_cast %add3A_448 : i32 to index
      %swap3A_481 = arith.constant 32 : index
      %swap3A_482 = tpu.vector_load %arg13[%swap3A_480, %swap3A_481] {strides = array<i32>} : memref<400x64xf32, #tpu.memory_space<vmem>>, vector<1x16xf32>,
      %swap3A_483 = vector.shape_cast %swap3A_482 : vector<1x16xf32> to vector<16xf32>
      %swap3A_484 = vector.shape_cast %mul3A_479 : vector<16xf32> to vector<1x16xf32>
      tpu.vector_store %arg13[%swap3A_480, %swap3A_481], %swap3A_484 {strides = array<i32>} : memref<400x64xf32, #tpu.memory_space<vmem>>, vector<1x16xf32>,
      %get3A_485 = arith.index_cast %add3A_448 : i32 to index
      %get3A_486 = arith.constant 16 : index
      %get3A_487 = tpu.vector_load %arg11[%get3A_485, %get3A_486] {strides = array<i32>} : memref<400x32xf32, #tpu.memory_space<vmem>>, vector<1x16xf32>,
      %get3A_488 = vector.shape_cast %get3A_487 : vector<1x16xf32> to vector<16xf32>
      %mul3A_489 = arith.constant 8.000000e+00 : f32
      %mul3A_490 = vector.broadcast %mul3A_489 : f32 to vector<16xf32>
      %mul3A_491 = arith.mulf %get3A_488, %mul3A_490 : vector<16xf32>
      %swap3A_492 = arith.index_cast %add3A_448 : i32 to index
      %swap3A_493 = arith.constant 48 : index
      %swap3A_494 = tpu.vector_load %arg13[%swap3A_492, %swap3A_493] {strides = array<i32>} : memref<400x64xf32, #tpu.memory_space<vmem>>, vector<1x16xf32>,
      %swap3A_495 = vector.shape_cast %swap3A_494 : vector<1x16xf32> to vector<16xf32>
      %swap3A_496 = vector.shape_cast %mul3A_491 : vector<16xf32> to vector<1x16xf32>
      tpu.vector_store %arg13[%swap3A_492, %swap3A_493], %swap3A_496 {strides = array<i32>} : memref<400x64xf32, #tpu.memory_space<vmem>>, vector<1x16xf32>,
      %mul3A_497 = arith.constant 8 : i32
      %mul3A_498 = arith.muli %scan3A_134, %mul3A_497 : i32
      %add3A_499 = arith.constant 7 : i32
      %add3A_500 = arith.addi %mul3A_498, %add3A_499 : i32
      %get3A_501 = arith.index_cast %add3A_500 : i32 to index
      %get3A_502 = arith.constant 0 : index
      %get3A_503 = tpu.vector_load %arg9[%get3A_501, %get3A_502] {strides = array<i32>} : memref<400x32xf32, #tpu.memory_space<vmem>>, vector<1x16xf32>,
      %get3A_504 = vector.shape_cast %get3A_503 : vector<1x16xf32> to vector<16xf32>
      %mul3A_505 = arith.constant 8.000000e+00 : f32
      %mul3A_506 = vector.broadcast %mul3A_505 : f32 to vector<16xf32>
      %mul3A_507 = arith.mulf %get3A_504, %mul3A_506 : vector<16xf32>
      %swap3A_508 = arith.index_cast %add3A_500 : i32 to index
      %swap3A_509 = arith.constant 0 : index
      %swap3A_510 = tpu.vector_load %arg13[%swap3A_508, %swap3A_509] {strides = array<i32>} : memref<400x64xf32, #tpu.memory_space<vmem>>, vector<1x16xf32>,
      %swap3A_511 = vector.shape_cast %swap3A_510 : vector<1x16xf32> to vector<16xf32>
      %swap3A_512 = vector.shape_cast %mul3A_507 : vector<16xf32> to vector<1x16xf32>
      tpu.vector_store %arg13[%swap3A_508, %swap3A_509], %swap3A_512 {strides = array<i32>} : memref<400x64xf32, #tpu.memory_space<vmem>>, vector<1x16xf32>,
      %get3A_513 = arith.index_cast %add3A_500 : i32 to index
      %get3A_514 = arith.constant 16 : index
      %get3A_515 = tpu.vector_load %arg9[%get3A_513, %get3A_514] {strides = array<i32>} : memref<400x32xf32, #tpu.memory_space<vmem>>, vector<1x16xf32>,
      %get3A_516 = vector.shape_cast %get3A_515 : vector<1x16xf32> to vector<16xf32>
      %mul3A_517 = arith.constant 8.000000e+00 : f32
      %mul3A_518 = vector.broadcast %mul3A_517 : f32 to vector<16xf32>
      %mul3A_519 = arith.mulf %get3A_516, %mul3A_518 : vector<16xf32>
      %swap3A_520 = arith.index_cast %add3A_500 : i32 to index
      %swap3A_521 = arith.constant 16 : index
      %swap3A_522 = tpu.vector_load %arg13[%swap3A_520, %swap3A_521] {strides = array<i32>} : memref<400x64xf32, #tpu.memory_space<vmem>>, vector<1x16xf32>,
      %swap3A_523 = vector.shape_cast %swap3A_522 : vector<1x16xf32> to vector<16xf32>
      %swap3A_524 = vector.shape_cast %mul3A_519 : vector<16xf32> to vector<1x16xf32>
      tpu.vector_store %arg13[%swap3A_520, %swap3A_521], %swap3A_524 {strides = array<i32>} : memref<400x64xf32, #tpu.memory_space<vmem>>, vector<1x16xf32>,
      %get3A_525 = arith.index_cast %add3A_500 : i32 to index
      %get3A_526 = arith.constant 0 : index
      %get3A_527 = tpu.vector_load %arg11[%get3A_525, %get3A_526] {strides = array<i32>} : memref<400x32xf32, #tpu.memory_space<vmem>>, vector<1x16xf32>,
      %get3A_528 = vector.shape_cast %get3A_527 : vector<1x16xf32> to vector<16xf32>
      %mul3A_529 = arith.constant 8.000000e+00 : f32
      %mul3A_530 = vector.broadcast %mul3A_529 : f32 to vector<16xf32>
      %mul3A_531 = arith.mulf %get3A_528, %mul3A_530 : vector<16xf32>
      %swap3A_532 = arith.index_cast %add3A_500 : i32 to index
      %swap3A_533 = arith.constant 32 : index
      %swap3A_534 = tpu.vector_load %arg13[%swap3A_532, %swap3A_533] {strides = array<i32>} : memref<400x64xf32, #tpu.memory_space<vmem>>, vector<1x16xf32>,
      %swap3A_535 = vector.shape_cast %swap3A_534 : vector<1x16xf32> to vector<16xf32>
      %swap3A_536 = vector.shape_cast %mul3A_531 : vector<16xf32> to vector<1x16xf32>
      tpu.vector_store %arg13[%swap3A_532, %swap3A_533], %swap3A_536 {strides = array<i32>} : memref<400x64xf32, #tpu.memory_space<vmem>>, vector<1x16xf32>,
      %get3A_537 = arith.index_cast %add3A_500 : i32 to index
      %get3A_538 = arith.constant 16 : index
      %get3A_539 = tpu.vector_load %arg11[%get3A_537, %get3A_538] {strides = array<i32>} : memref<400x32xf32, #tpu.memory_space<vmem>>, vector<1x16xf32>,
      %get3A_540 = vector.shape_cast %get3A_539 : vector<1x16xf32> to vector<16xf32>
      %mul3A_541 = arith.constant 8.000000e+00 : f32
      %mul3A_542 = vector.broadcast %mul3A_541 : f32 to vector<16xf32>
      %mul3A_543 = arith.mulf %get3A_540, %mul3A_542 : vector<16xf32>
      %swap3A_544 = arith.index_cast %add3A_500 : i32 to index
      %swap3A_545 = arith.constant 48 : index
      %swap3A_546 = tpu.vector_load %arg13[%swap3A_544, %swap3A_545] {strides = array<i32>} : memref<400x64xf32, #tpu.memory_space<vmem>>, vector<1x16xf32>,
      %swap3A_547 = vector.shape_cast %swap3A_546 : vector<1x16xf32> to vector<16xf32>
      %swap3A_548 = vector.shape_cast %mul3A_543 : vector<16xf32> to vector<1x16xf32>
      tpu.vector_store %arg13[%swap3A_544, %swap3A_545], %swap3A_548 {strides = array<i32>} : memref<400x64xf32, #tpu.memory_space<vmem>>, vector<1x16xf32>,
    }
    %scan3A_53 = arith.constant 50 : i32
    %add3A_54 = arith.constant 400 : i32
    %add3A_55 = arith.addi %mul3A_2, %add3A_54 : i32
    %dma_start3A_56 = arith.constant 0 : i32
    %dma_start3A_57 = tpu.memref_slice %arg5[%add3A_55, %dma_start3A_56] : memref<819200x64xf32, #tpu.memory_space<hbm>> -> memref<400x64xf32, #tpu.memory_space<hbm>>
    %dma_start3A_58 = arith.constant 0 : i32
    %dma_start3A_59 = tpu.memref_slice %arg5[%add3A_55, %dma_start3A_58] : memref<819200x64xf32, #tpu.memory_space<hbm>> -> memref<400x64xf32, #tpu.memory_space<hbm>>
    tpu.enqueue_dma source(%arg13 : memref<400x64xf32, #tpu.memory_space<vmem>>) target(%dma_start3A_59 : memref<400x64xf32, #tpu.memory_space<hbm>>) target_semaphore(%arg17 : memref<!tpu.dma_semaphore, #tpu.memory_space<semaphore_mem>>)
    %add3A_60 = arith.constant 1200 : i32
    %add3A_61 = arith.addi %mul3A_2, %add3A_60 : i32
    "tpu.region"() ({
      %run_scoped3A = tpu.sem_alloc : memref<!tpu.dma_semaphore, #tpu.memory_space<semaphore_mem>>
      %dma_start3A_134 = tpu.memref_slice %arg2[%add3A_61] : memref<819200xi32, #tpu.memory_space<hbm>> -> memref<400xi32, #tpu.memory_space<hbm>>
      %dma_start3A_135 = tpu.memref_slice %arg2[%add3A_61] : memref<819200xi32, #tpu.memory_space<hbm>> -> memref<400xi32, #tpu.memory_space<hbm>>
      tpu.enqueue_dma source(%dma_start3A_135 : memref<400xi32, #tpu.memory_space<hbm>>) target(%arg7 : memref<400xi32, #tpu.memory_space<vmem>>) target_semaphore(%run_scoped3A : memref<!tpu.dma_semaphore, #tpu.memory_space<semaphore_mem>>)
      %dma_wait3A_136 = tpu.memref_slice %arg2[%add3A_61] : memref<819200xi32, #tpu.memory_space<hbm>> -> memref<400xi32, #tpu.memory_space<hbm>>
      %dma_wait3A_137 = tpu.memref_slice %arg2[%add3A_61] : memref<819200xi32, #tpu.memory_space<hbm>> -> memref<400xi32, #tpu.memory_space<hbm>>
      tpu.wait_dma2 semaphore(%run_scoped3A : memref<!tpu.dma_semaphore, #tpu.memory_space<semaphore_mem>>) src(%dma_wait3A_137 : memref<400xi32, #tpu.memory_space<hbm>>) dst(%arg7 : memref<400xi32, #tpu.memory_space<vmem>>)
      tpu.yield
    }) : () -> ()
    %dma_start3A_62 = arith.constant 0 : i32
    %dma_start3A_63 = arith.constant 0 : i32
    %dma_start3A_64 = tpu.memref_slice %arg3[%dma_start3A_62, %dma_start3A_63] : memref<1000000x32xf32, #tpu.memory_space<hbm>> -> memref<1000000x32xf32, #tpu.memory_space<hbm>>
    tpu.enqueue_indirect_dma source(%dma_start3A_64 : memref<1000000x32xf32, #tpu.memory_space<hbm>>) target(%arg9 : memref<400x32xf32, #tpu.memory_space<vmem>>) offsets(%arg7 : memref<400xi32, #tpu.memory_space<vmem>>) semaphore(%arg15 : memref<!tpu.dma_semaphore, #tpu.memory_space<semaphore_mem>>)
    %dma_start3A_65 = arith.constant 0 : i32
    %dma_start3A_66 = arith.constant 0 : i32
    %dma_start3A_67 = tpu.memref_slice %arg4[%dma_start3A_65, %dma_start3A_66] : memref<1000000x32xf32, #tpu.memory_space<hbm>> -> memref<1000000x32xf32, #tpu.memory_space<hbm>>
    tpu.enqueue_indirect_dma source(%dma_start3A_67 : memref<1000000x32xf32, #tpu.memory_space<hbm>>) target(%arg11 : memref<400x32xf32, #tpu.memory_space<vmem>>) offsets(%arg7 : memref<400xi32, #tpu.memory_space<vmem>>) semaphore(%arg15 : memref<!tpu.dma_semaphore, #tpu.memory_space<semaphore_mem>>)
    %scan3A_68 = arith.constant 0 : i32
    %scan3A_69 = arith.constant 0 : i32
    %scan3A_70 = arith.constant 30 : i32
    %scan3A_71 = arith.addi %scan3A_69, %scan3A_70 : i32
    %scan3A_72 = arith.constant 1 : i32
    scf.for %scan3A_134 = %scan3A_69 to %scan3A_71 step %scan3A_72  : i32 {
      %mul3A_135 = arith.constant 2 : i32
      %mul3A_136 = arith.muli %mul3A_135, %scan3A_134 : i32
      %add3A_137 = arith.constant 2 : i32
      %add3A_138 = arith.addi %add3A_137, %mul3A_136 : i32
      %add3A_139 = arith.constant 0 : i32
      %add3A_140 = arith.addi %add3A_138, %add3A_139 : i32
      %dma_wait3A_141 = arith.constant 0 : i32
      %dma_wait3A_142 = arith.constant 0 : i32
      %dma_wait3A_143 = tpu.memref_slice %arg3[%dma_wait3A_141, %dma_wait3A_142] : memref<1000000x32xf32, #tpu.memory_space<hbm>> -> memref<1000000x32xf32, #tpu.memory_space<hbm>>
      tpu.wait_indirect_dma semaphore(%arg14 : memref<!tpu.dma_semaphore, #tpu.memory_space<semaphore_mem>>) src(%dma_wait3A_143 : memref<1000000x32xf32, #tpu.memory_space<hbm>>) dst(%arg8 : memref<400x32xf32, #tpu.memory_space<vmem>>)
      %dma_wait3A_144 = arith.constant 0 : i32
      %dma_wait3A_145 = arith.constant 0 : i32
      %dma_wait3A_146 = tpu.memref_slice %arg4[%dma_wait3A_144, %dma_wait3A_145] : memref<1000000x32xf32, #tpu.memory_space<hbm>> -> memref<1000000x32xf32, #tpu.memory_space<hbm>>
      tpu.wait_indirect_dma semaphore(%arg14 : memref<!tpu.dma_semaphore, #tpu.memory_space<semaphore_mem>>) src(%dma_wait3A_146 : memref<1000000x32xf32, #tpu.memory_space<hbm>>) dst(%arg10 : memref<400x32xf32, #tpu.memory_space<vmem>>)
      %sub3A = arith.constant 2 : i32
      %sub3A_147 = arith.subi %add3A_140, %sub3A : i32
      %mul3A_148 = arith.constant 400 : i32
      %mul3A_149 = arith.muli %sub3A_147, %mul3A_148 : i32
      %add3A_150 = arith.addi %mul3A_2, %mul3A_149 : i32
      %dma_wait3A_151 = arith.constant 0 : i32
      %dma_wait3A_152 = tpu.memref_slice %arg5[%add3A_150, %dma_wait3A_151] : memref<819200x64xf32, #tpu.memory_space<hbm>> -> memref<400x64xf32, #tpu.memory_space<hbm>>
      %dma_wait3A_153 = arith.constant 0 : i32
      %dma_wait3A_154 = tpu.memref_slice %arg5[%add3A_150, %dma_wait3A_153] : memref<819200x64xf32, #tpu.memory_space<hbm>> -> memref<400x64xf32, #tpu.memory_space<hbm>>
      tpu.wait_dma2 semaphore(%arg16 : memref<!tpu.dma_semaphore, #tpu.memory_space<semaphore_mem>>) src(%arg12 : memref<400x64xf32, #tpu.memory_space<vmem>>) dst(%dma_wait3A_154 : memref<400x64xf32, #tpu.memory_space<hbm>>)
      %scan3A_155 = arith.constant 0 : i32
      %scan3A_156 = arith.constant 0 : i32
      %scan3A_157 = arith.constant 50 : i32
      %scan3A_158 = arith.addi %scan3A_156, %scan3A_157 : i32
      %scan3A_159 = arith.constant 1 : i32
      scf.for %scan3A_224 = %scan3A_156 to %scan3A_158 step %scan3A_159  : i32 {
        %mul3A_225 = arith.constant 8 : i32
        %mul3A_226 = arith.muli %scan3A_224, %mul3A_225 : i32
        %add3A_227 = arith.constant 0 : i32
        %add3A_228 = arith.addi %mul3A_226, %add3A_227 : i32
        %get3A = arith.index_cast %add3A_228 : i32 to index
        %get3A_229 = arith.constant 0 : index
        %get3A_230 = tpu.vector_load %arg8[%get3A, %get3A_229] {strides = array<i32>} : memref<400x32xf32, #tpu.memory_space<vmem>>, vector<1x16xf32>,
        %get3A_231 = vector.shape_cast %get3A_230 : vector<1x16xf32> to vector<16xf32>
        %mul3A_232 = arith.constant 8.000000e+00 : f32
        %mul3A_233 = vector.broadcast %mul3A_232 : f32 to vector<16xf32>
        %mul3A_234 = arith.mulf %get3A_231, %mul3A_233 : vector<16xf32>
        %swap3A = arith.index_cast %add3A_228 : i32 to index
        %swap3A_235 = arith.constant 0 : index
        %swap3A_236 = tpu.vector_load %arg12[%swap3A, %swap3A_235] {strides = array<i32>} : memref<400x64xf32, #tpu.memory_space<vmem>>, vector<1x16xf32>,
        %swap3A_237 = vector.shape_cast %swap3A_236 : vector<1x16xf32> to vector<16xf32>
        %swap3A_238 = vector.shape_cast %mul3A_234 : vector<16xf32> to vector<1x16xf32>
        tpu.vector_store %arg12[%swap3A, %swap3A_235], %swap3A_238 {strides = array<i32>} : memref<400x64xf32, #tpu.memory_space<vmem>>, vector<1x16xf32>,
        %get3A_239 = arith.index_cast %add3A_228 : i32 to index
        %get3A_240 = arith.constant 16 : index
        %get3A_241 = tpu.vector_load %arg8[%get3A_239, %get3A_240] {strides = array<i32>} : memref<400x32xf32, #tpu.memory_space<vmem>>, vector<1x16xf32>,
        %get3A_242 = vector.shape_cast %get3A_241 : vector<1x16xf32> to vector<16xf32>
        %mul3A_243 = arith.constant 8.000000e+00 : f32
        %mul3A_244 = vector.broadcast %mul3A_243 : f32 to vector<16xf32>
        %mul3A_245 = arith.mulf %get3A_242, %mul3A_244 : vector<16xf32>
        %swap3A_246 = arith.index_cast %add3A_228 : i32 to index
        %swap3A_247 = arith.constant 16 : index
        %swap3A_248 = tpu.vector_load %arg12[%swap3A_246, %swap3A_247] {strides = array<i32>} : memref<400x64xf32, #tpu.memory_space<vmem>>, vector<1x16xf32>,
        %swap3A_249 = vector.shape_cast %swap3A_248 : vector<1x16xf32> to vector<16xf32>
        %swap3A_250 = vector.shape_cast %mul3A_245 : vector<16xf32> to vector<1x16xf32>
        tpu.vector_store %arg12[%swap3A_246, %swap3A_247], %swap3A_250 {strides = array<i32>} : memref<400x64xf32, #tpu.memory_space<vmem>>, vector<1x16xf32>,
        %get3A_251 = arith.index_cast %add3A_228 : i32 to index
        %get3A_252 = arith.constant 0 : index
        %get3A_253 = tpu.vector_load %arg10[%get3A_251, %get3A_252] {strides = array<i32>} : memref<400x32xf32, #tpu.memory_space<vmem>>, vector<1x16xf32>,
        %get3A_254 = vector.shape_cast %get3A_253 : vector<1x16xf32> to vector<16xf32>
        %mul3A_255 = arith.constant 8.000000e+00 : f32
        %mul3A_256 = vector.broadcast %mul3A_255 : f32 to vector<16xf32>
        %mul3A_257 = arith.mulf %get3A_254, %mul3A_256 : vector<16xf32>
        %swap3A_258 = arith.index_cast %add3A_228 : i32 to index
        %swap3A_259 = arith.constant 32 : index
        %swap3A_260 = tpu.vector_load %arg12[%swap3A_258, %swap3A_259] {strides = array<i32>} : memref<400x64xf32, #tpu.memory_space<vmem>>, vector<1x16xf32>,
        %swap3A_261 = vector.shape_cast %swap3A_260 : vector<1x16xf32> to vector<16xf32>
        %swap3A_262 = vector.shape_cast %mul3A_257 : vector<16xf32> to vector<1x16xf32>
        tpu.vector_store %arg12[%swap3A_258, %swap3A_259], %swap3A_262 {strides = array<i32>} : memref<400x64xf32, #tpu.memory_space<vmem>>, vector<1x16xf32>,
        %get3A_263 = arith.index_cast %add3A_228 : i32 to index
        %get3A_264 = arith.constant 16 : index
        %get3A_265 = tpu.vector_load %arg10[%get3A_263, %get3A_264] {strides = array<i32>} : memref<400x32xf32, #tpu.memory_space<vmem>>, vector<1x16xf32>,
        %get3A_266 = vector.shape_cast %get3A_265 : vector<1x16xf32> to vector<16xf32>
        %mul3A_267 = arith.constant 8.000000e+00 : f32
        %mul3A_268 = vector.broadcast %mul3A_267 : f32 to vector<16xf32>
        %mul3A_269 = arith.mulf %get3A_266, %mul3A_268 : vector<16xf32>
        %swap3A_270 = arith.index_cast %add3A_228 : i32 to index
        %swap3A_271 = arith.constant 48 : index
        %swap3A_272 = tpu.vector_load %arg12[%swap3A_270, %swap3A_271] {strides = array<i32>} : memref<400x64xf32, #tpu.memory_space<vmem>>, vector<1x16xf32>,
        %swap3A_273 = vector.shape_cast %swap3A_272 : vector<1x16xf32> to vector<16xf32>
        %swap3A_274 = vector.shape_cast %mul3A_269 : vector<16xf32> to vector<1x16xf32>
        tpu.vector_store %arg12[%swap3A_270, %swap3A_271], %swap3A_274 {strides = array<i32>} : memref<400x64xf32, #tpu.memory_space<vmem>>, vector<1x16xf32>,
        %mul3A_275 = arith.constant 8 : i32
        %mul3A_276 = arith.muli %scan3A_224, %mul3A_275 : i32
        %add3A_277 = arith.constant 1 : i32
        %add3A_278 = arith.addi %mul3A_276, %add3A_277 : i32
        %get3A_279 = arith.index_cast %add3A_278 : i32 to index
        %get3A_280 = arith.constant 0 : index
        %get3A_281 = tpu.vector_load %arg8[%get3A_279, %get3A_280] {strides = array<i32>} : memref<400x32xf32, #tpu.memory_space<vmem>>, vector<1x16xf32>,
        %get3A_282 = vector.shape_cast %get3A_281 : vector<1x16xf32> to vector<16xf32>
        %mul3A_283 = arith.constant 8.000000e+00 : f32
        %mul3A_284 = vector.broadcast %mul3A_283 : f32 to vector<16xf32>
        %mul3A_285 = arith.mulf %get3A_282, %mul3A_284 : vector<16xf32>
        %swap3A_286 = arith.index_cast %add3A_278 : i32 to index
        %swap3A_287 = arith.constant 0 : index
        %swap3A_288 = tpu.vector_load %arg12[%swap3A_286, %swap3A_287] {strides = array<i32>} : memref<400x64xf32, #tpu.memory_space<vmem>>, vector<1x16xf32>,
        %swap3A_289 = vector.shape_cast %swap3A_288 : vector<1x16xf32> to vector<16xf32>
        %swap3A_290 = vector.shape_cast %mul3A_285 : vector<16xf32> to vector<1x16xf32>
        tpu.vector_store %arg12[%swap3A_286, %swap3A_287], %swap3A_290 {strides = array<i32>} : memref<400x64xf32, #tpu.memory_space<vmem>>, vector<1x16xf32>,
        %get3A_291 = arith.index_cast %add3A_278 : i32 to index
        %get3A_292 = arith.constant 16 : index
        %get3A_293 = tpu.vector_load %arg8[%get3A_291, %get3A_292] {strides = array<i32>} : memref<400x32xf32, #tpu.memory_space<vmem>>, vector<1x16xf32>,
        %get3A_294 = vector.shape_cast %get3A_293 : vector<1x16xf32> to vector<16xf32>
        %mul3A_295 = arith.constant 8.000000e+00 : f32
        %mul3A_296 = vector.broadcast %mul3A_295 : f32 to vector<16xf32>
        %mul3A_297 = arith.mulf %get3A_294, %mul3A_296 : vector<16xf32>
        %swap3A_298 = arith.index_cast %add3A_278 : i32 to index
        %swap3A_299 = arith.constant 16 : index
        %swap3A_300 = tpu.vector_load %arg12[%swap3A_298, %swap3A_299] {strides = array<i32>} : memref<400x64xf32, #tpu.memory_space<vmem>>, vector<1x16xf32>,
        %swap3A_301 = vector.shape_cast %swap3A_300 : vector<1x16xf32> to vector<16xf32>
        %swap3A_302 = vector.shape_cast %mul3A_297 : vector<16xf32> to vector<1x16xf32>
        tpu.vector_store %arg12[%swap3A_298, %swap3A_299], %swap3A_302 {strides = array<i32>} : memref<400x64xf32, #tpu.memory_space<vmem>>, vector<1x16xf32>,
        %get3A_303 = arith.index_cast %add3A_278 : i32 to index
        %get3A_304 = arith.constant 0 : index
        %get3A_305 = tpu.vector_load %arg10[%get3A_303, %get3A_304] {strides = array<i32>} : memref<400x32xf32, #tpu.memory_space<vmem>>, vector<1x16xf32>,
        %get3A_306 = vector.shape_cast %get3A_305 : vector<1x16xf32> to vector<16xf32>
        %mul3A_307 = arith.constant 8.000000e+00 : f32
        %mul3A_308 = vector.broadcast %mul3A_307 : f32 to vector<16xf32>
        %mul3A_309 = arith.mulf %get3A_306, %mul3A_308 : vector<16xf32>
        %swap3A_310 = arith.index_cast %add3A_278 : i32 to index
        %swap3A_311 = arith.constant 32 : index
        %swap3A_312 = tpu.vector_load %arg12[%swap3A_310, %swap3A_311] {strides = array<i32>} : memref<400x64xf32, #tpu.memory_space<vmem>>, vector<1x16xf32>,
        %swap3A_313 = vector.shape_cast %swap3A_312 : vector<1x16xf32> to vector<16xf32>
        %swap3A_314 = vector.shape_cast %mul3A_309 : vector<16xf32> to vector<1x16xf32>
        tpu.vector_store %arg12[%swap3A_310, %swap3A_311], %swap3A_314 {strides = array<i32>} : memref<400x64xf32, #tpu.memory_space<vmem>>, vector<1x16xf32>,
        %get3A_315 = arith.index_cast %add3A_278 : i32 to index
        %get3A_316 = arith.constant 16 : index
        %get3A_317 = tpu.vector_load %arg10[%get3A_315, %get3A_316] {strides = array<i32>} : memref<400x32xf32, #tpu.memory_space<vmem>>, vector<1x16xf32>,
        %get3A_318 = vector.shape_cast %get3A_317 : vector<1x16xf32> to vector<16xf32>
        %mul3A_319 = arith.constant 8.000000e+00 : f32
        %mul3A_320 = vector.broadcast %mul3A_319 : f32 to vector<16xf32>
        %mul3A_321 = arith.mulf %get3A_318, %mul3A_320 : vector<16xf32>
        %swap3A_322 = arith.index_cast %add3A_278 : i32 to index
        %swap3A_323 = arith.constant 48 : index
        %swap3A_324 = tpu.vector_load %arg12[%swap3A_322, %swap3A_323] {strides = array<i32>} : memref<400x64xf32, #tpu.memory_space<vmem>>, vector<1x16xf32>,
        %swap3A_325 = vector.shape_cast %swap3A_324 : vector<1x16xf32> to vector<16xf32>
        %swap3A_326 = vector.shape_cast %mul3A_321 : vector<16xf32> to vector<1x16xf32>
        tpu.vector_store %arg12[%swap3A_322, %swap3A_323], %swap3A_326 {strides = array<i32>} : memref<400x64xf32, #tpu.memory_space<vmem>>, vector<1x16xf32>,
        %mul3A_327 = arith.constant 8 : i32
        %mul3A_328 = arith.muli %scan3A_224, %mul3A_327 : i32
        %add3A_329 = arith.constant 2 : i32
        %add3A_330 = arith.addi %mul3A_328, %add3A_329 : i32
        %get3A_331 = arith.index_cast %add3A_330 : i32 to index
        %get3A_332 = arith.constant 0 : index
        %get3A_333 = tpu.vector_load %arg8[%get3A_331, %get3A_332] {strides = array<i32>} : memref<400x32xf32, #tpu.memory_space<vmem>>, vector<1x16xf32>,
        %get3A_334 = vector.shape_cast %get3A_333 : vector<1x16xf32> to vector<16xf32>
        %mul3A_335 = arith.constant 8.000000e+00 : f32
        %mul3A_336 = vector.broadcast %mul3A_335 : f32 to vector<16xf32>
        %mul3A_337 = arith.mulf %get3A_334, %mul3A_336 : vector<16xf32>
        %swap3A_338 = arith.index_cast %add3A_330 : i32 to index
        %swap3A_339 = arith.constant 0 : index
        %swap3A_340 = tpu.vector_load %arg12[%swap3A_338, %swap3A_339] {strides = array<i32>} : memref<400x64xf32, #tpu.memory_space<vmem>>, vector<1x16xf32>,
        %swap3A_341 = vector.shape_cast %swap3A_340 : vector<1x16xf32> to vector<16xf32>
        %swap3A_342 = vector.shape_cast %mul3A_337 : vector<16xf32> to vector<1x16xf32>
        tpu.vector_store %arg12[%swap3A_338, %swap3A_339], %swap3A_342 {strides = array<i32>} : memref<400x64xf32, #tpu.memory_space<vmem>>, vector<1x16xf32>,
        %get3A_343 = arith.index_cast %add3A_330 : i32 to index
        %get3A_344 = arith.constant 16 : index
        %get3A_345 = tpu.vector_load %arg8[%get3A_343, %get3A_344] {strides = array<i32>} : memref<400x32xf32, #tpu.memory_space<vmem>>, vector<1x16xf32>,
        %get3A_346 = vector.shape_cast %get3A_345 : vector<1x16xf32> to vector<16xf32>
        %mul3A_347 = arith.constant 8.000000e+00 : f32
        %mul3A_348 = vector.broadcast %mul3A_347 : f32 to vector<16xf32>
        %mul3A_349 = arith.mulf %get3A_346, %mul3A_348 : vector<16xf32>
        %swap3A_350 = arith.index_cast %add3A_330 : i32 to index
        %swap3A_351 = arith.constant 16 : index
        %swap3A_352 = tpu.vector_load %arg12[%swap3A_350, %swap3A_351] {strides = array<i32>} : memref<400x64xf32, #tpu.memory_space<vmem>>, vector<1x16xf32>,
        %swap3A_353 = vector.shape_cast %swap3A_352 : vector<1x16xf32> to vector<16xf32>
        %swap3A_354 = vector.shape_cast %mul3A_349 : vector<16xf32> to vector<1x16xf32>
        tpu.vector_store %arg12[%swap3A_350, %swap3A_351], %swap3A_354 {strides = array<i32>} : memref<400x64xf32, #tpu.memory_space<vmem>>, vector<1x16xf32>,
        %get3A_355 = arith.index_cast %add3A_330 : i32 to index
        %get3A_356 = arith.constant 0 : index
        %get3A_357 = tpu.vector_load %arg10[%get3A_355, %get3A_356] {strides = array<i32>} : memref<400x32xf32, #tpu.memory_space<vmem>>, vector<1x16xf32>,
        %get3A_358 = vector.shape_cast %get3A_357 : vector<1x16xf32> to vector<16xf32>
        %mul3A_359 = arith.constant 8.000000e+00 : f32
        %mul3A_360 = vector.broadcast %mul3A_359 : f32 to vector<16xf32>
        %mul3A_361 = arith.mulf %get3A_358, %mul3A_360 : vector<16xf32>
        %swap3A_362 = arith.index_cast %add3A_330 : i32 to index
        %swap3A_363 = arith.constant 32 : index
        %swap3A_364 = tpu.vector_load %arg12[%swap3A_362, %swap3A_363] {strides = array<i32>} : memref<400x64xf32, #tpu.memory_space<vmem>>, vector<1x16xf32>,
        %swap3A_365 = vector.shape_cast %swap3A_364 : vector<1x16xf32> to vector<16xf32>
        %swap3A_366 = vector.shape_cast %mul3A_361 : vector<16xf32> to vector<1x16xf32>
        tpu.vector_store %arg12[%swap3A_362, %swap3A_363], %swap3A_366 {strides = array<i32>} : memref<400x64xf32, #tpu.memory_space<vmem>>, vector<1x16xf32>,
        %get3A_367 = arith.index_cast %add3A_330 : i32 to index
        %get3A_368 = arith.constant 16 : index
        %get3A_369 = tpu.vector_load %arg10[%get3A_367, %get3A_368] {strides = array<i32>} : memref<400x32xf32, #tpu.memory_space<vmem>>, vector<1x16xf32>,
        %get3A_370 = vector.shape_cast %get3A_369 : vector<1x16xf32> to vector<16xf32>
        %mul3A_371 = arith.constant 8.000000e+00 : f32
        %mul3A_372 = vector.broadcast %mul3A_371 : f32 to vector<16xf32>
        %mul3A_373 = arith.mulf %get3A_370, %mul3A_372 : vector<16xf32>
        %swap3A_374 = arith.index_cast %add3A_330 : i32 to index
        %swap3A_375 = arith.constant 48 : index
        %swap3A_376 = tpu.vector_load %arg12[%swap3A_374, %swap3A_375] {strides = array<i32>} : memref<400x64xf32, #tpu.memory_space<vmem>>, vector<1x16xf32>,
        %swap3A_377 = vector.shape_cast %swap3A_376 : vector<1x16xf32> to vector<16xf32>
        %swap3A_378 = vector.shape_cast %mul3A_373 : vector<16xf32> to vector<1x16xf32>
        tpu.vector_store %arg12[%swap3A_374, %swap3A_375], %swap3A_378 {strides = array<i32>} : memref<400x64xf32, #tpu.memory_space<vmem>>, vector<1x16xf32>,
        %mul3A_379 = arith.constant 8 : i32
        %mul3A_380 = arith.muli %scan3A_224, %mul3A_379 : i32
        %add3A_381 = arith.constant 3 : i32
        %add3A_382 = arith.addi %mul3A_380, %add3A_381 : i32
        %get3A_383 = arith.index_cast %add3A_382 : i32 to index
        %get3A_384 = arith.constant 0 : index
        %get3A_385 = tpu.vector_load %arg8[%get3A_383, %get3A_384] {strides = array<i32>} : memref<400x32xf32, #tpu.memory_space<vmem>>, vector<1x16xf32>,
        %get3A_386 = vector.shape_cast %get3A_385 : vector<1x16xf32> to vector<16xf32>
        %mul3A_387 = arith.constant 8.000000e+00 : f32
        %mul3A_388 = vector.broadcast %mul3A_387 : f32 to vector<16xf32>
        %mul3A_389 = arith.mulf %get3A_386, %mul3A_388 : vector<16xf32>
        %swap3A_390 = arith.index_cast %add3A_382 : i32 to index
        %swap3A_391 = arith.constant 0 : index
        %swap3A_392 = tpu.vector_load %arg12[%swap3A_390, %swap3A_391] {strides = array<i32>} : memref<400x64xf32, #tpu.memory_space<vmem>>, vector<1x16xf32>,
        %swap3A_393 = vector.shape_cast %swap3A_392 : vector<1x16xf32> to vector<16xf32>
        %swap3A_394 = vector.shape_cast %mul3A_389 : vector<16xf32> to vector<1x16xf32>
        tpu.vector_store %arg12[%swap3A_390, %swap3A_391], %swap3A_394 {strides = array<i32>} : memref<400x64xf32, #tpu.memory_space<vmem>>, vector<1x16xf32>,
        %get3A_395 = arith.index_cast %add3A_382 : i32 to index
        %get3A_396 = arith.constant 16 : index
        %get3A_397 = tpu.vector_load %arg8[%get3A_395, %get3A_396] {strides = array<i32>} : memref<400x32xf32, #tpu.memory_space<vmem>>, vector<1x16xf32>,
        %get3A_398 = vector.shape_cast %get3A_397 : vector<1x16xf32> to vector<16xf32>
        %mul3A_399 = arith.constant 8.000000e+00 : f32
        %mul3A_400 = vector.broadcast %mul3A_399 : f32 to vector<16xf32>
        %mul3A_401 = arith.mulf %get3A_398, %mul3A_400 : vector<16xf32>
        %swap3A_402 = arith.index_cast %add3A_382 : i32 to index
        %swap3A_403 = arith.constant 16 : index
        %swap3A_404 = tpu.vector_load %arg12[%swap3A_402, %swap3A_403] {strides = array<i32>} : memref<400x64xf32, #tpu.memory_space<vmem>>, vector<1x16xf32>,
        %swap3A_405 = vector.shape_cast %swap3A_404 : vector<1x16xf32> to vector<16xf32>
        %swap3A_406 = vector.shape_cast %mul3A_401 : vector<16xf32> to vector<1x16xf32>
        tpu.vector_store %arg12[%swap3A_402, %swap3A_403], %swap3A_406 {strides = array<i32>} : memref<400x64xf32, #tpu.memory_space<vmem>>, vector<1x16xf32>,
        %get3A_407 = arith.index_cast %add3A_382 : i32 to index
        %get3A_408 = arith.constant 0 : index
        %get3A_409 = tpu.vector_load %arg10[%get3A_407, %get3A_408] {strides = array<i32>} : memref<400x32xf32, #tpu.memory_space<vmem>>, vector<1x16xf32>,
        %get3A_410 = vector.shape_cast %get3A_409 : vector<1x16xf32> to vector<16xf32>
        %mul3A_411 = arith.constant 8.000000e+00 : f32
        %mul3A_412 = vector.broadcast %mul3A_411 : f32 to vector<16xf32>
        %mul3A_413 = arith.mulf %get3A_410, %mul3A_412 : vector<16xf32>
        %swap3A_414 = arith.index_cast %add3A_382 : i32 to index
        %swap3A_415 = arith.constant 32 : index
        %swap3A_416 = tpu.vector_load %arg12[%swap3A_414, %swap3A_415] {strides = array<i32>} : memref<400x64xf32, #tpu.memory_space<vmem>>, vector<1x16xf32>,
        %swap3A_417 = vector.shape_cast %swap3A_416 : vector<1x16xf32> to vector<16xf32>
        %swap3A_418 = vector.shape_cast %mul3A_413 : vector<16xf32> to vector<1x16xf32>
        tpu.vector_store %arg12[%swap3A_414, %swap3A_415], %swap3A_418 {strides = array<i32>} : memref<400x64xf32, #tpu.memory_space<vmem>>, vector<1x16xf32>,
        %get3A_419 = arith.index_cast %add3A_382 : i32 to index
        %get3A_420 = arith.constant 16 : index
        %get3A_421 = tpu.vector_load %arg10[%get3A_419, %get3A_420] {strides = array<i32>} : memref<400x32xf32, #tpu.memory_space<vmem>>, vector<1x16xf32>,
        %get3A_422 = vector.shape_cast %get3A_421 : vector<1x16xf32> to vector<16xf32>
        %mul3A_423 = arith.constant 8.000000e+00 : f32
        %mul3A_424 = vector.broadcast %mul3A_423 : f32 to vector<16xf32>
        %mul3A_425 = arith.mulf %get3A_422, %mul3A_424 : vector<16xf32>
        %swap3A_426 = arith.index_cast %add3A_382 : i32 to index
        %swap3A_427 = arith.constant 48 : index
        %swap3A_428 = tpu.vector_load %arg12[%swap3A_426, %swap3A_427] {strides = array<i32>} : memref<400x64xf32, #tpu.memory_space<vmem>>, vector<1x16xf32>,
        %swap3A_429 = vector.shape_cast %swap3A_428 : vector<1x16xf32> to vector<16xf32>
        %swap3A_430 = vector.shape_cast %mul3A_425 : vector<16xf32> to vector<1x16xf32>
        tpu.vector_store %arg12[%swap3A_426, %swap3A_427], %swap3A_430 {strides = array<i32>} : memref<400x64xf32, #tpu.memory_space<vmem>>, vector<1x16xf32>,
        %mul3A_431 = arith.constant 8 : i32
        %mul3A_432 = arith.muli %scan3A_224, %mul3A_431 : i32
        %add3A_433 = arith.constant 4 : i32
        %add3A_434 = arith.addi %mul3A_432, %add3A_433 : i32
        %get3A_435 = arith.index_cast %add3A_434 : i32 to index
        %get3A_436 = arith.constant 0 : index
        %get3A_437 = tpu.vector_load %arg8[%get3A_435, %get3A_436] {strides = array<i32>} : memref<400x32xf32, #tpu.memory_space<vmem>>, vector<1x16xf32>,
        %get3A_438 = vector.shape_cast %get3A_437 : vector<1x16xf32> to vector<16xf32>
        %mul3A_439 = arith.constant 8.000000e+00 : f32
        %mul3A_440 = vector.broadcast %mul3A_439 : f32 to vector<16xf32>
        %mul3A_441 = arith.mulf %get3A_438, %mul3A_440 : vector<16xf32>
        %swap3A_442 = arith.index_cast %add3A_434 : i32 to index
        %swap3A_443 = arith.constant 0 : index
        %swap3A_444 = tpu.vector_load %arg12[%swap3A_442, %swap3A_443] {strides = array<i32>} : memref<400x64xf32, #tpu.memory_space<vmem>>, vector<1x16xf32>,
        %swap3A_445 = vector.shape_cast %swap3A_444 : vector<1x16xf32> to vector<16xf32>
        %swap3A_446 = vector.shape_cast %mul3A_441 : vector<16xf32> to vector<1x16xf32>
        tpu.vector_store %arg12[%swap3A_442, %swap3A_443], %swap3A_446 {strides = array<i32>} : memref<400x64xf32, #tpu.memory_space<vmem>>, vector<1x16xf32>,
        %get3A_447 = arith.index_cast %add3A_434 : i32 to index
        %get3A_448 = arith.constant 16 : index
        %get3A_449 = tpu.vector_load %arg8[%get3A_447, %get3A_448] {strides = array<i32>} : memref<400x32xf32, #tpu.memory_space<vmem>>, vector<1x16xf32>,
        %get3A_450 = vector.shape_cast %get3A_449 : vector<1x16xf32> to vector<16xf32>
        %mul3A_451 = arith.constant 8.000000e+00 : f32
        %mul3A_452 = vector.broadcast %mul3A_451 : f32 to vector<16xf32>
        %mul3A_453 = arith.mulf %get3A_450, %mul3A_452 : vector<16xf32>
        %swap3A_454 = arith.index_cast %add3A_434 : i32 to index
        %swap3A_455 = arith.constant 16 : index
        %swap3A_456 = tpu.vector_load %arg12[%swap3A_454, %swap3A_455] {strides = array<i32>} : memref<400x64xf32, #tpu.memory_space<vmem>>, vector<1x16xf32>,
        %swap3A_457 = vector.shape_cast %swap3A_456 : vector<1x16xf32> to vector<16xf32>
        %swap3A_458 = vector.shape_cast %mul3A_453 : vector<16xf32> to vector<1x16xf32>
        tpu.vector_store %arg12[%swap3A_454, %swap3A_455], %swap3A_458 {strides = array<i32>} : memref<400x64xf32, #tpu.memory_space<vmem>>, vector<1x16xf32>,
        %get3A_459 = arith.index_cast %add3A_434 : i32 to index
        %get3A_460 = arith.constant 0 : index
        %get3A_461 = tpu.vector_load %arg10[%get3A_459, %get3A_460] {strides = array<i32>} : memref<400x32xf32, #tpu.memory_space<vmem>>, vector<1x16xf32>,
        %get3A_462 = vector.shape_cast %get3A_461 : vector<1x16xf32> to vector<16xf32>
        %mul3A_463 = arith.constant 8.000000e+00 : f32
        %mul3A_464 = vector.broadcast %mul3A_463 : f32 to vector<16xf32>
        %mul3A_465 = arith.mulf %get3A_462, %mul3A_464 : vector<16xf32>
        %swap3A_466 = arith.index_cast %add3A_434 : i32 to index
        %swap3A_467 = arith.constant 32 : index
        %swap3A_468 = tpu.vector_load %arg12[%swap3A_466, %swap3A_467] {strides = array<i32>} : memref<400x64xf32, #tpu.memory_space<vmem>>, vector<1x16xf32>,
        %swap3A_469 = vector.shape_cast %swap3A_468 : vector<1x16xf32> to vector<16xf32>
        %swap3A_470 = vector.shape_cast %mul3A_465 : vector<16xf32> to vector<1x16xf32>
        tpu.vector_store %arg12[%swap3A_466, %swap3A_467], %swap3A_470 {strides = array<i32>} : memref<400x64xf32, #tpu.memory_space<vmem>>, vector<1x16xf32>,
        %get3A_471 = arith.index_cast %add3A_434 : i32 to index
        %get3A_472 = arith.constant 16 : index
        %get3A_473 = tpu.vector_load %arg10[%get3A_471, %get3A_472] {strides = array<i32>} : memref<400x32xf32, #tpu.memory_space<vmem>>, vector<1x16xf32>,
        %get3A_474 = vector.shape_cast %get3A_473 : vector<1x16xf32> to vector<16xf32>
        %mul3A_475 = arith.constant 8.000000e+00 : f32
        %mul3A_476 = vector.broadcast %mul3A_475 : f32 to vector<16xf32>
        %mul3A_477 = arith.mulf %get3A_474, %mul3A_476 : vector<16xf32>
        %swap3A_478 = arith.index_cast %add3A_434 : i32 to index
        %swap3A_479 = arith.constant 48 : index
        %swap3A_480 = tpu.vector_load %arg12[%swap3A_478, %swap3A_479] {strides = array<i32>} : memref<400x64xf32, #tpu.memory_space<vmem>>, vector<1x16xf32>,
        %swap3A_481 = vector.shape_cast %swap3A_480 : vector<1x16xf32> to vector<16xf32>
        %swap3A_482 = vector.shape_cast %mul3A_477 : vector<16xf32> to vector<1x16xf32>
        tpu.vector_store %arg12[%swap3A_478, %swap3A_479], %swap3A_482 {strides = array<i32>} : memref<400x64xf32, #tpu.memory_space<vmem>>, vector<1x16xf32>,
        %mul3A_483 = arith.constant 8 : i32
        %mul3A_484 = arith.muli %scan3A_224, %mul3A_483 : i32
        %add3A_485 = arith.constant 5 : i32
        %add3A_486 = arith.addi %mul3A_484, %add3A_485 : i32
        %get3A_487 = arith.index_cast %add3A_486 : i32 to index
        %get3A_488 = arith.constant 0 : index
        %get3A_489 = tpu.vector_load %arg8[%get3A_487, %get3A_488] {strides = array<i32>} : memref<400x32xf32, #tpu.memory_space<vmem>>, vector<1x16xf32>,
        %get3A_490 = vector.shape_cast %get3A_489 : vector<1x16xf32> to vector<16xf32>
        %mul3A_491 = arith.constant 8.000000e+00 : f32
        %mul3A_492 = vector.broadcast %mul3A_491 : f32 to vector<16xf32>
        %mul3A_493 = arith.mulf %get3A_490, %mul3A_492 : vector<16xf32>
        %swap3A_494 = arith.index_cast %add3A_486 : i32 to index
        %swap3A_495 = arith.constant 0 : index
        %swap3A_496 = tpu.vector_load %arg12[%swap3A_494, %swap3A_495] {strides = array<i32>} : memref<400x64xf32, #tpu.memory_space<vmem>>, vector<1x16xf32>,
        %swap3A_497 = vector.shape_cast %swap3A_496 : vector<1x16xf32> to vector<16xf32>
        %swap3A_498 = vector.shape_cast %mul3A_493 : vector<16xf32> to vector<1x16xf32>
        tpu.vector_store %arg12[%swap3A_494, %swap3A_495], %swap3A_498 {strides = array<i32>} : memref<400x64xf32, #tpu.memory_space<vmem>>, vector<1x16xf32>,
        %get3A_499 = arith.index_cast %add3A_486 : i32 to index
        %get3A_500 = arith.constant 16 : index
        %get3A_501 = tpu.vector_load %arg8[%get3A_499, %get3A_500] {strides = array<i32>} : memref<400x32xf32, #tpu.memory_space<vmem>>, vector<1x16xf32>,
        %get3A_502 = vector.shape_cast %get3A_501 : vector<1x16xf32> to vector<16xf32>
        %mul3A_503 = arith.constant 8.000000e+00 : f32
        %mul3A_504 = vector.broadcast %mul3A_503 : f32 to vector<16xf32>
        %mul3A_505 = arith.mulf %get3A_502, %mul3A_504 : vector<16xf32>
        %swap3A_506 = arith.index_cast %add3A_486 : i32 to index
        %swap3A_507 = arith.constant 16 : index
        %swap3A_508 = tpu.vector_load %arg12[%swap3A_506, %swap3A_507] {strides = array<i32>} : memref<400x64xf32, #tpu.memory_space<vmem>>, vector<1x16xf32>,
        %swap3A_509 = vector.shape_cast %swap3A_508 : vector<1x16xf32> to vector<16xf32>
        %swap3A_510 = vector.shape_cast %mul3A_505 : vector<16xf32> to vector<1x16xf32>
        tpu.vector_store %arg12[%swap3A_506, %swap3A_507], %swap3A_510 {strides = array<i32>} : memref<400x64xf32, #tpu.memory_space<vmem>>, vector<1x16xf32>,
        %get3A_511 = arith.index_cast %add3A_486 : i32 to index
        %get3A_512 = arith.constant 0 : index
        %get3A_513 = tpu.vector_load %arg10[%get3A_511, %get3A_512] {strides = array<i32>} : memref<400x32xf32, #tpu.memory_space<vmem>>, vector<1x16xf32>,
        %get3A_514 = vector.shape_cast %get3A_513 : vector<1x16xf32> to vector<16xf32>
        %mul3A_515 = arith.constant 8.000000e+00 : f32
        %mul3A_516 = vector.broadcast %mul3A_515 : f32 to vector<16xf32>
        %mul3A_517 = arith.mulf %get3A_514, %mul3A_516 : vector<16xf32>
        %swap3A_518 = arith.index_cast %add3A_486 : i32 to index
        %swap3A_519 = arith.constant 32 : index
        %swap3A_520 = tpu.vector_load %arg12[%swap3A_518, %swap3A_519] {strides = array<i32>} : memref<400x64xf32, #tpu.memory_space<vmem>>, vector<1x16xf32>,
        %swap3A_521 = vector.shape_cast %swap3A_520 : vector<1x16xf32> to vector<16xf32>
        %swap3A_522 = vector.shape_cast %mul3A_517 : vector<16xf32> to vector<1x16xf32>
        tpu.vector_store %arg12[%swap3A_518, %swap3A_519], %swap3A_522 {strides = array<i32>} : memref<400x64xf32, #tpu.memory_space<vmem>>, vector<1x16xf32>,
        %get3A_523 = arith.index_cast %add3A_486 : i32 to index
        %get3A_524 = arith.constant 16 : index
        %get3A_525 = tpu.vector_load %arg10[%get3A_523, %get3A_524] {strides = array<i32>} : memref<400x32xf32, #tpu.memory_space<vmem>>, vector<1x16xf32>,
        %get3A_526 = vector.shape_cast %get3A_525 : vector<1x16xf32> to vector<16xf32>
        %mul3A_527 = arith.constant 8.000000e+00 : f32
        %mul3A_528 = vector.broadcast %mul3A_527 : f32 to vector<16xf32>
        %mul3A_529 = arith.mulf %get3A_526, %mul3A_528 : vector<16xf32>
        %swap3A_530 = arith.index_cast %add3A_486 : i32 to index
        %swap3A_531 = arith.constant 48 : index
        %swap3A_532 = tpu.vector_load %arg12[%swap3A_530, %swap3A_531] {strides = array<i32>} : memref<400x64xf32, #tpu.memory_space<vmem>>, vector<1x16xf32>,
        %swap3A_533 = vector.shape_cast %swap3A_532 : vector<1x16xf32> to vector<16xf32>
        %swap3A_534 = vector.shape_cast %mul3A_529 : vector<16xf32> to vector<1x16xf32>
        tpu.vector_store %arg12[%swap3A_530, %swap3A_531], %swap3A_534 {strides = array<i32>} : memref<400x64xf32, #tpu.memory_space<vmem>>, vector<1x16xf32>,
        %mul3A_535 = arith.constant 8 : i32
        %mul3A_536 = arith.muli %scan3A_224, %mul3A_535 : i32
        %add3A_537 = arith.constant 6 : i32
        %add3A_538 = arith.addi %mul3A_536, %add3A_537 : i32
        %get3A_539 = arith.index_cast %add3A_538 : i32 to index
        %get3A_540 = arith.constant 0 : index
        %get3A_541 = tpu.vector_load %arg8[%get3A_539, %get3A_540] {strides = array<i32>} : memref<400x32xf32, #tpu.memory_space<vmem>>, vector<1x16xf32>,
        %get3A_542 = vector.shape_cast %get3A_541 : vector<1x16xf32> to vector<16xf32>
        %mul3A_543 = arith.constant 8.000000e+00 : f32
        %mul3A_544 = vector.broadcast %mul3A_543 : f32 to vector<16xf32>
        %mul3A_545 = arith.mulf %get3A_542, %mul3A_544 : vector<16xf32>
        %swap3A_546 = arith.index_cast %add3A_538 : i32 to index
        %swap3A_547 = arith.constant 0 : index
        %swap3A_548 = tpu.vector_load %arg12[%swap3A_546, %swap3A_547] {strides = array<i32>} : memref<400x64xf32, #tpu.memory_space<vmem>>, vector<1x16xf32>,
        %swap3A_549 = vector.shape_cast %swap3A_548 : vector<1x16xf32> to vector<16xf32>
        %swap3A_550 = vector.shape_cast %mul3A_545 : vector<16xf32> to vector<1x16xf32>
        tpu.vector_store %arg12[%swap3A_546, %swap3A_547], %swap3A_550 {strides = array<i32>} : memref<400x64xf32, #tpu.memory_space<vmem>>, vector<1x16xf32>,
        %get3A_551 = arith.index_cast %add3A_538 : i32 to index
        %get3A_552 = arith.constant 16 : index
        %get3A_553 = tpu.vector_load %arg8[%get3A_551, %get3A_552] {strides = array<i32>} : memref<400x32xf32, #tpu.memory_space<vmem>>, vector<1x16xf32>,
        %get3A_554 = vector.shape_cast %get3A_553 : vector<1x16xf32> to vector<16xf32>
        %mul3A_555 = arith.constant 8.000000e+00 : f32
        %mul3A_556 = vector.broadcast %mul3A_555 : f32 to vector<16xf32>
        %mul3A_557 = arith.mulf %get3A_554, %mul3A_556 : vector<16xf32>
        %swap3A_558 = arith.index_cast %add3A_538 : i32 to index
        %swap3A_559 = arith.constant 16 : index
        %swap3A_560 = tpu.vector_load %arg12[%swap3A_558, %swap3A_559] {strides = array<i32>} : memref<400x64xf32, #tpu.memory_space<vmem>>, vector<1x16xf32>,
        %swap3A_561 = vector.shape_cast %swap3A_560 : vector<1x16xf32> to vector<16xf32>
        %swap3A_562 = vector.shape_cast %mul3A_557 : vector<16xf32> to vector<1x16xf32>
        tpu.vector_store %arg12[%swap3A_558, %swap3A_559], %swap3A_562 {strides = array<i32>} : memref<400x64xf32, #tpu.memory_space<vmem>>, vector<1x16xf32>,
        %get3A_563 = arith.index_cast %add3A_538 : i32 to index
        %get3A_564 = arith.constant 0 : index
        %get3A_565 = tpu.vector_load %arg10[%get3A_563, %get3A_564] {strides = array<i32>} : memref<400x32xf32, #tpu.memory_space<vmem>>, vector<1x16xf32>,
        %get3A_566 = vector.shape_cast %get3A_565 : vector<1x16xf32> to vector<16xf32>
        %mul3A_567 = arith.constant 8.000000e+00 : f32
        %mul3A_568 = vector.broadcast %mul3A_567 : f32 to vector<16xf32>
        %mul3A_569 = arith.mulf %get3A_566, %mul3A_568 : vector<16xf32>
        %swap3A_570 = arith.index_cast %add3A_538 : i32 to index
        %swap3A_571 = arith.constant 32 : index
        %swap3A_572 = tpu.vector_load %arg12[%swap3A_570, %swap3A_571] {strides = array<i32>} : memref<400x64xf32, #tpu.memory_space<vmem>>, vector<1x16xf32>,
        %swap3A_573 = vector.shape_cast %swap3A_572 : vector<1x16xf32> to vector<16xf32>
        %swap3A_574 = vector.shape_cast %mul3A_569 : vector<16xf32> to vector<1x16xf32>
        tpu.vector_store %arg12[%swap3A_570, %swap3A_571], %swap3A_574 {strides = array<i32>} : memref<400x64xf32, #tpu.memory_space<vmem>>, vector<1x16xf32>,
        %get3A_575 = arith.index_cast %add3A_538 : i32 to index
        %get3A_576 = arith.constant 16 : index
        %get3A_577 = tpu.vector_load %arg10[%get3A_575, %get3A_576] {strides = array<i32>} : memref<400x32xf32, #tpu.memory_space<vmem>>, vector<1x16xf32>,
        %get3A_578 = vector.shape_cast %get3A_577 : vector<1x16xf32> to vector<16xf32>
        %mul3A_579 = arith.constant 8.000000e+00 : f32
        %mul3A_580 = vector.broadcast %mul3A_579 : f32 to vector<16xf32>
        %mul3A_581 = arith.mulf %get3A_578, %mul3A_580 : vector<16xf32>
        %swap3A_582 = arith.index_cast %add3A_538 : i32 to index
        %swap3A_583 = arith.constant 48 : index
        %swap3A_584 = tpu.vector_load %arg12[%swap3A_582, %swap3A_583] {strides = array<i32>} : memref<400x64xf32, #tpu.memory_space<vmem>>, vector<1x16xf32>,
        %swap3A_585 = vector.shape_cast %swap3A_584 : vector<1x16xf32> to vector<16xf32>
        %swap3A_586 = vector.shape_cast %mul3A_581 : vector<16xf32> to vector<1x16xf32>
        tpu.vector_store %arg12[%swap3A_582, %swap3A_583], %swap3A_586 {strides = array<i32>} : memref<400x64xf32, #tpu.memory_space<vmem>>, vector<1x16xf32>,
        %mul3A_587 = arith.constant 8 : i32
        %mul3A_588 = arith.muli %scan3A_224, %mul3A_587 : i32
        %add3A_589 = arith.constant 7 : i32
        %add3A_590 = arith.addi %mul3A_588, %add3A_589 : i32
        %get3A_591 = arith.index_cast %add3A_590 : i32 to index
        %get3A_592 = arith.constant 0 : index
        %get3A_593 = tpu.vector_load %arg8[%get3A_591, %get3A_592] {strides = array<i32>} : memref<400x32xf32, #tpu.memory_space<vmem>>, vector<1x16xf32>,
        %get3A_594 = vector.shape_cast %get3A_593 : vector<1x16xf32> to vector<16xf32>
        %mul3A_595 = arith.constant 8.000000e+00 : f32
        %mul3A_596 = vector.broadcast %mul3A_595 : f32 to vector<16xf32>
        %mul3A_597 = arith.mulf %get3A_594, %mul3A_596 : vector<16xf32>
        %swap3A_598 = arith.index_cast %add3A_590 : i32 to index
        %swap3A_599 = arith.constant 0 : index
        %swap3A_600 = tpu.vector_load %arg12[%swap3A_598, %swap3A_599] {strides = array<i32>} : memref<400x64xf32, #tpu.memory_space<vmem>>, vector<1x16xf32>,
        %swap3A_601 = vector.shape_cast %swap3A_600 : vector<1x16xf32> to vector<16xf32>
        %swap3A_602 = vector.shape_cast %mul3A_597 : vector<16xf32> to vector<1x16xf32>
        tpu.vector_store %arg12[%swap3A_598, %swap3A_599], %swap3A_602 {strides = array<i32>} : memref<400x64xf32, #tpu.memory_space<vmem>>, vector<1x16xf32>,
        %get3A_603 = arith.index_cast %add3A_590 : i32 to index
        %get3A_604 = arith.constant 16 : index
        %get3A_605 = tpu.vector_load %arg8[%get3A_603, %get3A_604] {strides = array<i32>} : memref<400x32xf32, #tpu.memory_space<vmem>>, vector<1x16xf32>,
        %get3A_606 = vector.shape_cast %get3A_605 : vector<1x16xf32> to vector<16xf32>
        %mul3A_607 = arith.constant 8.000000e+00 : f32
        %mul3A_608 = vector.broadcast %mul3A_607 : f32 to vector<16xf32>
        %mul3A_609 = arith.mulf %get3A_606, %mul3A_608 : vector<16xf32>
        %swap3A_610 = arith.index_cast %add3A_590 : i32 to index
        %swap3A_611 = arith.constant 16 : index
        %swap3A_612 = tpu.vector_load %arg12[%swap3A_610, %swap3A_611] {strides = array<i32>} : memref<400x64xf32, #tpu.memory_space<vmem>>, vector<1x16xf32>,
        %swap3A_613 = vector.shape_cast %swap3A_612 : vector<1x16xf32> to vector<16xf32>
        %swap3A_614 = vector.shape_cast %mul3A_609 : vector<16xf32> to vector<1x16xf32>
        tpu.vector_store %arg12[%swap3A_610, %swap3A_611], %swap3A_614 {strides = array<i32>} : memref<400x64xf32, #tpu.memory_space<vmem>>, vector<1x16xf32>,
        %get3A_615 = arith.index_cast %add3A_590 : i32 to index
        %get3A_616 = arith.constant 0 : index
        %get3A_617 = tpu.vector_load %arg10[%get3A_615, %get3A_616] {strides = array<i32>} : memref<400x32xf32, #tpu.memory_space<vmem>>, vector<1x16xf32>,
        %get3A_618 = vector.shape_cast %get3A_617 : vector<1x16xf32> to vector<16xf32>
        %mul3A_619 = arith.constant 8.000000e+00 : f32
        %mul3A_620 = vector.broadcast %mul3A_619 : f32 to vector<16xf32>
        %mul3A_621 = arith.mulf %get3A_618, %mul3A_620 : vector<16xf32>
        %swap3A_622 = arith.index_cast %add3A_590 : i32 to index
        %swap3A_623 = arith.constant 32 : index
        %swap3A_624 = tpu.vector_load %arg12[%swap3A_622, %swap3A_623] {strides = array<i32>} : memref<400x64xf32, #tpu.memory_space<vmem>>, vector<1x16xf32>,
        %swap3A_625 = vector.shape_cast %swap3A_624 : vector<1x16xf32> to vector<16xf32>
        %swap3A_626 = vector.shape_cast %mul3A_621 : vector<16xf32> to vector<1x16xf32>
        tpu.vector_store %arg12[%swap3A_622, %swap3A_623], %swap3A_626 {strides = array<i32>} : memref<400x64xf32, #tpu.memory_space<vmem>>, vector<1x16xf32>,
        %get3A_627 = arith.index_cast %add3A_590 : i32 to index
        %get3A_628 = arith.constant 16 : index
        %get3A_629 = tpu.vector_load %arg10[%get3A_627, %get3A_628] {strides = array<i32>} : memref<400x32xf32, #tpu.memory_space<vmem>>, vector<1x16xf32>,
        %get3A_630 = vector.shape_cast %get3A_629 : vector<1x16xf32> to vector<16xf32>
        %mul3A_631 = arith.constant 8.000000e+00 : f32
        %mul3A_632 = vector.broadcast %mul3A_631 : f32 to vector<16xf32>
        %mul3A_633 = arith.mulf %get3A_630, %mul3A_632 : vector<16xf32>
        %swap3A_634 = arith.index_cast %add3A_590 : i32 to index
        %swap3A_635 = arith.constant 48 : index
        %swap3A_636 = tpu.vector_load %arg12[%swap3A_634, %swap3A_635] {strides = array<i32>} : memref<400x64xf32, #tpu.memory_space<vmem>>, vector<1x16xf32>,
        %swap3A_637 = vector.shape_cast %swap3A_636 : vector<1x16xf32> to vector<16xf32>
        %swap3A_638 = vector.shape_cast %mul3A_633 : vector<16xf32> to vector<1x16xf32>
        tpu.vector_store %arg12[%swap3A_634, %swap3A_635], %swap3A_638 {strides = array<i32>} : memref<400x64xf32, #tpu.memory_space<vmem>>, vector<1x16xf32>,
      }
      %scan3A_160 = arith.constant 50 : i32
      %mul3A_161 = arith.constant 400 : i32
      %mul3A_162 = arith.muli %add3A_140, %mul3A_161 : i32
      %add3A_163 = arith.addi %mul3A_2, %mul3A_162 : i32
      %dma_start3A_164 = arith.constant 0 : i32
      %dma_start3A_165 = tpu.memref_slice %arg5[%add3A_163, %dma_start3A_164] : memref<819200x64xf32, #tpu.memory_space<hbm>> -> memref<400x64xf32, #tpu.memory_space<hbm>>
      %dma_start3A_166 = arith.constant 0 : i32
      %dma_start3A_167 = tpu.memref_slice %arg5[%add3A_163, %dma_start3A_166] : memref<819200x64xf32, #tpu.memory_space<hbm>> -> memref<400x64xf32, #tpu.memory_space<hbm>>
      tpu.enqueue_dma source(%arg12 : memref<400x64xf32, #tpu.memory_space<vmem>>) target(%dma_start3A_167 : memref<400x64xf32, #tpu.memory_space<hbm>>) target_semaphore(%arg16 : memref<!tpu.dma_semaphore, #tpu.memory_space<semaphore_mem>>)
      %add3A_168 = arith.constant 2 : i32
      %add3A_169 = arith.addi %add3A_140, %add3A_168 : i32
      %mul3A_170 = arith.constant 400 : i32
      %mul3A_171 = arith.muli %add3A_169, %mul3A_170 : i32
      %add3A_172 = arith.addi %mul3A_2, %mul3A_171 : i32
      "tpu.region"() ({
        %run_scoped3A = tpu.sem_alloc : memref<!tpu.dma_semaphore, #tpu.memory_space<semaphore_mem>>
        %dma_start3A_224 = tpu.memref_slice %arg2[%add3A_172] : memref<819200xi32, #tpu.memory_space<hbm>> -> memref<400xi32, #tpu.memory_space<hbm>>
        %dma_start3A_225 = tpu.memref_slice %arg2[%add3A_172] : memref<819200xi32, #tpu.memory_space<hbm>> -> memref<400xi32, #tpu.memory_space<hbm>>
        tpu.enqueue_dma source(%dma_start3A_225 : memref<400xi32, #tpu.memory_space<hbm>>) target(%arg6 : memref<400xi32, #tpu.memory_space<vmem>>) target_semaphore(%run_scoped3A : memref<!tpu.dma_semaphore, #tpu.memory_space<semaphore_mem>>)
        %dma_wait3A_226 = tpu.memref_slice %arg2[%add3A_172] : memref<819200xi32, #tpu.memory_space<hbm>> -> memref<400xi32, #tpu.memory_space<hbm>>
        %dma_wait3A_227 = tpu.memref_slice %arg2[%add3A_172] : memref<819200xi32, #tpu.memory_space<hbm>> -> memref<400xi32, #tpu.memory_space<hbm>>
        tpu.wait_dma2 semaphore(%run_scoped3A : memref<!tpu.dma_semaphore, #tpu.memory_space<semaphore_mem>>) src(%dma_wait3A_227 : memref<400xi32, #tpu.memory_space<hbm>>) dst(%arg6 : memref<400xi32, #tpu.memory_space<vmem>>)
        tpu.yield
      }) : () -> ()
      %dma_start3A_173 = arith.constant 0 : i32
      %dma_start3A_174 = arith.constant 0 : i32
      %dma_start3A_175 = tpu.memref_slice %arg3[%dma_start3A_173, %dma_start3A_174] : memref<1000000x32xf32, #tpu.memory_space<hbm>> -> memref<1000000x32xf32, #tpu.memory_space<hbm>>
      tpu.enqueue_indirect_dma source(%dma_start3A_175 : memref<1000000x32xf32, #tpu.memory_space<hbm>>) target(%arg8 : memref<400x32xf32, #tpu.memory_space<vmem>>) offsets(%arg6 : memref<400xi32, #tpu.memory_space<vmem>>) semaphore(%arg14 : memref<!tpu.dma_semaphore, #tpu.memory_space<semaphore_mem>>)
      %dma_start3A_176 = arith.constant 0 : i32
      %dma_start3A_177 = arith.constant 0 : i32
      %dma_start3A_178 = tpu.memref_slice %arg4[%dma_start3A_176, %dma_start3A_177] : memref<1000000x32xf32, #tpu.memory_space<hbm>> -> memref<1000000x32xf32, #tpu.memory_space<hbm>>
      tpu.enqueue_indirect_dma source(%dma_start3A_178 : memref<1000000x32xf32, #tpu.memory_space<hbm>>) target(%arg10 : memref<400x32xf32, #tpu.memory_space<vmem>>) offsets(%arg6 : memref<400xi32, #tpu.memory_space<vmem>>) semaphore(%arg14 : memref<!tpu.dma_semaphore, #tpu.memory_space<semaphore_mem>>)
      %mul3A_179 = arith.constant 2 : i32
      %mul3A_180 = arith.muli %mul3A_179, %scan3A_134 : i32
      %add3A_181 = arith.constant 2 : i32
      %add3A_182 = arith.addi %add3A_181, %mul3A_180 : i32
      %add3A_183 = arith.constant 1 : i32
      %add3A_184 = arith.addi %add3A_182, %add3A_183 : i32
      %dma_wait3A_185 = arith.constant 0 : i32
      %dma_wait3A_186 = arith.constant 0 : i32
      %dma_wait3A_187 = tpu.memref_slice %arg3[%dma_wait3A_185, %dma_wait3A_186] : memref<1000000x32xf32, #tpu.memory_space<hbm>> -> memref<1000000x32xf32, #tpu.memory_space<hbm>>
      tpu.wait_indirect_dma semaphore(%arg15 : memref<!tpu.dma_semaphore, #tpu.memory_space<semaphore_mem>>) src(%dma_wait3A_187 : memref<1000000x32xf32, #tpu.memory_space<hbm>>) dst(%arg9 : memref<400x32xf32, #tpu.memory_space<vmem>>)
      %dma_wait3A_188 = arith.constant 0 : i32
      %dma_wait3A_189 = arith.constant 0 : i32
      %dma_wait3A_190 = tpu.memref_slice %arg4[%dma_wait3A_188, %dma_wait3A_189] : memref<1000000x32xf32, #tpu.memory_space<hbm>> -> memref<1000000x32xf32, #tpu.memory_space<hbm>>
      tpu.wait_indirect_dma semaphore(%arg15 : memref<!tpu.dma_semaphore, #tpu.memory_space<semaphore_mem>>) src(%dma_wait3A_190 : memref<1000000x32xf32, #tpu.memory_space<hbm>>) dst(%arg11 : memref<400x32xf32, #tpu.memory_space<vmem>>)
      %sub3A_191 = arith.constant 2 : i32
      %sub3A_192 = arith.subi %add3A_184, %sub3A_191 : i32
      %mul3A_193 = arith.constant 400 : i32
      %mul3A_194 = arith.muli %sub3A_192, %mul3A_193 : i32
      %add3A_195 = arith.addi %mul3A_2, %mul3A_194 : i32
      %dma_wait3A_196 = arith.constant 0 : i32
      %dma_wait3A_197 = tpu.memref_slice %arg5[%add3A_195, %dma_wait3A_196] : memref<819200x64xf32, #tpu.memory_space<hbm>> -> memref<400x64xf32, #tpu.memory_space<hbm>>
      %dma_wait3A_198 = arith.constant 0 : i32
      %dma_wait3A_199 = tpu.memref_slice %arg5[%add3A_195, %dma_wait3A_198] : memref<819200x64xf32, #tpu.memory_space<hbm>> -> memref<400x64xf32, #tpu.memory_space<hbm>>
      tpu.wait_dma2 semaphore(%arg17 : memref<!tpu.dma_semaphore, #tpu.memory_space<semaphore_mem>>) src(%arg13 : memref<400x64xf32, #tpu.memory_space<vmem>>) dst(%dma_wait3A_199 : memref<400x64xf32, #tpu.memory_space<hbm>>)
      %scan3A_200 = arith.constant 0 : i32
      %scan3A_201 = arith.constant 0 : i32
      %scan3A_202 = arith.constant 50 : i32
      %scan3A_203 = arith.addi %scan3A_201, %scan3A_202 : i32
      %scan3A_204 = arith.constant 1 : i32
      scf.for %scan3A_224 = %scan3A_201 to %scan3A_203 step %scan3A_204  : i32 {
        %mul3A_225 = arith.constant 8 : i32
        %mul3A_226 = arith.muli %scan3A_224, %mul3A_225 : i32
        %add3A_227 = arith.constant 0 : i32
        %add3A_228 = arith.addi %mul3A_226, %add3A_227 : i32
        %get3A = arith.index_cast %add3A_228 : i32 to index
        %get3A_229 = arith.constant 0 : index
        %get3A_230 = tpu.vector_load %arg9[%get3A, %get3A_229] {strides = array<i32>} : memref<400x32xf32, #tpu.memory_space<vmem>>, vector<1x16xf32>,
        %get3A_231 = vector.shape_cast %get3A_230 : vector<1x16xf32> to vector<16xf32>
        %mul3A_232 = arith.constant 8.000000e+00 : f32
        %mul3A_233 = vector.broadcast %mul3A_232 : f32 to vector<16xf32>
        %mul3A_234 = arith.mulf %get3A_231, %mul3A_233 : vector<16xf32>
        %swap3A = arith.index_cast %add3A_228 : i32 to index
        %swap3A_235 = arith.constant 0 : index
        %swap3A_236 = tpu.vector_load %arg13[%swap3A, %swap3A_235] {strides = array<i32>} : memref<400x64xf32, #tpu.memory_space<vmem>>, vector<1x16xf32>,
        %swap3A_237 = vector.shape_cast %swap3A_236 : vector<1x16xf32> to vector<16xf32>
        %swap3A_238 = vector.shape_cast %mul3A_234 : vector<16xf32> to vector<1x16xf32>
        tpu.vector_store %arg13[%swap3A, %swap3A_235], %swap3A_238 {strides = array<i32>} : memref<400x64xf32, #tpu.memory_space<vmem>>, vector<1x16xf32>,
        %get3A_239 = arith.index_cast %add3A_228 : i32 to index
        %get3A_240 = arith.constant 16 : index
        %get3A_241 = tpu.vector_load %arg9[%get3A_239, %get3A_240] {strides = array<i32>} : memref<400x32xf32, #tpu.memory_space<vmem>>, vector<1x16xf32>,
        %get3A_242 = vector.shape_cast %get3A_241 : vector<1x16xf32> to vector<16xf32>
        %mul3A_243 = arith.constant 8.000000e+00 : f32
        %mul3A_244 = vector.broadcast %mul3A_243 : f32 to vector<16xf32>
        %mul3A_245 = arith.mulf %get3A_242, %mul3A_244 : vector<16xf32>
        %swap3A_246 = arith.index_cast %add3A_228 : i32 to index
        %swap3A_247 = arith.constant 16 : index
        %swap3A_248 = tpu.vector_load %arg13[%swap3A_246, %swap3A_247] {strides = array<i32>} : memref<400x64xf32, #tpu.memory_space<vmem>>, vector<1x16xf32>,
        %swap3A_249 = vector.shape_cast %swap3A_248 : vector<1x16xf32> to vector<16xf32>
        %swap3A_250 = vector.shape_cast %mul3A_245 : vector<16xf32> to vector<1x16xf32>
        tpu.vector_store %arg13[%swap3A_246, %swap3A_247], %swap3A_250 {strides = array<i32>} : memref<400x64xf32, #tpu.memory_space<vmem>>, vector<1x16xf32>,
        %get3A_251 = arith.index_cast %add3A_228 : i32 to index
        %get3A_252 = arith.constant 0 : index
        %get3A_253 = tpu.vector_load %arg11[%get3A_251, %get3A_252] {strides = array<i32>} : memref<400x32xf32, #tpu.memory_space<vmem>>, vector<1x16xf32>,
        %get3A_254 = vector.shape_cast %get3A_253 : vector<1x16xf32> to vector<16xf32>
        %mul3A_255 = arith.constant 8.000000e+00 : f32
        %mul3A_256 = vector.broadcast %mul3A_255 : f32 to vector<16xf32>
        %mul3A_257 = arith.mulf %get3A_254, %mul3A_256 : vector<16xf32>
        %swap3A_258 = arith.index_cast %add3A_228 : i32 to index
        %swap3A_259 = arith.constant 32 : index
        %swap3A_260 = tpu.vector_load %arg13[%swap3A_258, %swap3A_259] {strides = array<i32>} : memref<400x64xf32, #tpu.memory_space<vmem>>, vector<1x16xf32>,
        %swap3A_261 = vector.shape_cast %swap3A_260 : vector<1x16xf32> to vector<16xf32>
        %swap3A_262 = vector.shape_cast %mul3A_257 : vector<16xf32> to vector<1x16xf32>
        tpu.vector_store %arg13[%swap3A_258, %swap3A_259], %swap3A_262 {strides = array<i32>} : memref<400x64xf32, #tpu.memory_space<vmem>>, vector<1x16xf32>,
        %get3A_263 = arith.index_cast %add3A_228 : i32 to index
        %get3A_264 = arith.constant 16 : index
        %get3A_265 = tpu.vector_load %arg11[%get3A_263, %get3A_264] {strides = array<i32>} : memref<400x32xf32, #tpu.memory_space<vmem>>, vector<1x16xf32>,
        %get3A_266 = vector.shape_cast %get3A_265 : vector<1x16xf32> to vector<16xf32>
        %mul3A_267 = arith.constant 8.000000e+00 : f32
        %mul3A_268 = vector.broadcast %mul3A_267 : f32 to vector<16xf32>
        %mul3A_269 = arith.mulf %get3A_266, %mul3A_268 : vector<16xf32>
        %swap3A_270 = arith.index_cast %add3A_228 : i32 to index
        %swap3A_271 = arith.constant 48 : index
        %swap3A_272 = tpu.vector_load %arg13[%swap3A_270, %swap3A_271] {strides = array<i32>} : memref<400x64xf32, #tpu.memory_space<vmem>>, vector<1x16xf32>,
        %swap3A_273 = vector.shape_cast %swap3A_272 : vector<1x16xf32> to vector<16xf32>
        %swap3A_274 = vector.shape_cast %mul3A_269 : vector<16xf32> to vector<1x16xf32>
        tpu.vector_store %arg13[%swap3A_270, %swap3A_271], %swap3A_274 {strides = array<i32>} : memref<400x64xf32, #tpu.memory_space<vmem>>, vector<1x16xf32>,
        %mul3A_275 = arith.constant 8 : i32
        %mul3A_276 = arith.muli %scan3A_224, %mul3A_275 : i32
        %add3A_277 = arith.constant 1 : i32
        %add3A_278 = arith.addi %mul3A_276, %add3A_277 : i32
        %get3A_279 = arith.index_cast %add3A_278 : i32 to index
        %get3A_280 = arith.constant 0 : index
        %get3A_281 = tpu.vector_load %arg9[%get3A_279, %get3A_280] {strides = array<i32>} : memref<400x32xf32, #tpu.memory_space<vmem>>, vector<1x16xf32>,
        %get3A_282 = vector.shape_cast %get3A_281 : vector<1x16xf32> to vector<16xf32>
        %mul3A_283 = arith.constant 8.000000e+00 : f32
        %mul3A_284 = vector.broadcast %mul3A_283 : f32 to vector<16xf32>
        %mul3A_285 = arith.mulf %get3A_282, %mul3A_284 : vector<16xf32>
        %swap3A_286 = arith.index_cast %add3A_278 : i32 to index
        %swap3A_287 = arith.constant 0 : index
        %swap3A_288 = tpu.vector_load %arg13[%swap3A_286, %swap3A_287] {strides = array<i32>} : memref<400x64xf32, #tpu.memory_space<vmem>>, vector<1x16xf32>,
        %swap3A_289 = vector.shape_cast %swap3A_288 : vector<1x16xf32> to vector<16xf32>
        %swap3A_290 = vector.shape_cast %mul3A_285 : vector<16xf32> to vector<1x16xf32>
        tpu.vector_store %arg13[%swap3A_286, %swap3A_287], %swap3A_290 {strides = array<i32>} : memref<400x64xf32, #tpu.memory_space<vmem>>, vector<1x16xf32>,
        %get3A_291 = arith.index_cast %add3A_278 : i32 to index
        %get3A_292 = arith.constant 16 : index
        %get3A_293 = tpu.vector_load %arg9[%get3A_291, %get3A_292] {strides = array<i32>} : memref<400x32xf32, #tpu.memory_space<vmem>>, vector<1x16xf32>,
        %get3A_294 = vector.shape_cast %get3A_293 : vector<1x16xf32> to vector<16xf32>
        %mul3A_295 = arith.constant 8.000000e+00 : f32
        %mul3A_296 = vector.broadcast %mul3A_295 : f32 to vector<16xf32>
        %mul3A_297 = arith.mulf %get3A_294, %mul3A_296 : vector<16xf32>
        %swap3A_298 = arith.index_cast %add3A_278 : i32 to index
        %swap3A_299 = arith.constant 16 : index
        %swap3A_300 = tpu.vector_load %arg13[%swap3A_298, %swap3A_299] {strides = array<i32>} : memref<400x64xf32, #tpu.memory_space<vmem>>, vector<1x16xf32>,
        %swap3A_301 = vector.shape_cast %swap3A_300 : vector<1x16xf32> to vector<16xf32>
        %swap3A_302 = vector.shape_cast %mul3A_297 : vector<16xf32> to vector<1x16xf32>
        tpu.vector_store %arg13[%swap3A_298, %swap3A_299], %swap3A_302 {strides = array<i32>} : memref<400x64xf32, #tpu.memory_space<vmem>>, vector<1x16xf32>,
        %get3A_303 = arith.index_cast %add3A_278 : i32 to index
        %get3A_304 = arith.constant 0 : index
        %get3A_305 = tpu.vector_load %arg11[%get3A_303, %get3A_304] {strides = array<i32>} : memref<400x32xf32, #tpu.memory_space<vmem>>, vector<1x16xf32>,
        %get3A_306 = vector.shape_cast %get3A_305 : vector<1x16xf32> to vector<16xf32>
        %mul3A_307 = arith.constant 8.000000e+00 : f32
        %mul3A_308 = vector.broadcast %mul3A_307 : f32 to vector<16xf32>
        %mul3A_309 = arith.mulf %get3A_306, %mul3A_308 : vector<16xf32>
        %swap3A_310 = arith.index_cast %add3A_278 : i32 to index
        %swap3A_311 = arith.constant 32 : index
        %swap3A_312 = tpu.vector_load %arg13[%swap3A_310, %swap3A_311] {strides = array<i32>} : memref<400x64xf32, #tpu.memory_space<vmem>>, vector<1x16xf32>,
        %swap3A_313 = vector.shape_cast %swap3A_312 : vector<1x16xf32> to vector<16xf32>
        %swap3A_314 = vector.shape_cast %mul3A_309 : vector<16xf32> to vector<1x16xf32>
        tpu.vector_store %arg13[%swap3A_310, %swap3A_311], %swap3A_314 {strides = array<i32>} : memref<400x64xf32, #tpu.memory_space<vmem>>, vector<1x16xf32>,
        %get3A_315 = arith.index_cast %add3A_278 : i32 to index
        %get3A_316 = arith.constant 16 : index
        %get3A_317 = tpu.vector_load %arg11[%get3A_315, %get3A_316] {strides = array<i32>} : memref<400x32xf32, #tpu.memory_space<vmem>>, vector<1x16xf32>,
        %get3A_318 = vector.shape_cast %get3A_317 : vector<1x16xf32> to vector<16xf32>
        %mul3A_319 = arith.constant 8.000000e+00 : f32
        %mul3A_320 = vector.broadcast %mul3A_319 : f32 to vector<16xf32>
        %mul3A_321 = arith.mulf %get3A_318, %mul3A_320 : vector<16xf32>
        %swap3A_322 = arith.index_cast %add3A_278 : i32 to index
        %swap3A_323 = arith.constant 48 : index
        %swap3A_324 = tpu.vector_load %arg13[%swap3A_322, %swap3A_323] {strides = array<i32>} : memref<400x64xf32, #tpu.memory_space<vmem>>, vector<1x16xf32>,
        %swap3A_325 = vector.shape_cast %swap3A_324 : vector<1x16xf32> to vector<16xf32>
        %swap3A_326 = vector.shape_cast %mul3A_321 : vector<16xf32> to vector<1x16xf32>
        tpu.vector_store %arg13[%swap3A_322, %swap3A_323], %swap3A_326 {strides = array<i32>} : memref<400x64xf32, #tpu.memory_space<vmem>>, vector<1x16xf32>,
        %mul3A_327 = arith.constant 8 : i32
        %mul3A_328 = arith.muli %scan3A_224, %mul3A_327 : i32
        %add3A_329 = arith.constant 2 : i32
        %add3A_330 = arith.addi %mul3A_328, %add3A_329 : i32
        %get3A_331 = arith.index_cast %add3A_330 : i32 to index
        %get3A_332 = arith.constant 0 : index
        %get3A_333 = tpu.vector_load %arg9[%get3A_331, %get3A_332] {strides = array<i32>} : memref<400x32xf32, #tpu.memory_space<vmem>>, vector<1x16xf32>,
        %get3A_334 = vector.shape_cast %get3A_333 : vector<1x16xf32> to vector<16xf32>
        %mul3A_335 = arith.constant 8.000000e+00 : f32
        %mul3A_336 = vector.broadcast %mul3A_335 : f32 to vector<16xf32>
        %mul3A_337 = arith.mulf %get3A_334, %mul3A_336 : vector<16xf32>
        %swap3A_338 = arith.index_cast %add3A_330 : i32 to index
        %swap3A_339 = arith.constant 0 : index
        %swap3A_340 = tpu.vector_load %arg13[%swap3A_338, %swap3A_339] {strides = array<i32>} : memref<400x64xf32, #tpu.memory_space<vmem>>, vector<1x16xf32>,
        %swap3A_341 = vector.shape_cast %swap3A_340 : vector<1x16xf32> to vector<16xf32>
        %swap3A_342 = vector.shape_cast %mul3A_337 : vector<16xf32> to vector<1x16xf32>
        tpu.vector_store %arg13[%swap3A_338, %swap3A_339], %swap3A_342 {strides = array<i32>} : memref<400x64xf32, #tpu.memory_space<vmem>>, vector<1x16xf32>,
        %get3A_343 = arith.index_cast %add3A_330 : i32 to index
        %get3A_344 = arith.constant 16 : index
        %get3A_345 = tpu.vector_load %arg9[%get3A_343, %get3A_344] {strides = array<i32>} : memref<400x32xf32, #tpu.memory_space<vmem>>, vector<1x16xf32>,
        %get3A_346 = vector.shape_cast %get3A_345 : vector<1x16xf32> to vector<16xf32>
        %mul3A_347 = arith.constant 8.000000e+00 : f32
        %mul3A_348 = vector.broadcast %mul3A_347 : f32 to vector<16xf32>
        %mul3A_349 = arith.mulf %get3A_346, %mul3A_348 : vector<16xf32>
        %swap3A_350 = arith.index_cast %add3A_330 : i32 to index
        %swap3A_351 = arith.constant 16 : index
        %swap3A_352 = tpu.vector_load %arg13[%swap3A_350, %swap3A_351] {strides = array<i32>} : memref<400x64xf32, #tpu.memory_space<vmem>>, vector<1x16xf32>,
        %swap3A_353 = vector.shape_cast %swap3A_352 : vector<1x16xf32> to vector<16xf32>
        %swap3A_354 = vector.shape_cast %mul3A_349 : vector<16xf32> to vector<1x16xf32>
        tpu.vector_store %arg13[%swap3A_350, %swap3A_351], %swap3A_354 {strides = array<i32>} : memref<400x64xf32, #tpu.memory_space<vmem>>, vector<1x16xf32>,
        %get3A_355 = arith.index_cast %add3A_330 : i32 to index
        %get3A_356 = arith.constant 0 : index
        %get3A_357 = tpu.vector_load %arg11[%get3A_355, %get3A_356] {strides = array<i32>} : memref<400x32xf32, #tpu.memory_space<vmem>>, vector<1x16xf32>,
        %get3A_358 = vector.shape_cast %get3A_357 : vector<1x16xf32> to vector<16xf32>
        %mul3A_359 = arith.constant 8.000000e+00 : f32
        %mul3A_360 = vector.broadcast %mul3A_359 : f32 to vector<16xf32>
        %mul3A_361 = arith.mulf %get3A_358, %mul3A_360 : vector<16xf32>
        %swap3A_362 = arith.index_cast %add3A_330 : i32 to index
        %swap3A_363 = arith.constant 32 : index
        %swap3A_364 = tpu.vector_load %arg13[%swap3A_362, %swap3A_363] {strides = array<i32>} : memref<400x64xf32, #tpu.memory_space<vmem>>, vector<1x16xf32>,
        %swap3A_365 = vector.shape_cast %swap3A_364 : vector<1x16xf32> to vector<16xf32>
        %swap3A_366 = vector.shape_cast %mul3A_361 : vector<16xf32> to vector<1x16xf32>
        tpu.vector_store %arg13[%swap3A_362, %swap3A_363], %swap3A_366 {strides = array<i32>} : memref<400x64xf32, #tpu.memory_space<vmem>>, vector<1x16xf32>,
        %get3A_367 = arith.index_cast %add3A_330 : i32 to index
        %get3A_368 = arith.constant 16 : index
        %get3A_369 = tpu.vector_load %arg11[%get3A_367, %get3A_368] {strides = array<i32>} : memref<400x32xf32, #tpu.memory_space<vmem>>, vector<1x16xf32>,
        %get3A_370 = vector.shape_cast %get3A_369 : vector<1x16xf32> to vector<16xf32>
        %mul3A_371 = arith.constant 8.000000e+00 : f32
        %mul3A_372 = vector.broadcast %mul3A_371 : f32 to vector<16xf32>
        %mul3A_373 = arith.mulf %get3A_370, %mul3A_372 : vector<16xf32>
        %swap3A_374 = arith.index_cast %add3A_330 : i32 to index
        %swap3A_375 = arith.constant 48 : index
        %swap3A_376 = tpu.vector_load %arg13[%swap3A_374, %swap3A_375] {strides = array<i32>} : memref<400x64xf32, #tpu.memory_space<vmem>>, vector<1x16xf32>,
        %swap3A_377 = vector.shape_cast %swap3A_376 : vector<1x16xf32> to vector<16xf32>
        %swap3A_378 = vector.shape_cast %mul3A_373 : vector<16xf32> to vector<1x16xf32>
        tpu.vector_store %arg13[%swap3A_374, %swap3A_375], %swap3A_378 {strides = array<i32>} : memref<400x64xf32, #tpu.memory_space<vmem>>, vector<1x16xf32>,
        %mul3A_379 = arith.constant 8 : i32
        %mul3A_380 = arith.muli %scan3A_224, %mul3A_379 : i32
        %add3A_381 = arith.constant 3 : i32
        %add3A_382 = arith.addi %mul3A_380, %add3A_381 : i32
        %get3A_383 = arith.index_cast %add3A_382 : i32 to index
        %get3A_384 = arith.constant 0 : index
        %get3A_385 = tpu.vector_load %arg9[%get3A_383, %get3A_384] {strides = array<i32>} : memref<400x32xf32, #tpu.memory_space<vmem>>, vector<1x16xf32>,
        %get3A_386 = vector.shape_cast %get3A_385 : vector<1x16xf32> to vector<16xf32>
        %mul3A_387 = arith.constant 8.000000e+00 : f32
        %mul3A_388 = vector.broadcast %mul3A_387 : f32 to vector<16xf32>
        %mul3A_389 = arith.mulf %get3A_386, %mul3A_388 : vector<16xf32>
        %swap3A_390 = arith.index_cast %add3A_382 : i32 to index
        %swap3A_391 = arith.constant 0 : index
        %swap3A_392 = tpu.vector_load %arg13[%swap3A_390, %swap3A_391] {strides = array<i32>} : memref<400x64xf32, #tpu.memory_space<vmem>>, vector<1x16xf32>,
        %swap3A_393 = vector.shape_cast %swap3A_392 : vector<1x16xf32> to vector<16xf32>
        %swap3A_394 = vector.shape_cast %mul3A_389 : vector<16xf32> to vector<1x16xf32>
        tpu.vector_store %arg13[%swap3A_390, %swap3A_391], %swap3A_394 {strides = array<i32>} : memref<400x64xf32, #tpu.memory_space<vmem>>, vector<1x16xf32>,
        %get3A_395 = arith.index_cast %add3A_382 : i32 to index
        %get3A_396 = arith.constant 16 : index
        %get3A_397 = tpu.vector_load %arg9[%get3A_395, %get3A_396] {strides = array<i32>} : memref<400x32xf32, #tpu.memory_space<vmem>>, vector<1x16xf32>,
        %get3A_398 = vector.shape_cast %get3A_397 : vector<1x16xf32> to vector<16xf32>
        %mul3A_399 = arith.constant 8.000000e+00 : f32
        %mul3A_400 = vector.broadcast %mul3A_399 : f32 to vector<16xf32>
        %mul3A_401 = arith.mulf %get3A_398, %mul3A_400 : vector<16xf32>
        %swap3A_402 = arith.index_cast %add3A_382 : i32 to index
        %swap3A_403 = arith.constant 16 : index
        %swap3A_404 = tpu.vector_load %arg13[%swap3A_402, %swap3A_403] {strides = array<i32>} : memref<400x64xf32, #tpu.memory_space<vmem>>, vector<1x16xf32>,
        %swap3A_405 = vector.shape_cast %swap3A_404 : vector<1x16xf32> to vector<16xf32>
        %swap3A_406 = vector.shape_cast %mul3A_401 : vector<16xf32> to vector<1x16xf32>
        tpu.vector_store %arg13[%swap3A_402, %swap3A_403], %swap3A_406 {strides = array<i32>} : memref<400x64xf32, #tpu.memory_space<vmem>>, vector<1x16xf32>,
        %get3A_407 = arith.index_cast %add3A_382 : i32 to index
        %get3A_408 = arith.constant 0 : index
        %get3A_409 = tpu.vector_load %arg11[%get3A_407, %get3A_408] {strides = array<i32>} : memref<400x32xf32, #tpu.memory_space<vmem>>, vector<1x16xf32>,
        %get3A_410 = vector.shape_cast %get3A_409 : vector<1x16xf32> to vector<16xf32>
        %mul3A_411 = arith.constant 8.000000e+00 : f32
        %mul3A_412 = vector.broadcast %mul3A_411 : f32 to vector<16xf32>
        %mul3A_413 = arith.mulf %get3A_410, %mul3A_412 : vector<16xf32>
        %swap3A_414 = arith.index_cast %add3A_382 : i32 to index
        %swap3A_415 = arith.constant 32 : index
        %swap3A_416 = tpu.vector_load %arg13[%swap3A_414, %swap3A_415] {strides = array<i32>} : memref<400x64xf32, #tpu.memory_space<vmem>>, vector<1x16xf32>,
        %swap3A_417 = vector.shape_cast %swap3A_416 : vector<1x16xf32> to vector<16xf32>
        %swap3A_418 = vector.shape_cast %mul3A_413 : vector<16xf32> to vector<1x16xf32>
        tpu.vector_store %arg13[%swap3A_414, %swap3A_415], %swap3A_418 {strides = array<i32>} : memref<400x64xf32, #tpu.memory_space<vmem>>, vector<1x16xf32>,
        %get3A_419 = arith.index_cast %add3A_382 : i32 to index
        %get3A_420 = arith.constant 16 : index
        %get3A_421 = tpu.vector_load %arg11[%get3A_419, %get3A_420] {strides = array<i32>} : memref<400x32xf32, #tpu.memory_space<vmem>>, vector<1x16xf32>,
        %get3A_422 = vector.shape_cast %get3A_421 : vector<1x16xf32> to vector<16xf32>
        %mul3A_423 = arith.constant 8.000000e+00 : f32
        %mul3A_424 = vector.broadcast %mul3A_423 : f32 to vector<16xf32>
        %mul3A_425 = arith.mulf %get3A_422, %mul3A_424 : vector<16xf32>
        %swap3A_426 = arith.index_cast %add3A_382 : i32 to index
        %swap3A_427 = arith.constant 48 : index
        %swap3A_428 = tpu.vector_load %arg13[%swap3A_426, %swap3A_427] {strides = array<i32>} : memref<400x64xf32, #tpu.memory_space<vmem>>, vector<1x16xf32>,
        %swap3A_429 = vector.shape_cast %swap3A_428 : vector<1x16xf32> to vector<16xf32>
        %swap3A_430 = vector.shape_cast %mul3A_425 : vector<16xf32> to vector<1x16xf32>
        tpu.vector_store %arg13[%swap3A_426, %swap3A_427], %swap3A_430 {strides = array<i32>} : memref<400x64xf32, #tpu.memory_space<vmem>>, vector<1x16xf32>,
        %mul3A_431 = arith.constant 8 : i32
        %mul3A_432 = arith.muli %scan3A_224, %mul3A_431 : i32
        %add3A_433 = arith.constant 4 : i32
        %add3A_434 = arith.addi %mul3A_432, %add3A_433 : i32
        %get3A_435 = arith.index_cast %add3A_434 : i32 to index
        %get3A_436 = arith.constant 0 : index
        %get3A_437 = tpu.vector_load %arg9[%get3A_435, %get3A_436] {strides = array<i32>} : memref<400x32xf32, #tpu.memory_space<vmem>>, vector<1x16xf32>,
        %get3A_438 = vector.shape_cast %get3A_437 : vector<1x16xf32> to vector<16xf32>
        %mul3A_439 = arith.constant 8.000000e+00 : f32
        %mul3A_440 = vector.broadcast %mul3A_439 : f32 to vector<16xf32>
        %mul3A_441 = arith.mulf %get3A_438, %mul3A_440 : vector<16xf32>
        %swap3A_442 = arith.index_cast %add3A_434 : i32 to index
        %swap3A_443 = arith.constant 0 : index
        %swap3A_444 = tpu.vector_load %arg13[%swap3A_442, %swap3A_443] {strides = array<i32>} : memref<400x64xf32, #tpu.memory_space<vmem>>, vector<1x16xf32>,
        %swap3A_445 = vector.shape_cast %swap3A_444 : vector<1x16xf32> to vector<16xf32>
        %swap3A_446 = vector.shape_cast %mul3A_441 : vector<16xf32> to vector<1x16xf32>
        tpu.vector_store %arg13[%swap3A_442, %swap3A_443], %swap3A_446 {strides = array<i32>} : memref<400x64xf32, #tpu.memory_space<vmem>>, vector<1x16xf32>,
        %get3A_447 = arith.index_cast %add3A_434 : i32 to index
        %get3A_448 = arith.constant 16 : index
        %get3A_449 = tpu.vector_load %arg9[%get3A_447, %get3A_448] {strides = array<i32>} : memref<400x32xf32, #tpu.memory_space<vmem>>, vector<1x16xf32>,
        %get3A_450 = vector.shape_cast %get3A_449 : vector<1x16xf32> to vector<16xf32>
        %mul3A_451 = arith.constant 8.000000e+00 : f32
        %mul3A_452 = vector.broadcast %mul3A_451 : f32 to vector<16xf32>
        %mul3A_453 = arith.mulf %get3A_450, %mul3A_452 : vector<16xf32>
        %swap3A_454 = arith.index_cast %add3A_434 : i32 to index
        %swap3A_455 = arith.constant 16 : index
        %swap3A_456 = tpu.vector_load %arg13[%swap3A_454, %swap3A_455] {strides = array<i32>} : memref<400x64xf32, #tpu.memory_space<vmem>>, vector<1x16xf32>,
        %swap3A_457 = vector.shape_cast %swap3A_456 : vector<1x16xf32> to vector<16xf32>
        %swap3A_458 = vector.shape_cast %mul3A_453 : vector<16xf32> to vector<1x16xf32>
        tpu.vector_store %arg13[%swap3A_454, %swap3A_455], %swap3A_458 {strides = array<i32>} : memref<400x64xf32, #tpu.memory_space<vmem>>, vector<1x16xf32>,
        %get3A_459 = arith.index_cast %add3A_434 : i32 to index
        %get3A_460 = arith.constant 0 : index
        %get3A_461 = tpu.vector_load %arg11[%get3A_459, %get3A_460] {strides = array<i32>} : memref<400x32xf32, #tpu.memory_space<vmem>>, vector<1x16xf32>,
        %get3A_462 = vector.shape_cast %get3A_461 : vector<1x16xf32> to vector<16xf32>
        %mul3A_463 = arith.constant 8.000000e+00 : f32
        %mul3A_464 = vector.broadcast %mul3A_463 : f32 to vector<16xf32>
        %mul3A_465 = arith.mulf %get3A_462, %mul3A_464 : vector<16xf32>
        %swap3A_466 = arith.index_cast %add3A_434 : i32 to index
        %swap3A_467 = arith.constant 32 : index
        %swap3A_468 = tpu.vector_load %arg13[%swap3A_466, %swap3A_467] {strides = array<i32>} : memref<400x64xf32, #tpu.memory_space<vmem>>, vector<1x16xf32>,
        %swap3A_469 = vector.shape_cast %swap3A_468 : vector<1x16xf32> to vector<16xf32>
        %swap3A_470 = vector.shape_cast %mul3A_465 : vector<16xf32> to vector<1x16xf32>
        tpu.vector_store %arg13[%swap3A_466, %swap3A_467], %swap3A_470 {strides = array<i32>} : memref<400x64xf32, #tpu.memory_space<vmem>>, vector<1x16xf32>,
        %get3A_471 = arith.index_cast %add3A_434 : i32 to index
        %get3A_472 = arith.constant 16 : index
        %get3A_473 = tpu.vector_load %arg11[%get3A_471, %get3A_472] {strides = array<i32>} : memref<400x32xf32, #tpu.memory_space<vmem>>, vector<1x16xf32>,
        %get3A_474 = vector.shape_cast %get3A_473 : vector<1x16xf32> to vector<16xf32>
        %mul3A_475 = arith.constant 8.000000e+00 : f32
        %mul3A_476 = vector.broadcast %mul3A_475 : f32 to vector<16xf32>
        %mul3A_477 = arith.mulf %get3A_474, %mul3A_476 : vector<16xf32>
        %swap3A_478 = arith.index_cast %add3A_434 : i32 to index
        %swap3A_479 = arith.constant 48 : index
        %swap3A_480 = tpu.vector_load %arg13[%swap3A_478, %swap3A_479] {strides = array<i32>} : memref<400x64xf32, #tpu.memory_space<vmem>>, vector<1x16xf32>,
        %swap3A_481 = vector.shape_cast %swap3A_480 : vector<1x16xf32> to vector<16xf32>
        %swap3A_482 = vector.shape_cast %mul3A_477 : vector<16xf32> to vector<1x16xf32>
        tpu.vector_store %arg13[%swap3A_478, %swap3A_479], %swap3A_482 {strides = array<i32>} : memref<400x64xf32, #tpu.memory_space<vmem>>, vector<1x16xf32>,
        %mul3A_483 = arith.constant 8 : i32
        %mul3A_484 = arith.muli %scan3A_224, %mul3A_483 : i32
        %add3A_485 = arith.constant 5 : i32
        %add3A_486 = arith.addi %mul3A_484, %add3A_485 : i32
        %get3A_487 = arith.index_cast %add3A_486 : i32 to index
        %get3A_488 = arith.constant 0 : index
        %get3A_489 = tpu.vector_load %arg9[%get3A_487, %get3A_488] {strides = array<i32>} : memref<400x32xf32, #tpu.memory_space<vmem>>, vector<1x16xf32>,
        %get3A_490 = vector.shape_cast %get3A_489 : vector<1x16xf32> to vector<16xf32>
        %mul3A_491 = arith.constant 8.000000e+00 : f32
        %mul3A_492 = vector.broadcast %mul3A_491 : f32 to vector<16xf32>
        %mul3A_493 = arith.mulf %get3A_490, %mul3A_492 : vector<16xf32>
        %swap3A_494 = arith.index_cast %add3A_486 : i32 to index
        %swap3A_495 = arith.constant 0 : index
        %swap3A_496 = tpu.vector_load %arg13[%swap3A_494, %swap3A_495] {strides = array<i32>} : memref<400x64xf32, #tpu.memory_space<vmem>>, vector<1x16xf32>,
        %swap3A_497 = vector.shape_cast %swap3A_496 : vector<1x16xf32> to vector<16xf32>
        %swap3A_498 = vector.shape_cast %mul3A_493 : vector<16xf32> to vector<1x16xf32>
        tpu.vector_store %arg13[%swap3A_494, %swap3A_495], %swap3A_498 {strides = array<i32>} : memref<400x64xf32, #tpu.memory_space<vmem>>, vector<1x16xf32>,
        %get3A_499 = arith.index_cast %add3A_486 : i32 to index
        %get3A_500 = arith.constant 16 : index
        %get3A_501 = tpu.vector_load %arg9[%get3A_499, %get3A_500] {strides = array<i32>} : memref<400x32xf32, #tpu.memory_space<vmem>>, vector<1x16xf32>,
        %get3A_502 = vector.shape_cast %get3A_501 : vector<1x16xf32> to vector<16xf32>
        %mul3A_503 = arith.constant 8.000000e+00 : f32
        %mul3A_504 = vector.broadcast %mul3A_503 : f32 to vector<16xf32>
        %mul3A_505 = arith.mulf %get3A_502, %mul3A_504 : vector<16xf32>
        %swap3A_506 = arith.index_cast %add3A_486 : i32 to index
        %swap3A_507 = arith.constant 16 : index
        %swap3A_508 = tpu.vector_load %arg13[%swap3A_506, %swap3A_507] {strides = array<i32>} : memref<400x64xf32, #tpu.memory_space<vmem>>, vector<1x16xf32>,
        %swap3A_509 = vector.shape_cast %swap3A_508 : vector<1x16xf32> to vector<16xf32>
        %swap3A_510 = vector.shape_cast %mul3A_505 : vector<16xf32> to vector<1x16xf32>
        tpu.vector_store %arg13[%swap3A_506, %swap3A_507], %swap3A_510 {strides = array<i32>} : memref<400x64xf32, #tpu.memory_space<vmem>>, vector<1x16xf32>,
        %get3A_511 = arith.index_cast %add3A_486 : i32 to index
        %get3A_512 = arith.constant 0 : index
        %get3A_513 = tpu.vector_load %arg11[%get3A_511, %get3A_512] {strides = array<i32>} : memref<400x32xf32, #tpu.memory_space<vmem>>, vector<1x16xf32>,
        %get3A_514 = vector.shape_cast %get3A_513 : vector<1x16xf32> to vector<16xf32>
        %mul3A_515 = arith.constant 8.000000e+00 : f32
        %mul3A_516 = vector.broadcast %mul3A_515 : f32 to vector<16xf32>
        %mul3A_517 = arith.mulf %get3A_514, %mul3A_516 : vector<16xf32>
        %swap3A_518 = arith.index_cast %add3A_486 : i32 to index
        %swap3A_519 = arith.constant 32 : index
        %swap3A_520 = tpu.vector_load %arg13[%swap3A_518, %swap3A_519] {strides = array<i32>} : memref<400x64xf32, #tpu.memory_space<vmem>>, vector<1x16xf32>,
        %swap3A_521 = vector.shape_cast %swap3A_520 : vector<1x16xf32> to vector<16xf32>
        %swap3A_522 = vector.shape_cast %mul3A_517 : vector<16xf32> to vector<1x16xf32>
        tpu.vector_store %arg13[%swap3A_518, %swap3A_519], %swap3A_522 {strides = array<i32>} : memref<400x64xf32, #tpu.memory_space<vmem>>, vector<1x16xf32>,
        %get3A_523 = arith.index_cast %add3A_486 : i32 to index
        %get3A_524 = arith.constant 16 : index
        %get3A_525 = tpu.vector_load %arg11[%get3A_523, %get3A_524] {strides = array<i32>} : memref<400x32xf32, #tpu.memory_space<vmem>>, vector<1x16xf32>,
        %get3A_526 = vector.shape_cast %get3A_525 : vector<1x16xf32> to vector<16xf32>
        %mul3A_527 = arith.constant 8.000000e+00 : f32
        %mul3A_528 = vector.broadcast %mul3A_527 : f32 to vector<16xf32>
        %mul3A_529 = arith.mulf %get3A_526, %mul3A_528 : vector<16xf32>
        %swap3A_530 = arith.index_cast %add3A_486 : i32 to index
        %swap3A_531 = arith.constant 48 : index
        %swap3A_532 = tpu.vector_load %arg13[%swap3A_530, %swap3A_531] {strides = array<i32>} : memref<400x64xf32, #tpu.memory_space<vmem>>, vector<1x16xf32>,
        %swap3A_533 = vector.shape_cast %swap3A_532 : vector<1x16xf32> to vector<16xf32>
        %swap3A_534 = vector.shape_cast %mul3A_529 : vector<16xf32> to vector<1x16xf32>
        tpu.vector_store %arg13[%swap3A_530, %swap3A_531], %swap3A_534 {strides = array<i32>} : memref<400x64xf32, #tpu.memory_space<vmem>>, vector<1x16xf32>,
        %mul3A_535 = arith.constant 8 : i32
        %mul3A_536 = arith.muli %scan3A_224, %mul3A_535 : i32
        %add3A_537 = arith.constant 6 : i32
        %add3A_538 = arith.addi %mul3A_536, %add3A_537 : i32
        %get3A_539 = arith.index_cast %add3A_538 : i32 to index
        %get3A_540 = arith.constant 0 : index
        %get3A_541 = tpu.vector_load %arg9[%get3A_539, %get3A_540] {strides = array<i32>} : memref<400x32xf32, #tpu.memory_space<vmem>>, vector<1x16xf32>,
        %get3A_542 = vector.shape_cast %get3A_541 : vector<1x16xf32> to vector<16xf32>
        %mul3A_543 = arith.constant 8.000000e+00 : f32
        %mul3A_544 = vector.broadcast %mul3A_543 : f32 to vector<16xf32>
        %mul3A_545 = arith.mulf %get3A_542, %mul3A_544 : vector<16xf32>
        %swap3A_546 = arith.index_cast %add3A_538 : i32 to index
        %swap3A_547 = arith.constant 0 : index
        %swap3A_548 = tpu.vector_load %arg13[%swap3A_546, %swap3A_547] {strides = array<i32>} : memref<400x64xf32, #tpu.memory_space<vmem>>, vector<1x16xf32>,
        %swap3A_549 = vector.shape_cast %swap3A_548 : vector<1x16xf32> to vector<16xf32>
        %swap3A_550 = vector.shape_cast %mul3A_545 : vector<16xf32> to vector<1x16xf32>
        tpu.vector_store %arg13[%swap3A_546, %swap3A_547], %swap3A_550 {strides = array<i32>} : memref<400x64xf32, #tpu.memory_space<vmem>>, vector<1x16xf32>,
        %get3A_551 = arith.index_cast %add3A_538 : i32 to index
        %get3A_552 = arith.constant 16 : index
        %get3A_553 = tpu.vector_load %arg9[%get3A_551, %get3A_552] {strides = array<i32>} : memref<400x32xf32, #tpu.memory_space<vmem>>, vector<1x16xf32>,
        %get3A_554 = vector.shape_cast %get3A_553 : vector<1x16xf32> to vector<16xf32>
        %mul3A_555 = arith.constant 8.000000e+00 : f32
        %mul3A_556 = vector.broadcast %mul3A_555 : f32 to vector<16xf32>
        %mul3A_557 = arith.mulf %get3A_554, %mul3A_556 : vector<16xf32>
        %swap3A_558 = arith.index_cast %add3A_538 : i32 to index
        %swap3A_559 = arith.constant 16 : index
        %swap3A_560 = tpu.vector_load %arg13[%swap3A_558, %swap3A_559] {strides = array<i32>} : memref<400x64xf32, #tpu.memory_space<vmem>>, vector<1x16xf32>,
        %swap3A_561 = vector.shape_cast %swap3A_560 : vector<1x16xf32> to vector<16xf32>
        %swap3A_562 = vector.shape_cast %mul3A_557 : vector<16xf32> to vector<1x16xf32>
        tpu.vector_store %arg13[%swap3A_558, %swap3A_559], %swap3A_562 {strides = array<i32>} : memref<400x64xf32, #tpu.memory_space<vmem>>, vector<1x16xf32>,
        %get3A_563 = arith.index_cast %add3A_538 : i32 to index
        %get3A_564 = arith.constant 0 : index
        %get3A_565 = tpu.vector_load %arg11[%get3A_563, %get3A_564] {strides = array<i32>} : memref<400x32xf32, #tpu.memory_space<vmem>>, vector<1x16xf32>,
        %get3A_566 = vector.shape_cast %get3A_565 : vector<1x16xf32> to vector<16xf32>
        %mul3A_567 = arith.constant 8.000000e+00 : f32
        %mul3A_568 = vector.broadcast %mul3A_567 : f32 to vector<16xf32>
        %mul3A_569 = arith.mulf %get3A_566, %mul3A_568 : vector<16xf32>
        %swap3A_570 = arith.index_cast %add3A_538 : i32 to index
        %swap3A_571 = arith.constant 32 : index
        %swap3A_572 = tpu.vector_load %arg13[%swap3A_570, %swap3A_571] {strides = array<i32>} : memref<400x64xf32, #tpu.memory_space<vmem>>, vector<1x16xf32>,
        %swap3A_573 = vector.shape_cast %swap3A_572 : vector<1x16xf32> to vector<16xf32>
        %swap3A_574 = vector.shape_cast %mul3A_569 : vector<16xf32> to vector<1x16xf32>
        tpu.vector_store %arg13[%swap3A_570, %swap3A_571], %swap3A_574 {strides = array<i32>} : memref<400x64xf32, #tpu.memory_space<vmem>>, vector<1x16xf32>,
        %get3A_575 = arith.index_cast %add3A_538 : i32 to index
        %get3A_576 = arith.constant 16 : index
        %get3A_577 = tpu.vector_load %arg11[%get3A_575, %get3A_576] {strides = array<i32>} : memref<400x32xf32, #tpu.memory_space<vmem>>, vector<1x16xf32>,
        %get3A_578 = vector.shape_cast %get3A_577 : vector<1x16xf32> to vector<16xf32>
        %mul3A_579 = arith.constant 8.000000e+00 : f32
        %mul3A_580 = vector.broadcast %mul3A_579 : f32 to vector<16xf32>
        %mul3A_581 = arith.mulf %get3A_578, %mul3A_580 : vector<16xf32>
        %swap3A_582 = arith.index_cast %add3A_538 : i32 to index
        %swap3A_583 = arith.constant 48 : index
        %swap3A_584 = tpu.vector_load %arg13[%swap3A_582, %swap3A_583] {strides = array<i32>} : memref<400x64xf32, #tpu.memory_space<vmem>>, vector<1x16xf32>,
        %swap3A_585 = vector.shape_cast %swap3A_584 : vector<1x16xf32> to vector<16xf32>
        %swap3A_586 = vector.shape_cast %mul3A_581 : vector<16xf32> to vector<1x16xf32>
        tpu.vector_store %arg13[%swap3A_582, %swap3A_583], %swap3A_586 {strides = array<i32>} : memref<400x64xf32, #tpu.memory_space<vmem>>, vector<1x16xf32>,
        %mul3A_587 = arith.constant 8 : i32
        %mul3A_588 = arith.muli %scan3A_224, %mul3A_587 : i32
        %add3A_589 = arith.constant 7 : i32
        %add3A_590 = arith.addi %mul3A_588, %add3A_589 : i32
        %get3A_591 = arith.index_cast %add3A_590 : i32 to index
        %get3A_592 = arith.constant 0 : index
        %get3A_593 = tpu.vector_load %arg9[%get3A_591, %get3A_592] {strides = array<i32>} : memref<400x32xf32, #tpu.memory_space<vmem>>, vector<1x16xf32>,
        %get3A_594 = vector.shape_cast %get3A_593 : vector<1x16xf32> to vector<16xf32>
        %mul3A_595 = arith.constant 8.000000e+00 : f32
        %mul3A_596 = vector.broadcast %mul3A_595 : f32 to vector<16xf32>
        %mul3A_597 = arith.mulf %get3A_594, %mul3A_596 : vector<16xf32>
        %swap3A_598 = arith.index_cast %add3A_590 : i32 to index
        %swap3A_599 = arith.constant 0 : index
        %swap3A_600 = tpu.vector_load %arg13[%swap3A_598, %swap3A_599] {strides = array<i32>} : memref<400x64xf32, #tpu.memory_space<vmem>>, vector<1x16xf32>,
        %swap3A_601 = vector.shape_cast %swap3A_600 : vector<1x16xf32> to vector<16xf32>
        %swap3A_602 = vector.shape_cast %mul3A_597 : vector<16xf32> to vector<1x16xf32>
        tpu.vector_store %arg13[%swap3A_598, %swap3A_599], %swap3A_602 {strides = array<i32>} : memref<400x64xf32, #tpu.memory_space<vmem>>, vector<1x16xf32>,
        %get3A_603 = arith.index_cast %add3A_590 : i32 to index
        %get3A_604 = arith.constant 16 : index
        %get3A_605 = tpu.vector_load %arg9[%get3A_603, %get3A_604] {strides = array<i32>} : memref<400x32xf32, #tpu.memory_space<vmem>>, vector<1x16xf32>,
        %get3A_606 = vector.shape_cast %get3A_605 : vector<1x16xf32> to vector<16xf32>
        %mul3A_607 = arith.constant 8.000000e+00 : f32
        %mul3A_608 = vector.broadcast %mul3A_607 : f32 to vector<16xf32>
        %mul3A_609 = arith.mulf %get3A_606, %mul3A_608 : vector<16xf32>
        %swap3A_610 = arith.index_cast %add3A_590 : i32 to index
        %swap3A_611 = arith.constant 16 : index
        %swap3A_612 = tpu.vector_load %arg13[%swap3A_610, %swap3A_611] {strides = array<i32>} : memref<400x64xf32, #tpu.memory_space<vmem>>, vector<1x16xf32>,
        %swap3A_613 = vector.shape_cast %swap3A_612 : vector<1x16xf32> to vector<16xf32>
        %swap3A_614 = vector.shape_cast %mul3A_609 : vector<16xf32> to vector<1x16xf32>
        tpu.vector_store %arg13[%swap3A_610, %swap3A_611], %swap3A_614 {strides = array<i32>} : memref<400x64xf32, #tpu.memory_space<vmem>>, vector<1x16xf32>,
        %get3A_615 = arith.index_cast %add3A_590 : i32 to index
        %get3A_616 = arith.constant 0 : index
        %get3A_617 = tpu.vector_load %arg11[%get3A_615, %get3A_616] {strides = array<i32>} : memref<400x32xf32, #tpu.memory_space<vmem>>, vector<1x16xf32>,
        %get3A_618 = vector.shape_cast %get3A_617 : vector<1x16xf32> to vector<16xf32>
        %mul3A_619 = arith.constant 8.000000e+00 : f32
        %mul3A_620 = vector.broadcast %mul3A_619 : f32 to vector<16xf32>
        %mul3A_621 = arith.mulf %get3A_618, %mul3A_620 : vector<16xf32>
        %swap3A_622 = arith.index_cast %add3A_590 : i32 to index
        %swap3A_623 = arith.constant 32 : index
        %swap3A_624 = tpu.vector_load %arg13[%swap3A_622, %swap3A_623] {strides = array<i32>} : memref<400x64xf32, #tpu.memory_space<vmem>>, vector<1x16xf32>,
        %swap3A_625 = vector.shape_cast %swap3A_624 : vector<1x16xf32> to vector<16xf32>
        %swap3A_626 = vector.shape_cast %mul3A_621 : vector<16xf32> to vector<1x16xf32>
        tpu.vector_store %arg13[%swap3A_622, %swap3A_623], %swap3A_626 {strides = array<i32>} : memref<400x64xf32, #tpu.memory_space<vmem>>, vector<1x16xf32>,
        %get3A_627 = arith.index_cast %add3A_590 : i32 to index
        %get3A_628 = arith.constant 16 : index
        %get3A_629 = tpu.vector_load %arg11[%get3A_627, %get3A_628] {strides = array<i32>} : memref<400x32xf32, #tpu.memory_space<vmem>>, vector<1x16xf32>,
        %get3A_630 = vector.shape_cast %get3A_629 : vector<1x16xf32> to vector<16xf32>
        %mul3A_631 = arith.constant 8.000000e+00 : f32
        %mul3A_632 = vector.broadcast %mul3A_631 : f32 to vector<16xf32>
        %mul3A_633 = arith.mulf %get3A_630, %mul3A_632 : vector<16xf32>
        %swap3A_634 = arith.index_cast %add3A_590 : i32 to index
        %swap3A_635 = arith.constant 48 : index
        %swap3A_636 = tpu.vector_load %arg13[%swap3A_634, %swap3A_635] {strides = array<i32>} : memref<400x64xf32, #tpu.memory_space<vmem>>, vector<1x16xf32>,
        %swap3A_637 = vector.shape_cast %swap3A_636 : vector<1x16xf32> to vector<16xf32>
        %swap3A_638 = vector.shape_cast %mul3A_633 : vector<16xf32> to vector<1x16xf32>
        tpu.vector_store %arg13[%swap3A_634, %swap3A_635], %swap3A_638 {strides = array<i32>} : memref<400x64xf32, #tpu.memory_space<vmem>>, vector<1x16xf32>,
      }
      %scan3A_205 = arith.constant 50 : i32
      %mul3A_206 = arith.constant 400 : i32
      %mul3A_207 = arith.muli %add3A_184, %mul3A_206 : i32
      %add3A_208 = arith.addi %mul3A_2, %mul3A_207 : i32
      %dma_start3A_209 = arith.constant 0 : i32
      %dma_start3A_210 = tpu.memref_slice %arg5[%add3A_208, %dma_start3A_209] : memref<819200x64xf32, #tpu.memory_space<hbm>> -> memref<400x64xf32, #tpu.memory_space<hbm>>
      %dma_start3A_211 = arith.constant 0 : i32
      %dma_start3A_212 = tpu.memref_slice %arg5[%add3A_208, %dma_start3A_211] : memref<819200x64xf32, #tpu.memory_space<hbm>> -> memref<400x64xf32, #tpu.memory_space<hbm>>
      tpu.enqueue_dma source(%arg13 : memref<400x64xf32, #tpu.memory_space<vmem>>) target(%dma_start3A_212 : memref<400x64xf32, #tpu.memory_space<hbm>>) target_semaphore(%arg17 : memref<!tpu.dma_semaphore, #tpu.memory_space<semaphore_mem>>)
      %add3A_213 = arith.constant 2 : i32
      %add3A_214 = arith.addi %add3A_184, %add3A_213 : i32
      %mul3A_215 = arith.constant 400 : i32
      %mul3A_216 = arith.muli %add3A_214, %mul3A_215 : i32
      %add3A_217 = arith.addi %mul3A_2, %mul3A_216 : i32
      "tpu.region"() ({
        %run_scoped3A = tpu.sem_alloc : memref<!tpu.dma_semaphore, #tpu.memory_space<semaphore_mem>>
        %dma_start3A_224 = tpu.memref_slice %arg2[%add3A_217] : memref<819200xi32, #tpu.memory_space<hbm>> -> memref<400xi32, #tpu.memory_space<hbm>>
        %dma_start3A_225 = tpu.memref_slice %arg2[%add3A_217] : memref<819200xi32, #tpu.memory_space<hbm>> -> memref<400xi32, #tpu.memory_space<hbm>>
        tpu.enqueue_dma source(%dma_start3A_225 : memref<400xi32, #tpu.memory_space<hbm>>) target(%arg7 : memref<400xi32, #tpu.memory_space<vmem>>) target_semaphore(%run_scoped3A : memref<!tpu.dma_semaphore, #tpu.memory_space<semaphore_mem>>)
        %dma_wait3A_226 = tpu.memref_slice %arg2[%add3A_217] : memref<819200xi32, #tpu.memory_space<hbm>> -> memref<400xi32, #tpu.memory_space<hbm>>
        %dma_wait3A_227 = tpu.memref_slice %arg2[%add3A_217] : memref<819200xi32, #tpu.memory_space<hbm>> -> memref<400xi32, #tpu.memory_space<hbm>>
        tpu.wait_dma2 semaphore(%run_scoped3A : memref<!tpu.dma_semaphore, #tpu.memory_space<semaphore_mem>>) src(%dma_wait3A_227 : memref<400xi32, #tpu.memory_space<hbm>>) dst(%arg7 : memref<400xi32, #tpu.memory_space<vmem>>)
        tpu.yield
      }) : () -> ()
      %dma_start3A_218 = arith.constant 0 : i32
      %dma_start3A_219 = arith.constant 0 : i32
      %dma_start3A_220 = tpu.memref_slice %arg3[%dma_start3A_218, %dma_start3A_219] : memref<1000000x32xf32, #tpu.memory_space<hbm>> -> memref<1000000x32xf32, #tpu.memory_space<hbm>>
      tpu.enqueue_indirect_dma source(%dma_start3A_220 : memref<1000000x32xf32, #tpu.memory_space<hbm>>) target(%arg9 : memref<400x32xf32, #tpu.memory_space<vmem>>) offsets(%arg7 : memref<400xi32, #tpu.memory_space<vmem>>) semaphore(%arg15 : memref<!tpu.dma_semaphore, #tpu.memory_space<semaphore_mem>>)
      %dma_start3A_221 = arith.constant 0 : i32
      %dma_start3A_222 = arith.constant 0 : i32
      %dma_start3A_223 = tpu.memref_slice %arg4[%dma_start3A_221, %dma_start3A_222] : memref<1000000x32xf32, #tpu.memory_space<hbm>> -> memref<1000000x32xf32, #tpu.memory_space<hbm>>
      tpu.enqueue_indirect_dma source(%dma_start3A_223 : memref<1000000x32xf32, #tpu.memory_space<hbm>>) target(%arg11 : memref<400x32xf32, #tpu.memory_space<vmem>>) offsets(%arg7 : memref<400xi32, #tpu.memory_space<vmem>>) semaphore(%arg15 : memref<!tpu.dma_semaphore, #tpu.memory_space<semaphore_mem>>)
    }
    %scan3A_73 = arith.constant 30 : i32
    %dma_wait3A_74 = arith.constant 0 : i32
    %dma_wait3A_75 = arith.constant 0 : i32
    %dma_wait3A_76 = tpu.memref_slice %arg3[%dma_wait3A_74, %dma_wait3A_75] : memref<1000000x32xf32, #tpu.memory_space<hbm>> -> memref<1000000x32xf32, #tpu.memory_space<hbm>>
    tpu.wait_indirect_dma semaphore(%arg14 : memref<!tpu.dma_semaphore, #tpu.memory_space<semaphore_mem>>) src(%dma_wait3A_76 : memref<1000000x32xf32, #tpu.memory_space<hbm>>) dst(%arg8 : memref<400x32xf32, #tpu.memory_space<vmem>>)
    %dma_wait3A_77 = arith.constant 0 : i32
    %dma_wait3A_78 = arith.constant 0 : i32
    %dma_wait3A_79 = tpu.memref_slice %arg4[%dma_wait3A_77, %dma_wait3A_78] : memref<1000000x32xf32, #tpu.memory_space<hbm>> -> memref<1000000x32xf32, #tpu.memory_space<hbm>>
    tpu.wait_indirect_dma semaphore(%arg14 : memref<!tpu.dma_semaphore, #tpu.memory_space<semaphore_mem>>) src(%dma_wait3A_79 : memref<1000000x32xf32, #tpu.memory_space<hbm>>) dst(%arg10 : memref<400x32xf32, #tpu.memory_space<vmem>>)
    %add3A_80 = arith.constant 24000 : i32
    %add3A_81 = arith.addi %mul3A_2, %add3A_80 : i32
    %dma_wait3A_82 = arith.constant 0 : i32
    %dma_wait3A_83 = tpu.memref_slice %arg5[%add3A_81, %dma_wait3A_82] : memref<819200x64xf32, #tpu.memory_space<hbm>> -> memref<400x64xf32, #tpu.memory_space<hbm>>
    %dma_wait3A_84 = arith.constant 0 : i32
    %dma_wait3A_85 = tpu.memref_slice %arg5[%add3A_81, %dma_wait3A_84] : memref<819200x64xf32, #tpu.memory_space<hbm>> -> memref<400x64xf32, #tpu.memory_space<hbm>>
    tpu.wait_dma2 semaphore(%arg16 : memref<!tpu.dma_semaphore, #tpu.memory_space<semaphore_mem>>) src(%arg12 : memref<400x64xf32, #tpu.memory_space<vmem>>) dst(%dma_wait3A_85 : memref<400x64xf32, #tpu.memory_space<hbm>>)
    %scan3A_86 = arith.constant 0 : i32
    %scan3A_87 = arith.constant 0 : i32
    %scan3A_88 = arith.constant 50 : i32
    %scan3A_89 = arith.addi %scan3A_87, %scan3A_88 : i32
    %scan3A_90 = arith.constant 1 : i32
    scf.for %scan3A_134 = %scan3A_87 to %scan3A_89 step %scan3A_90  : i32 {
      %mul3A_135 = arith.constant 8 : i32
      %mul3A_136 = arith.muli %scan3A_134, %mul3A_135 : i32
      %add3A_137 = arith.constant 0 : i32
      %add3A_138 = arith.addi %mul3A_136, %add3A_137 : i32
      %get3A = arith.index_cast %add3A_138 : i32 to index
      %get3A_139 = arith.constant 0 : index
      %get3A_140 = tpu.vector_load %arg8[%get3A, %get3A_139] {strides = array<i32>} : memref<400x32xf32, #tpu.memory_space<vmem>>, vector<1x16xf32>,
      %get3A_141 = vector.shape_cast %get3A_140 : vector<1x16xf32> to vector<16xf32>
      %mul3A_142 = arith.constant 8.000000e+00 : f32
      %mul3A_143 = vector.broadcast %mul3A_142 : f32 to vector<16xf32>
      %mul3A_144 = arith.mulf %get3A_141, %mul3A_143 : vector<16xf32>
      %swap3A = arith.index_cast %add3A_138 : i32 to index
      %swap3A_145 = arith.constant 0 : index
      %swap3A_146 = tpu.vector_load %arg12[%swap3A, %swap3A_145] {strides = array<i32>} : memref<400x64xf32, #tpu.memory_space<vmem>>, vector<1x16xf32>,
      %swap3A_147 = vector.shape_cast %swap3A_146 : vector<1x16xf32> to vector<16xf32>
      %swap3A_148 = vector.shape_cast %mul3A_144 : vector<16xf32> to vector<1x16xf32>
      tpu.vector_store %arg12[%swap3A, %swap3A_145], %swap3A_148 {strides = array<i32>} : memref<400x64xf32, #tpu.memory_space<vmem>>, vector<1x16xf32>,
      %get3A_149 = arith.index_cast %add3A_138 : i32 to index
      %get3A_150 = arith.constant 16 : index
      %get3A_151 = tpu.vector_load %arg8[%get3A_149, %get3A_150] {strides = array<i32>} : memref<400x32xf32, #tpu.memory_space<vmem>>, vector<1x16xf32>,
      %get3A_152 = vector.shape_cast %get3A_151 : vector<1x16xf32> to vector<16xf32>
      %mul3A_153 = arith.constant 8.000000e+00 : f32
      %mul3A_154 = vector.broadcast %mul3A_153 : f32 to vector<16xf32>
      %mul3A_155 = arith.mulf %get3A_152, %mul3A_154 : vector<16xf32>
      %swap3A_156 = arith.index_cast %add3A_138 : i32 to index
      %swap3A_157 = arith.constant 16 : index
      %swap3A_158 = tpu.vector_load %arg12[%swap3A_156, %swap3A_157] {strides = array<i32>} : memref<400x64xf32, #tpu.memory_space<vmem>>, vector<1x16xf32>,
      %swap3A_159 = vector.shape_cast %swap3A_158 : vector<1x16xf32> to vector<16xf32>
      %swap3A_160 = vector.shape_cast %mul3A_155 : vector<16xf32> to vector<1x16xf32>
      tpu.vector_store %arg12[%swap3A_156, %swap3A_157], %swap3A_160 {strides = array<i32>} : memref<400x64xf32, #tpu.memory_space<vmem>>, vector<1x16xf32>,
      %get3A_161 = arith.index_cast %add3A_138 : i32 to index
      %get3A_162 = arith.constant 0 : index
      %get3A_163 = tpu.vector_load %arg10[%get3A_161, %get3A_162] {strides = array<i32>} : memref<400x32xf32, #tpu.memory_space<vmem>>, vector<1x16xf32>,
      %get3A_164 = vector.shape_cast %get3A_163 : vector<1x16xf32> to vector<16xf32>
      %mul3A_165 = arith.constant 8.000000e+00 : f32
      %mul3A_166 = vector.broadcast %mul3A_165 : f32 to vector<16xf32>
      %mul3A_167 = arith.mulf %get3A_164, %mul3A_166 : vector<16xf32>
      %swap3A_168 = arith.index_cast %add3A_138 : i32 to index
      %swap3A_169 = arith.constant 32 : index
      %swap3A_170 = tpu.vector_load %arg12[%swap3A_168, %swap3A_169] {strides = array<i32>} : memref<400x64xf32, #tpu.memory_space<vmem>>, vector<1x16xf32>,
      %swap3A_171 = vector.shape_cast %swap3A_170 : vector<1x16xf32> to vector<16xf32>
      %swap3A_172 = vector.shape_cast %mul3A_167 : vector<16xf32> to vector<1x16xf32>
      tpu.vector_store %arg12[%swap3A_168, %swap3A_169], %swap3A_172 {strides = array<i32>} : memref<400x64xf32, #tpu.memory_space<vmem>>, vector<1x16xf32>,
      %get3A_173 = arith.index_cast %add3A_138 : i32 to index
      %get3A_174 = arith.constant 16 : index
      %get3A_175 = tpu.vector_load %arg10[%get3A_173, %get3A_174] {strides = array<i32>} : memref<400x32xf32, #tpu.memory_space<vmem>>, vector<1x16xf32>,
      %get3A_176 = vector.shape_cast %get3A_175 : vector<1x16xf32> to vector<16xf32>
      %mul3A_177 = arith.constant 8.000000e+00 : f32
      %mul3A_178 = vector.broadcast %mul3A_177 : f32 to vector<16xf32>
      %mul3A_179 = arith.mulf %get3A_176, %mul3A_178 : vector<16xf32>
      %swap3A_180 = arith.index_cast %add3A_138 : i32 to index
      %swap3A_181 = arith.constant 48 : index
      %swap3A_182 = tpu.vector_load %arg12[%swap3A_180, %swap3A_181] {strides = array<i32>} : memref<400x64xf32, #tpu.memory_space<vmem>>, vector<1x16xf32>,
      %swap3A_183 = vector.shape_cast %swap3A_182 : vector<1x16xf32> to vector<16xf32>
      %swap3A_184 = vector.shape_cast %mul3A_179 : vector<16xf32> to vector<1x16xf32>
      tpu.vector_store %arg12[%swap3A_180, %swap3A_181], %swap3A_184 {strides = array<i32>} : memref<400x64xf32, #tpu.memory_space<vmem>>, vector<1x16xf32>,
      %mul3A_185 = arith.constant 8 : i32
      %mul3A_186 = arith.muli %scan3A_134, %mul3A_185 : i32
      %add3A_187 = arith.constant 1 : i32
      %add3A_188 = arith.addi %mul3A_186, %add3A_187 : i32
      %get3A_189 = arith.index_cast %add3A_188 : i32 to index
      %get3A_190 = arith.constant 0 : index
      %get3A_191 = tpu.vector_load %arg8[%get3A_189, %get3A_190] {strides = array<i32>} : memref<400x32xf32, #tpu.memory_space<vmem>>, vector<1x16xf32>,
      %get3A_192 = vector.shape_cast %get3A_191 : vector<1x16xf32> to vector<16xf32>
      %mul3A_193 = arith.constant 8.000000e+00 : f32
      %mul3A_194 = vector.broadcast %mul3A_193 : f32 to vector<16xf32>
      %mul3A_195 = arith.mulf %get3A_192, %mul3A_194 : vector<16xf32>
      %swap3A_196 = arith.index_cast %add3A_188 : i32 to index
      %swap3A_197 = arith.constant 0 : index
      %swap3A_198 = tpu.vector_load %arg12[%swap3A_196, %swap3A_197] {strides = array<i32>} : memref<400x64xf32, #tpu.memory_space<vmem>>, vector<1x16xf32>,
      %swap3A_199 = vector.shape_cast %swap3A_198 : vector<1x16xf32> to vector<16xf32>
      %swap3A_200 = vector.shape_cast %mul3A_195 : vector<16xf32> to vector<1x16xf32>
      tpu.vector_store %arg12[%swap3A_196, %swap3A_197], %swap3A_200 {strides = array<i32>} : memref<400x64xf32, #tpu.memory_space<vmem>>, vector<1x16xf32>,
      %get3A_201 = arith.index_cast %add3A_188 : i32 to index
      %get3A_202 = arith.constant 16 : index
      %get3A_203 = tpu.vector_load %arg8[%get3A_201, %get3A_202] {strides = array<i32>} : memref<400x32xf32, #tpu.memory_space<vmem>>, vector<1x16xf32>,
      %get3A_204 = vector.shape_cast %get3A_203 : vector<1x16xf32> to vector<16xf32>
      %mul3A_205 = arith.constant 8.000000e+00 : f32
      %mul3A_206 = vector.broadcast %mul3A_205 : f32 to vector<16xf32>
      %mul3A_207 = arith.mulf %get3A_204, %mul3A_206 : vector<16xf32>
      %swap3A_208 = arith.index_cast %add3A_188 : i32 to index
      %swap3A_209 = arith.constant 16 : index
      %swap3A_210 = tpu.vector_load %arg12[%swap3A_208, %swap3A_209] {strides = array<i32>} : memref<400x64xf32, #tpu.memory_space<vmem>>, vector<1x16xf32>,
      %swap3A_211 = vector.shape_cast %swap3A_210 : vector<1x16xf32> to vector<16xf32>
      %swap3A_212 = vector.shape_cast %mul3A_207 : vector<16xf32> to vector<1x16xf32>
      tpu.vector_store %arg12[%swap3A_208, %swap3A_209], %swap3A_212 {strides = array<i32>} : memref<400x64xf32, #tpu.memory_space<vmem>>, vector<1x16xf32>,
      %get3A_213 = arith.index_cast %add3A_188 : i32 to index
      %get3A_214 = arith.constant 0 : index
      %get3A_215 = tpu.vector_load %arg10[%get3A_213, %get3A_214] {strides = array<i32>} : memref<400x32xf32, #tpu.memory_space<vmem>>, vector<1x16xf32>,
      %get3A_216 = vector.shape_cast %get3A_215 : vector<1x16xf32> to vector<16xf32>
      %mul3A_217 = arith.constant 8.000000e+00 : f32
      %mul3A_218 = vector.broadcast %mul3A_217 : f32 to vector<16xf32>
      %mul3A_219 = arith.mulf %get3A_216, %mul3A_218 : vector<16xf32>
      %swap3A_220 = arith.index_cast %add3A_188 : i32 to index
      %swap3A_221 = arith.constant 32 : index
      %swap3A_222 = tpu.vector_load %arg12[%swap3A_220, %swap3A_221] {strides = array<i32>} : memref<400x64xf32, #tpu.memory_space<vmem>>, vector<1x16xf32>,
      %swap3A_223 = vector.shape_cast %swap3A_222 : vector<1x16xf32> to vector<16xf32>
      %swap3A_224 = vector.shape_cast %mul3A_219 : vector<16xf32> to vector<1x16xf32>
      tpu.vector_store %arg12[%swap3A_220, %swap3A_221], %swap3A_224 {strides = array<i32>} : memref<400x64xf32, #tpu.memory_space<vmem>>, vector<1x16xf32>,
      %get3A_225 = arith.index_cast %add3A_188 : i32 to index
      %get3A_226 = arith.constant 16 : index
      %get3A_227 = tpu.vector_load %arg10[%get3A_225, %get3A_226] {strides = array<i32>} : memref<400x32xf32, #tpu.memory_space<vmem>>, vector<1x16xf32>,
      %get3A_228 = vector.shape_cast %get3A_227 : vector<1x16xf32> to vector<16xf32>
      %mul3A_229 = arith.constant 8.000000e+00 : f32
      %mul3A_230 = vector.broadcast %mul3A_229 : f32 to vector<16xf32>
      %mul3A_231 = arith.mulf %get3A_228, %mul3A_230 : vector<16xf32>
      %swap3A_232 = arith.index_cast %add3A_188 : i32 to index
      %swap3A_233 = arith.constant 48 : index
      %swap3A_234 = tpu.vector_load %arg12[%swap3A_232, %swap3A_233] {strides = array<i32>} : memref<400x64xf32, #tpu.memory_space<vmem>>, vector<1x16xf32>,
      %swap3A_235 = vector.shape_cast %swap3A_234 : vector<1x16xf32> to vector<16xf32>
      %swap3A_236 = vector.shape_cast %mul3A_231 : vector<16xf32> to vector<1x16xf32>
      tpu.vector_store %arg12[%swap3A_232, %swap3A_233], %swap3A_236 {strides = array<i32>} : memref<400x64xf32, #tpu.memory_space<vmem>>, vector<1x16xf32>,
      %mul3A_237 = arith.constant 8 : i32
      %mul3A_238 = arith.muli %scan3A_134, %mul3A_237 : i32
      %add3A_239 = arith.constant 2 : i32
      %add3A_240 = arith.addi %mul3A_238, %add3A_239 : i32
      %get3A_241 = arith.index_cast %add3A_240 : i32 to index
      %get3A_242 = arith.constant 0 : index
      %get3A_243 = tpu.vector_load %arg8[%get3A_241, %get3A_242] {strides = array<i32>} : memref<400x32xf32, #tpu.memory_space<vmem>>, vector<1x16xf32>,
      %get3A_244 = vector.shape_cast %get3A_243 : vector<1x16xf32> to vector<16xf32>
      %mul3A_245 = arith.constant 8.000000e+00 : f32
      %mul3A_246 = vector.broadcast %mul3A_245 : f32 to vector<16xf32>
      %mul3A_247 = arith.mulf %get3A_244, %mul3A_246 : vector<16xf32>
      %swap3A_248 = arith.index_cast %add3A_240 : i32 to index
      %swap3A_249 = arith.constant 0 : index
      %swap3A_250 = tpu.vector_load %arg12[%swap3A_248, %swap3A_249] {strides = array<i32>} : memref<400x64xf32, #tpu.memory_space<vmem>>, vector<1x16xf32>,
      %swap3A_251 = vector.shape_cast %swap3A_250 : vector<1x16xf32> to vector<16xf32>
      %swap3A_252 = vector.shape_cast %mul3A_247 : vector<16xf32> to vector<1x16xf32>
      tpu.vector_store %arg12[%swap3A_248, %swap3A_249], %swap3A_252 {strides = array<i32>} : memref<400x64xf32, #tpu.memory_space<vmem>>, vector<1x16xf32>,
      %get3A_253 = arith.index_cast %add3A_240 : i32 to index
      %get3A_254 = arith.constant 16 : index
      %get3A_255 = tpu.vector_load %arg8[%get3A_253, %get3A_254] {strides = array<i32>} : memref<400x32xf32, #tpu.memory_space<vmem>>, vector<1x16xf32>,
      %get3A_256 = vector.shape_cast %get3A_255 : vector<1x16xf32> to vector<16xf32>
      %mul3A_257 = arith.constant 8.000000e+00 : f32
      %mul3A_258 = vector.broadcast %mul3A_257 : f32 to vector<16xf32>
      %mul3A_259 = arith.mulf %get3A_256, %mul3A_258 : vector<16xf32>
      %swap3A_260 = arith.index_cast %add3A_240 : i32 to index
      %swap3A_261 = arith.constant 16 : index
      %swap3A_262 = tpu.vector_load %arg12[%swap3A_260, %swap3A_261] {strides = array<i32>} : memref<400x64xf32, #tpu.memory_space<vmem>>, vector<1x16xf32>,
      %swap3A_263 = vector.shape_cast %swap3A_262 : vector<1x16xf32> to vector<16xf32>
      %swap3A_264 = vector.shape_cast %mul3A_259 : vector<16xf32> to vector<1x16xf32>
      tpu.vector_store %arg12[%swap3A_260, %swap3A_261], %swap3A_264 {strides = array<i32>} : memref<400x64xf32, #tpu.memory_space<vmem>>, vector<1x16xf32>,
      %get3A_265 = arith.index_cast %add3A_240 : i32 to index
      %get3A_266 = arith.constant 0 : index
      %get3A_267 = tpu.vector_load %arg10[%get3A_265, %get3A_266] {strides = array<i32>} : memref<400x32xf32, #tpu.memory_space<vmem>>, vector<1x16xf32>,
      %get3A_268 = vector.shape_cast %get3A_267 : vector<1x16xf32> to vector<16xf32>
      %mul3A_269 = arith.constant 8.000000e+00 : f32
      %mul3A_270 = vector.broadcast %mul3A_269 : f32 to vector<16xf32>
      %mul3A_271 = arith.mulf %get3A_268, %mul3A_270 : vector<16xf32>
      %swap3A_272 = arith.index_cast %add3A_240 : i32 to index
      %swap3A_273 = arith.constant 32 : index
      %swap3A_274 = tpu.vector_load %arg12[%swap3A_272, %swap3A_273] {strides = array<i32>} : memref<400x64xf32, #tpu.memory_space<vmem>>, vector<1x16xf32>,
      %swap3A_275 = vector.shape_cast %swap3A_274 : vector<1x16xf32> to vector<16xf32>
      %swap3A_276 = vector.shape_cast %mul3A_271 : vector<16xf32> to vector<1x16xf32>
      tpu.vector_store %arg12[%swap3A_272, %swap3A_273], %swap3A_276 {strides = array<i32>} : memref<400x64xf32, #tpu.memory_space<vmem>>, vector<1x16xf32>,
      %get3A_277 = arith.index_cast %add3A_240 : i32 to index
      %get3A_278 = arith.constant 16 : index
      %get3A_279 = tpu.vector_load %arg10[%get3A_277, %get3A_278] {strides = array<i32>} : memref<400x32xf32, #tpu.memory_space<vmem>>, vector<1x16xf32>,
      %get3A_280 = vector.shape_cast %get3A_279 : vector<1x16xf32> to vector<16xf32>
      %mul3A_281 = arith.constant 8.000000e+00 : f32
      %mul3A_282 = vector.broadcast %mul3A_281 : f32 to vector<16xf32>
      %mul3A_283 = arith.mulf %get3A_280, %mul3A_282 : vector<16xf32>
      %swap3A_284 = arith.index_cast %add3A_240 : i32 to index
      %swap3A_285 = arith.constant 48 : index
      %swap3A_286 = tpu.vector_load %arg12[%swap3A_284, %swap3A_285] {strides = array<i32>} : memref<400x64xf32, #tpu.memory_space<vmem>>, vector<1x16xf32>,
      %swap3A_287 = vector.shape_cast %swap3A_286 : vector<1x16xf32> to vector<16xf32>
      %swap3A_288 = vector.shape_cast %mul3A_283 : vector<16xf32> to vector<1x16xf32>
      tpu.vector_store %arg12[%swap3A_284, %swap3A_285], %swap3A_288 {strides = array<i32>} : memref<400x64xf32, #tpu.memory_space<vmem>>, vector<1x16xf32>,
      %mul3A_289 = arith.constant 8 : i32
      %mul3A_290 = arith.muli %scan3A_134, %mul3A_289 : i32
      %add3A_291 = arith.constant 3 : i32
      %add3A_292 = arith.addi %mul3A_290, %add3A_291 : i32
      %get3A_293 = arith.index_cast %add3A_292 : i32 to index
      %get3A_294 = arith.constant 0 : index
      %get3A_295 = tpu.vector_load %arg8[%get3A_293, %get3A_294] {strides = array<i32>} : memref<400x32xf32, #tpu.memory_space<vmem>>, vector<1x16xf32>,
      %get3A_296 = vector.shape_cast %get3A_295 : vector<1x16xf32> to vector<16xf32>
      %mul3A_297 = arith.constant 8.000000e+00 : f32
      %mul3A_298 = vector.broadcast %mul3A_297 : f32 to vector<16xf32>
      %mul3A_299 = arith.mulf %get3A_296, %mul3A_298 : vector<16xf32>
      %swap3A_300 = arith.index_cast %add3A_292 : i32 to index
      %swap3A_301 = arith.constant 0 : index
      %swap3A_302 = tpu.vector_load %arg12[%swap3A_300, %swap3A_301] {strides = array<i32>} : memref<400x64xf32, #tpu.memory_space<vmem>>, vector<1x16xf32>,
      %swap3A_303 = vector.shape_cast %swap3A_302 : vector<1x16xf32> to vector<16xf32>
      %swap3A_304 = vector.shape_cast %mul3A_299 : vector<16xf32> to vector<1x16xf32>
      tpu.vector_store %arg12[%swap3A_300, %swap3A_301], %swap3A_304 {strides = array<i32>} : memref<400x64xf32, #tpu.memory_space<vmem>>, vector<1x16xf32>,
      %get3A_305 = arith.index_cast %add3A_292 : i32 to index
      %get3A_306 = arith.constant 16 : index
      %get3A_307 = tpu.vector_load %arg8[%get3A_305, %get3A_306] {strides = array<i32>} : memref<400x32xf32, #tpu.memory_space<vmem>>, vector<1x16xf32>,
      %get3A_308 = vector.shape_cast %get3A_307 : vector<1x16xf32> to vector<16xf32>
      %mul3A_309 = arith.constant 8.000000e+00 : f32
      %mul3A_310 = vector.broadcast %mul3A_309 : f32 to vector<16xf32>
      %mul3A_311 = arith.mulf %get3A_308, %mul3A_310 : vector<16xf32>
      %swap3A_312 = arith.index_cast %add3A_292 : i32 to index
      %swap3A_313 = arith.constant 16 : index
      %swap3A_314 = tpu.vector_load %arg12[%swap3A_312, %swap3A_313] {strides = array<i32>} : memref<400x64xf32, #tpu.memory_space<vmem>>, vector<1x16xf32>,
      %swap3A_315 = vector.shape_cast %swap3A_314 : vector<1x16xf32> to vector<16xf32>
      %swap3A_316 = vector.shape_cast %mul3A_311 : vector<16xf32> to vector<1x16xf32>
      tpu.vector_store %arg12[%swap3A_312, %swap3A_313], %swap3A_316 {strides = array<i32>} : memref<400x64xf32, #tpu.memory_space<vmem>>, vector<1x16xf32>,
      %get3A_317 = arith.index_cast %add3A_292 : i32 to index
      %get3A_318 = arith.constant 0 : index
      %get3A_319 = tpu.vector_load %arg10[%get3A_317, %get3A_318] {strides = array<i32>} : memref<400x32xf32, #tpu.memory_space<vmem>>, vector<1x16xf32>,
      %get3A_320 = vector.shape_cast %get3A_319 : vector<1x16xf32> to vector<16xf32>
      %mul3A_321 = arith.constant 8.000000e+00 : f32
      %mul3A_322 = vector.broadcast %mul3A_321 : f32 to vector<16xf32>
      %mul3A_323 = arith.mulf %get3A_320, %mul3A_322 : vector<16xf32>
      %swap3A_324 = arith.index_cast %add3A_292 : i32 to index
      %swap3A_325 = arith.constant 32 : index
      %swap3A_326 = tpu.vector_load %arg12[%swap3A_324, %swap3A_325] {strides = array<i32>} : memref<400x64xf32, #tpu.memory_space<vmem>>, vector<1x16xf32>,
      %swap3A_327 = vector.shape_cast %swap3A_326 : vector<1x16xf32> to vector<16xf32>
      %swap3A_328 = vector.shape_cast %mul3A_323 : vector<16xf32> to vector<1x16xf32>
      tpu.vector_store %arg12[%swap3A_324, %swap3A_325], %swap3A_328 {strides = array<i32>} : memref<400x64xf32, #tpu.memory_space<vmem>>, vector<1x16xf32>,
      %get3A_329 = arith.index_cast %add3A_292 : i32 to index
      %get3A_330 = arith.constant 16 : index
      %get3A_331 = tpu.vector_load %arg10[%get3A_329, %get3A_330] {strides = array<i32>} : memref<400x32xf32, #tpu.memory_space<vmem>>, vector<1x16xf32>,
      %get3A_332 = vector.shape_cast %get3A_331 : vector<1x16xf32> to vector<16xf32>
      %mul3A_333 = arith.constant 8.000000e+00 : f32
      %mul3A_334 = vector.broadcast %mul3A_333 : f32 to vector<16xf32>
      %mul3A_335 = arith.mulf %get3A_332, %mul3A_334 : vector<16xf32>
      %swap3A_336 = arith.index_cast %add3A_292 : i32 to index
      %swap3A_337 = arith.constant 48 : index
      %swap3A_338 = tpu.vector_load %arg12[%swap3A_336, %swap3A_337] {strides = array<i32>} : memref<400x64xf32, #tpu.memory_space<vmem>>, vector<1x16xf32>,
      %swap3A_339 = vector.shape_cast %swap3A_338 : vector<1x16xf32> to vector<16xf32>
      %swap3A_340 = vector.shape_cast %mul3A_335 : vector<16xf32> to vector<1x16xf32>
      tpu.vector_store %arg12[%swap3A_336, %swap3A_337], %swap3A_340 {strides = array<i32>} : memref<400x64xf32, #tpu.memory_space<vmem>>, vector<1x16xf32>,
      %mul3A_341 = arith.constant 8 : i32
      %mul3A_342 = arith.muli %scan3A_134, %mul3A_341 : i32
      %add3A_343 = arith.constant 4 : i32
      %add3A_344 = arith.addi %mul3A_342, %add3A_343 : i32
      %get3A_345 = arith.index_cast %add3A_344 : i32 to index
      %get3A_346 = arith.constant 0 : index
      %get3A_347 = tpu.vector_load %arg8[%get3A_345, %get3A_346] {strides = array<i32>} : memref<400x32xf32, #tpu.memory_space<vmem>>, vector<1x16xf32>,
      %get3A_348 = vector.shape_cast %get3A_347 : vector<1x16xf32> to vector<16xf32>
      %mul3A_349 = arith.constant 8.000000e+00 : f32
      %mul3A_350 = vector.broadcast %mul3A_349 : f32 to vector<16xf32>
      %mul3A_351 = arith.mulf %get3A_348, %mul3A_350 : vector<16xf32>
      %swap3A_352 = arith.index_cast %add3A_344 : i32 to index
      %swap3A_353 = arith.constant 0 : index
      %swap3A_354 = tpu.vector_load %arg12[%swap3A_352, %swap3A_353] {strides = array<i32>} : memref<400x64xf32, #tpu.memory_space<vmem>>, vector<1x16xf32>,
      %swap3A_355 = vector.shape_cast %swap3A_354 : vector<1x16xf32> to vector<16xf32>
      %swap3A_356 = vector.shape_cast %mul3A_351 : vector<16xf32> to vector<1x16xf32>
      tpu.vector_store %arg12[%swap3A_352, %swap3A_353], %swap3A_356 {strides = array<i32>} : memref<400x64xf32, #tpu.memory_space<vmem>>, vector<1x16xf32>,
      %get3A_357 = arith.index_cast %add3A_344 : i32 to index
      %get3A_358 = arith.constant 16 : index
      %get3A_359 = tpu.vector_load %arg8[%get3A_357, %get3A_358] {strides = array<i32>} : memref<400x32xf32, #tpu.memory_space<vmem>>, vector<1x16xf32>,
      %get3A_360 = vector.shape_cast %get3A_359 : vector<1x16xf32> to vector<16xf32>
      %mul3A_361 = arith.constant 8.000000e+00 : f32
      %mul3A_362 = vector.broadcast %mul3A_361 : f32 to vector<16xf32>
      %mul3A_363 = arith.mulf %get3A_360, %mul3A_362 : vector<16xf32>
      %swap3A_364 = arith.index_cast %add3A_344 : i32 to index
      %swap3A_365 = arith.constant 16 : index
      %swap3A_366 = tpu.vector_load %arg12[%swap3A_364, %swap3A_365] {strides = array<i32>} : memref<400x64xf32, #tpu.memory_space<vmem>>, vector<1x16xf32>,
      %swap3A_367 = vector.shape_cast %swap3A_366 : vector<1x16xf32> to vector<16xf32>
      %swap3A_368 = vector.shape_cast %mul3A_363 : vector<16xf32> to vector<1x16xf32>
      tpu.vector_store %arg12[%swap3A_364, %swap3A_365], %swap3A_368 {strides = array<i32>} : memref<400x64xf32, #tpu.memory_space<vmem>>, vector<1x16xf32>,
      %get3A_369 = arith.index_cast %add3A_344 : i32 to index
      %get3A_370 = arith.constant 0 : index
      %get3A_371 = tpu.vector_load %arg10[%get3A_369, %get3A_370] {strides = array<i32>} : memref<400x32xf32, #tpu.memory_space<vmem>>, vector<1x16xf32>,
      %get3A_372 = vector.shape_cast %get3A_371 : vector<1x16xf32> to vector<16xf32>
      %mul3A_373 = arith.constant 8.000000e+00 : f32
      %mul3A_374 = vector.broadcast %mul3A_373 : f32 to vector<16xf32>
      %mul3A_375 = arith.mulf %get3A_372, %mul3A_374 : vector<16xf32>
      %swap3A_376 = arith.index_cast %add3A_344 : i32 to index
      %swap3A_377 = arith.constant 32 : index
      %swap3A_378 = tpu.vector_load %arg12[%swap3A_376, %swap3A_377] {strides = array<i32>} : memref<400x64xf32, #tpu.memory_space<vmem>>, vector<1x16xf32>,
      %swap3A_379 = vector.shape_cast %swap3A_378 : vector<1x16xf32> to vector<16xf32>
      %swap3A_380 = vector.shape_cast %mul3A_375 : vector<16xf32> to vector<1x16xf32>
      tpu.vector_store %arg12[%swap3A_376, %swap3A_377], %swap3A_380 {strides = array<i32>} : memref<400x64xf32, #tpu.memory_space<vmem>>, vector<1x16xf32>,
      %get3A_381 = arith.index_cast %add3A_344 : i32 to index
      %get3A_382 = arith.constant 16 : index
      %get3A_383 = tpu.vector_load %arg10[%get3A_381, %get3A_382] {strides = array<i32>} : memref<400x32xf32, #tpu.memory_space<vmem>>, vector<1x16xf32>,
      %get3A_384 = vector.shape_cast %get3A_383 : vector<1x16xf32> to vector<16xf32>
      %mul3A_385 = arith.constant 8.000000e+00 : f32
      %mul3A_386 = vector.broadcast %mul3A_385 : f32 to vector<16xf32>
      %mul3A_387 = arith.mulf %get3A_384, %mul3A_386 : vector<16xf32>
      %swap3A_388 = arith.index_cast %add3A_344 : i32 to index
      %swap3A_389 = arith.constant 48 : index
      %swap3A_390 = tpu.vector_load %arg12[%swap3A_388, %swap3A_389] {strides = array<i32>} : memref<400x64xf32, #tpu.memory_space<vmem>>, vector<1x16xf32>,
      %swap3A_391 = vector.shape_cast %swap3A_390 : vector<1x16xf32> to vector<16xf32>
      %swap3A_392 = vector.shape_cast %mul3A_387 : vector<16xf32> to vector<1x16xf32>
      tpu.vector_store %arg12[%swap3A_388, %swap3A_389], %swap3A_392 {strides = array<i32>} : memref<400x64xf32, #tpu.memory_space<vmem>>, vector<1x16xf32>,
      %mul3A_393 = arith.constant 8 : i32
      %mul3A_394 = arith.muli %scan3A_134, %mul3A_393 : i32
      %add3A_395 = arith.constant 5 : i32
      %add3A_396 = arith.addi %mul3A_394, %add3A_395 : i32
      %get3A_397 = arith.index_cast %add3A_396 : i32 to index
      %get3A_398 = arith.constant 0 : index
      %get3A_399 = tpu.vector_load %arg8[%get3A_397, %get3A_398] {strides = array<i32>} : memref<400x32xf32, #tpu.memory_space<vmem>>, vector<1x16xf32>,
      %get3A_400 = vector.shape_cast %get3A_399 : vector<1x16xf32> to vector<16xf32>
      %mul3A_401 = arith.constant 8.000000e+00 : f32
      %mul3A_402 = vector.broadcast %mul3A_401 : f32 to vector<16xf32>
      %mul3A_403 = arith.mulf %get3A_400, %mul3A_402 : vector<16xf32>
      %swap3A_404 = arith.index_cast %add3A_396 : i32 to index
      %swap3A_405 = arith.constant 0 : index
      %swap3A_406 = tpu.vector_load %arg12[%swap3A_404, %swap3A_405] {strides = array<i32>} : memref<400x64xf32, #tpu.memory_space<vmem>>, vector<1x16xf32>,
      %swap3A_407 = vector.shape_cast %swap3A_406 : vector<1x16xf32> to vector<16xf32>
      %swap3A_408 = vector.shape_cast %mul3A_403 : vector<16xf32> to vector<1x16xf32>
      tpu.vector_store %arg12[%swap3A_404, %swap3A_405], %swap3A_408 {strides = array<i32>} : memref<400x64xf32, #tpu.memory_space<vmem>>, vector<1x16xf32>,
      %get3A_409 = arith.index_cast %add3A_396 : i32 to index
      %get3A_410 = arith.constant 16 : index
      %get3A_411 = tpu.vector_load %arg8[%get3A_409, %get3A_410] {strides = array<i32>} : memref<400x32xf32, #tpu.memory_space<vmem>>, vector<1x16xf32>,
      %get3A_412 = vector.shape_cast %get3A_411 : vector<1x16xf32> to vector<16xf32>
      %mul3A_413 = arith.constant 8.000000e+00 : f32
      %mul3A_414 = vector.broadcast %mul3A_413 : f32 to vector<16xf32>
      %mul3A_415 = arith.mulf %get3A_412, %mul3A_414 : vector<16xf32>
      %swap3A_416 = arith.index_cast %add3A_396 : i32 to index
      %swap3A_417 = arith.constant 16 : index
      %swap3A_418 = tpu.vector_load %arg12[%swap3A_416, %swap3A_417] {strides = array<i32>} : memref<400x64xf32, #tpu.memory_space<vmem>>, vector<1x16xf32>,
      %swap3A_419 = vector.shape_cast %swap3A_418 : vector<1x16xf32> to vector<16xf32>
      %swap3A_420 = vector.shape_cast %mul3A_415 : vector<16xf32> to vector<1x16xf32>
      tpu.vector_store %arg12[%swap3A_416, %swap3A_417], %swap3A_420 {strides = array<i32>} : memref<400x64xf32, #tpu.memory_space<vmem>>, vector<1x16xf32>,
      %get3A_421 = arith.index_cast %add3A_396 : i32 to index
      %get3A_422 = arith.constant 0 : index
      %get3A_423 = tpu.vector_load %arg10[%get3A_421, %get3A_422] {strides = array<i32>} : memref<400x32xf32, #tpu.memory_space<vmem>>, vector<1x16xf32>,
      %get3A_424 = vector.shape_cast %get3A_423 : vector<1x16xf32> to vector<16xf32>
      %mul3A_425 = arith.constant 8.000000e+00 : f32
      %mul3A_426 = vector.broadcast %mul3A_425 : f32 to vector<16xf32>
      %mul3A_427 = arith.mulf %get3A_424, %mul3A_426 : vector<16xf32>
      %swap3A_428 = arith.index_cast %add3A_396 : i32 to index
      %swap3A_429 = arith.constant 32 : index
      %swap3A_430 = tpu.vector_load %arg12[%swap3A_428, %swap3A_429] {strides = array<i32>} : memref<400x64xf32, #tpu.memory_space<vmem>>, vector<1x16xf32>,
      %swap3A_431 = vector.shape_cast %swap3A_430 : vector<1x16xf32> to vector<16xf32>
      %swap3A_432 = vector.shape_cast %mul3A_427 : vector<16xf32> to vector<1x16xf32>
      tpu.vector_store %arg12[%swap3A_428, %swap3A_429], %swap3A_432 {strides = array<i32>} : memref<400x64xf32, #tpu.memory_space<vmem>>, vector<1x16xf32>,
      %get3A_433 = arith.index_cast %add3A_396 : i32 to index
      %get3A_434 = arith.constant 16 : index
      %get3A_435 = tpu.vector_load %arg10[%get3A_433, %get3A_434] {strides = array<i32>} : memref<400x32xf32, #tpu.memory_space<vmem>>, vector<1x16xf32>,
      %get3A_436 = vector.shape_cast %get3A_435 : vector<1x16xf32> to vector<16xf32>
      %mul3A_437 = arith.constant 8.000000e+00 : f32
      %mul3A_438 = vector.broadcast %mul3A_437 : f32 to vector<16xf32>
      %mul3A_439 = arith.mulf %get3A_436, %mul3A_438 : vector<16xf32>
      %swap3A_440 = arith.index_cast %add3A_396 : i32 to index
      %swap3A_441 = arith.constant 48 : index
      %swap3A_442 = tpu.vector_load %arg12[%swap3A_440, %swap3A_441] {strides = array<i32>} : memref<400x64xf32, #tpu.memory_space<vmem>>, vector<1x16xf32>,
      %swap3A_443 = vector.shape_cast %swap3A_442 : vector<1x16xf32> to vector<16xf32>
      %swap3A_444 = vector.shape_cast %mul3A_439 : vector<16xf32> to vector<1x16xf32>
      tpu.vector_store %arg12[%swap3A_440, %swap3A_441], %swap3A_444 {strides = array<i32>} : memref<400x64xf32, #tpu.memory_space<vmem>>, vector<1x16xf32>,
      %mul3A_445 = arith.constant 8 : i32
      %mul3A_446 = arith.muli %scan3A_134, %mul3A_445 : i32
      %add3A_447 = arith.constant 6 : i32
      %add3A_448 = arith.addi %mul3A_446, %add3A_447 : i32
      %get3A_449 = arith.index_cast %add3A_448 : i32 to index
      %get3A_450 = arith.constant 0 : index
      %get3A_451 = tpu.vector_load %arg8[%get3A_449, %get3A_450] {strides = array<i32>} : memref<400x32xf32, #tpu.memory_space<vmem>>, vector<1x16xf32>,
      %get3A_452 = vector.shape_cast %get3A_451 : vector<1x16xf32> to vector<16xf32>
      %mul3A_453 = arith.constant 8.000000e+00 : f32
      %mul3A_454 = vector.broadcast %mul3A_453 : f32 to vector<16xf32>
      %mul3A_455 = arith.mulf %get3A_452, %mul3A_454 : vector<16xf32>
      %swap3A_456 = arith.index_cast %add3A_448 : i32 to index
      %swap3A_457 = arith.constant 0 : index
      %swap3A_458 = tpu.vector_load %arg12[%swap3A_456, %swap3A_457] {strides = array<i32>} : memref<400x64xf32, #tpu.memory_space<vmem>>, vector<1x16xf32>,
      %swap3A_459 = vector.shape_cast %swap3A_458 : vector<1x16xf32> to vector<16xf32>
      %swap3A_460 = vector.shape_cast %mul3A_455 : vector<16xf32> to vector<1x16xf32>
      tpu.vector_store %arg12[%swap3A_456, %swap3A_457], %swap3A_460 {strides = array<i32>} : memref<400x64xf32, #tpu.memory_space<vmem>>, vector<1x16xf32>,
      %get3A_461 = arith.index_cast %add3A_448 : i32 to index
      %get3A_462 = arith.constant 16 : index
      %get3A_463 = tpu.vector_load %arg8[%get3A_461, %get3A_462] {strides = array<i32>} : memref<400x32xf32, #tpu.memory_space<vmem>>, vector<1x16xf32>,
      %get3A_464 = vector.shape_cast %get3A_463 : vector<1x16xf32> to vector<16xf32>
      %mul3A_465 = arith.constant 8.000000e+00 : f32
      %mul3A_466 = vector.broadcast %mul3A_465 : f32 to vector<16xf32>
      %mul3A_467 = arith.mulf %get3A_464, %mul3A_466 : vector<16xf32>
      %swap3A_468 = arith.index_cast %add3A_448 : i32 to index
      %swap3A_469 = arith.constant 16 : index
      %swap3A_470 = tpu.vector_load %arg12[%swap3A_468, %swap3A_469] {strides = array<i32>} : memref<400x64xf32, #tpu.memory_space<vmem>>, vector<1x16xf32>,
      %swap3A_471 = vector.shape_cast %swap3A_470 : vector<1x16xf32> to vector<16xf32>
      %swap3A_472 = vector.shape_cast %mul3A_467 : vector<16xf32> to vector<1x16xf32>
      tpu.vector_store %arg12[%swap3A_468, %swap3A_469], %swap3A_472 {strides = array<i32>} : memref<400x64xf32, #tpu.memory_space<vmem>>, vector<1x16xf32>,
      %get3A_473 = arith.index_cast %add3A_448 : i32 to index
      %get3A_474 = arith.constant 0 : index
      %get3A_475 = tpu.vector_load %arg10[%get3A_473, %get3A_474] {strides = array<i32>} : memref<400x32xf32, #tpu.memory_space<vmem>>, vector<1x16xf32>,
      %get3A_476 = vector.shape_cast %get3A_475 : vector<1x16xf32> to vector<16xf32>
      %mul3A_477 = arith.constant 8.000000e+00 : f32
      %mul3A_478 = vector.broadcast %mul3A_477 : f32 to vector<16xf32>
      %mul3A_479 = arith.mulf %get3A_476, %mul3A_478 : vector<16xf32>
      %swap3A_480 = arith.index_cast %add3A_448 : i32 to index
      %swap3A_481 = arith.constant 32 : index
      %swap3A_482 = tpu.vector_load %arg12[%swap3A_480, %swap3A_481] {strides = array<i32>} : memref<400x64xf32, #tpu.memory_space<vmem>>, vector<1x16xf32>,
      %swap3A_483 = vector.shape_cast %swap3A_482 : vector<1x16xf32> to vector<16xf32>
      %swap3A_484 = vector.shape_cast %mul3A_479 : vector<16xf32> to vector<1x16xf32>
      tpu.vector_store %arg12[%swap3A_480, %swap3A_481], %swap3A_484 {strides = array<i32>} : memref<400x64xf32, #tpu.memory_space<vmem>>, vector<1x16xf32>,
      %get3A_485 = arith.index_cast %add3A_448 : i32 to index
      %get3A_486 = arith.constant 16 : index
      %get3A_487 = tpu.vector_load %arg10[%get3A_485, %get3A_486] {strides = array<i32>} : memref<400x32xf32, #tpu.memory_space<vmem>>, vector<1x16xf32>,
      %get3A_488 = vector.shape_cast %get3A_487 : vector<1x16xf32> to vector<16xf32>
      %mul3A_489 = arith.constant 8.000000e+00 : f32
      %mul3A_490 = vector.broadcast %mul3A_489 : f32 to vector<16xf32>
      %mul3A_491 = arith.mulf %get3A_488, %mul3A_490 : vector<16xf32>
      %swap3A_492 = arith.index_cast %add3A_448 : i32 to index
      %swap3A_493 = arith.constant 48 : index
      %swap3A_494 = tpu.vector_load %arg12[%swap3A_492, %swap3A_493] {strides = array<i32>} : memref<400x64xf32, #tpu.memory_space<vmem>>, vector<1x16xf32>,
      %swap3A_495 = vector.shape_cast %swap3A_494 : vector<1x16xf32> to vector<16xf32>
      %swap3A_496 = vector.shape_cast %mul3A_491 : vector<16xf32> to vector<1x16xf32>
      tpu.vector_store %arg12[%swap3A_492, %swap3A_493], %swap3A_496 {strides = array<i32>} : memref<400x64xf32, #tpu.memory_space<vmem>>, vector<1x16xf32>,
      %mul3A_497 = arith.constant 8 : i32
      %mul3A_498 = arith.muli %scan3A_134, %mul3A_497 : i32
      %add3A_499 = arith.constant 7 : i32
      %add3A_500 = arith.addi %mul3A_498, %add3A_499 : i32
      %get3A_501 = arith.index_cast %add3A_500 : i32 to index
      %get3A_502 = arith.constant 0 : index
      %get3A_503 = tpu.vector_load %arg8[%get3A_501, %get3A_502] {strides = array<i32>} : memref<400x32xf32, #tpu.memory_space<vmem>>, vector<1x16xf32>,
      %get3A_504 = vector.shape_cast %get3A_503 : vector<1x16xf32> to vector<16xf32>
      %mul3A_505 = arith.constant 8.000000e+00 : f32
      %mul3A_506 = vector.broadcast %mul3A_505 : f32 to vector<16xf32>
      %mul3A_507 = arith.mulf %get3A_504, %mul3A_506 : vector<16xf32>
      %swap3A_508 = arith.index_cast %add3A_500 : i32 to index
      %swap3A_509 = arith.constant 0 : index
      %swap3A_510 = tpu.vector_load %arg12[%swap3A_508, %swap3A_509] {strides = array<i32>} : memref<400x64xf32, #tpu.memory_space<vmem>>, vector<1x16xf32>,
      %swap3A_511 = vector.shape_cast %swap3A_510 : vector<1x16xf32> to vector<16xf32>
      %swap3A_512 = vector.shape_cast %mul3A_507 : vector<16xf32> to vector<1x16xf32>
      tpu.vector_store %arg12[%swap3A_508, %swap3A_509], %swap3A_512 {strides = array<i32>} : memref<400x64xf32, #tpu.memory_space<vmem>>, vector<1x16xf32>,
      %get3A_513 = arith.index_cast %add3A_500 : i32 to index
      %get3A_514 = arith.constant 16 : index
      %get3A_515 = tpu.vector_load %arg8[%get3A_513, %get3A_514] {strides = array<i32>} : memref<400x32xf32, #tpu.memory_space<vmem>>, vector<1x16xf32>,
      %get3A_516 = vector.shape_cast %get3A_515 : vector<1x16xf32> to vector<16xf32>
      %mul3A_517 = arith.constant 8.000000e+00 : f32
      %mul3A_518 = vector.broadcast %mul3A_517 : f32 to vector<16xf32>
      %mul3A_519 = arith.mulf %get3A_516, %mul3A_518 : vector<16xf32>
      %swap3A_520 = arith.index_cast %add3A_500 : i32 to index
      %swap3A_521 = arith.constant 16 : index
      %swap3A_522 = tpu.vector_load %arg12[%swap3A_520, %swap3A_521] {strides = array<i32>} : memref<400x64xf32, #tpu.memory_space<vmem>>, vector<1x16xf32>,
      %swap3A_523 = vector.shape_cast %swap3A_522 : vector<1x16xf32> to vector<16xf32>
      %swap3A_524 = vector.shape_cast %mul3A_519 : vector<16xf32> to vector<1x16xf32>
      tpu.vector_store %arg12[%swap3A_520, %swap3A_521], %swap3A_524 {strides = array<i32>} : memref<400x64xf32, #tpu.memory_space<vmem>>, vector<1x16xf32>,
      %get3A_525 = arith.index_cast %add3A_500 : i32 to index
      %get3A_526 = arith.constant 0 : index
      %get3A_527 = tpu.vector_load %arg10[%get3A_525, %get3A_526] {strides = array<i32>} : memref<400x32xf32, #tpu.memory_space<vmem>>, vector<1x16xf32>,
      %get3A_528 = vector.shape_cast %get3A_527 : vector<1x16xf32> to vector<16xf32>
      %mul3A_529 = arith.constant 8.000000e+00 : f32
      %mul3A_530 = vector.broadcast %mul3A_529 : f32 to vector<16xf32>
      %mul3A_531 = arith.mulf %get3A_528, %mul3A_530 : vector<16xf32>
      %swap3A_532 = arith.index_cast %add3A_500 : i32 to index
      %swap3A_533 = arith.constant 32 : index
      %swap3A_534 = tpu.vector_load %arg12[%swap3A_532, %swap3A_533] {strides = array<i32>} : memref<400x64xf32, #tpu.memory_space<vmem>>, vector<1x16xf32>,
      %swap3A_535 = vector.shape_cast %swap3A_534 : vector<1x16xf32> to vector<16xf32>
      %swap3A_536 = vector.shape_cast %mul3A_531 : vector<16xf32> to vector<1x16xf32>
      tpu.vector_store %arg12[%swap3A_532, %swap3A_533], %swap3A_536 {strides = array<i32>} : memref<400x64xf32, #tpu.memory_space<vmem>>, vector<1x16xf32>,
      %get3A_537 = arith.index_cast %add3A_500 : i32 to index
      %get3A_538 = arith.constant 16 : index
      %get3A_539 = tpu.vector_load %arg10[%get3A_537, %get3A_538] {strides = array<i32>} : memref<400x32xf32, #tpu.memory_space<vmem>>, vector<1x16xf32>,
      %get3A_540 = vector.shape_cast %get3A_539 : vector<1x16xf32> to vector<16xf32>
      %mul3A_541 = arith.constant 8.000000e+00 : f32
      %mul3A_542 = vector.broadcast %mul3A_541 : f32 to vector<16xf32>
      %mul3A_543 = arith.mulf %get3A_540, %mul3A_542 : vector<16xf32>
      %swap3A_544 = arith.index_cast %add3A_500 : i32 to index
      %swap3A_545 = arith.constant 48 : index
      %swap3A_546 = tpu.vector_load %arg12[%swap3A_544, %swap3A_545] {strides = array<i32>} : memref<400x64xf32, #tpu.memory_space<vmem>>, vector<1x16xf32>,
      %swap3A_547 = vector.shape_cast %swap3A_546 : vector<1x16xf32> to vector<16xf32>
      %swap3A_548 = vector.shape_cast %mul3A_543 : vector<16xf32> to vector<1x16xf32>
      tpu.vector_store %arg12[%swap3A_544, %swap3A_545], %swap3A_548 {strides = array<i32>} : memref<400x64xf32, #tpu.memory_space<vmem>>, vector<1x16xf32>,
    }
    %scan3A_91 = arith.constant 50 : i32
    %add3A_92 = arith.constant 24800 : i32
    %add3A_93 = arith.addi %mul3A_2, %add3A_92 : i32
    %dma_start3A_94 = arith.constant 0 : i32
    %dma_start3A_95 = tpu.memref_slice %arg5[%add3A_93, %dma_start3A_94] : memref<819200x64xf32, #tpu.memory_space<hbm>> -> memref<400x64xf32, #tpu.memory_space<hbm>>
    %dma_start3A_96 = arith.constant 0 : i32
    %dma_start3A_97 = tpu.memref_slice %arg5[%add3A_93, %dma_start3A_96] : memref<819200x64xf32, #tpu.memory_space<hbm>> -> memref<400x64xf32, #tpu.memory_space<hbm>>
    tpu.enqueue_dma source(%arg12 : memref<400x64xf32, #tpu.memory_space<vmem>>) target(%dma_start3A_97 : memref<400x64xf32, #tpu.memory_space<hbm>>) target_semaphore(%arg16 : memref<!tpu.dma_semaphore, #tpu.memory_space<semaphore_mem>>)
    %dma_wait3A_98 = arith.constant 0 : i32
    %dma_wait3A_99 = arith.constant 0 : i32
    %dma_wait3A_100 = tpu.memref_slice %arg3[%dma_wait3A_98, %dma_wait3A_99] : memref<1000000x32xf32, #tpu.memory_space<hbm>> -> memref<1000000x32xf32, #tpu.memory_space<hbm>>
    tpu.wait_indirect_dma semaphore(%arg15 : memref<!tpu.dma_semaphore, #tpu.memory_space<semaphore_mem>>) src(%dma_wait3A_100 : memref<1000000x32xf32, #tpu.memory_space<hbm>>) dst(%arg9 : memref<400x32xf32, #tpu.memory_space<vmem>>)
    %dma_wait3A_101 = arith.constant 0 : i32
    %dma_wait3A_102 = arith.constant 0 : i32
    %dma_wait3A_103 = tpu.memref_slice %arg4[%dma_wait3A_101, %dma_wait3A_102] : memref<1000000x32xf32, #tpu.memory_space<hbm>> -> memref<1000000x32xf32, #tpu.memory_space<hbm>>
    tpu.wait_indirect_dma semaphore(%arg15 : memref<!tpu.dma_semaphore, #tpu.memory_space<semaphore_mem>>) src(%dma_wait3A_103 : memref<1000000x32xf32, #tpu.memory_space<hbm>>) dst(%arg11 : memref<400x32xf32, #tpu.memory_space<vmem>>)
    %add3A_104 = arith.constant 24400 : i32
    %add3A_105 = arith.addi %mul3A_2, %add3A_104 : i32
    %dma_wait3A_106 = arith.constant 0 : i32
    %dma_wait3A_107 = tpu.memref_slice %arg5[%add3A_105, %dma_wait3A_106] : memref<819200x64xf32, #tpu.memory_space<hbm>> -> memref<400x64xf32, #tpu.memory_space<hbm>>
    %dma_wait3A_108 = arith.constant 0 : i32
    %dma_wait3A_109 = tpu.memref_slice %arg5[%add3A_105, %dma_wait3A_108] : memref<819200x64xf32, #tpu.memory_space<hbm>> -> memref<400x64xf32, #tpu.memory_space<hbm>>
    tpu.wait_dma2 semaphore(%arg17 : memref<!tpu.dma_semaphore, #tpu.memory_space<semaphore_mem>>) src(%arg13 : memref<400x64xf32, #tpu.memory_space<vmem>>) dst(%dma_wait3A_109 : memref<400x64xf32, #tpu.memory_space<hbm>>)
    %scan3A_110 = arith.constant 0 : i32
    %scan3A_111 = arith.constant 0 : i32
    %scan3A_112 = arith.constant 50 : i32
    %scan3A_113 = arith.addi %scan3A_111, %scan3A_112 : i32
    %scan3A_114 = arith.constant 1 : i32
    scf.for %scan3A_134 = %scan3A_111 to %scan3A_113 step %scan3A_114  : i32 {
      %mul3A_135 = arith.constant 8 : i32
      %mul3A_136 = arith.muli %scan3A_134, %mul3A_135 : i32
      %add3A_137 = arith.constant 0 : i32
      %add3A_138 = arith.addi %mul3A_136, %add3A_137 : i32
      %get3A = arith.index_cast %add3A_138 : i32 to index
      %get3A_139 = arith.constant 0 : index
      %get3A_140 = tpu.vector_load %arg9[%get3A, %get3A_139] {strides = array<i32>} : memref<400x32xf32, #tpu.memory_space<vmem>>, vector<1x16xf32>,
      %get3A_141 = vector.shape_cast %get3A_140 : vector<1x16xf32> to vector<16xf32>
      %mul3A_142 = arith.constant 8.000000e+00 : f32
      %mul3A_143 = vector.broadcast %mul3A_142 : f32 to vector<16xf32>
      %mul3A_144 = arith.mulf %get3A_141, %mul3A_143 : vector<16xf32>
      %swap3A = arith.index_cast %add3A_138 : i32 to index
      %swap3A_145 = arith.constant 0 : index
      %swap3A_146 = tpu.vector_load %arg13[%swap3A, %swap3A_145] {strides = array<i32>} : memref<400x64xf32, #tpu.memory_space<vmem>>, vector<1x16xf32>,
      %swap3A_147 = vector.shape_cast %swap3A_146 : vector<1x16xf32> to vector<16xf32>
      %swap3A_148 = vector.shape_cast %mul3A_144 : vector<16xf32> to vector<1x16xf32>
      tpu.vector_store %arg13[%swap3A, %swap3A_145], %swap3A_148 {strides = array<i32>} : memref<400x64xf32, #tpu.memory_space<vmem>>, vector<1x16xf32>,
      %get3A_149 = arith.index_cast %add3A_138 : i32 to index
      %get3A_150 = arith.constant 16 : index
      %get3A_151 = tpu.vector_load %arg9[%get3A_149, %get3A_150] {strides = array<i32>} : memref<400x32xf32, #tpu.memory_space<vmem>>, vector<1x16xf32>,
      %get3A_152 = vector.shape_cast %get3A_151 : vector<1x16xf32> to vector<16xf32>
      %mul3A_153 = arith.constant 8.000000e+00 : f32
      %mul3A_154 = vector.broadcast %mul3A_153 : f32 to vector<16xf32>
      %mul3A_155 = arith.mulf %get3A_152, %mul3A_154 : vector<16xf32>
      %swap3A_156 = arith.index_cast %add3A_138 : i32 to index
      %swap3A_157 = arith.constant 16 : index
      %swap3A_158 = tpu.vector_load %arg13[%swap3A_156, %swap3A_157] {strides = array<i32>} : memref<400x64xf32, #tpu.memory_space<vmem>>, vector<1x16xf32>,
      %swap3A_159 = vector.shape_cast %swap3A_158 : vector<1x16xf32> to vector<16xf32>
      %swap3A_160 = vector.shape_cast %mul3A_155 : vector<16xf32> to vector<1x16xf32>
      tpu.vector_store %arg13[%swap3A_156, %swap3A_157], %swap3A_160 {strides = array<i32>} : memref<400x64xf32, #tpu.memory_space<vmem>>, vector<1x16xf32>,
      %get3A_161 = arith.index_cast %add3A_138 : i32 to index
      %get3A_162 = arith.constant 0 : index
      %get3A_163 = tpu.vector_load %arg11[%get3A_161, %get3A_162] {strides = array<i32>} : memref<400x32xf32, #tpu.memory_space<vmem>>, vector<1x16xf32>,
      %get3A_164 = vector.shape_cast %get3A_163 : vector<1x16xf32> to vector<16xf32>
      %mul3A_165 = arith.constant 8.000000e+00 : f32
      %mul3A_166 = vector.broadcast %mul3A_165 : f32 to vector<16xf32>
      %mul3A_167 = arith.mulf %get3A_164, %mul3A_166 : vector<16xf32>
      %swap3A_168 = arith.index_cast %add3A_138 : i32 to index
      %swap3A_169 = arith.constant 32 : index
      %swap3A_170 = tpu.vector_load %arg13[%swap3A_168, %swap3A_169] {strides = array<i32>} : memref<400x64xf32, #tpu.memory_space<vmem>>, vector<1x16xf32>,
      %swap3A_171 = vector.shape_cast %swap3A_170 : vector<1x16xf32> to vector<16xf32>
      %swap3A_172 = vector.shape_cast %mul3A_167 : vector<16xf32> to vector<1x16xf32>
      tpu.vector_store %arg13[%swap3A_168, %swap3A_169], %swap3A_172 {strides = array<i32>} : memref<400x64xf32, #tpu.memory_space<vmem>>, vector<1x16xf32>,
      %get3A_173 = arith.index_cast %add3A_138 : i32 to index
      %get3A_174 = arith.constant 16 : index
      %get3A_175 = tpu.vector_load %arg11[%get3A_173, %get3A_174] {strides = array<i32>} : memref<400x32xf32, #tpu.memory_space<vmem>>, vector<1x16xf32>,
      %get3A_176 = vector.shape_cast %get3A_175 : vector<1x16xf32> to vector<16xf32>
      %mul3A_177 = arith.constant 8.000000e+00 : f32
      %mul3A_178 = vector.broadcast %mul3A_177 : f32 to vector<16xf32>
      %mul3A_179 = arith.mulf %get3A_176, %mul3A_178 : vector<16xf32>
      %swap3A_180 = arith.index_cast %add3A_138 : i32 to index
      %swap3A_181 = arith.constant 48 : index
      %swap3A_182 = tpu.vector_load %arg13[%swap3A_180, %swap3A_181] {strides = array<i32>} : memref<400x64xf32, #tpu.memory_space<vmem>>, vector<1x16xf32>,
      %swap3A_183 = vector.shape_cast %swap3A_182 : vector<1x16xf32> to vector<16xf32>
      %swap3A_184 = vector.shape_cast %mul3A_179 : vector<16xf32> to vector<1x16xf32>
      tpu.vector_store %arg13[%swap3A_180, %swap3A_181], %swap3A_184 {strides = array<i32>} : memref<400x64xf32, #tpu.memory_space<vmem>>, vector<1x16xf32>,
      %mul3A_185 = arith.constant 8 : i32
      %mul3A_186 = arith.muli %scan3A_134, %mul3A_185 : i32
      %add3A_187 = arith.constant 1 : i32
      %add3A_188 = arith.addi %mul3A_186, %add3A_187 : i32
      %get3A_189 = arith.index_cast %add3A_188 : i32 to index
      %get3A_190 = arith.constant 0 : index
      %get3A_191 = tpu.vector_load %arg9[%get3A_189, %get3A_190] {strides = array<i32>} : memref<400x32xf32, #tpu.memory_space<vmem>>, vector<1x16xf32>,
      %get3A_192 = vector.shape_cast %get3A_191 : vector<1x16xf32> to vector<16xf32>
      %mul3A_193 = arith.constant 8.000000e+00 : f32
      %mul3A_194 = vector.broadcast %mul3A_193 : f32 to vector<16xf32>
      %mul3A_195 = arith.mulf %get3A_192, %mul3A_194 : vector<16xf32>
      %swap3A_196 = arith.index_cast %add3A_188 : i32 to index
      %swap3A_197 = arith.constant 0 : index
      %swap3A_198 = tpu.vector_load %arg13[%swap3A_196, %swap3A_197] {strides = array<i32>} : memref<400x64xf32, #tpu.memory_space<vmem>>, vector<1x16xf32>,
      %swap3A_199 = vector.shape_cast %swap3A_198 : vector<1x16xf32> to vector<16xf32>
      %swap3A_200 = vector.shape_cast %mul3A_195 : vector<16xf32> to vector<1x16xf32>
      tpu.vector_store %arg13[%swap3A_196, %swap3A_197], %swap3A_200 {strides = array<i32>} : memref<400x64xf32, #tpu.memory_space<vmem>>, vector<1x16xf32>,
      %get3A_201 = arith.index_cast %add3A_188 : i32 to index
      %get3A_202 = arith.constant 16 : index
      %get3A_203 = tpu.vector_load %arg9[%get3A_201, %get3A_202] {strides = array<i32>} : memref<400x32xf32, #tpu.memory_space<vmem>>, vector<1x16xf32>,
      %get3A_204 = vector.shape_cast %get3A_203 : vector<1x16xf32> to vector<16xf32>
      %mul3A_205 = arith.constant 8.000000e+00 : f32
      %mul3A_206 = vector.broadcast %mul3A_205 : f32 to vector<16xf32>
      %mul3A_207 = arith.mulf %get3A_204, %mul3A_206 : vector<16xf32>
      %swap3A_208 = arith.index_cast %add3A_188 : i32 to index
      %swap3A_209 = arith.constant 16 : index
      %swap3A_210 = tpu.vector_load %arg13[%swap3A_208, %swap3A_209] {strides = array<i32>} : memref<400x64xf32, #tpu.memory_space<vmem>>, vector<1x16xf32>,
      %swap3A_211 = vector.shape_cast %swap3A_210 : vector<1x16xf32> to vector<16xf32>
      %swap3A_212 = vector.shape_cast %mul3A_207 : vector<16xf32> to vector<1x16xf32>
      tpu.vector_store %arg13[%swap3A_208, %swap3A_209], %swap3A_212 {strides = array<i32>} : memref<400x64xf32, #tpu.memory_space<vmem>>, vector<1x16xf32>,
      %get3A_213 = arith.index_cast %add3A_188 : i32 to index
      %get3A_214 = arith.constant 0 : index
      %get3A_215 = tpu.vector_load %arg11[%get3A_213, %get3A_214] {strides = array<i32>} : memref<400x32xf32, #tpu.memory_space<vmem>>, vector<1x16xf32>,
      %get3A_216 = vector.shape_cast %get3A_215 : vector<1x16xf32> to vector<16xf32>
      %mul3A_217 = arith.constant 8.000000e+00 : f32
      %mul3A_218 = vector.broadcast %mul3A_217 : f32 to vector<16xf32>
      %mul3A_219 = arith.mulf %get3A_216, %mul3A_218 : vector<16xf32>
      %swap3A_220 = arith.index_cast %add3A_188 : i32 to index
      %swap3A_221 = arith.constant 32 : index
      %swap3A_222 = tpu.vector_load %arg13[%swap3A_220, %swap3A_221] {strides = array<i32>} : memref<400x64xf32, #tpu.memory_space<vmem>>, vector<1x16xf32>,
      %swap3A_223 = vector.shape_cast %swap3A_222 : vector<1x16xf32> to vector<16xf32>
      %swap3A_224 = vector.shape_cast %mul3A_219 : vector<16xf32> to vector<1x16xf32>
      tpu.vector_store %arg13[%swap3A_220, %swap3A_221], %swap3A_224 {strides = array<i32>} : memref<400x64xf32, #tpu.memory_space<vmem>>, vector<1x16xf32>,
      %get3A_225 = arith.index_cast %add3A_188 : i32 to index
      %get3A_226 = arith.constant 16 : index
      %get3A_227 = tpu.vector_load %arg11[%get3A_225, %get3A_226] {strides = array<i32>} : memref<400x32xf32, #tpu.memory_space<vmem>>, vector<1x16xf32>,
      %get3A_228 = vector.shape_cast %get3A_227 : vector<1x16xf32> to vector<16xf32>
      %mul3A_229 = arith.constant 8.000000e+00 : f32
      %mul3A_230 = vector.broadcast %mul3A_229 : f32 to vector<16xf32>
      %mul3A_231 = arith.mulf %get3A_228, %mul3A_230 : vector<16xf32>
      %swap3A_232 = arith.index_cast %add3A_188 : i32 to index
      %swap3A_233 = arith.constant 48 : index
      %swap3A_234 = tpu.vector_load %arg13[%swap3A_232, %swap3A_233] {strides = array<i32>} : memref<400x64xf32, #tpu.memory_space<vmem>>, vector<1x16xf32>,
      %swap3A_235 = vector.shape_cast %swap3A_234 : vector<1x16xf32> to vector<16xf32>
      %swap3A_236 = vector.shape_cast %mul3A_231 : vector<16xf32> to vector<1x16xf32>
      tpu.vector_store %arg13[%swap3A_232, %swap3A_233], %swap3A_236 {strides = array<i32>} : memref<400x64xf32, #tpu.memory_space<vmem>>, vector<1x16xf32>,
      %mul3A_237 = arith.constant 8 : i32
      %mul3A_238 = arith.muli %scan3A_134, %mul3A_237 : i32
      %add3A_239 = arith.constant 2 : i32
      %add3A_240 = arith.addi %mul3A_238, %add3A_239 : i32
      %get3A_241 = arith.index_cast %add3A_240 : i32 to index
      %get3A_242 = arith.constant 0 : index
      %get3A_243 = tpu.vector_load %arg9[%get3A_241, %get3A_242] {strides = array<i32>} : memref<400x32xf32, #tpu.memory_space<vmem>>, vector<1x16xf32>,
      %get3A_244 = vector.shape_cast %get3A_243 : vector<1x16xf32> to vector<16xf32>
      %mul3A_245 = arith.constant 8.000000e+00 : f32
      %mul3A_246 = vector.broadcast %mul3A_245 : f32 to vector<16xf32>
      %mul3A_247 = arith.mulf %get3A_244, %mul3A_246 : vector<16xf32>
      %swap3A_248 = arith.index_cast %add3A_240 : i32 to index
      %swap3A_249 = arith.constant 0 : index
      %swap3A_250 = tpu.vector_load %arg13[%swap3A_248, %swap3A_249] {strides = array<i32>} : memref<400x64xf32, #tpu.memory_space<vmem>>, vector<1x16xf32>,
      %swap3A_251 = vector.shape_cast %swap3A_250 : vector<1x16xf32> to vector<16xf32>
      %swap3A_252 = vector.shape_cast %mul3A_247 : vector<16xf32> to vector<1x16xf32>
      tpu.vector_store %arg13[%swap3A_248, %swap3A_249], %swap3A_252 {strides = array<i32>} : memref<400x64xf32, #tpu.memory_space<vmem>>, vector<1x16xf32>,
      %get3A_253 = arith.index_cast %add3A_240 : i32 to index
      %get3A_254 = arith.constant 16 : index
      %get3A_255 = tpu.vector_load %arg9[%get3A_253, %get3A_254] {strides = array<i32>} : memref<400x32xf32, #tpu.memory_space<vmem>>, vector<1x16xf32>,
      %get3A_256 = vector.shape_cast %get3A_255 : vector<1x16xf32> to vector<16xf32>
      %mul3A_257 = arith.constant 8.000000e+00 : f32
      %mul3A_258 = vector.broadcast %mul3A_257 : f32 to vector<16xf32>
      %mul3A_259 = arith.mulf %get3A_256, %mul3A_258 : vector<16xf32>
      %swap3A_260 = arith.index_cast %add3A_240 : i32 to index
      %swap3A_261 = arith.constant 16 : index
      %swap3A_262 = tpu.vector_load %arg13[%swap3A_260, %swap3A_261] {strides = array<i32>} : memref<400x64xf32, #tpu.memory_space<vmem>>, vector<1x16xf32>,
      %swap3A_263 = vector.shape_cast %swap3A_262 : vector<1x16xf32> to vector<16xf32>
      %swap3A_264 = vector.shape_cast %mul3A_259 : vector<16xf32> to vector<1x16xf32>
      tpu.vector_store %arg13[%swap3A_260, %swap3A_261], %swap3A_264 {strides = array<i32>} : memref<400x64xf32, #tpu.memory_space<vmem>>, vector<1x16xf32>,
      %get3A_265 = arith.index_cast %add3A_240 : i32 to index
      %get3A_266 = arith.constant 0 : index
      %get3A_267 = tpu.vector_load %arg11[%get3A_265, %get3A_266] {strides = array<i32>} : memref<400x32xf32, #tpu.memory_space<vmem>>, vector<1x16xf32>,
      %get3A_268 = vector.shape_cast %get3A_267 : vector<1x16xf32> to vector<16xf32>
      %mul3A_269 = arith.constant 8.000000e+00 : f32
      %mul3A_270 = vector.broadcast %mul3A_269 : f32 to vector<16xf32>
      %mul3A_271 = arith.mulf %get3A_268, %mul3A_270 : vector<16xf32>
      %swap3A_272 = arith.index_cast %add3A_240 : i32 to index
      %swap3A_273 = arith.constant 32 : index
      %swap3A_274 = tpu.vector_load %arg13[%swap3A_272, %swap3A_273] {strides = array<i32>} : memref<400x64xf32, #tpu.memory_space<vmem>>, vector<1x16xf32>,
      %swap3A_275 = vector.shape_cast %swap3A_274 : vector<1x16xf32> to vector<16xf32>
      %swap3A_276 = vector.shape_cast %mul3A_271 : vector<16xf32> to vector<1x16xf32>
      tpu.vector_store %arg13[%swap3A_272, %swap3A_273], %swap3A_276 {strides = array<i32>} : memref<400x64xf32, #tpu.memory_space<vmem>>, vector<1x16xf32>,
      %get3A_277 = arith.index_cast %add3A_240 : i32 to index
      %get3A_278 = arith.constant 16 : index
      %get3A_279 = tpu.vector_load %arg11[%get3A_277, %get3A_278] {strides = array<i32>} : memref<400x32xf32, #tpu.memory_space<vmem>>, vector<1x16xf32>,
      %get3A_280 = vector.shape_cast %get3A_279 : vector<1x16xf32> to vector<16xf32>
      %mul3A_281 = arith.constant 8.000000e+00 : f32
      %mul3A_282 = vector.broadcast %mul3A_281 : f32 to vector<16xf32>
      %mul3A_283 = arith.mulf %get3A_280, %mul3A_282 : vector<16xf32>
      %swap3A_284 = arith.index_cast %add3A_240 : i32 to index
      %swap3A_285 = arith.constant 48 : index
      %swap3A_286 = tpu.vector_load %arg13[%swap3A_284, %swap3A_285] {strides = array<i32>} : memref<400x64xf32, #tpu.memory_space<vmem>>, vector<1x16xf32>,
      %swap3A_287 = vector.shape_cast %swap3A_286 : vector<1x16xf32> to vector<16xf32>
      %swap3A_288 = vector.shape_cast %mul3A_283 : vector<16xf32> to vector<1x16xf32>
      tpu.vector_store %arg13[%swap3A_284, %swap3A_285], %swap3A_288 {strides = array<i32>} : memref<400x64xf32, #tpu.memory_space<vmem>>, vector<1x16xf32>,
      %mul3A_289 = arith.constant 8 : i32
      %mul3A_290 = arith.muli %scan3A_134, %mul3A_289 : i32
      %add3A_291 = arith.constant 3 : i32
      %add3A_292 = arith.addi %mul3A_290, %add3A_291 : i32
      %get3A_293 = arith.index_cast %add3A_292 : i32 to index
      %get3A_294 = arith.constant 0 : index
      %get3A_295 = tpu.vector_load %arg9[%get3A_293, %get3A_294] {strides = array<i32>} : memref<400x32xf32, #tpu.memory_space<vmem>>, vector<1x16xf32>,
      %get3A_296 = vector.shape_cast %get3A_295 : vector<1x16xf32> to vector<16xf32>
      %mul3A_297 = arith.constant 8.000000e+00 : f32
      %mul3A_298 = vector.broadcast %mul3A_297 : f32 to vector<16xf32>
      %mul3A_299 = arith.mulf %get3A_296, %mul3A_298 : vector<16xf32>
      %swap3A_300 = arith.index_cast %add3A_292 : i32 to index
      %swap3A_301 = arith.constant 0 : index
      %swap3A_302 = tpu.vector_load %arg13[%swap3A_300, %swap3A_301] {strides = array<i32>} : memref<400x64xf32, #tpu.memory_space<vmem>>, vector<1x16xf32>,
      %swap3A_303 = vector.shape_cast %swap3A_302 : vector<1x16xf32> to vector<16xf32>
      %swap3A_304 = vector.shape_cast %mul3A_299 : vector<16xf32> to vector<1x16xf32>
      tpu.vector_store %arg13[%swap3A_300, %swap3A_301], %swap3A_304 {strides = array<i32>} : memref<400x64xf32, #tpu.memory_space<vmem>>, vector<1x16xf32>,
      %get3A_305 = arith.index_cast %add3A_292 : i32 to index
      %get3A_306 = arith.constant 16 : index
      %get3A_307 = tpu.vector_load %arg9[%get3A_305, %get3A_306] {strides = array<i32>} : memref<400x32xf32, #tpu.memory_space<vmem>>, vector<1x16xf32>,
      %get3A_308 = vector.shape_cast %get3A_307 : vector<1x16xf32> to vector<16xf32>
      %mul3A_309 = arith.constant 8.000000e+00 : f32
      %mul3A_310 = vector.broadcast %mul3A_309 : f32 to vector<16xf32>
      %mul3A_311 = arith.mulf %get3A_308, %mul3A_310 : vector<16xf32>
      %swap3A_312 = arith.index_cast %add3A_292 : i32 to index
      %swap3A_313 = arith.constant 16 : index
      %swap3A_314 = tpu.vector_load %arg13[%swap3A_312, %swap3A_313] {strides = array<i32>} : memref<400x64xf32, #tpu.memory_space<vmem>>, vector<1x16xf32>,
      %swap3A_315 = vector.shape_cast %swap3A_314 : vector<1x16xf32> to vector<16xf32>
      %swap3A_316 = vector.shape_cast %mul3A_311 : vector<16xf32> to vector<1x16xf32>
      tpu.vector_store %arg13[%swap3A_312, %swap3A_313], %swap3A_316 {strides = array<i32>} : memref<400x64xf32, #tpu.memory_space<vmem>>, vector<1x16xf32>,
      %get3A_317 = arith.index_cast %add3A_292 : i32 to index
      %get3A_318 = arith.constant 0 : index
      %get3A_319 = tpu.vector_load %arg11[%get3A_317, %get3A_318] {strides = array<i32>} : memref<400x32xf32, #tpu.memory_space<vmem>>, vector<1x16xf32>,
      %get3A_320 = vector.shape_cast %get3A_319 : vector<1x16xf32> to vector<16xf32>
      %mul3A_321 = arith.constant 8.000000e+00 : f32
      %mul3A_322 = vector.broadcast %mul3A_321 : f32 to vector<16xf32>
      %mul3A_323 = arith.mulf %get3A_320, %mul3A_322 : vector<16xf32>
      %swap3A_324 = arith.index_cast %add3A_292 : i32 to index
      %swap3A_325 = arith.constant 32 : index
      %swap3A_326 = tpu.vector_load %arg13[%swap3A_324, %swap3A_325] {strides = array<i32>} : memref<400x64xf32, #tpu.memory_space<vmem>>, vector<1x16xf32>,
      %swap3A_327 = vector.shape_cast %swap3A_326 : vector<1x16xf32> to vector<16xf32>
      %swap3A_328 = vector.shape_cast %mul3A_323 : vector<16xf32> to vector<1x16xf32>
      tpu.vector_store %arg13[%swap3A_324, %swap3A_325], %swap3A_328 {strides = array<i32>} : memref<400x64xf32, #tpu.memory_space<vmem>>, vector<1x16xf32>,
      %get3A_329 = arith.index_cast %add3A_292 : i32 to index
      %get3A_330 = arith.constant 16 : index
      %get3A_331 = tpu.vector_load %arg11[%get3A_329, %get3A_330] {strides = array<i32>} : memref<400x32xf32, #tpu.memory_space<vmem>>, vector<1x16xf32>,
      %get3A_332 = vector.shape_cast %get3A_331 : vector<1x16xf32> to vector<16xf32>
      %mul3A_333 = arith.constant 8.000000e+00 : f32
      %mul3A_334 = vector.broadcast %mul3A_333 : f32 to vector<16xf32>
      %mul3A_335 = arith.mulf %get3A_332, %mul3A_334 : vector<16xf32>
      %swap3A_336 = arith.index_cast %add3A_292 : i32 to index
      %swap3A_337 = arith.constant 48 : index
      %swap3A_338 = tpu.vector_load %arg13[%swap3A_336, %swap3A_337] {strides = array<i32>} : memref<400x64xf32, #tpu.memory_space<vmem>>, vector<1x16xf32>,
      %swap3A_339 = vector.shape_cast %swap3A_338 : vector<1x16xf32> to vector<16xf32>
      %swap3A_340 = vector.shape_cast %mul3A_335 : vector<16xf32> to vector<1x16xf32>
      tpu.vector_store %arg13[%swap3A_336, %swap3A_337], %swap3A_340 {strides = array<i32>} : memref<400x64xf32, #tpu.memory_space<vmem>>, vector<1x16xf32>,
      %mul3A_341 = arith.constant 8 : i32
      %mul3A_342 = arith.muli %scan3A_134, %mul3A_341 : i32
      %add3A_343 = arith.constant 4 : i32
      %add3A_344 = arith.addi %mul3A_342, %add3A_343 : i32
      %get3A_345 = arith.index_cast %add3A_344 : i32 to index
      %get3A_346 = arith.constant 0 : index
      %get3A_347 = tpu.vector_load %arg9[%get3A_345, %get3A_346] {strides = array<i32>} : memref<400x32xf32, #tpu.memory_space<vmem>>, vector<1x16xf32>,
      %get3A_348 = vector.shape_cast %get3A_347 : vector<1x16xf32> to vector<16xf32>
      %mul3A_349 = arith.constant 8.000000e+00 : f32
      %mul3A_350 = vector.broadcast %mul3A_349 : f32 to vector<16xf32>
      %mul3A_351 = arith.mulf %get3A_348, %mul3A_350 : vector<16xf32>
      %swap3A_352 = arith.index_cast %add3A_344 : i32 to index
      %swap3A_353 = arith.constant 0 : index
      %swap3A_354 = tpu.vector_load %arg13[%swap3A_352, %swap3A_353] {strides = array<i32>} : memref<400x64xf32, #tpu.memory_space<vmem>>, vector<1x16xf32>,
      %swap3A_355 = vector.shape_cast %swap3A_354 : vector<1x16xf32> to vector<16xf32>
      %swap3A_356 = vector.shape_cast %mul3A_351 : vector<16xf32> to vector<1x16xf32>
      tpu.vector_store %arg13[%swap3A_352, %swap3A_353], %swap3A_356 {strides = array<i32>} : memref<400x64xf32, #tpu.memory_space<vmem>>, vector<1x16xf32>,
      %get3A_357 = arith.index_cast %add3A_344 : i32 to index
      %get3A_358 = arith.constant 16 : index
      %get3A_359 = tpu.vector_load %arg9[%get3A_357, %get3A_358] {strides = array<i32>} : memref<400x32xf32, #tpu.memory_space<vmem>>, vector<1x16xf32>,
      %get3A_360 = vector.shape_cast %get3A_359 : vector<1x16xf32> to vector<16xf32>
      %mul3A_361 = arith.constant 8.000000e+00 : f32
      %mul3A_362 = vector.broadcast %mul3A_361 : f32 to vector<16xf32>
      %mul3A_363 = arith.mulf %get3A_360, %mul3A_362 : vector<16xf32>
      %swap3A_364 = arith.index_cast %add3A_344 : i32 to index
      %swap3A_365 = arith.constant 16 : index
      %swap3A_366 = tpu.vector_load %arg13[%swap3A_364, %swap3A_365] {strides = array<i32>} : memref<400x64xf32, #tpu.memory_space<vmem>>, vector<1x16xf32>,
      %swap3A_367 = vector.shape_cast %swap3A_366 : vector<1x16xf32> to vector<16xf32>
      %swap3A_368 = vector.shape_cast %mul3A_363 : vector<16xf32> to vector<1x16xf32>
      tpu.vector_store %arg13[%swap3A_364, %swap3A_365], %swap3A_368 {strides = array<i32>} : memref<400x64xf32, #tpu.memory_space<vmem>>, vector<1x16xf32>,
      %get3A_369 = arith.index_cast %add3A_344 : i32 to index
      %get3A_370 = arith.constant 0 : index
      %get3A_371 = tpu.vector_load %arg11[%get3A_369, %get3A_370] {strides = array<i32>} : memref<400x32xf32, #tpu.memory_space<vmem>>, vector<1x16xf32>,
      %get3A_372 = vector.shape_cast %get3A_371 : vector<1x16xf32> to vector<16xf32>
      %mul3A_373 = arith.constant 8.000000e+00 : f32
      %mul3A_374 = vector.broadcast %mul3A_373 : f32 to vector<16xf32>
      %mul3A_375 = arith.mulf %get3A_372, %mul3A_374 : vector<16xf32>
      %swap3A_376 = arith.index_cast %add3A_344 : i32 to index
      %swap3A_377 = arith.constant 32 : index
      %swap3A_378 = tpu.vector_load %arg13[%swap3A_376, %swap3A_377] {strides = array<i32>} : memref<400x64xf32, #tpu.memory_space<vmem>>, vector<1x16xf32>,
      %swap3A_379 = vector.shape_cast %swap3A_378 : vector<1x16xf32> to vector<16xf32>
      %swap3A_380 = vector.shape_cast %mul3A_375 : vector<16xf32> to vector<1x16xf32>
      tpu.vector_store %arg13[%swap3A_376, %swap3A_377], %swap3A_380 {strides = array<i32>} : memref<400x64xf32, #tpu.memory_space<vmem>>, vector<1x16xf32>,
      %get3A_381 = arith.index_cast %add3A_344 : i32 to index
      %get3A_382 = arith.constant 16 : index
      %get3A_383 = tpu.vector_load %arg11[%get3A_381, %get3A_382] {strides = array<i32>} : memref<400x32xf32, #tpu.memory_space<vmem>>, vector<1x16xf32>,
      %get3A_384 = vector.shape_cast %get3A_383 : vector<1x16xf32> to vector<16xf32>
      %mul3A_385 = arith.constant 8.000000e+00 : f32
      %mul3A_386 = vector.broadcast %mul3A_385 : f32 to vector<16xf32>
      %mul3A_387 = arith.mulf %get3A_384, %mul3A_386 : vector<16xf32>
      %swap3A_388 = arith.index_cast %add3A_344 : i32 to index
      %swap3A_389 = arith.constant 48 : index
      %swap3A_390 = tpu.vector_load %arg13[%swap3A_388, %swap3A_389] {strides = array<i32>} : memref<400x64xf32, #tpu.memory_space<vmem>>, vector<1x16xf32>,
      %swap3A_391 = vector.shape_cast %swap3A_390 : vector<1x16xf32> to vector<16xf32>
      %swap3A_392 = vector.shape_cast %mul3A_387 : vector<16xf32> to vector<1x16xf32>
      tpu.vector_store %arg13[%swap3A_388, %swap3A_389], %swap3A_392 {strides = array<i32>} : memref<400x64xf32, #tpu.memory_space<vmem>>, vector<1x16xf32>,
      %mul3A_393 = arith.constant 8 : i32
      %mul3A_394 = arith.muli %scan3A_134, %mul3A_393 : i32
      %add3A_395 = arith.constant 5 : i32
      %add3A_396 = arith.addi %mul3A_394, %add3A_395 : i32
      %get3A_397 = arith.index_cast %add3A_396 : i32 to index
      %get3A_398 = arith.constant 0 : index
      %get3A_399 = tpu.vector_load %arg9[%get3A_397, %get3A_398] {strides = array<i32>} : memref<400x32xf32, #tpu.memory_space<vmem>>, vector<1x16xf32>,
      %get3A_400 = vector.shape_cast %get3A_399 : vector<1x16xf32> to vector<16xf32>
      %mul3A_401 = arith.constant 8.000000e+00 : f32
      %mul3A_402 = vector.broadcast %mul3A_401 : f32 to vector<16xf32>
      %mul3A_403 = arith.mulf %get3A_400, %mul3A_402 : vector<16xf32>
      %swap3A_404 = arith.index_cast %add3A_396 : i32 to index
      %swap3A_405 = arith.constant 0 : index
      %swap3A_406 = tpu.vector_load %arg13[%swap3A_404, %swap3A_405] {strides = array<i32>} : memref<400x64xf32, #tpu.memory_space<vmem>>, vector<1x16xf32>,
      %swap3A_407 = vector.shape_cast %swap3A_406 : vector<1x16xf32> to vector<16xf32>
      %swap3A_408 = vector.shape_cast %mul3A_403 : vector<16xf32> to vector<1x16xf32>
      tpu.vector_store %arg13[%swap3A_404, %swap3A_405], %swap3A_408 {strides = array<i32>} : memref<400x64xf32, #tpu.memory_space<vmem>>, vector<1x16xf32>,
      %get3A_409 = arith.index_cast %add3A_396 : i32 to index
      %get3A_410 = arith.constant 16 : index
      %get3A_411 = tpu.vector_load %arg9[%get3A_409, %get3A_410] {strides = array<i32>} : memref<400x32xf32, #tpu.memory_space<vmem>>, vector<1x16xf32>,
      %get3A_412 = vector.shape_cast %get3A_411 : vector<1x16xf32> to vector<16xf32>
      %mul3A_413 = arith.constant 8.000000e+00 : f32
      %mul3A_414 = vector.broadcast %mul3A_413 : f32 to vector<16xf32>
      %mul3A_415 = arith.mulf %get3A_412, %mul3A_414 : vector<16xf32>
      %swap3A_416 = arith.index_cast %add3A_396 : i32 to index
      %swap3A_417 = arith.constant 16 : index
      %swap3A_418 = tpu.vector_load %arg13[%swap3A_416, %swap3A_417] {strides = array<i32>} : memref<400x64xf32, #tpu.memory_space<vmem>>, vector<1x16xf32>,
      %swap3A_419 = vector.shape_cast %swap3A_418 : vector<1x16xf32> to vector<16xf32>
      %swap3A_420 = vector.shape_cast %mul3A_415 : vector<16xf32> to vector<1x16xf32>
      tpu.vector_store %arg13[%swap3A_416, %swap3A_417], %swap3A_420 {strides = array<i32>} : memref<400x64xf32, #tpu.memory_space<vmem>>, vector<1x16xf32>,
      %get3A_421 = arith.index_cast %add3A_396 : i32 to index
      %get3A_422 = arith.constant 0 : index
      %get3A_423 = tpu.vector_load %arg11[%get3A_421, %get3A_422] {strides = array<i32>} : memref<400x32xf32, #tpu.memory_space<vmem>>, vector<1x16xf32>,
      %get3A_424 = vector.shape_cast %get3A_423 : vector<1x16xf32> to vector<16xf32>
      %mul3A_425 = arith.constant 8.000000e+00 : f32
      %mul3A_426 = vector.broadcast %mul3A_425 : f32 to vector<16xf32>
      %mul3A_427 = arith.mulf %get3A_424, %mul3A_426 : vector<16xf32>
      %swap3A_428 = arith.index_cast %add3A_396 : i32 to index
      %swap3A_429 = arith.constant 32 : index
      %swap3A_430 = tpu.vector_load %arg13[%swap3A_428, %swap3A_429] {strides = array<i32>} : memref<400x64xf32, #tpu.memory_space<vmem>>, vector<1x16xf32>,
      %swap3A_431 = vector.shape_cast %swap3A_430 : vector<1x16xf32> to vector<16xf32>
      %swap3A_432 = vector.shape_cast %mul3A_427 : vector<16xf32> to vector<1x16xf32>
      tpu.vector_store %arg13[%swap3A_428, %swap3A_429], %swap3A_432 {strides = array<i32>} : memref<400x64xf32, #tpu.memory_space<vmem>>, vector<1x16xf32>,
      %get3A_433 = arith.index_cast %add3A_396 : i32 to index
      %get3A_434 = arith.constant 16 : index
      %get3A_435 = tpu.vector_load %arg11[%get3A_433, %get3A_434] {strides = array<i32>} : memref<400x32xf32, #tpu.memory_space<vmem>>, vector<1x16xf32>,
      %get3A_436 = vector.shape_cast %get3A_435 : vector<1x16xf32> to vector<16xf32>
      %mul3A_437 = arith.constant 8.000000e+00 : f32
      %mul3A_438 = vector.broadcast %mul3A_437 : f32 to vector<16xf32>
      %mul3A_439 = arith.mulf %get3A_436, %mul3A_438 : vector<16xf32>
      %swap3A_440 = arith.index_cast %add3A_396 : i32 to index
      %swap3A_441 = arith.constant 48 : index
      %swap3A_442 = tpu.vector_load %arg13[%swap3A_440, %swap3A_441] {strides = array<i32>} : memref<400x64xf32, #tpu.memory_space<vmem>>, vector<1x16xf32>,
      %swap3A_443 = vector.shape_cast %swap3A_442 : vector<1x16xf32> to vector<16xf32>
      %swap3A_444 = vector.shape_cast %mul3A_439 : vector<16xf32> to vector<1x16xf32>
      tpu.vector_store %arg13[%swap3A_440, %swap3A_441], %swap3A_444 {strides = array<i32>} : memref<400x64xf32, #tpu.memory_space<vmem>>, vector<1x16xf32>,
      %mul3A_445 = arith.constant 8 : i32
      %mul3A_446 = arith.muli %scan3A_134, %mul3A_445 : i32
      %add3A_447 = arith.constant 6 : i32
      %add3A_448 = arith.addi %mul3A_446, %add3A_447 : i32
      %get3A_449 = arith.index_cast %add3A_448 : i32 to index
      %get3A_450 = arith.constant 0 : index
      %get3A_451 = tpu.vector_load %arg9[%get3A_449, %get3A_450] {strides = array<i32>} : memref<400x32xf32, #tpu.memory_space<vmem>>, vector<1x16xf32>,
      %get3A_452 = vector.shape_cast %get3A_451 : vector<1x16xf32> to vector<16xf32>
      %mul3A_453 = arith.constant 8.000000e+00 : f32
      %mul3A_454 = vector.broadcast %mul3A_453 : f32 to vector<16xf32>
      %mul3A_455 = arith.mulf %get3A_452, %mul3A_454 : vector<16xf32>
      %swap3A_456 = arith.index_cast %add3A_448 : i32 to index
      %swap3A_457 = arith.constant 0 : index
      %swap3A_458 = tpu.vector_load %arg13[%swap3A_456, %swap3A_457] {strides = array<i32>} : memref<400x64xf32, #tpu.memory_space<vmem>>, vector<1x16xf32>,
      %swap3A_459 = vector.shape_cast %swap3A_458 : vector<1x16xf32> to vector<16xf32>
      %swap3A_460 = vector.shape_cast %mul3A_455 : vector<16xf32> to vector<1x16xf32>
      tpu.vector_store %arg13[%swap3A_456, %swap3A_457], %swap3A_460 {strides = array<i32>} : memref<400x64xf32, #tpu.memory_space<vmem>>, vector<1x16xf32>,
      %get3A_461 = arith.index_cast %add3A_448 : i32 to index
      %get3A_462 = arith.constant 16 : index
      %get3A_463 = tpu.vector_load %arg9[%get3A_461, %get3A_462] {strides = array<i32>} : memref<400x32xf32, #tpu.memory_space<vmem>>, vector<1x16xf32>,
      %get3A_464 = vector.shape_cast %get3A_463 : vector<1x16xf32> to vector<16xf32>
      %mul3A_465 = arith.constant 8.000000e+00 : f32
      %mul3A_466 = vector.broadcast %mul3A_465 : f32 to vector<16xf32>
      %mul3A_467 = arith.mulf %get3A_464, %mul3A_466 : vector<16xf32>
      %swap3A_468 = arith.index_cast %add3A_448 : i32 to index
      %swap3A_469 = arith.constant 16 : index
      %swap3A_470 = tpu.vector_load %arg13[%swap3A_468, %swap3A_469] {strides = array<i32>} : memref<400x64xf32, #tpu.memory_space<vmem>>, vector<1x16xf32>,
      %swap3A_471 = vector.shape_cast %swap3A_470 : vector<1x16xf32> to vector<16xf32>
      %swap3A_472 = vector.shape_cast %mul3A_467 : vector<16xf32> to vector<1x16xf32>
      tpu.vector_store %arg13[%swap3A_468, %swap3A_469], %swap3A_472 {strides = array<i32>} : memref<400x64xf32, #tpu.memory_space<vmem>>, vector<1x16xf32>,
      %get3A_473 = arith.index_cast %add3A_448 : i32 to index
      %get3A_474 = arith.constant 0 : index
      %get3A_475 = tpu.vector_load %arg11[%get3A_473, %get3A_474] {strides = array<i32>} : memref<400x32xf32, #tpu.memory_space<vmem>>, vector<1x16xf32>,
      %get3A_476 = vector.shape_cast %get3A_475 : vector<1x16xf32> to vector<16xf32>
      %mul3A_477 = arith.constant 8.000000e+00 : f32
      %mul3A_478 = vector.broadcast %mul3A_477 : f32 to vector<16xf32>
      %mul3A_479 = arith.mulf %get3A_476, %mul3A_478 : vector<16xf32>
      %swap3A_480 = arith.index_cast %add3A_448 : i32 to index
      %swap3A_481 = arith.constant 32 : index
      %swap3A_482 = tpu.vector_load %arg13[%swap3A_480, %swap3A_481] {strides = array<i32>} : memref<400x64xf32, #tpu.memory_space<vmem>>, vector<1x16xf32>,
      %swap3A_483 = vector.shape_cast %swap3A_482 : vector<1x16xf32> to vector<16xf32>
      %swap3A_484 = vector.shape_cast %mul3A_479 : vector<16xf32> to vector<1x16xf32>
      tpu.vector_store %arg13[%swap3A_480, %swap3A_481], %swap3A_484 {strides = array<i32>} : memref<400x64xf32, #tpu.memory_space<vmem>>, vector<1x16xf32>,
      %get3A_485 = arith.index_cast %add3A_448 : i32 to index
      %get3A_486 = arith.constant 16 : index
      %get3A_487 = tpu.vector_load %arg11[%get3A_485, %get3A_486] {strides = array<i32>} : memref<400x32xf32, #tpu.memory_space<vmem>>, vector<1x16xf32>,
      %get3A_488 = vector.shape_cast %get3A_487 : vector<1x16xf32> to vector<16xf32>
      %mul3A_489 = arith.constant 8.000000e+00 : f32
      %mul3A_490 = vector.broadcast %mul3A_489 : f32 to vector<16xf32>
      %mul3A_491 = arith.mulf %get3A_488, %mul3A_490 : vector<16xf32>
      %swap3A_492 = arith.index_cast %add3A_448 : i32 to index
      %swap3A_493 = arith.constant 48 : index
      %swap3A_494 = tpu.vector_load %arg13[%swap3A_492, %swap3A_493] {strides = array<i32>} : memref<400x64xf32, #tpu.memory_space<vmem>>, vector<1x16xf32>,
      %swap3A_495 = vector.shape_cast %swap3A_494 : vector<1x16xf32> to vector<16xf32>
      %swap3A_496 = vector.shape_cast %mul3A_491 : vector<16xf32> to vector<1x16xf32>
      tpu.vector_store %arg13[%swap3A_492, %swap3A_493], %swap3A_496 {strides = array<i32>} : memref<400x64xf32, #tpu.memory_space<vmem>>, vector<1x16xf32>,
      %mul3A_497 = arith.constant 8 : i32
      %mul3A_498 = arith.muli %scan3A_134, %mul3A_497 : i32
      %add3A_499 = arith.constant 7 : i32
      %add3A_500 = arith.addi %mul3A_498, %add3A_499 : i32
      %get3A_501 = arith.index_cast %add3A_500 : i32 to index
      %get3A_502 = arith.constant 0 : index
      %get3A_503 = tpu.vector_load %arg9[%get3A_501, %get3A_502] {strides = array<i32>} : memref<400x32xf32, #tpu.memory_space<vmem>>, vector<1x16xf32>,
      %get3A_504 = vector.shape_cast %get3A_503 : vector<1x16xf32> to vector<16xf32>
      %mul3A_505 = arith.constant 8.000000e+00 : f32
      %mul3A_506 = vector.broadcast %mul3A_505 : f32 to vector<16xf32>
      %mul3A_507 = arith.mulf %get3A_504, %mul3A_506 : vector<16xf32>
      %swap3A_508 = arith.index_cast %add3A_500 : i32 to index
      %swap3A_509 = arith.constant 0 : index
      %swap3A_510 = tpu.vector_load %arg13[%swap3A_508, %swap3A_509] {strides = array<i32>} : memref<400x64xf32, #tpu.memory_space<vmem>>, vector<1x16xf32>,
      %swap3A_511 = vector.shape_cast %swap3A_510 : vector<1x16xf32> to vector<16xf32>
      %swap3A_512 = vector.shape_cast %mul3A_507 : vector<16xf32> to vector<1x16xf32>
      tpu.vector_store %arg13[%swap3A_508, %swap3A_509], %swap3A_512 {strides = array<i32>} : memref<400x64xf32, #tpu.memory_space<vmem>>, vector<1x16xf32>,
      %get3A_513 = arith.index_cast %add3A_500 : i32 to index
      %get3A_514 = arith.constant 16 : index
      %get3A_515 = tpu.vector_load %arg9[%get3A_513, %get3A_514] {strides = array<i32>} : memref<400x32xf32, #tpu.memory_space<vmem>>, vector<1x16xf32>,
      %get3A_516 = vector.shape_cast %get3A_515 : vector<1x16xf32> to vector<16xf32>
      %mul3A_517 = arith.constant 8.000000e+00 : f32
      %mul3A_518 = vector.broadcast %mul3A_517 : f32 to vector<16xf32>
      %mul3A_519 = arith.mulf %get3A_516, %mul3A_518 : vector<16xf32>
      %swap3A_520 = arith.index_cast %add3A_500 : i32 to index
      %swap3A_521 = arith.constant 16 : index
      %swap3A_522 = tpu.vector_load %arg13[%swap3A_520, %swap3A_521] {strides = array<i32>} : memref<400x64xf32, #tpu.memory_space<vmem>>, vector<1x16xf32>,
      %swap3A_523 = vector.shape_cast %swap3A_522 : vector<1x16xf32> to vector<16xf32>
      %swap3A_524 = vector.shape_cast %mul3A_519 : vector<16xf32> to vector<1x16xf32>
      tpu.vector_store %arg13[%swap3A_520, %swap3A_521], %swap3A_524 {strides = array<i32>} : memref<400x64xf32, #tpu.memory_space<vmem>>, vector<1x16xf32>,
      %get3A_525 = arith.index_cast %add3A_500 : i32 to index
      %get3A_526 = arith.constant 0 : index
      %get3A_527 = tpu.vector_load %arg11[%get3A_525, %get3A_526] {strides = array<i32>} : memref<400x32xf32, #tpu.memory_space<vmem>>, vector<1x16xf32>,
      %get3A_528 = vector.shape_cast %get3A_527 : vector<1x16xf32> to vector<16xf32>
      %mul3A_529 = arith.constant 8.000000e+00 : f32
      %mul3A_530 = vector.broadcast %mul3A_529 : f32 to vector<16xf32>
      %mul3A_531 = arith.mulf %get3A_528, %mul3A_530 : vector<16xf32>
      %swap3A_532 = arith.index_cast %add3A_500 : i32 to index
      %swap3A_533 = arith.constant 32 : index
      %swap3A_534 = tpu.vector_load %arg13[%swap3A_532, %swap3A_533] {strides = array<i32>} : memref<400x64xf32, #tpu.memory_space<vmem>>, vector<1x16xf32>,
      %swap3A_535 = vector.shape_cast %swap3A_534 : vector<1x16xf32> to vector<16xf32>
      %swap3A_536 = vector.shape_cast %mul3A_531 : vector<16xf32> to vector<1x16xf32>
      tpu.vector_store %arg13[%swap3A_532, %swap3A_533], %swap3A_536 {strides = array<i32>} : memref<400x64xf32, #tpu.memory_space<vmem>>, vector<1x16xf32>,
      %get3A_537 = arith.index_cast %add3A_500 : i32 to index
      %get3A_538 = arith.constant 16 : index
      %get3A_539 = tpu.vector_load %arg11[%get3A_537, %get3A_538] {strides = array<i32>} : memref<400x32xf32, #tpu.memory_space<vmem>>, vector<1x16xf32>,
      %get3A_540 = vector.shape_cast %get3A_539 : vector<1x16xf32> to vector<16xf32>
      %mul3A_541 = arith.constant 8.000000e+00 : f32
      %mul3A_542 = vector.broadcast %mul3A_541 : f32 to vector<16xf32>
      %mul3A_543 = arith.mulf %get3A_540, %mul3A_542 : vector<16xf32>
      %swap3A_544 = arith.index_cast %add3A_500 : i32 to index
      %swap3A_545 = arith.constant 48 : index
      %swap3A_546 = tpu.vector_load %arg13[%swap3A_544, %swap3A_545] {strides = array<i32>} : memref<400x64xf32, #tpu.memory_space<vmem>>, vector<1x16xf32>,
      %swap3A_547 = vector.shape_cast %swap3A_546 : vector<1x16xf32> to vector<16xf32>
      %swap3A_548 = vector.shape_cast %mul3A_543 : vector<16xf32> to vector<1x16xf32>
      tpu.vector_store %arg13[%swap3A_544, %swap3A_545], %swap3A_548 {strides = array<i32>} : memref<400x64xf32, #tpu.memory_space<vmem>>, vector<1x16xf32>,
    }
    %scan3A_115 = arith.constant 50 : i32
    %add3A_116 = arith.constant 25200 : i32
    %add3A_117 = arith.addi %mul3A_2, %add3A_116 : i32
    %dma_start3A_118 = arith.constant 0 : i32
    %dma_start3A_119 = tpu.memref_slice %arg5[%add3A_117, %dma_start3A_118] : memref<819200x64xf32, #tpu.memory_space<hbm>> -> memref<400x64xf32, #tpu.memory_space<hbm>>
    %dma_start3A_120 = arith.constant 0 : i32
    %dma_start3A_121 = tpu.memref_slice %arg5[%add3A_117, %dma_start3A_120] : memref<819200x64xf32, #tpu.memory_space<hbm>> -> memref<400x64xf32, #tpu.memory_space<hbm>>
    tpu.enqueue_dma source(%arg13 : memref<400x64xf32, #tpu.memory_space<vmem>>) target(%dma_start3A_121 : memref<400x64xf32, #tpu.memory_space<hbm>>) target_semaphore(%arg17 : memref<!tpu.dma_semaphore, #tpu.memory_space<semaphore_mem>>)
    %add3A_122 = arith.constant 24800 : i32
    %add3A_123 = arith.addi %mul3A_2, %add3A_122 : i32
    %dma_wait3A_124 = arith.constant 0 : i32
    %dma_wait3A_125 = tpu.memref_slice %arg5[%add3A_123, %dma_wait3A_124] : memref<819200x64xf32, #tpu.memory_space<hbm>> -> memref<400x64xf32, #tpu.memory_space<hbm>>
    %dma_wait3A_126 = arith.constant 0 : i32
    %dma_wait3A_127 = tpu.memref_slice %arg5[%add3A_123, %dma_wait3A_126] : memref<819200x64xf32, #tpu.memory_space<hbm>> -> memref<400x64xf32, #tpu.memory_space<hbm>>
    tpu.wait_dma2 semaphore(%arg16 : memref<!tpu.dma_semaphore, #tpu.memory_space<semaphore_mem>>) src(%arg12 : memref<400x64xf32, #tpu.memory_space<vmem>>) dst(%dma_wait3A_127 : memref<400x64xf32, #tpu.memory_space<hbm>>)
    %add3A_128 = arith.constant 25200 : i32
    %add3A_129 = arith.addi %mul3A_2, %add3A_128 : i32
    %dma_wait3A_130 = arith.constant 0 : i32
    %dma_wait3A_131 = tpu.memref_slice %arg5[%add3A_129, %dma_wait3A_130] : memref<819200x64xf32, #tpu.memory_space<hbm>> -> memref<400x64xf32, #tpu.memory_space<hbm>>
    %dma_wait3A_132 = arith.constant 0 : i32
    %dma_wait3A_133 = tpu.memref_slice %arg5[%add3A_129, %dma_wait3A_132] : memref<819200x64xf32, #tpu.memory_space<hbm>> -> memref<400x64xf32, #tpu.memory_space<hbm>>
    tpu.wait_dma2 semaphore(%arg17 : memref<!tpu.dma_semaphore, #tpu.memory_space<semaphore_mem>>) src(%arg13 : memref<400x64xf32, #tpu.memory_space<vmem>>) dst(%dma_wait3A_133 : memref<400x64xf32, #tpu.memory_space<hbm>>)
    return
  }
}

</mosaic_0001>

<sc_bundles>
// kernel: _embed.3.cloned.1.call-start
scs
__scs_entry_jumppad:
0x0: {  	(pc) =	sbr.rel $0x88, $3  }
0x1: {  	(tag) =	ssettag $0x0;
	lr =	simm.s32 $0x1  }
0x2: {  	[smem:$0x3F9E] =	sst lr;
	_ =	strace $0xD0000000  }
0x3: {  	_ = 	snop  }
0x4: {  	_ = 	snop  }
0x5: {  	_ = 	snop  }
0x6: {  	_ = 	snop  }
0x7: {  	_ = 	snop  }
__scs_overlays_trampoline_lowered:
0x8: {  	[smem:$0x3FAD] =	sst s0  }
0x9: {  	[smem:$0x3FAE] =	sst s1  }
0xa: {  	[smem:$0x3FAF] =	sst s2  }
0xb: {  	[smem:$0x3FB0] =	sst s3  }
0xc: {  	[smem:$0x3FB1] =	sst s4  }
0xd: {  	[smem:$0x3FB2] =	sst s5  }
0xe: {  	[smem:$0x3FB3] =	sst s6  }
0xf: {  	[smem:$0x3FB4] =	sst s7  }
0x10: {  	[smem:$0x3FB5] =	sst s8  }
0x11: {  	[smem:$0x3FB6] =	sst s9;
	s0 =	simm.s32 @!p0 $0x0  }
0x12: {  	s1 =	sld [smem:$0x3F9C];
	s0 =	simm.s32 @p0 $0x1  }
0x13: {  	[smem:$0x3FB7] =	sst s0;
	s0 =	simm.s32 @!p1 $0x0  }
0x14: {  	s2 =	sld [smem:$0x3F9B];
	s0 =	simm.s32 @p1 $0x1  }
0x15: {  	[smem:$0x3FB8] =	sst s0;
	s0 =	simm.s32 @!p2 $0x0  }
0x16: {  	s3 =	sld [smem:$0x3FDB];
	s0 =	simm.s32 @p2 $0x1  }
0x17: {  	s4 =	simm.s32 $0x1BF5;
	[smem:$0x3FBA] =	sst s0  }
0x18: {  	s0 =	sld [smem:$0x3F9D];
	_ =	swait.ge [sflag:s4], $0x0  }
0x19: {  	s7 =	sld [smem:$0x3F9E]  }
0x1a: {  	s8 =	sadd.s32 $0xFFFFE003, lr  }
0x1b: {  	s9 =	sadd.s32 $0xFFFFFEF7, lr;
	s5 =	simm.s32 $0xFFFFFFFF;
	p2 =	slt.u32 s8, $0xFFFFF086  }
0x1c: {  	p1 =	slt.u32 s9, $0xF7A;
	s5 =	simm.s32 @!p2 $0x0  }
0x1d: {  	s5 =	simm.s32 @p1 $0x1;
	p0 =	seq.s32 s7, s2  }
0x1e: {  	s7 =	smul.u32 @!p0 $0xF7A, s2;
	p2 =	seq.s32 @!p0 s5, $0x0  }
0x1f: {  	s9 =	smul.u32 $0xF7A, s1;
	s8 =	simm.s32 @!p0 $0x1BF5;
	p2 =	por !p2, p0  }
0x20: {  	[sflag:s8] =	ssyncset.s32 @!p0 $0xFFFFF086;
	s6 =	sadd.s32 @!p0 s3, s7;
	s7 =	simm.s32 @!p0 $0x108  }
0x21: {  	s3 =	sadd.s32 s3, s9;
	s6 =	sadd.s32 @!p0 $0x88, s6;
	s7 =	simm.s32 @p2 $0x1082  }
0x22: {  	[simem:s7], [sflag:s8] =	dma.local @!p0 [hbm:s6], $0xF7A  }
0x23: {  	s9 =	sor.u32 $0xD0000000, s2;
	s6 =	simm.s32 $0x108;
	_ =	swait.ge @!p0 [sflag:s8], $0x0  }
0x24: {  	s3 =	sadd.s32 $0x88, s3;
	s6 =	simm.s32 @!p1 $0x1082;
	[sflag:s4] =	ssyncset.s32 $0xFFFFF086  }
0x25: {  	[simem:s6], [sflag:s4] =	dma.local [hbm:s3], $0xF7A  }
0x26: {  	[smem:$0x3F9E] =	sst s1;
	(tag) =	ssettag s2;
	_ =	strace s9  }
0x27: {  	s1 =	sld [smem:$0x3FAE]  }
0x28: {  	s2 =	sld [smem:$0x3FAF]  }
0x29: {  	s4 =	sld [smem:$0x3FB1]  }
0x2a: {  	p0 =	seq.s32 s5, $0x0;
	s5 =	sld [smem:$0x3FB2]  }
0x2b: {  	s6 =	sld [smem:$0x3FB3]  }
0x2c: {  	s7 =	sld [smem:$0x3FB4]  }
0x2d: {  	s3 =	simm.s32 $0x108;
	s8 =	sld [smem:$0x3FB5]  }
0x2e: {  	s3 =	simm.s32 @!p0 $0x1082;
	s9 =	sld [smem:$0x3FB6]  }
0x2f: {  	lr =	sadd.s32 s0, s3;
	s0 =	sld [smem:$0x3FAD]  }
0x30: {  	s3 =	sld [smem:$0x3FB0]  }
0x31: {  	[smem:$0x3FB9] =	sst s10  }
0x32: {  	s10 =	sld [smem:$0x3FB7];
	_ =	sdelay $0x3  }
0x33: {  	p0 =	seq.s32 s10, $0x1;
	s10 =	sld [smem:$0x3FB9];
	_ =	sdelay $0x3  }
0x34: {  	[smem:$0x3FB9] =	sst s10  }
0x35: {  	s10 =	sld [smem:$0x3FB8];
	_ =	sdelay $0x3  }
0x36: {  	p1 =	seq.s32 s10, $0x1;
	s10 =	sld [smem:$0x3FB9];
	_ =	sdelay $0x3  }
0x37: {  	[smem:$0x3FB9] =	sst s10  }
0x38: {  	s10 =	sld [smem:$0x3FBA]  }
0x39: {  	_ = 	snop;
	(pc) =	sbr.ind lr, $3  }
0x3a: {  	_ = 	snop  }
0x3b: {  	_ = 	snop  }
0x3c: {  	p2 =	seq.s32 s10, $0x1;
	s10 =	sld [smem:$0x3FB9]  }
0x3d: {  	_ =	shalt  }
0x3e: {  	_ =	shalt  }
0x3f: {  	_ =	shalt  }
0x40: {  	_ =	shalt  }
0x41: {  	_ =	shalt  }
0x42: {  	_ =	shalt  }
0x43: {  	_ =	shalt  }
0x44: {  	_ =	shalt  }
0x45: {  	_ =	shalt  }
0x46: {  	_ =	shalt  }
0x47: {  	_ =	shalt  }
0x48: {  	_ =	shalt  }
0x49: {  	_ =	shalt  }
0x4a: {  	_ =	shalt  }
0x4b: {  	_ =	shalt  }
0x4c: {  	_ =	shalt  }
0x4d: {  	_ =	shalt  }
0x4e: {  	_ =	shalt  }
0x4f: {  	_ =	shalt  }
0x50: {  	_ =	shalt  }
0x51: {  	_ =	shalt  }
0x52: {  	_ =	shalt  }
0x53: {  	_ =	shalt  }
0x54: {  	_ =	shalt  }
0x55: {  	_ =	shalt  }
0x56: {  	_ =	shalt  }
0x57: {  	_ =	shalt  }
0x58: {  	_ =	shalt  }
0x59: {  	_ =	shalt  }
0x5a: {  	_ =	shalt  }
0x5b: {  	_ =	shalt  }
0x5c: {  	_ =	shalt  }
0x5d: {  	_ =	shalt  }
0x5e: {  	_ =	shalt  }
0x5f: {  	_ =	shalt  }
0x60: {  	_ =	shalt  }
0x61: {  	_ =	shalt  }
0x62: {  	_ =	shalt  }
0x63: {  	_ =	shalt  }
0x64: {  	_ =	shalt  }
0x65: {  	_ =	shalt  }
0x66: {  	_ =	shalt  }
0x67: {  	_ =	shalt  }
0x68: {  	_ =	shalt  }
0x69: {  	_ =	shalt  }
0x6a: {  	_ =	shalt  }
0x6b: {  	_ =	shalt  }
0x6c: {  	_ =	shalt  }
0x6d: {  	_ =	shalt  }
0x6e: {  	_ =	shalt  }
0x6f: {  	_ =	shalt  }
0x70: {  	_ =	shalt  }
0x71: {  	_ =	shalt  }
0x72: {  	_ =	shalt  }
0x73: {  	_ =	shalt  }
0x74: {  	_ =	shalt  }
0x75: {  	_ =	shalt  }
0x76: {  	_ =	shalt  }
0x77: {  	_ =	shalt  }
0x78: {  	_ =	shalt  }
0x79: {  	_ =	shalt  }
0x7a: {  	_ =	shalt  }
0x7b: {  	_ =	shalt  }
0x7c: {  	_ =	shalt  }
0x7d: {  	_ =	shalt  }
0x7e: {  	_ =	shalt  }
0x7f: {  	_ =	shalt  }
0x80: {  	_ =	shalt  }
0x81: {  	_ =	shalt  }
0x82: {  	_ =	shalt  }
0x83: {  	_ =	shalt  }
0x84: {  	_ =	shalt  }
0x85: {  	_ =	shalt  }
0x86: {  	_ =	shalt  }
0x87: {  	_ =	shalt  }
.Lfunc_end0:
.L_simem_size_0:
called_computation.1_lowered:
.L_overlay_start_0:
0x88: {  	s2 =	sld [smem:$0x3FD9]  }
0x89: {  	s3 =	sld [smem:$0x3FFE];
	_ =	sdelay $0x1  }
0x8a: {  	s1 =	srdreg.scid  }
0x8b: {  	s0 =	sand.u32 $0x1, s1  }
0x8c: {  	s17 =	sshll.u32 s0, $0xA;
	s2 =	sadd.s32 s3, s2  }
0x8d: {  	s2 =	sadd.s32 s2, s17  }
0x8e: {  	[smem:$0x3FC5] =	sst s2  }
0x8f: {  	_ = 	snop  }
0x90: {  	s2 =	sld [smem:$0x3FC9]  }
0x91: {  	s18 =	sld [smem:$0x3FD0];
	(tm) =	ssettm $0x1  }
0x92: {  	s4 =	sld [smem:$0x3FFB];
	_ =	sdelay $0x3  }
0x93: {  	_ =	strace s4  }
0x94: {  	s4 =	sld [smem:$0x3FFC];
	_ =	sdelay $0x3  }
0x95: {  	_ =	strace s4  }
0x96: {  	s4 =	sld [smem:$0x3FFD];
	_ =	sdelay $0x3  }
0x97: {  	_ =	strace s4  }
0x98: {  	_ =	strace $0x8FFFFFFF  }
0x99: {  	s19 =	sld [smem:$0x3FDB];
	_ =	sdelay $0x1  }
0x9a: {  	s5 =	simm.s32 $_scs_section_size  }
0x9b: {  	s6 =	simm.s32 $_size__tile_overlayer_lowered;
	s7 =	simm.s32 $_tile_overlayer_lowered  }
0x9c: {  	s22 =	simm.s32 $0x1BFF;
	s21 =	sshll.u32 s7, $0x1;
	s4 =	sadd.s32 s5, s19  }
0x9d: {  	s8 =	simm.s32 $0x0;
	s20 =	sshll.u32 s6, $0x1;
	s6 =	sadd.s32 s21, s4  }
0x9e: {  	[timem:s8], [sflag:s22] =	dma.local [hbm:s6], s20  }
0x9f: {  	_ =	swait.ge [sflag:s22], s20  }
0xa0: {  	s5 =	ssub.s32 $0x0, s20;
	[sflag:s22] =	ssyncset.done $0x0  }
0xa1: {  	[sflag:s22] =	ssyncadd.s32 s5;
	_ =	sdelay $0x1  }
0xa2: {  	s23 =	simm.s32 $0x1B8B  }
0xa3: {  	_ =	swait.ge [sflag:s23], $0x1  }
0xa4: {  	[sflag:s23] =	ssyncset.done $0x0  }
0xa5: {  	s25 =	simm.s32 $0x1B8E;
	s24 =	sld [smem:$0x3FFE];
	[sflag:s23] =	ssyncadd.s32 $0xFFFFFFFF  }
0xa6: {  	s26 =	simm.s32 $execute0_lowered;
	[smem:$0x3FD2] =	sst s25  }
0xa7: {  	s6 =	sshll.u32 s26, $0x1;
	_ =	strace $0x80000046;
	[dreg:$0x1] =	wrdreg $0xFFFFFFFF  }
0xa8: {  	s28 =	simm.s32 $_size_execute0_lowered;
	s4 =	sadd.s32 s4, s6;
	[dreg:$0x0] =	wrdreg $0x0  }
0xa9: {  	s6 =	sshll.u32 s28, $0x1;
	[dreg:$0x2] =	wrdreg s4  }
0xaa: {  	[dreg:$0x3] =	wrdreg s6  }
0xab: {  	[dreg:$0x4] =	wrdreg $0xC0  }
0xac: {  	_ =	task [dreg:s8], $0x5FFFF  }
0xad: {  	[dreg:$0x1] =	wrdreg $0xFFFFFFFF  }
0xae: {  	[dreg:$0x0] =	wrdreg $0x60  }
0xaf: {  	[dreg:$0x2] =	wrdreg s2  }
0xb0: {  	[dreg:$0x3] =	wrdreg s24  }
0xb1: {  	[dreg:$0x4] =	wrdreg s18  }
0xb2: {  	[dreg:$0x5] =	wrdreg $0x9  }
0xb3: {  	_ =	task.clear_ibuf [dreg:s8], $0x6FFFF;
	_ =	strace $0x90000046  }
0xb4: {  	s29 =	simm.s32 $0x9;
	_ =	strace $0x80000048  }
0xb5: {  	_ =	swait.ge [sflag:s29], $0x1  }
0xb6: {  	[sflag:s29] =	ssyncadd.s32 $0xFFFFFFFF  }
0xb7: {  	_ =	strace $0x90000048  }
0xb8: {  	_ =	sfence  }
0xb9: {  	s30 =	sld [smem:$0x0];
	_ =	sdelay $0x2  }
0xba: {  	s31 =	sshll.u32 s1, $0xD;
	s1 =	sshrl.u32 s1, $0x2  }
0xbb: {  	s3 =	sand.u32 $0x4000, s31;
	s1 =	sadd.s32 s1, s30  }
0xbc: {  	s0 =	sor.u32 s3, s0;
	s1 =	sshll.u32 s1, $0x11  }
0xbd: {  	s0 =	sor.u32 s1, s0  }
0xbe: {  	s0 =	sadd.s32 $0x8F2B, s0  }
0xbf: {  	[sflag:s0] =	ssyncadd.remote.s32 $0x1  }
0xc0: {  	_ =	sfence.sel $0xFFFF  }
0xc1: {  	[dreg:$0x0] =	wrdreg $0xFFFFFFFF;
	(pc) =	sbr.abs _section_cstart, $3  }
0xc2: {  	[dreg:$0x1] =	wrdreg $0xFFFFFFFF  }
0xc3: {  	_ =	task.clear_ibuf [dreg:s8], $0x2FFFF;
	_ =	strace $0x9FFFFFFF  }
0xc4: {  	(tm) =	ssettm $0x7FFFFFFF  }
0xc5: {  	_ =	shalt  }
tec
execute0_lowered:
.L_overlay_start_1:
0x0: {  	(tag) =	ssettag $0x1  }
0x1: {  	s1 =	rddreg [dreg:$0x0]  }
0x2: {  	s0 =	rddreg [dreg:$0x1]  }
0x3: {  	s3 =	rddreg [dreg:$0x2]  }
0x4: {  	s2 =	srdreg.scid;
	s5 =	stileid.u32;
	s4 =	simm.s32 $0x0  }
0x5: {  	s28 =	simm.s32 $0xCB20;
	s29 =	simm.s32 $0x2;
	s30 =	simm.s32 $0x12F20  }
0x6: {  	s31 =	simm.s32 $0x3;
	s2 =	sand.u32 $0x1, s2;
	s5 =	sshll.u32 s5, $0x1  }
0x7: {  	[smem:$0x7FF] =	sst s4;
	s6 =	sadd.s32 $0x1313600, s0;
	s8 =	sor.u32 s2, s5  }
0x8: {  	_ =	strace $0x80000047;
	s2 =	ssub.s32 $0x2, s2;
	s9 =	smul.u32 $0x6400, s8  }
0x9: {  	s5 =	sadd.s32 $0xF42C00, s0;
	s20 =	sshrl.u32 s2, $0x1;
	s11 =	smul.u32 $0x32000, s8  }
0xa: {  	s23 =	smul.u32 $0x190000, s8;
	s0 =	ssub.s32 s2, s20;
	s20 =	simm.s32 $0x5  }
0xb: {  	s7 =	sshrl.u32 s9, $0x3;
	s10 =	sor.u32 $0x190, s9;
	s22 =	sadd.s32 s3, s11  }
0xc: {  	s11 =	sadd.s32 $0x4B0, s9;
	s14 =	sor.u32 $0x320, s9;
	s15 =	sadd.s32 $0x640, s9  }
0xd: {  	s16 =	sadd.s32 $0x7D0, s9;
	s19 =	smax.u32 s0, $0x1;
	s0 =	simm.s32 $0x4  }
0xe: {  	s7 =	sadd.s32 s1, s7;
	s21 =	sshrl.u32 s10, $0x3;
	[dreg:$0x5] =	wrdreg s22  }
0xf: {  	s25 =	sshll.u32 s10, $0x3;
	s26 =	sshrl.u32 s11, $0x3;
	s2 =	sadd.s32 s1, s21  }
0x10: {  	s22 =	simm.s32 $0x320;
	s24 =	sadd.s32 $0x64, s7;
	[dreg:$0x4] =	wrdreg s2  }
0x11: {  	s8 =	sadd.s32 s3, s25;
	s21 =	simm.s32 $0x190;
	[dreg:$0x6] =	wrdreg s24  }
0x12: {  	s25 =	simm.s32 $0x9920;
	[dreg:$0x7] =	wrdreg s8;
	s2 =	sshrl.u32 s23, $0x3  }
0x13: {  	s8 =	sadd.s32 s1, s26;
	s23 =	simm.s32 $0x6720;
	s24 =	simm.s32 $0x3520  }
0x14: {  	s26 =	simm.s32 $0x1;
	[dreg:$0x8] =	wrdreg s8;
	s2 =	sadd.s32 s3, s2  }
0x15: {  	s17 =	sadd.s32 $0x30700, s2;
	s18 =	sadd.s32 $0x31380, s2;
	s2 =	simm.s32 $0x0  }
.LBB2_1:
0x16: {  	[tilespmem:s4], [sflag:$0x5] =	stream.linear.gather [hbm4b:s7+s4], $0x190, $0x38;
	[tilespmem:$0x19320] =	vst v63  }
0x17: {  	_ =	swait.ge [sflag:s20], $0x190  }
0x18: {  	[sflag:s20] =	ssyncset.done $0x0  }
0x19: {  	[sflag:s20] =	ssyncadd.s32 $0xFFFFFE70  }
0x1a: {  	[tilespmem:s22], [sflag:$0x1] =	stream.indirect.gather [hbm4b:s5+s21], $0x20, s4, s21, $0xb8;
	[tilespmem:$0x19320] =	vst v63  }
0x1b: {  	_ = 	snop  }
0x1c: {  	[tilespmem:s23], [sflag:$0x1] =	stream.indirect.gather [hbm4b:s6+s21], $0x20, s4, s21, $0xb8;
	[tilespmem:$0x19320] =	vst v63  }
0x1d: {  	s8 =	rddreg [dreg:$0x4]  }
0x1e: {  	[tilespmem:s21], [sflag:$0x5] =	stream.linear.gather [hbm4b:s8+s4], $0x190, $0x38;
	[tilespmem:$0x19320] =	vst v63  }
0x1f: {  	_ =	swait.ge [sflag:s20], $0x190  }
0x20: {  	[sflag:s20] =	ssyncset.done $0x0  }
0x21: {  	[sflag:s20] =	ssyncadd.s32 $0xFFFFFE70  }
0x22: {  	[tilespmem:s24], [sflag:$0x2] =	stream.indirect.gather [hbm4b:s5+s21], $0x20, s21, s21, $0xb8;
	[tilespmem:$0x19320] =	vst v63  }
0x23: {  	_ = 	snop  }
0x24: {  	[tilespmem:s25], [sflag:$0x2] =	stream.indirect.gather [hbm4b:s6+s21], $0x20, s21, s21, $0xb8;
	[tilespmem:$0x19320] =	vst v63  }
0x25: {  	_ =	swait.ge [sflag:s26], $0x3200  }
0x26: {  	[sflag:s26] =	ssyncset.done $0x0  }
0x27: {  	[sflag:s26] =	ssyncadd.s32 $0xFFFFCE00  }
0x28: {  	_ =	swait.ge [sflag:s26], $0x3200  }
0x29: {  	[sflag:s26] =	ssyncset.done $0x0  }
0x2a: {  	s9 =	simm.s32 $0x0;
	[sflag:s26] =	ssyncadd.s32 $0xFFFFCE00  }
0x2b: {  	v0 =	vld [tilespmem:s9+$0x320];
	_ =	sdelay $0x4  }
0x2c: {  	v0 =	vmul.f32 $8.000000000e+00, v0  }
0x2d: {  	s8 =	simm.s32 $0xCC20  }
0x2e: {  	[tilespmem:s8+$0xFFFFFF00] =	vst v0  }
0x2f: {  	v0 =	vld [tilespmem:s9+$0x330];
	_ =	sdelay $0x4  }
0x30: {  	v0 =	vmul.f32 $8.000000000e+00, v0;
	_ =	sdelay $0x1  }
0x31: {  	[tilespmem:s8+$0xFFFFFF10] =	vst v0  }
0x32: {  	v0 =	vld [tilespmem:s9+$0x6720];
	_ =	sdelay $0x4  }
0x33: {  	v0 =	vmul.f32 $8.000000000e+00, v0;
	_ =	sdelay $0x1  }
0x34: {  	[tilespmem:s8+$0xFFFFFF20] =	vst v0  }
0x35: {  	v0 =	vld [tilespmem:s9+$0x6730];
	_ =	sdelay $0x4  }
0x36: {  	v0 =	vmul.f32 $8.000000000e+00, v0;
	_ =	sdelay $0x1  }
0x37: {  	[tilespmem:s8+$0xFFFFFF30] =	vst v0  }
0x38: {  	v0 =	vld [tilespmem:s9+$0x340];
	_ =	sdelay $0x4  }
0x39: {  	v0 =	vmul.f32 $8.000000000e+00, v0;
	_ =	sdelay $0x1  }
0x3a: {  	[tilespmem:s8+$0xFFFFFF40] =	vst v0  }
0x3b: {  	v0 =	vld [tilespmem:s9+$0x350];
	_ =	sdelay $0x4  }
0x3c: {  	v0 =	vmul.f32 $8.000000000e+00, v0;
	_ =	sdelay $0x1  }
0x3d: {  	[tilespmem:s8+$0xFFFFFF50] =	vst v0  }
0x3e: {  	v0 =	vld [tilespmem:s9+$0x6740];
	_ =	sdelay $0x4  }
0x3f: {  	v0 =	vmul.f32 $8.000000000e+00, v0;
	_ =	sdelay $0x1  }
0x40: {  	[tilespmem:s8+$0xFFFFFF60] =	vst v0  }
0x41: {  	v0 =	vld [tilespmem:s9+$0x6750];
	_ =	sdelay $0x4  }
0x42: {  	v0 =	vmul.f32 $8.000000000e+00, v0;
	_ =	sdelay $0x1  }
0x43: {  	[tilespmem:s8+$0xFFFFFF70] =	vst v0  }
0x44: {  	v0 =	vld [tilespmem:s9+$0x360];
	_ =	sdelay $0x4  }
0x45: {  	v0 =	vmul.f32 $8.000000000e+00, v0;
	_ =	sdelay $0x1  }
0x46: {  	[tilespmem:s8+$0xFFFFFF80] =	vst v0  }
0x47: {  	v0 =	vld [tilespmem:s9+$0x370];
	_ =	sdelay $0x4  }
0x48: {  	v0 =	vmul.f32 $8.000000000e+00, v0;
	_ =	sdelay $0x1  }
0x49: {  	[tilespmem:s8+$0xFFFFFF90] =	vst v0  }
0x4a: {  	v0 =	vld [tilespmem:s9+$0x6760];
	_ =	sdelay $0x4  }
0x4b: {  	v0 =	vmul.f32 $8.000000000e+00, v0;
	_ =	sdelay $0x1  }
0x4c: {  	[tilespmem:s8+$0xFFFFFFA0] =	vst v0  }
0x4d: {  	v0 =	vld [tilespmem:s9+$0x6770];
	_ =	sdelay $0x4  }
0x4e: {  	v0 =	vmul.f32 $8.000000000e+00, v0;
	_ =	sdelay $0x1  }
0x4f: {  	[tilespmem:s8+$0xFFFFFFB0] =	vst v0  }
0x50: {  	v0 =	vld [tilespmem:s9+$0x380];
	_ =	sdelay $0x4  }
0x51: {  	v0 =	vmul.f32 $8.000000000e+00, v0;
	_ =	sdelay $0x1  }
0x52: {  	[tilespmem:s8+$0xFFFFFFC0] =	vst v0  }
0x53: {  	v0 =	vld [tilespmem:s9+$0x390];
	_ =	sdelay $0x4  }
0x54: {  	v0 =	vmul.f32 $8.000000000e+00, v0;
	_ =	sdelay $0x1  }
0x55: {  	[tilespmem:s8+$0xFFFFFFD0] =	vst v0  }
0x56: {  	v0 =	vld [tilespmem:s9+$0x6780];
	_ =	sdelay $0x4  }
0x57: {  	v0 =	vmul.f32 $8.000000000e+00, v0;
	_ =	sdelay $0x1  }
0x58: {  	[tilespmem:s8+$0xFFFFFFE0] =	vst v0  }
0x59: {  	v0 =	vld [tilespmem:s9+$0x6790];
	_ =	sdelay $0x4  }
0x5a: {  	v0 =	vmul.f32 $8.000000000e+00, v0;
	_ =	sdelay $0x1  }
0x5b: {  	[tilespmem:s8+$0xFFFFFFF0] =	vst v0  }
0x5c: {  	v0 =	vld [tilespmem:s9+$0x3A0];
	_ =	sdelay $0x4  }
0x5d: {  	v0 =	vmul.f32 $8.000000000e+00, v0;
	_ =	sdelay $0x1  }
0x5e: {  	[tilespmem:s8+$0x0] =	vst v0  }
0x5f: {  	v0 =	vld [tilespmem:s9+$0x3B0];
	_ =	sdelay $0x4  }
0x60: {  	v0 =	vmul.f32 $8.000000000e+00, v0;
	_ =	sdelay $0x1  }
0x61: {  	[tilespmem:s8+$0x10] =	vst v0  }
0x62: {  	v0 =	vld [tilespmem:s9+$0x67A0];
	_ =	sdelay $0x4  }
0x63: {  	v0 =	vmul.f32 $8.000000000e+00, v0;
	_ =	sdelay $0x1  }
0x64: {  	[tilespmem:s8+$0x20] =	vst v0  }
0x65: {  	v0 =	vld [tilespmem:s9+$0x67B0];
	_ =	sdelay $0x4  }
0x66: {  	v0 =	vmul.f32 $8.000000000e+00, v0;
	_ =	sdelay $0x1  }
0x67: {  	[tilespmem:s8+$0x30] =	vst v0  }
0x68: {  	v0 =	vld [tilespmem:s9+$0x3C0];
	_ =	sdelay $0x4  }
0x69: {  	v0 =	vmul.f32 $8.000000000e+00, v0;
	_ =	sdelay $0x1  }
0x6a: {  	[tilespmem:s8+$0x40] =	vst v0  }
0x6b: {  	v0 =	vld [tilespmem:s9+$0x3D0];
	_ =	sdelay $0x4  }
0x6c: {  	v0 =	vmul.f32 $8.000000000e+00, v0;
	_ =	sdelay $0x1  }
0x6d: {  	[tilespmem:s8+$0x50] =	vst v0  }
0x6e: {  	v0 =	vld [tilespmem:s9+$0x67C0];
	_ =	sdelay $0x4  }
0x6f: {  	v0 =	vmul.f32 $8.000000000e+00, v0;
	_ =	sdelay $0x1  }
0x70: {  	[tilespmem:s8+$0x60] =	vst v0  }
0x71: {  	v0 =	vld [tilespmem:s9+$0x67D0];
	_ =	sdelay $0x4  }
0x72: {  	v0 =	vmul.f32 $8.000000000e+00, v0;
	_ =	sdelay $0x1  }
0x73: {  	[tilespmem:s8+$0x70] =	vst v0  }
0x74: {  	v0 =	vld [tilespmem:s9+$0x3E0];
	_ =	sdelay $0x4  }
0x75: {  	v0 =	vmul.f32 $8.000000000e+00, v0;
	_ =	sdelay $0x1  }
0x76: {  	[tilespmem:s8+$0x80] =	vst v0  }
0x77: {  	v0 =	vld [tilespmem:s9+$0x3F0];
	_ =	sdelay $0x4  }
0x78: {  	v0 =	vmul.f32 $8.000000000e+00, v0;
	_ =	sdelay $0x1  }
0x79: {  	[tilespmem:s8+$0x90] =	vst v0  }
0x7a: {  	v0 =	vld [tilespmem:s9+$0x67E0];
	_ =	sdelay $0x4  }
0x7b: {  	v0 =	vmul.f32 $8.000000000e+00, v0;
	_ =	sdelay $0x1  }
0x7c: {  	[tilespmem:s8+$0xA0] =	vst v0  }
0x7d: {  	v0 =	vld [tilespmem:s9+$0x67F0];
	_ =	sdelay $0x4  }
0x7e: {  	v0 =	vmul.f32 $8.000000000e+00, v0;
	_ =	sdelay $0x1  }
0x7f: {  	[tilespmem:s8+$0xB0] =	vst v0  }
0x80: {  	v0 =	vld [tilespmem:s9+$0x400];
	_ =	sdelay $0x4  }
0x81: {  	v0 =	vmul.f32 $8.000000000e+00, v0;
	_ =	sdelay $0x1  }
0x82: {  	[tilespmem:s8+$0xC0] =	vst v0  }
0x83: {  	v0 =	vld [tilespmem:s9+$0x410];
	_ =	sdelay $0x4  }
0x84: {  	v0 =	vmul.f32 $8.000000000e+00, v0;
	_ =	sdelay $0x1  }
0x85: {  	[tilespmem:s8+$0xD0] =	vst v0  }
0x86: {  	v0 =	vld [tilespmem:s9+$0x6800];
	_ =	sdelay $0x4  }
0x87: {  	v0 =	vmul.f32 $8.000000000e+00, v0;
	_ =	sdelay $0x1  }
0x88: {  	[tilespmem:s8+$0xE0] =	vst v0  }
0x89: {  	v0 =	vld [tilespmem:s9+$0x6810];
	_ =	sdelay $0x4  }
0x8a: {  	v0 =	vmul.f32 $8.000000000e+00, v0;
	_ =	sdelay $0x1  }
0x8b: {  	s10 =	simm.s32 $0x800;
	s9 =	simm.s32 $0x100;
	[tilespmem:s8+$0xF0] =	vst v0  }
.LBB2_2:
0x8c: {  	p0 =	sne.s32 s10, $0xC400;
	v0 =	vld [tilespmem:s9+$0x320];
	_ =	sdelay $0x4  }
0x8d: {  	v0 =	vmul.f32 $8.000000000e+00, v0  }
0x8e: {  	s8 =	sadd.s32 $0x200, s8  }
0x8f: {  	[tilespmem:s8+$0xFFFFFF00] =	vst v0  }
0x90: {  	v0 =	vld [tilespmem:s9+$0x330];
	_ =	sdelay $0x4  }
0x91: {  	v0 =	vmul.f32 $8.000000000e+00, v0;
	_ =	sdelay $0x1  }
0x92: {  	[tilespmem:s8+$0xFFFFFF10] =	vst v0  }
0x93: {  	v0 =	vld [tilespmem:s9+$0x6720];
	_ =	sdelay $0x4  }
0x94: {  	v0 =	vmul.f32 $8.000000000e+00, v0;
	_ =	sdelay $0x1  }
0x95: {  	[tilespmem:s8+$0xFFFFFF20] =	vst v0  }
0x96: {  	v0 =	vld [tilespmem:s9+$0x6730];
	_ =	sdelay $0x4  }
0x97: {  	v0 =	vmul.f32 $8.000000000e+00, v0;
	_ =	sdelay $0x1  }
0x98: {  	[tilespmem:s8+$0xFFFFFF30] =	vst v0  }
0x99: {  	v0 =	vld [tilespmem:s9+$0x340];
	_ =	sdelay $0x4  }
0x9a: {  	v0 =	vmul.f32 $8.000000000e+00, v0;
	_ =	sdelay $0x1  }
0x9b: {  	[tilespmem:s8+$0xFFFFFF40] =	vst v0  }
0x9c: {  	v0 =	vld [tilespmem:s9+$0x350];
	_ =	sdelay $0x4  }
0x9d: {  	v0 =	vmul.f32 $8.000000000e+00, v0;
	_ =	sdelay $0x1  }
0x9e: {  	[tilespmem:s8+$0xFFFFFF50] =	vst v0  }
0x9f: {  	v0 =	vld [tilespmem:s9+$0x6740];
	_ =	sdelay $0x4  }
0xa0: {  	v0 =	vmul.f32 $8.000000000e+00, v0;
	_ =	sdelay $0x1  }
0xa1: {  	[tilespmem:s8+$0xFFFFFF60] =	vst v0  }
0xa2: {  	v0 =	vld [tilespmem:s9+$0x6750];
	_ =	sdelay $0x4  }
0xa3: {  	v0 =	vmul.f32 $8.000000000e+00, v0;
	_ =	sdelay $0x1  }
0xa4: {  	[tilespmem:s8+$0xFFFFFF70] =	vst v0  }
0xa5: {  	v0 =	vld [tilespmem:s9+$0x360];
	_ =	sdelay $0x4  }
0xa6: {  	v0 =	vmul.f32 $8.000000000e+00, v0;
	_ =	sdelay $0x1  }
0xa7: {  	[tilespmem:s8+$0xFFFFFF80] =	vst v0  }
0xa8: {  	v0 =	vld [tilespmem:s9+$0x370];
	_ =	sdelay $0x4  }
0xa9: {  	v0 =	vmul.f32 $8.000000000e+00, v0;
	_ =	sdelay $0x1  }
0xaa: {  	[tilespmem:s8+$0xFFFFFF90] =	vst v0  }
0xab: {  	v0 =	vld [tilespmem:s9+$0x6760];
	_ =	sdelay $0x4  }
0xac: {  	v0 =	vmul.f32 $8.000000000e+00, v0;
	_ =	sdelay $0x1  }
0xad: {  	[tilespmem:s8+$0xFFFFFFA0] =	vst v0  }
0xae: {  	v0 =	vld [tilespmem:s9+$0x6770];
	_ =	sdelay $0x4  }
0xaf: {  	v0 =	vmul.f32 $8.000000000e+00, v0;
	_ =	sdelay $0x1  }
0xb0: {  	[tilespmem:s8+$0xFFFFFFB0] =	vst v0  }
0xb1: {  	v0 =	vld [tilespmem:s9+$0x380];
	_ =	sdelay $0x4  }
0xb2: {  	v0 =	vmul.f32 $8.000000000e+00, v0;
	_ =	sdelay $0x1  }
0xb3: {  	[tilespmem:s8+$0xFFFFFFC0] =	vst v0  }
0xb4: {  	v0 =	vld [tilespmem:s9+$0x390];
	_ =	sdelay $0x4  }
0xb5: {  	v0 =	vmul.f32 $8.000000000e+00, v0;
	_ =	sdelay $0x1  }
0xb6: {  	[tilespmem:s8+$0xFFFFFFD0] =	vst v0  }
0xb7: {  	v0 =	vld [tilespmem:s9+$0x6780];
	_ =	sdelay $0x4  }
0xb8: {  	v0 =	vmul.f32 $8.000000000e+00, v0;
	_ =	sdelay $0x1  }
0xb9: {  	[tilespmem:s8+$0xFFFFFFE0] =	vst v0  }
0xba: {  	v0 =	vld [tilespmem:s9+$0x6790];
	_ =	sdelay $0x4  }
0xbb: {  	v0 =	vmul.f32 $8.000000000e+00, v0;
	_ =	sdelay $0x1  }
0xbc: {  	[tilespmem:s8+$0xFFFFFFF0] =	vst v0  }
0xbd: {  	v0 =	vld [tilespmem:s9+$0x3A0];
	_ =	sdelay $0x4  }
0xbe: {  	v0 =	vmul.f32 $8.000000000e+00, v0;
	_ =	sdelay $0x1  }
0xbf: {  	[tilespmem:s8+$0x0] =	vst v0  }
0xc0: {  	v0 =	vld [tilespmem:s9+$0x3B0];
	_ =	sdelay $0x4  }
0xc1: {  	v0 =	vmul.f32 $8.000000000e+00, v0;
	_ =	sdelay $0x1  }
0xc2: {  	[tilespmem:s8+$0x10] =	vst v0  }
0xc3: {  	v0 =	vld [tilespmem:s9+$0x67A0];
	_ =	sdelay $0x4  }
0xc4: {  	v0 =	vmul.f32 $8.000000000e+00, v0;
	_ =	sdelay $0x1  }
0xc5: {  	[tilespmem:s8+$0x20] =	vst v0  }
0xc6: {  	v0 =	vld [tilespmem:s9+$0x67B0];
	_ =	sdelay $0x4  }
0xc7: {  	v0 =	vmul.f32 $8.000000000e+00, v0;
	_ =	sdelay $0x1  }
0xc8: {  	[tilespmem:s8+$0x30] =	vst v0  }
0xc9: {  	v0 =	vld [tilespmem:s9+$0x3C0];
	_ =	sdelay $0x4  }
0xca: {  	v0 =	vmul.f32 $8.000000000e+00, v0;
	_ =	sdelay $0x1  }
0xcb: {  	[tilespmem:s8+$0x40] =	vst v0  }
0xcc: {  	v0 =	vld [tilespmem:s9+$0x3D0];
	_ =	sdelay $0x4  }
0xcd: {  	v0 =	vmul.f32 $8.000000000e+00, v0;
	_ =	sdelay $0x1  }
0xce: {  	[tilespmem:s8+$0x50] =	vst v0  }
0xcf: {  	v0 =	vld [tilespmem:s9+$0x67C0];
	_ =	sdelay $0x4  }
0xd0: {  	v0 =	vmul.f32 $8.000000000e+00, v0;
	_ =	sdelay $0x1  }
0xd1: {  	[tilespmem:s8+$0x60] =	vst v0  }
0xd2: {  	v0 =	vld [tilespmem:s9+$0x67D0];
	_ =	sdelay $0x4  }
0xd3: {  	v0 =	vmul.f32 $8.000000000e+00, v0;
	_ =	sdelay $0x1  }
0xd4: {  	[tilespmem:s8+$0x70] =	vst v0  }
0xd5: {  	v0 =	vld [tilespmem:s9+$0x3E0];
	_ =	sdelay $0x4  }
0xd6: {  	v0 =	vmul.f32 $8.000000000e+00, v0;
	_ =	sdelay $0x1  }
0xd7: {  	[tilespmem:s8+$0x80] =	vst v0  }
0xd8: {  	v0 =	vld [tilespmem:s9+$0x3F0];
	_ =	sdelay $0x4  }
0xd9: {  	v0 =	vmul.f32 $8.000000000e+00, v0;
	_ =	sdelay $0x1  }
0xda: {  	[tilespmem:s8+$0x90] =	vst v0  }
0xdb: {  	v0 =	vld [tilespmem:s9+$0x67E0];
	_ =	sdelay $0x4  }
0xdc: {  	v0 =	vmul.f32 $8.000000000e+00, v0;
	_ =	sdelay $0x1  }
0xdd: {  	[tilespmem:s8+$0xA0] =	vst v0  }
0xde: {  	v0 =	vld [tilespmem:s9+$0x67F0];
	_ =	sdelay $0x4  }
0xdf: {  	v0 =	vmul.f32 $8.000000000e+00, v0;
	_ =	sdelay $0x1  }
0xe0: {  	[tilespmem:s8+$0xB0] =	vst v0  }
0xe1: {  	v0 =	vld [tilespmem:s9+$0x400];
	_ =	sdelay $0x4  }
0xe2: {  	v0 =	vmul.f32 $8.000000000e+00, v0;
	_ =	sdelay $0x1  }
0xe3: {  	[tilespmem:s8+$0xC0] =	vst v0  }
0xe4: {  	v0 =	vld [tilespmem:s9+$0x410];
	_ =	sdelay $0x4  }
0xe5: {  	v0 =	vmul.f32 $8.000000000e+00, v0;
	_ =	sdelay $0x1  }
0xe6: {  	[tilespmem:s8+$0xD0] =	vst v0  }
0xe7: {  	v0 =	vld [tilespmem:s9+$0x6800];
	_ =	sdelay $0x4  }
0xe8: {  	v0 =	vmul.f32 $8.000000000e+00, v0;
	_ =	sdelay $0x1  }
0xe9: {  	[tilespmem:s8+$0xE0] =	vst v0  }
0xea: {  	v0 =	vld [tilespmem:s9+$0x6810];
	_ =	sdelay $0x2  }
.Ltmp0:
0xeb: {  	(pc) =	sbr.rel @p0 .LBB2_2-.Ltmp0, $3  }
0xec: {  	_ = 	snop  }
0xed: {  	v0 =	vmul.f32 $8.000000000e+00, v0;
	_ =	sdelay $0x1  }
0xee: {  	s9 =	sshra.s32 s10, $0x2;
	s10 =	sadd.s32 $0x400, s10;
	[tilespmem:s8+$0xF0] =	vst v0  }
0xef: {  	v0 =	vld [tilespmem:s9+$0x320];
	_ =	sdelay $0x4  }
0xf0: {  	v0 =	vmul.f32 $8.000000000e+00, v0  }
0xf1: {  	s8 =	sadd.s32 $0x200, s8  }
0xf2: {  	[tilespmem:s8+$0xFFFFFF00] =	vst v0  }
0xf3: {  	v0 =	vld [tilespmem:s9+$0x330];
	_ =	sdelay $0x4  }
0xf4: {  	v0 =	vmul.f32 $8.000000000e+00, v0;
	_ =	sdelay $0x1  }
0xf5: {  	[tilespmem:s8+$0xFFFFFF10] =	vst v0  }
0xf6: {  	v0 =	vld [tilespmem:s9+$0x6720];
	_ =	sdelay $0x4  }
0xf7: {  	v0 =	vmul.f32 $8.000000000e+00, v0;
	_ =	sdelay $0x1  }
0xf8: {  	[tilespmem:s8+$0xFFFFFF20] =	vst v0  }
0xf9: {  	v0 =	vld [tilespmem:s9+$0x6730];
	_ =	sdelay $0x4  }
0xfa: {  	v0 =	vmul.f32 $8.000000000e+00, v0;
	_ =	sdelay $0x1  }
0xfb: {  	[tilespmem:s8+$0xFFFFFF30] =	vst v0  }
0xfc: {  	v0 =	vld [tilespmem:s9+$0x340];
	_ =	sdelay $0x4  }
0xfd: {  	v0 =	vmul.f32 $8.000000000e+00, v0;
	_ =	sdelay $0x1  }
0xfe: {  	[tilespmem:s8+$0xFFFFFF40] =	vst v0  }
0xff: {  	v0 =	vld [tilespmem:s9+$0x350];
	_ =	sdelay $0x4  }
0x100: {  	v0 =	vmul.f32 $8.000000000e+00, v0;
	_ =	sdelay $0x1  }
0x101: {  	[tilespmem:s8+$0xFFFFFF50] =	vst v0  }
0x102: {  	v0 =	vld [tilespmem:s9+$0x6740];
	_ =	sdelay $0x4  }
0x103: {  	v0 =	vmul.f32 $8.000000000e+00, v0;
	_ =	sdelay $0x1  }
0x104: {  	[tilespmem:s8+$0xFFFFFF60] =	vst v0  }
0x105: {  	v0 =	vld [tilespmem:s9+$0x6750];
	_ =	sdelay $0x4  }
0x106: {  	v0 =	vmul.f32 $8.000000000e+00, v0;
	_ =	sdelay $0x1  }
0x107: {  	[tilespmem:s8+$0xFFFFFF70] =	vst v0  }
0x108: {  	v0 =	vld [tilespmem:s9+$0x360];
	_ =	sdelay $0x4  }
0x109: {  	v0 =	vmul.f32 $8.000000000e+00, v0;
	_ =	sdelay $0x1  }
0x10a: {  	[tilespmem:s8+$0xFFFFFF80] =	vst v0  }
0x10b: {  	v0 =	vld [tilespmem:s9+$0x370];
	_ =	sdelay $0x4  }
0x10c: {  	v0 =	vmul.f32 $8.000000000e+00, v0;
	_ =	sdelay $0x1  }
0x10d: {  	[tilespmem:s8+$0xFFFFFF90] =	vst v0  }
0x10e: {  	v0 =	vld [tilespmem:s9+$0x6760];
	_ =	sdelay $0x4  }
0x10f: {  	v0 =	vmul.f32 $8.000000000e+00, v0;
	_ =	sdelay $0x1  }
0x110: {  	[tilespmem:s8+$0xFFFFFFA0] =	vst v0  }
0x111: {  	v0 =	vld [tilespmem:s9+$0x6770];
	_ =	sdelay $0x4  }
0x112: {  	v0 =	vmul.f32 $8.000000000e+00, v0;
	_ =	sdelay $0x1  }
0x113: {  	[tilespmem:s8+$0xFFFFFFB0] =	vst v0  }
0x114: {  	v0 =	vld [tilespmem:s9+$0x380];
	_ =	sdelay $0x4  }
0x115: {  	v0 =	vmul.f32 $8.000000000e+00, v0;
	_ =	sdelay $0x1  }
0x116: {  	[tilespmem:s8+$0xFFFFFFC0] =	vst v0  }
0x117: {  	v0 =	vld [tilespmem:s9+$0x390];
	_ =	sdelay $0x4  }
0x118: {  	v0 =	vmul.f32 $8.000000000e+00, v0;
	_ =	sdelay $0x1  }
0x119: {  	[tilespmem:s8+$0xFFFFFFD0] =	vst v0  }
0x11a: {  	v0 =	vld [tilespmem:s9+$0x6780];
	_ =	sdelay $0x4  }
0x11b: {  	v0 =	vmul.f32 $8.000000000e+00, v0;
	_ =	sdelay $0x1  }
0x11c: {  	[tilespmem:s8+$0xFFFFFFE0] =	vst v0  }
0x11d: {  	v0 =	vld [tilespmem:s9+$0x6790];
	_ =	sdelay $0x4  }
0x11e: {  	v0 =	vmul.f32 $8.000000000e+00, v0;
	_ =	sdelay $0x1  }
0x11f: {  	[tilespmem:s8+$0xFFFFFFF0] =	vst v0  }
0x120: {  	v0 =	vld [tilespmem:s9+$0x3A0];
	_ =	sdelay $0x4  }
0x121: {  	v0 =	vmul.f32 $8.000000000e+00, v0;
	_ =	sdelay $0x1  }
0x122: {  	[tilespmem:s8+$0x0] =	vst v0  }
0x123: {  	v0 =	vld [tilespmem:s9+$0x3B0];
	_ =	sdelay $0x4  }
0x124: {  	v0 =	vmul.f32 $8.000000000e+00, v0;
	_ =	sdelay $0x1  }
0x125: {  	[tilespmem:s8+$0x10] =	vst v0  }
0x126: {  	v0 =	vld [tilespmem:s9+$0x67A0];
	_ =	sdelay $0x4  }
0x127: {  	v0 =	vmul.f32 $8.000000000e+00, v0;
	_ =	sdelay $0x1  }
0x128: {  	[tilespmem:s8+$0x20] =	vst v0  }
0x129: {  	v0 =	vld [tilespmem:s9+$0x67B0];
	_ =	sdelay $0x4  }
0x12a: {  	v0 =	vmul.f32 $8.000000000e+00, v0;
	_ =	sdelay $0x1  }
0x12b: {  	[tilespmem:s8+$0x30] =	vst v0  }
0x12c: {  	v0 =	vld [tilespmem:s9+$0x3C0];
	_ =	sdelay $0x4  }
0x12d: {  	v0 =	vmul.f32 $8.000000000e+00, v0;
	_ =	sdelay $0x1  }
0x12e: {  	[tilespmem:s8+$0x40] =	vst v0  }
0x12f: {  	v0 =	vld [tilespmem:s9+$0x3D0];
	_ =	sdelay $0x4  }
0x130: {  	v0 =	vmul.f32 $8.000000000e+00, v0;
	_ =	sdelay $0x1  }
0x131: {  	[tilespmem:s8+$0x50] =	vst v0  }
0x132: {  	v0 =	vld [tilespmem:s9+$0x67C0];
	_ =	sdelay $0x4  }
0x133: {  	v0 =	vmul.f32 $8.000000000e+00, v0;
	_ =	sdelay $0x1  }
0x134: {  	[tilespmem:s8+$0x60] =	vst v0  }
0x135: {  	v0 =	vld [tilespmem:s9+$0x67D0];
	_ =	sdelay $0x4  }
0x136: {  	v0 =	vmul.f32 $8.000000000e+00, v0;
	_ =	sdelay $0x1  }
0x137: {  	[tilespmem:s8+$0x70] =	vst v0  }
0x138: {  	v0 =	vld [tilespmem:s9+$0x3E0];
	_ =	sdelay $0x4  }
0x139: {  	v0 =	vmul.f32 $8.000000000e+00, v0;
	_ =	sdelay $0x1  }
0x13a: {  	[tilespmem:s8+$0x80] =	vst v0  }
0x13b: {  	v0 =	vld [tilespmem:s9+$0x3F0];
	_ =	sdelay $0x4  }
0x13c: {  	v0 =	vmul.f32 $8.000000000e+00, v0;
	_ =	sdelay $0x1  }
0x13d: {  	[tilespmem:s8+$0x90] =	vst v0  }
0x13e: {  	v0 =	vld [tilespmem:s9+$0x67E0];
	_ =	sdelay $0x4  }
0x13f: {  	v0 =	vmul.f32 $8.000000000e+00, v0;
	_ =	sdelay $0x1  }
0x140: {  	[tilespmem:s8+$0xA0] =	vst v0  }
0x141: {  	v0 =	vld [tilespmem:s9+$0x67F0];
	_ =	sdelay $0x4  }
0x142: {  	v0 =	vmul.f32 $8.000000000e+00, v0;
	_ =	sdelay $0x1  }
0x143: {  	[tilespmem:s8+$0xB0] =	vst v0  }
0x144: {  	v0 =	vld [tilespmem:s9+$0x400];
	_ =	sdelay $0x4  }
0x145: {  	v0 =	vmul.f32 $8.000000000e+00, v0;
	_ =	sdelay $0x1  }
0x146: {  	[tilespmem:s8+$0xC0] =	vst v0  }
0x147: {  	v0 =	vld [tilespmem:s9+$0x410];
	_ =	sdelay $0x4  }
0x148: {  	v0 =	vmul.f32 $8.000000000e+00, v0;
	_ =	sdelay $0x1  }
0x149: {  	[tilespmem:s8+$0xD0] =	vst v0  }
0x14a: {  	v0 =	vld [tilespmem:s9+$0x6800];
	_ =	sdelay $0x4  }
0x14b: {  	v0 =	vmul.f32 $8.000000000e+00, v0;
	_ =	sdelay $0x1  }
0x14c: {  	[tilespmem:s8+$0xE0] =	vst v0  }
0x14d: {  	v0 =	vld [tilespmem:s9+$0x6810];
	_ =	sdelay $0x4  }
0x14e: {  	v0 =	vmul.f32 $8.000000000e+00, v0;
	_ =	sdelay $0x1  }
0x14f: {  	s13 =	simm.s32 $0x0;
	s10 =	rddreg [dreg:$0x5];
	[tilespmem:s8+$0xF0] =	vst v0  }
0x150: {  	[hbm4b:s10+s13] =	stream.linear.scatter [tilespmem:s28], [sflag:$0x3], $0x6400, $0x38;
	[tilespmem:$0x19320] =	vst v63  }
0x151: {  	s12 =	rddreg [dreg:$0x6]  }
0x152: {  	[tilespmem:s13], [sflag:$0x5] =	stream.linear.gather [hbm4b:s12+s13], $0x190, $0x38;
	[tilespmem:$0x19320] =	vst v63  }
0x153: {  	_ =	swait.ge [sflag:s20], $0x190  }
0x154: {  	[sflag:s20] =	ssyncset.done $0x0  }
0x155: {  	[sflag:s20] =	ssyncadd.s32 $0xFFFFFE70  }
0x156: {  	[tilespmem:s22], [sflag:$0x1] =	stream.indirect.gather [hbm4b:s5+s21], $0x20, s13, s21, $0xb8;
	[tilespmem:$0x19320] =	vst v63  }
0x157: {  	_ = 	snop  }
0x158: {  	[tilespmem:s23], [sflag:$0x1] =	stream.indirect.gather [hbm4b:s6+s21], $0x20, s13, s21, $0xb8;
	[tilespmem:$0x19320] =	vst v63  }
0x159: {  	_ =	swait.ge [sflag:s29], $0x3200  }
0x15a: {  	[sflag:s29] =	ssyncset.done $0x0  }
0x15b: {  	[sflag:s29] =	ssyncadd.s32 $0xFFFFCE00  }
0x15c: {  	_ =	swait.ge [sflag:s29], $0x3200  }
0x15d: {  	[sflag:s29] =	ssyncset.done $0x0  }
0x15e: {  	s13 =	simm.s32 $0x0;
	[sflag:s29] =	ssyncadd.s32 $0xFFFFCE00  }
0x15f: {  	v63 =	vld [tilespmem:s13+$0x3520];
	_ =	sdelay $0x4  }
0x160: {  	v0 =	vmul.f32 $8.000000000e+00, v63  }
0x161: {  	s8 =	simm.s32 $0x13020  }
0x162: {  	[tilespmem:s8+$0xFFFFFF00] =	vst v0  }
0x163: {  	v0 =	vld [tilespmem:s13+$0x3530];
	_ =	sdelay $0x4  }
0x164: {  	v0 =	vmul.f32 $8.000000000e+00, v0;
	_ =	sdelay $0x1  }
0x165: {  	[tilespmem:s8+$0xFFFFFF10] =	vst v0  }
0x166: {  	v0 =	vld [tilespmem:s13+$0x9920];
	_ =	sdelay $0x4  }
0x167: {  	v0 =	vmul.f32 $8.000000000e+00, v0;
	_ =	sdelay $0x1  }
0x168: {  	[tilespmem:s8+$0xFFFFFF20] =	vst v0  }
0x169: {  	v0 =	vld [tilespmem:s13+$0x9930];
	_ =	sdelay $0x4  }
0x16a: {  	v0 =	vmul.f32 $8.000000000e+00, v0;
	_ =	sdelay $0x1  }
0x16b: {  	[tilespmem:s8+$0xFFFFFF30] =	vst v0  }
0x16c: {  	v0 =	vld [tilespmem:s13+$0x3540];
	_ =	sdelay $0x4  }
0x16d: {  	v0 =	vmul.f32 $8.000000000e+00, v0;
	_ =	sdelay $0x1  }
0x16e: {  	[tilespmem:s8+$0xFFFFFF40] =	vst v0  }
0x16f: {  	v0 =	vld [tilespmem:s13+$0x3550];
	_ =	sdelay $0x4  }
0x170: {  	v0 =	vmul.f32 $8.000000000e+00, v0;
	_ =	sdelay $0x1  }
0x171: {  	[tilespmem:s8+$0xFFFFFF50] =	vst v0  }
0x172: {  	v0 =	vld [tilespmem:s13+$0x9940];
	_ =	sdelay $0x4  }
0x173: {  	v0 =	vmul.f32 $8.000000000e+00, v0;
	_ =	sdelay $0x1  }
0x174: {  	[tilespmem:s8+$0xFFFFFF60] =	vst v0  }
0x175: {  	v0 =	vld [tilespmem:s13+$0x9950];
	_ =	sdelay $0x4  }
0x176: {  	v0 =	vmul.f32 $8.000000000e+00, v0;
	_ =	sdelay $0x1  }
0x177: {  	[tilespmem:s8+$0xFFFFFF70] =	vst v0  }
0x178: {  	v0 =	vld [tilespmem:s13+$0x3560];
	_ =	sdelay $0x4  }
0x179: {  	v0 =	vmul.f32 $8.000000000e+00, v0;
	_ =	sdelay $0x1  }
0x17a: {  	[tilespmem:s8+$0xFFFFFF80] =	vst v0  }
0x17b: {  	v0 =	vld [tilespmem:s13+$0x3570];
	_ =	sdelay $0x4  }
0x17c: {  	v0 =	vmul.f32 $8.000000000e+00, v0;
	_ =	sdelay $0x1  }
0x17d: {  	[tilespmem:s8+$0xFFFFFF90] =	vst v0  }
0x17e: {  	v0 =	vld [tilespmem:s13+$0x9960];
	_ =	sdelay $0x4  }
0x17f: {  	v0 =	vmul.f32 $8.000000000e+00, v0;
	_ =	sdelay $0x1  }
0x180: {  	[tilespmem:s8+$0xFFFFFFA0] =	vst v0  }
0x181: {  	v0 =	vld [tilespmem:s13+$0x9970];
	_ =	sdelay $0x4  }
0x182: {  	v0 =	vmul.f32 $8.000000000e+00, v0;
	_ =	sdelay $0x1  }
0x183: {  	[tilespmem:s8+$0xFFFFFFB0] =	vst v0  }
0x184: {  	v0 =	vld [tilespmem:s13+$0x3580];
	_ =	sdelay $0x4  }
0x185: {  	v0 =	vmul.f32 $8.000000000e+00, v0;
	_ =	sdelay $0x1  }
0x186: {  	[tilespmem:s8+$0xFFFFFFC0] =	vst v0  }
0x187: {  	v0 =	vld [tilespmem:s13+$0x3590];
	_ =	sdelay $0x4  }
0x188: {  	v0 =	vmul.f32 $8.000000000e+00, v0;
	_ =	sdelay $0x1  }
0x189: {  	[tilespmem:s8+$0xFFFFFFD0] =	vst v0  }
0x18a: {  	v0 =	vld [tilespmem:s13+$0x9980];
	_ =	sdelay $0x4  }
0x18b: {  	v0 =	vmul.f32 $8.000000000e+00, v0;
	_ =	sdelay $0x1  }
0x18c: {  	[tilespmem:s8+$0xFFFFFFE0] =	vst v0  }
0x18d: {  	v0 =	vld [tilespmem:s13+$0x9990];
	_ =	sdelay $0x4  }
0x18e: {  	v0 =	vmul.f32 $8.000000000e+00, v0;
	_ =	sdelay $0x1  }
0x18f: {  	[tilespmem:s8+$0xFFFFFFF0] =	vst v0  }
0x190: {  	v0 =	vld [tilespmem:s13+$0x35A0];
	_ =	sdelay $0x4  }
0x191: {  	v0 =	vmul.f32 $8.000000000e+00, v0;
	_ =	sdelay $0x1  }
0x192: {  	[tilespmem:s8+$0x0] =	vst v0  }
0x193: {  	v0 =	vld [tilespmem:s13+$0x35B0];
	_ =	sdelay $0x4  }
0x194: {  	v0 =	vmul.f32 $8.000000000e+00, v0;
	_ =	sdelay $0x1  }
0x195: {  	[tilespmem:s8+$0x10] =	vst v0  }
0x196: {  	v0 =	vld [tilespmem:s13+$0x99A0];
	_ =	sdelay $0x4  }
0x197: {  	v0 =	vmul.f32 $8.000000000e+00, v0;
	_ =	sdelay $0x1  }
0x198: {  	[tilespmem:s8+$0x20] =	vst v0  }
0x199: {  	v0 =	vld [tilespmem:s13+$0x99B0];
	_ =	sdelay $0x4  }
0x19a: {  	v0 =	vmul.f32 $8.000000000e+00, v0;
	_ =	sdelay $0x1  }
0x19b: {  	[tilespmem:s8+$0x30] =	vst v0  }
0x19c: {  	v0 =	vld [tilespmem:s13+$0x35C0];
	_ =	sdelay $0x4  }
0x19d: {  	v0 =	vmul.f32 $8.000000000e+00, v0;
	_ =	sdelay $0x1  }
0x19e: {  	[tilespmem:s8+$0x40] =	vst v0  }
0x19f: {  	v0 =	vld [tilespmem:s13+$0x35D0];
	_ =	sdelay $0x4  }
0x1a0: {  	v0 =	vmul.f32 $8.000000000e+00, v0;
	_ =	sdelay $0x1  }
0x1a1: {  	[tilespmem:s8+$0x50] =	vst v0  }
0x1a2: {  	v0 =	vld [tilespmem:s13+$0x99C0];
	_ =	sdelay $0x4  }
0x1a3: {  	v0 =	vmul.f32 $8.000000000e+00, v0;
	_ =	sdelay $0x1  }
0x1a4: {  	[tilespmem:s8+$0x60] =	vst v0  }
0x1a5: {  	v0 =	vld [tilespmem:s13+$0x99D0];
	_ =	sdelay $0x4  }
0x1a6: {  	v0 =	vmul.f32 $8.000000000e+00, v0;
	_ =	sdelay $0x1  }
0x1a7: {  	[tilespmem:s8+$0x70] =	vst v0  }
0x1a8: {  	v0 =	vld [tilespmem:s13+$0x35E0];
	_ =	sdelay $0x4  }
0x1a9: {  	v0 =	vmul.f32 $8.000000000e+00, v0;
	_ =	sdelay $0x1  }
0x1aa: {  	[tilespmem:s8+$0x80] =	vst v0  }
0x1ab: {  	v0 =	vld [tilespmem:s13+$0x35F0];
	_ =	sdelay $0x4  }
0x1ac: {  	v0 =	vmul.f32 $8.000000000e+00, v0;
	_ =	sdelay $0x1  }
0x1ad: {  	[tilespmem:s8+$0x90] =	vst v0  }
0x1ae: {  	v0 =	vld [tilespmem:s13+$0x99E0];
	_ =	sdelay $0x4  }
0x1af: {  	v0 =	vmul.f32 $8.000000000e+00, v0;
	_ =	sdelay $0x1  }
0x1b0: {  	[tilespmem:s8+$0xA0] =	vst v0  }
0x1b1: {  	v0 =	vld [tilespmem:s13+$0x99F0];
	_ =	sdelay $0x4  }
0x1b2: {  	v0 =	vmul.f32 $8.000000000e+00, v0;
	_ =	sdelay $0x1  }
0x1b3: {  	[tilespmem:s8+$0xB0] =	vst v0  }
0x1b4: {  	v0 =	vld [tilespmem:s13+$0x3600];
	_ =	sdelay $0x4  }
0x1b5: {  	v0 =	vmul.f32 $8.000000000e+00, v0;
	_ =	sdelay $0x1  }
0x1b6: {  	[tilespmem:s8+$0xC0] =	vst v0  }
0x1b7: {  	v0 =	vld [tilespmem:s13+$0x3610];
	_ =	sdelay $0x4  }
0x1b8: {  	v0 =	vmul.f32 $8.000000000e+00, v0;
	_ =	sdelay $0x1  }
0x1b9: {  	[tilespmem:s8+$0xD0] =	vst v0  }
0x1ba: {  	v0 =	vld [tilespmem:s13+$0x9A00];
	_ =	sdelay $0x4  }
0x1bb: {  	v0 =	vmul.f32 $8.000000000e+00, v0;
	_ =	sdelay $0x1  }
0x1bc: {  	[tilespmem:s8+$0xE0] =	vst v0  }
0x1bd: {  	v0 =	vld [tilespmem:s13+$0x9A10];
	_ =	sdelay $0x4  }
0x1be: {  	v0 =	vmul.f32 $8.000000000e+00, v0;
	_ =	sdelay $0x1  }
0x1bf: {  	s9 =	simm.s32 $0x100;
	s10 =	simm.s32 $0x800;
	[tilespmem:s8+$0xF0] =	vst v0  }
.LBB2_4:
0x1c0: {  	p0 =	sne.s32 s10, $0xC400;
	v0 =	vld [tilespmem:s9+$0x3520];
	_ =	sdelay $0x4  }
0x1c1: {  	v0 =	vmul.f32 $8.000000000e+00, v0  }
0x1c2: {  	s8 =	sadd.s32 $0x200, s8  }
0x1c3: {  	[tilespmem:s8+$0xFFFFFF00] =	vst v0  }
0x1c4: {  	v0 =	vld [tilespmem:s9+$0x3530];
	_ =	sdelay $0x4  }
0x1c5: {  	v0 =	vmul.f32 $8.000000000e+00, v0;
	_ =	sdelay $0x1  }
0x1c6: {  	[tilespmem:s8+$0xFFFFFF10] =	vst v0  }
0x1c7: {  	v0 =	vld [tilespmem:s9+$0x9920];
	_ =	sdelay $0x4  }
0x1c8: {  	v0 =	vmul.f32 $8.000000000e+00, v0;
	_ =	sdelay $0x1  }
0x1c9: {  	[tilespmem:s8+$0xFFFFFF20] =	vst v0  }
0x1ca: {  	v0 =	vld [tilespmem:s9+$0x9930];
	_ =	sdelay $0x4  }
0x1cb: {  	v0 =	vmul.f32 $8.000000000e+00, v0;
	_ =	sdelay $0x1  }
0x1cc: {  	[tilespmem:s8+$0xFFFFFF30] =	vst v0  }
0x1cd: {  	v0 =	vld [tilespmem:s9+$0x3540];
	_ =	sdelay $0x4  }
0x1ce: {  	v0 =	vmul.f32 $8.000000000e+00, v0;
	_ =	sdelay $0x1  }
0x1cf: {  	[tilespmem:s8+$0xFFFFFF40] =	vst v0  }
0x1d0: {  	v0 =	vld [tilespmem:s9+$0x3550];
	_ =	sdelay $0x4  }
0x1d1: {  	v0 =	vmul.f32 $8.000000000e+00, v0;
	_ =	sdelay $0x1  }
0x1d2: {  	[tilespmem:s8+$0xFFFFFF50] =	vst v0  }
0x1d3: {  	v0 =	vld [tilespmem:s9+$0x9940];
	_ =	sdelay $0x4  }
0x1d4: {  	v0 =	vmul.f32 $8.000000000e+00, v0;
	_ =	sdelay $0x1  }
0x1d5: {  	[tilespmem:s8+$0xFFFFFF60] =	vst v0  }
0x1d6: {  	v0 =	vld [tilespmem:s9+$0x9950];
	_ =	sdelay $0x4  }
0x1d7: {  	v0 =	vmul.f32 $8.000000000e+00, v0;
	_ =	sdelay $0x1  }
0x1d8: {  	[tilespmem:s8+$0xFFFFFF70] =	vst v0  }
0x1d9: {  	v0 =	vld [tilespmem:s9+$0x3560];
	_ =	sdelay $0x4  }
0x1da: {  	v0 =	vmul.f32 $8.000000000e+00, v0;
	_ =	sdelay $0x1  }
0x1db: {  	[tilespmem:s8+$0xFFFFFF80] =	vst v0  }
0x1dc: {  	v0 =	vld [tilespmem:s9+$0x3570];
	_ =	sdelay $0x4  }
0x1dd: {  	v0 =	vmul.f32 $8.000000000e+00, v0;
	_ =	sdelay $0x1  }
0x1de: {  	[tilespmem:s8+$0xFFFFFF90] =	vst v0  }
0x1df: {  	v0 =	vld [tilespmem:s9+$0x9960];
	_ =	sdelay $0x4  }
0x1e0: {  	v0 =	vmul.f32 $8.000000000e+00, v0;
	_ =	sdelay $0x1  }
0x1e1: {  	[tilespmem:s8+$0xFFFFFFA0] =	vst v0  }
0x1e2: {  	v0 =	vld [tilespmem:s9+$0x9970];
	_ =	sdelay $0x4  }
0x1e3: {  	v0 =	vmul.f32 $8.000000000e+00, v0;
	_ =	sdelay $0x1  }
0x1e4: {  	[tilespmem:s8+$0xFFFFFFB0] =	vst v0  }
0x1e5: {  	v0 =	vld [tilespmem:s9+$0x3580];
	_ =	sdelay $0x4  }
0x1e6: {  	v0 =	vmul.f32 $8.000000000e+00, v0;
	_ =	sdelay $0x1  }
0x1e7: {  	[tilespmem:s8+$0xFFFFFFC0] =	vst v0  }
0x1e8: {  	v0 =	vld [tilespmem:s9+$0x3590];
	_ =	sdelay $0x4  }
0x1e9: {  	v0 =	vmul.f32 $8.000000000e+00, v0;
	_ =	sdelay $0x1  }
0x1ea: {  	[tilespmem:s8+$0xFFFFFFD0] =	vst v0  }
0x1eb: {  	v0 =	vld [tilespmem:s9+$0x9980];
	_ =	sdelay $0x4  }
0x1ec: {  	v0 =	vmul.f32 $8.000000000e+00, v0;
	_ =	sdelay $0x1  }
0x1ed: {  	[tilespmem:s8+$0xFFFFFFE0] =	vst v0  }
0x1ee: {  	v0 =	vld [tilespmem:s9+$0x9990];
	_ =	sdelay $0x4  }
0x1ef: {  	v0 =	vmul.f32 $8.000000000e+00, v0;
	_ =	sdelay $0x1  }
0x1f0: {  	[tilespmem:s8+$0xFFFFFFF0] =	vst v0  }
0x1f1: {  	v0 =	vld [tilespmem:s9+$0x35A0];
	_ =	sdelay $0x4  }
0x1f2: {  	v0 =	vmul.f32 $8.000000000e+00, v0;
	_ =	sdelay $0x1  }
0x1f3: {  	[tilespmem:s8+$0x0] =	vst v0  }
0x1f4: {  	v0 =	vld [tilespmem:s9+$0x35B0];
	_ =	sdelay $0x4  }
0x1f5: {  	v0 =	vmul.f32 $8.000000000e+00, v0;
	_ =	sdelay $0x1  }
0x1f6: {  	[tilespmem:s8+$0x10] =	vst v0  }
0x1f7: {  	v0 =	vld [tilespmem:s9+$0x99A0];
	_ =	sdelay $0x4  }
0x1f8: {  	v0 =	vmul.f32 $8.000000000e+00, v0;
	_ =	sdelay $0x1  }
0x1f9: {  	[tilespmem:s8+$0x20] =	vst v0  }
0x1fa: {  	v0 =	vld [tilespmem:s9+$0x99B0];
	_ =	sdelay $0x4  }
0x1fb: {  	v0 =	vmul.f32 $8.000000000e+00, v0;
	_ =	sdelay $0x1  }
0x1fc: {  	[tilespmem:s8+$0x30] =	vst v0  }
0x1fd: {  	v0 =	vld [tilespmem:s9+$0x35C0];
	_ =	sdelay $0x4  }
0x1fe: {  	v0 =	vmul.f32 $8.000000000e+00, v0;
	_ =	sdelay $0x1  }
0x1ff: {  	[tilespmem:s8+$0x40] =	vst v0  }
0x200: {  	v0 =	vld [tilespmem:s9+$0x35D0];
	_ =	sdelay $0x4  }
0x201: {  	v0 =	vmul.f32 $8.000000000e+00, v0;
	_ =	sdelay $0x1  }
0x202: {  	[tilespmem:s8+$0x50] =	vst v0  }
0x203: {  	v0 =	vld [tilespmem:s9+$0x99C0];
	_ =	sdelay $0x4  }
0x204: {  	v0 =	vmul.f32 $8.000000000e+00, v0;
	_ =	sdelay $0x1  }
0x205: {  	[tilespmem:s8+$0x60] =	vst v0  }
0x206: {  	v0 =	vld [tilespmem:s9+$0x99D0];
	_ =	sdelay $0x4  }
0x207: {  	v0 =	vmul.f32 $8.000000000e+00, v0;
	_ =	sdelay $0x1  }
0x208: {  	[tilespmem:s8+$0x70] =	vst v0  }
0x209: {  	v0 =	vld [tilespmem:s9+$0x35E0];
	_ =	sdelay $0x4  }
0x20a: {  	v0 =	vmul.f32 $8.000000000e+00, v0;
	_ =	sdelay $0x1  }
0x20b: {  	[tilespmem:s8+$0x80] =	vst v0  }
0x20c: {  	v0 =	vld [tilespmem:s9+$0x35F0];
	_ =	sdelay $0x4  }
0x20d: {  	v0 =	vmul.f32 $8.000000000e+00, v0;
	_ =	sdelay $0x1  }
0x20e: {  	[tilespmem:s8+$0x90] =	vst v0  }
0x20f: {  	v0 =	vld [tilespmem:s9+$0x99E0];
	_ =	sdelay $0x4  }
0x210: {  	v0 =	vmul.f32 $8.000000000e+00, v0;
	_ =	sdelay $0x1  }
0x211: {  	[tilespmem:s8+$0xA0] =	vst v0  }
0x212: {  	v0 =	vld [tilespmem:s9+$0x99F0];
	_ =	sdelay $0x4  }
0x213: {  	v0 =	vmul.f32 $8.000000000e+00, v0;
	_ =	sdelay $0x1  }
0x214: {  	[tilespmem:s8+$0xB0] =	vst v0  }
0x215: {  	v0 =	vld [tilespmem:s9+$0x3600];
	_ =	sdelay $0x4  }
0x216: {  	v0 =	vmul.f32 $8.000000000e+00, v0;
	_ =	sdelay $0x1  }
0x217: {  	[tilespmem:s8+$0xC0] =	vst v0  }
0x218: {  	v0 =	vld [tilespmem:s9+$0x3610];
	_ =	sdelay $0x4  }
0x219: {  	v0 =	vmul.f32 $8.000000000e+00, v0;
	_ =	sdelay $0x1  }
0x21a: {  	[tilespmem:s8+$0xD0] =	vst v0  }
0x21b: {  	v0 =	vld [tilespmem:s9+$0x9A00];
	_ =	sdelay $0x4  }
0x21c: {  	v0 =	vmul.f32 $8.000000000e+00, v0;
	_ =	sdelay $0x1  }
0x21d: {  	[tilespmem:s8+$0xE0] =	vst v0  }
0x21e: {  	v0 =	vld [tilespmem:s9+$0x9A10];
	_ =	sdelay $0x2  }
.Ltmp1:
0x21f: {  	(pc) =	sbr.rel @p0 .LBB2_4-.Ltmp1, $3  }
0x220: {  	_ = 	snop  }
0x221: {  	v0 =	vmul.f32 $8.000000000e+00, v0;
	_ =	sdelay $0x1  }
0x222: {  	s9 =	sshra.s32 s10, $0x2;
	s10 =	sadd.s32 $0x400, s10;
	[tilespmem:s8+$0xF0] =	vst v0  }
0x223: {  	v0 =	vld [tilespmem:s9+$0x3520];
	_ =	sdelay $0x4  }
0x224: {  	v0 =	vmul.f32 $8.000000000e+00, v0  }
0x225: {  	s8 =	sadd.s32 $0x200, s8  }
0x226: {  	[tilespmem:s8+$0xFFFFFF00] =	vst v0  }
0x227: {  	v0 =	vld [tilespmem:s9+$0x3530];
	_ =	sdelay $0x4  }
0x228: {  	v0 =	vmul.f32 $8.000000000e+00, v0;
	_ =	sdelay $0x1  }
0x229: {  	[tilespmem:s8+$0xFFFFFF10] =	vst v0  }
0x22a: {  	v0 =	vld [tilespmem:s9+$0x9920];
	_ =	sdelay $0x4  }
0x22b: {  	v0 =	vmul.f32 $8.000000000e+00, v0;
	_ =	sdelay $0x1  }
0x22c: {  	[tilespmem:s8+$0xFFFFFF20] =	vst v0  }
0x22d: {  	v0 =	vld [tilespmem:s9+$0x9930];
	_ =	sdelay $0x4  }
0x22e: {  	v0 =	vmul.f32 $8.000000000e+00, v0;
	_ =	sdelay $0x1  }
0x22f: {  	[tilespmem:s8+$0xFFFFFF30] =	vst v0  }
0x230: {  	v0 =	vld [tilespmem:s9+$0x3540];
	_ =	sdelay $0x4  }
0x231: {  	v0 =	vmul.f32 $8.000000000e+00, v0;
	_ =	sdelay $0x1  }
0x232: {  	[tilespmem:s8+$0xFFFFFF40] =	vst v0  }
0x233: {  	v0 =	vld [tilespmem:s9+$0x3550];
	_ =	sdelay $0x4  }
0x234: {  	v0 =	vmul.f32 $8.000000000e+00, v0;
	_ =	sdelay $0x1  }
0x235: {  	[tilespmem:s8+$0xFFFFFF50] =	vst v0  }
0x236: {  	v0 =	vld [tilespmem:s9+$0x9940];
	_ =	sdelay $0x4  }
0x237: {  	v0 =	vmul.f32 $8.000000000e+00, v0;
	_ =	sdelay $0x1  }
0x238: {  	[tilespmem:s8+$0xFFFFFF60] =	vst v0  }
0x239: {  	v0 =	vld [tilespmem:s9+$0x9950];
	_ =	sdelay $0x4  }
0x23a: {  	v0 =	vmul.f32 $8.000000000e+00, v0;
	_ =	sdelay $0x1  }
0x23b: {  	[tilespmem:s8+$0xFFFFFF70] =	vst v0  }
0x23c: {  	v0 =	vld [tilespmem:s9+$0x3560];
	_ =	sdelay $0x4  }
0x23d: {  	v0 =	vmul.f32 $8.000000000e+00, v0;
	_ =	sdelay $0x1  }
0x23e: {  	[tilespmem:s8+$0xFFFFFF80] =	vst v0  }
0x23f: {  	v0 =	vld [tilespmem:s9+$0x3570];
	_ =	sdelay $0x4  }
0x240: {  	v0 =	vmul.f32 $8.000000000e+00, v0;
	_ =	sdelay $0x1  }
0x241: {  	[tilespmem:s8+$0xFFFFFF90] =	vst v0  }
0x242: {  	v0 =	vld [tilespmem:s9+$0x9960];
	_ =	sdelay $0x4  }
0x243: {  	v0 =	vmul.f32 $8.000000000e+00, v0;
	_ =	sdelay $0x1  }
0x244: {  	[tilespmem:s8+$0xFFFFFFA0] =	vst v0  }
0x245: {  	v0 =	vld [tilespmem:s9+$0x9970];
	_ =	sdelay $0x4  }
0x246: {  	v0 =	vmul.f32 $8.000000000e+00, v0;
	_ =	sdelay $0x1  }
0x247: {  	[tilespmem:s8+$0xFFFFFFB0] =	vst v0  }
0x248: {  	v0 =	vld [tilespmem:s9+$0x3580];
	_ =	sdelay $0x4  }
0x249: {  	v0 =	vmul.f32 $8.000000000e+00, v0;
	_ =	sdelay $0x1  }
0x24a: {  	[tilespmem:s8+$0xFFFFFFC0] =	vst v0  }
0x24b: {  	v0 =	vld [tilespmem:s9+$0x3590];
	_ =	sdelay $0x4  }
0x24c: {  	v0 =	vmul.f32 $8.000000000e+00, v0;
	_ =	sdelay $0x1  }
0x24d: {  	[tilespmem:s8+$0xFFFFFFD0] =	vst v0  }
0x24e: {  	v0 =	vld [tilespmem:s9+$0x9980];
	_ =	sdelay $0x4  }
0x24f: {  	v0 =	vmul.f32 $8.000000000e+00, v0;
	_ =	sdelay $0x1  }
0x250: {  	[tilespmem:s8+$0xFFFFFFE0] =	vst v0  }
0x251: {  	v0 =	vld [tilespmem:s9+$0x9990];
	_ =	sdelay $0x4  }
0x252: {  	v0 =	vmul.f32 $8.000000000e+00, v0;
	_ =	sdelay $0x1  }
0x253: {  	[tilespmem:s8+$0xFFFFFFF0] =	vst v0  }
0x254: {  	v0 =	vld [tilespmem:s9+$0x35A0];
	_ =	sdelay $0x4  }
0x255: {  	v0 =	vmul.f32 $8.000000000e+00, v0;
	_ =	sdelay $0x1  }
0x256: {  	[tilespmem:s8+$0x0] =	vst v0  }
0x257: {  	v0 =	vld [tilespmem:s9+$0x35B0];
	_ =	sdelay $0x4  }
0x258: {  	v0 =	vmul.f32 $8.000000000e+00, v0;
	_ =	sdelay $0x1  }
0x259: {  	[tilespmem:s8+$0x10] =	vst v0  }
0x25a: {  	v0 =	vld [tilespmem:s9+$0x99A0];
	_ =	sdelay $0x4  }
0x25b: {  	v0 =	vmul.f32 $8.000000000e+00, v0;
	_ =	sdelay $0x1  }
0x25c: {  	[tilespmem:s8+$0x20] =	vst v0  }
0x25d: {  	v0 =	vld [tilespmem:s9+$0x99B0];
	_ =	sdelay $0x4  }
0x25e: {  	v0 =	vmul.f32 $8.000000000e+00, v0;
	_ =	sdelay $0x1  }
0x25f: {  	[tilespmem:s8+$0x30] =	vst v0  }
0x260: {  	v0 =	vld [tilespmem:s9+$0x35C0];
	_ =	sdelay $0x4  }
0x261: {  	v0 =	vmul.f32 $8.000000000e+00, v0;
	_ =	sdelay $0x1  }
0x262: {  	[tilespmem:s8+$0x40] =	vst v0  }
0x263: {  	v0 =	vld [tilespmem:s9+$0x35D0];
	_ =	sdelay $0x4  }
0x264: {  	v0 =	vmul.f32 $8.000000000e+00, v0;
	_ =	sdelay $0x1  }
0x265: {  	[tilespmem:s8+$0x50] =	vst v0  }
0x266: {  	v0 =	vld [tilespmem:s9+$0x99C0];
	_ =	sdelay $0x4  }
0x267: {  	v0 =	vmul.f32 $8.000000000e+00, v0;
	_ =	sdelay $0x1  }
0x268: {  	[tilespmem:s8+$0x60] =	vst v0  }
0x269: {  	v0 =	vld [tilespmem:s9+$0x99D0];
	_ =	sdelay $0x4  }
0x26a: {  	v0 =	vmul.f32 $8.000000000e+00, v0;
	_ =	sdelay $0x1  }
0x26b: {  	[tilespmem:s8+$0x70] =	vst v0  }
0x26c: {  	v0 =	vld [tilespmem:s9+$0x35E0];
	_ =	sdelay $0x4  }
0x26d: {  	v0 =	vmul.f32 $8.000000000e+00, v0;
	_ =	sdelay $0x1  }
0x26e: {  	[tilespmem:s8+$0x80] =	vst v0  }
0x26f: {  	v0 =	vld [tilespmem:s9+$0x35F0];
	_ =	sdelay $0x4  }
0x270: {  	v0 =	vmul.f32 $8.000000000e+00, v0;
	_ =	sdelay $0x1  }
0x271: {  	[tilespmem:s8+$0x90] =	vst v0  }
0x272: {  	v0 =	vld [tilespmem:s9+$0x99E0];
	_ =	sdelay $0x4  }
0x273: {  	v0 =	vmul.f32 $8.000000000e+00, v0;
	_ =	sdelay $0x1  }
0x274: {  	[tilespmem:s8+$0xA0] =	vst v0  }
0x275: {  	v0 =	vld [tilespmem:s9+$0x99F0];
	_ =	sdelay $0x4  }
0x276: {  	v0 =	vmul.f32 $8.000000000e+00, v0;
	_ =	sdelay $0x1  }
0x277: {  	[tilespmem:s8+$0xB0] =	vst v0  }
0x278: {  	v0 =	vld [tilespmem:s9+$0x3600];
	_ =	sdelay $0x4  }
0x279: {  	v0 =	vmul.f32 $8.000000000e+00, v0;
	_ =	sdelay $0x1  }
0x27a: {  	[tilespmem:s8+$0xC0] =	vst v0  }
0x27b: {  	v0 =	vld [tilespmem:s9+$0x3610];
	_ =	sdelay $0x4  }
0x27c: {  	v0 =	vmul.f32 $8.000000000e+00, v0;
	_ =	sdelay $0x1  }
0x27d: {  	[tilespmem:s8+$0xD0] =	vst v0  }
0x27e: {  	v0 =	vld [tilespmem:s9+$0x9A00];
	_ =	sdelay $0x4  }
0x27f: {  	v0 =	vmul.f32 $8.000000000e+00, v0;
	_ =	sdelay $0x1  }
0x280: {  	[tilespmem:s8+$0xE0] =	vst v0  }
0x281: {  	v0 =	vld [tilespmem:s9+$0x9A10];
	_ =	sdelay $0x4  }
0x282: {  	v0 =	vmul.f32 $8.000000000e+00, v0;
	_ =	sdelay $0x1  }
0x283: {  	s12 =	rddreg [dreg:$0x7];
	[tilespmem:s8+$0xF0] =	vst v0;
	s8 =	simm.s32 $0x0  }
0x284: {  	[hbm4b:s12+s8] =	stream.linear.scatter [tilespmem:s30], [sflag:$0x4], $0x6400, $0x38;
	[tilespmem:$0x19320] =	vst v63  }
0x285: {  	s13 =	rddreg [dreg:$0x8]  }
0x286: {  	[tilespmem:s21], [sflag:$0x5] =	stream.linear.gather [hbm4b:s13+s8], $0x190, $0x38;
	[tilespmem:$0x19320] =	vst v63  }
0x287: {  	_ =	swait.ge [sflag:s20], $0x190  }
0x288: {  	[sflag:s20] =	ssyncset.done $0x0  }
0x289: {  	[sflag:s20] =	ssyncadd.s32 $0xFFFFFE70  }
0x28a: {  	[tilespmem:s24], [sflag:$0x2] =	stream.indirect.gather [hbm4b:s5+s21], $0x20, s21, s21, $0xb8;
	[tilespmem:$0x19320] =	vst v63  }
0x28b: {  	_ = 	snop  }
0x28c: {  	[tilespmem:s25], [sflag:$0x2] =	stream.indirect.gather [hbm4b:s6+s21], $0x20, s21, s21, $0xb8;
	[tilespmem:$0x19320] =	vst v63  }
.LBB2_6:
0x28d: {  	_ =	swait.ge [sflag:s26], $0x3200  }
0x28e: {  	[sflag:s26] =	ssyncset.done $0x0  }
0x28f: {  	[sflag:s26] =	ssyncadd.s32 $0xFFFFCE00  }
0x290: {  	_ =	swait.ge [sflag:s26], $0x3200  }
0x291: {  	[sflag:s26] =	ssyncset.done $0x0  }
0x292: {  	[sflag:s26] =	ssyncadd.s32 $0xFFFFCE00  }
0x293: {  	_ =	swait.ge [sflag:s31], $0x6400  }
0x294: {  	[sflag:s31] =	ssyncset.done $0x0  }
0x295: {  	s10 =	simm.s32 $0x0;
	[sflag:s31] =	ssyncadd.s32 $0xFFFF9C00  }
0x296: {  	v0 =	vld [tilespmem:s10+$0x320];
	_ =	sdelay $0x4  }
0x297: {  	v0 =	vmul.f32 $8.000000000e+00, v0  }
0x298: {  	s9 =	simm.s32 $0xCC20  }
0x299: {  	[tilespmem:s9+$0xFFFFFF00] =	vst v0  }
0x29a: {  	v0 =	vld [tilespmem:s10+$0x330];
	_ =	sdelay $0x4  }
0x29b: {  	v0 =	vmul.f32 $8.000000000e+00, v0;
	_ =	sdelay $0x1  }
0x29c: {  	[tilespmem:s9+$0xFFFFFF10] =	vst v0  }
0x29d: {  	v0 =	vld [tilespmem:s10+$0x6720];
	_ =	sdelay $0x4  }
0x29e: {  	v0 =	vmul.f32 $8.000000000e+00, v0;
	_ =	sdelay $0x1  }
0x29f: {  	[tilespmem:s9+$0xFFFFFF20] =	vst v0  }
0x2a0: {  	v0 =	vld [tilespmem:s10+$0x6730];
	_ =	sdelay $0x4  }
0x2a1: {  	v0 =	vmul.f32 $8.000000000e+00, v0;
	_ =	sdelay $0x1  }
0x2a2: {  	[tilespmem:s9+$0xFFFFFF30] =	vst v0  }
0x2a3: {  	v0 =	vld [tilespmem:s10+$0x340];
	_ =	sdelay $0x4  }
0x2a4: {  	v0 =	vmul.f32 $8.000000000e+00, v0;
	_ =	sdelay $0x1  }
0x2a5: {  	[tilespmem:s9+$0xFFFFFF40] =	vst v0  }
0x2a6: {  	v0 =	vld [tilespmem:s10+$0x350];
	_ =	sdelay $0x4  }
0x2a7: {  	v0 =	vmul.f32 $8.000000000e+00, v0;
	_ =	sdelay $0x1  }
0x2a8: {  	[tilespmem:s9+$0xFFFFFF50] =	vst v0  }
0x2a9: {  	v0 =	vld [tilespmem:s10+$0x6740];
	_ =	sdelay $0x4  }
0x2aa: {  	v0 =	vmul.f32 $8.000000000e+00, v0;
	_ =	sdelay $0x1  }
0x2ab: {  	[tilespmem:s9+$0xFFFFFF60] =	vst v0  }
0x2ac: {  	v0 =	vld [tilespmem:s10+$0x6750];
	_ =	sdelay $0x4  }
0x2ad: {  	v0 =	vmul.f32 $8.000000000e+00, v0;
	_ =	sdelay $0x1  }
0x2ae: {  	[tilespmem:s9+$0xFFFFFF70] =	vst v0  }
0x2af: {  	v0 =	vld [tilespmem:s10+$0x360];
	_ =	sdelay $0x4  }
0x2b0: {  	v0 =	vmul.f32 $8.000000000e+00, v0;
	_ =	sdelay $0x1  }
0x2b1: {  	[tilespmem:s9+$0xFFFFFF80] =	vst v0  }
0x2b2: {  	v0 =	vld [tilespmem:s10+$0x370];
	_ =	sdelay $0x4  }
0x2b3: {  	v0 =	vmul.f32 $8.000000000e+00, v0;
	_ =	sdelay $0x1  }
0x2b4: {  	[tilespmem:s9+$0xFFFFFF90] =	vst v0  }
0x2b5: {  	v0 =	vld [tilespmem:s10+$0x6760];
	_ =	sdelay $0x4  }
0x2b6: {  	v0 =	vmul.f32 $8.000000000e+00, v0;
	_ =	sdelay $0x1  }
0x2b7: {  	[tilespmem:s9+$0xFFFFFFA0] =	vst v0  }
0x2b8: {  	v0 =	vld [tilespmem:s10+$0x6770];
	_ =	sdelay $0x4  }
0x2b9: {  	v0 =	vmul.f32 $8.000000000e+00, v0;
	_ =	sdelay $0x1  }
0x2ba: {  	[tilespmem:s9+$0xFFFFFFB0] =	vst v0  }
0x2bb: {  	v0 =	vld [tilespmem:s10+$0x380];
	_ =	sdelay $0x4  }
0x2bc: {  	v0 =	vmul.f32 $8.000000000e+00, v0;
	_ =	sdelay $0x1  }
0x2bd: {  	[tilespmem:s9+$0xFFFFFFC0] =	vst v0  }
0x2be: {  	v0 =	vld [tilespmem:s10+$0x390];
	_ =	sdelay $0x4  }
0x2bf: {  	v0 =	vmul.f32 $8.000000000e+00, v0;
	_ =	sdelay $0x1  }
0x2c0: {  	[tilespmem:s9+$0xFFFFFFD0] =	vst v0  }
0x2c1: {  	v0 =	vld [tilespmem:s10+$0x6780];
	_ =	sdelay $0x4  }
0x2c2: {  	v0 =	vmul.f32 $8.000000000e+00, v0;
	_ =	sdelay $0x1  }
0x2c3: {  	[tilespmem:s9+$0xFFFFFFE0] =	vst v0  }
0x2c4: {  	v0 =	vld [tilespmem:s10+$0x6790];
	_ =	sdelay $0x4  }
0x2c5: {  	v0 =	vmul.f32 $8.000000000e+00, v0;
	_ =	sdelay $0x1  }
0x2c6: {  	[tilespmem:s9+$0xFFFFFFF0] =	vst v0  }
0x2c7: {  	v0 =	vld [tilespmem:s10+$0x3A0];
	_ =	sdelay $0x4  }
0x2c8: {  	v0 =	vmul.f32 $8.000000000e+00, v0;
	_ =	sdelay $0x1  }
0x2c9: {  	[tilespmem:s9+$0x0] =	vst v0  }
0x2ca: {  	v0 =	vld [tilespmem:s10+$0x3B0];
	_ =	sdelay $0x4  }
0x2cb: {  	v0 =	vmul.f32 $8.000000000e+00, v0;
	_ =	sdelay $0x1  }
0x2cc: {  	[tilespmem:s9+$0x10] =	vst v0  }
0x2cd: {  	v0 =	vld [tilespmem:s10+$0x67A0];
	_ =	sdelay $0x4  }
0x2ce: {  	v0 =	vmul.f32 $8.000000000e+00, v0;
	_ =	sdelay $0x1  }
0x2cf: {  	[tilespmem:s9+$0x20] =	vst v0  }
0x2d0: {  	v0 =	vld [tilespmem:s10+$0x67B0];
	_ =	sdelay $0x4  }
0x2d1: {  	v0 =	vmul.f32 $8.000000000e+00, v0;
	_ =	sdelay $0x1  }
0x2d2: {  	[tilespmem:s9+$0x30] =	vst v0  }
0x2d3: {  	v0 =	vld [tilespmem:s10+$0x3C0];
	_ =	sdelay $0x4  }
0x2d4: {  	v0 =	vmul.f32 $8.000000000e+00, v0;
	_ =	sdelay $0x1  }
0x2d5: {  	[tilespmem:s9+$0x40] =	vst v0  }
0x2d6: {  	v0 =	vld [tilespmem:s10+$0x3D0];
	_ =	sdelay $0x4  }
0x2d7: {  	v0 =	vmul.f32 $8.000000000e+00, v0;
	_ =	sdelay $0x1  }
0x2d8: {  	[tilespmem:s9+$0x50] =	vst v0  }
0x2d9: {  	v0 =	vld [tilespmem:s10+$0x67C0];
	_ =	sdelay $0x4  }
0x2da: {  	v0 =	vmul.f32 $8.000000000e+00, v0;
	_ =	sdelay $0x1  }
0x2db: {  	[tilespmem:s9+$0x60] =	vst v0  }
0x2dc: {  	v0 =	vld [tilespmem:s10+$0x67D0];
	_ =	sdelay $0x4  }
0x2dd: {  	v0 =	vmul.f32 $8.000000000e+00, v0;
	_ =	sdelay $0x1  }
0x2de: {  	[tilespmem:s9+$0x70] =	vst v0  }
0x2df: {  	v0 =	vld [tilespmem:s10+$0x3E0];
	_ =	sdelay $0x4  }
0x2e0: {  	v0 =	vmul.f32 $8.000000000e+00, v0;
	_ =	sdelay $0x1  }
0x2e1: {  	[tilespmem:s9+$0x80] =	vst v0  }
0x2e2: {  	v0 =	vld [tilespmem:s10+$0x3F0];
	_ =	sdelay $0x4  }
0x2e3: {  	v0 =	vmul.f32 $8.000000000e+00, v0;
	_ =	sdelay $0x1  }
0x2e4: {  	[tilespmem:s9+$0x90] =	vst v0  }
0x2e5: {  	v0 =	vld [tilespmem:s10+$0x67E0];
	_ =	sdelay $0x4  }
0x2e6: {  	v0 =	vmul.f32 $8.000000000e+00, v0;
	_ =	sdelay $0x1  }
0x2e7: {  	[tilespmem:s9+$0xA0] =	vst v0  }
0x2e8: {  	v0 =	vld [tilespmem:s10+$0x67F0];
	_ =	sdelay $0x4  }
0x2e9: {  	v0 =	vmul.f32 $8.000000000e+00, v0;
	_ =	sdelay $0x1  }
0x2ea: {  	[tilespmem:s9+$0xB0] =	vst v0  }
0x2eb: {  	v0 =	vld [tilespmem:s10+$0x400];
	_ =	sdelay $0x4  }
0x2ec: {  	v0 =	vmul.f32 $8.000000000e+00, v0;
	_ =	sdelay $0x1  }
0x2ed: {  	[tilespmem:s9+$0xC0] =	vst v0  }
0x2ee: {  	v0 =	vld [tilespmem:s10+$0x410];
	_ =	sdelay $0x4  }
0x2ef: {  	v0 =	vmul.f32 $8.000000000e+00, v0;
	_ =	sdelay $0x1  }
0x2f0: {  	[tilespmem:s9+$0xD0] =	vst v0  }
0x2f1: {  	v0 =	vld [tilespmem:s10+$0x6800];
	_ =	sdelay $0x4  }
0x2f2: {  	v0 =	vmul.f32 $8.000000000e+00, v0;
	_ =	sdelay $0x1  }
0x2f3: {  	[tilespmem:s9+$0xE0] =	vst v0  }
0x2f4: {  	v0 =	vld [tilespmem:s10+$0x6810];
	_ =	sdelay $0x4  }
0x2f5: {  	v0 =	vmul.f32 $8.000000000e+00, v0;
	_ =	sdelay $0x1  }
0x2f6: {  	s12 =	simm.s32 $0x800;
	s10 =	simm.s32 $0x100;
	[tilespmem:s9+$0xF0] =	vst v0  }
.LBB2_7:
0x2f7: {  	p0 =	sne.s32 s12, $0xC400;
	v0 =	vld [tilespmem:s10+$0x320];
	_ =	sdelay $0x4  }
0x2f8: {  	v0 =	vmul.f32 $8.000000000e+00, v0  }
0x2f9: {  	s9 =	sadd.s32 $0x200, s9  }
0x2fa: {  	[tilespmem:s9+$0xFFFFFF00] =	vst v0  }
0x2fb: {  	v0 =	vld [tilespmem:s10+$0x330];
	_ =	sdelay $0x4  }
0x2fc: {  	v0 =	vmul.f32 $8.000000000e+00, v0;
	_ =	sdelay $0x1  }
0x2fd: {  	[tilespmem:s9+$0xFFFFFF10] =	vst v0  }
0x2fe: {  	v0 =	vld [tilespmem:s10+$0x6720];
	_ =	sdelay $0x4  }
0x2ff: {  	v0 =	vmul.f32 $8.000000000e+00, v0;
	_ =	sdelay $0x1  }
0x300: {  	[tilespmem:s9+$0xFFFFFF20] =	vst v0  }
0x301: {  	v0 =	vld [tilespmem:s10+$0x6730];
	_ =	sdelay $0x4  }
0x302: {  	v0 =	vmul.f32 $8.000000000e+00, v0;
	_ =	sdelay $0x1  }
0x303: {  	[tilespmem:s9+$0xFFFFFF30] =	vst v0  }
0x304: {  	v0 =	vld [tilespmem:s10+$0x340];
	_ =	sdelay $0x4  }
0x305: {  	v0 =	vmul.f32 $8.000000000e+00, v0;
	_ =	sdelay $0x1  }
0x306: {  	[tilespmem:s9+$0xFFFFFF40] =	vst v0  }
0x307: {  	v0 =	vld [tilespmem:s10+$0x350];
	_ =	sdelay $0x4  }
0x308: {  	v0 =	vmul.f32 $8.000000000e+00, v0;
	_ =	sdelay $0x1  }
0x309: {  	[tilespmem:s9+$0xFFFFFF50] =	vst v0  }
0x30a: {  	v0 =	vld [tilespmem:s10+$0x6740];
	_ =	sdelay $0x4  }
0x30b: {  	v0 =	vmul.f32 $8.000000000e+00, v0;
	_ =	sdelay $0x1  }
0x30c: {  	[tilespmem:s9+$0xFFFFFF60] =	vst v0  }
0x30d: {  	v0 =	vld [tilespmem:s10+$0x6750];
	_ =	sdelay $0x4  }
0x30e: {  	v0 =	vmul.f32 $8.000000000e+00, v0;
	_ =	sdelay $0x1  }
0x30f: {  	[tilespmem:s9+$0xFFFFFF70] =	vst v0  }
0x310: {  	v0 =	vld [tilespmem:s10+$0x360];
	_ =	sdelay $0x4  }
0x311: {  	v0 =	vmul.f32 $8.000000000e+00, v0;
	_ =	sdelay $0x1  }
0x312: {  	[tilespmem:s9+$0xFFFFFF80] =	vst v0  }
0x313: {  	v0 =	vld [tilespmem:s10+$0x370];
	_ =	sdelay $0x4  }
0x314: {  	v0 =	vmul.f32 $8.000000000e+00, v0;
	_ =	sdelay $0x1  }
0x315: {  	[tilespmem:s9+$0xFFFFFF90] =	vst v0  }
0x316: {  	v0 =	vld [tilespmem:s10+$0x6760];
	_ =	sdelay $0x4  }
0x317: {  	v0 =	vmul.f32 $8.000000000e+00, v0;
	_ =	sdelay $0x1  }
0x318: {  	[tilespmem:s9+$0xFFFFFFA0] =	vst v0  }
0x319: {  	v0 =	vld [tilespmem:s10+$0x6770];
	_ =	sdelay $0x4  }
0x31a: {  	v0 =	vmul.f32 $8.000000000e+00, v0;
	_ =	sdelay $0x1  }
0x31b: {  	[tilespmem:s9+$0xFFFFFFB0] =	vst v0  }
0x31c: {  	v0 =	vld [tilespmem:s10+$0x380];
	_ =	sdelay $0x4  }
0x31d: {  	v0 =	vmul.f32 $8.000000000e+00, v0;
	_ =	sdelay $0x1  }
0x31e: {  	[tilespmem:s9+$0xFFFFFFC0] =	vst v0  }
0x31f: {  	v0 =	vld [tilespmem:s10+$0x390];
	_ =	sdelay $0x4  }
0x320: {  	v0 =	vmul.f32 $8.000000000e+00, v0;
	_ =	sdelay $0x1  }
0x321: {  	[tilespmem:s9+$0xFFFFFFD0] =	vst v0  }
0x322: {  	v0 =	vld [tilespmem:s10+$0x6780];
	_ =	sdelay $0x4  }
0x323: {  	v0 =	vmul.f32 $8.000000000e+00, v0;
	_ =	sdelay $0x1  }
0x324: {  	[tilespmem:s9+$0xFFFFFFE0] =	vst v0  }
0x325: {  	v0 =	vld [tilespmem:s10+$0x6790];
	_ =	sdelay $0x4  }
0x326: {  	v0 =	vmul.f32 $8.000000000e+00, v0;
	_ =	sdelay $0x1  }
0x327: {  	[tilespmem:s9+$0xFFFFFFF0] =	vst v0  }
0x328: {  	v0 =	vld [tilespmem:s10+$0x3A0];
	_ =	sdelay $0x4  }
0x329: {  	v0 =	vmul.f32 $8.000000000e+00, v0;
	_ =	sdelay $0x1  }
0x32a: {  	[tilespmem:s9+$0x0] =	vst v0  }
0x32b: {  	v0 =	vld [tilespmem:s10+$0x3B0];
	_ =	sdelay $0x4  }
0x32c: {  	v0 =	vmul.f32 $8.000000000e+00, v0;
	_ =	sdelay $0x1  }
0x32d: {  	[tilespmem:s9+$0x10] =	vst v0  }
0x32e: {  	v0 =	vld [tilespmem:s10+$0x67A0];
	_ =	sdelay $0x4  }
0x32f: {  	v0 =	vmul.f32 $8.000000000e+00, v0;
	_ =	sdelay $0x1  }
0x330: {  	[tilespmem:s9+$0x20] =	vst v0  }
0x331: {  	v0 =	vld [tilespmem:s10+$0x67B0];
	_ =	sdelay $0x4  }
0x332: {  	v0 =	vmul.f32 $8.000000000e+00, v0;
	_ =	sdelay $0x1  }
0x333: {  	[tilespmem:s9+$0x30] =	vst v0  }
0x334: {  	v0 =	vld [tilespmem:s10+$0x3C0];
	_ =	sdelay $0x4  }
0x335: {  	v0 =	vmul.f32 $8.000000000e+00, v0;
	_ =	sdelay $0x1  }
0x336: {  	[tilespmem:s9+$0x40] =	vst v0  }
0x337: {  	v0 =	vld [tilespmem:s10+$0x3D0];
	_ =	sdelay $0x4  }
0x338: {  	v0 =	vmul.f32 $8.000000000e+00, v0;
	_ =	sdelay $0x1  }
0x339: {  	[tilespmem:s9+$0x50] =	vst v0  }
0x33a: {  	v0 =	vld [tilespmem:s10+$0x67C0];
	_ =	sdelay $0x4  }
0x33b: {  	v0 =	vmul.f32 $8.000000000e+00, v0;
	_ =	sdelay $0x1  }
0x33c: {  	[tilespmem:s9+$0x60] =	vst v0  }
0x33d: {  	v0 =	vld [tilespmem:s10+$0x67D0];
	_ =	sdelay $0x4  }
0x33e: {  	v0 =	vmul.f32 $8.000000000e+00, v0;
	_ =	sdelay $0x1  }
0x33f: {  	[tilespmem:s9+$0x70] =	vst v0  }
0x340: {  	v0 =	vld [tilespmem:s10+$0x3E0];
	_ =	sdelay $0x4  }
0x341: {  	v0 =	vmul.f32 $8.000000000e+00, v0;
	_ =	sdelay $0x1  }
0x342: {  	[tilespmem:s9+$0x80] =	vst v0  }
0x343: {  	v0 =	vld [tilespmem:s10+$0x3F0];
	_ =	sdelay $0x4  }
0x344: {  	v0 =	vmul.f32 $8.000000000e+00, v0;
	_ =	sdelay $0x1  }
0x345: {  	[tilespmem:s9+$0x90] =	vst v0  }
0x346: {  	v0 =	vld [tilespmem:s10+$0x67E0];
	_ =	sdelay $0x4  }
0x347: {  	v0 =	vmul.f32 $8.000000000e+00, v0;
	_ =	sdelay $0x1  }
0x348: {  	[tilespmem:s9+$0xA0] =	vst v0  }
0x349: {  	v0 =	vld [tilespmem:s10+$0x67F0];
	_ =	sdelay $0x4  }
0x34a: {  	v0 =	vmul.f32 $8.000000000e+00, v0;
	_ =	sdelay $0x1  }
0x34b: {  	[tilespmem:s9+$0xB0] =	vst v0  }
0x34c: {  	v0 =	vld [tilespmem:s10+$0x400];
	_ =	sdelay $0x4  }
0x34d: {  	v0 =	vmul.f32 $8.000000000e+00, v0;
	_ =	sdelay $0x1  }
0x34e: {  	[tilespmem:s9+$0xC0] =	vst v0  }
0x34f: {  	v0 =	vld [tilespmem:s10+$0x410];
	_ =	sdelay $0x4  }
0x350: {  	v0 =	vmul.f32 $8.000000000e+00, v0;
	_ =	sdelay $0x1  }
0x351: {  	[tilespmem:s9+$0xD0] =	vst v0  }
0x352: {  	v0 =	vld [tilespmem:s10+$0x6800];
	_ =	sdelay $0x4  }
0x353: {  	v0 =	vmul.f32 $8.000000000e+00, v0;
	_ =	sdelay $0x1  }
0x354: {  	[tilespmem:s9+$0xE0] =	vst v0  }
0x355: {  	v0 =	vld [tilespmem:s10+$0x6810];
	_ =	sdelay $0x2  }
.Ltmp2:
0x356: {  	(pc) =	sbr.rel @p0 .LBB2_7-.Ltmp2, $3  }
0x357: {  	_ = 	snop  }
0x358: {  	v0 =	vmul.f32 $8.000000000e+00, v0;
	_ =	sdelay $0x1  }
0x359: {  	s10 =	sshra.s32 s12, $0x2;
	s12 =	sadd.s32 $0x400, s12;
	[tilespmem:s9+$0xF0] =	vst v0  }
0x35a: {  	v0 =	vld [tilespmem:s10+$0x320];
	_ =	sdelay $0x4  }
0x35b: {  	v0 =	vmul.f32 $8.000000000e+00, v0  }
0x35c: {  	s12 =	sadd.s32 $0x200, s9  }
0x35d: {  	[tilespmem:s12+$0xFFFFFF00] =	vst v0  }
0x35e: {  	v0 =	vld [tilespmem:s10+$0x330];
	_ =	sdelay $0x4  }
0x35f: {  	v0 =	vmul.f32 $8.000000000e+00, v0;
	_ =	sdelay $0x1  }
0x360: {  	[tilespmem:s12+$0xFFFFFF10] =	vst v0  }
0x361: {  	v0 =	vld [tilespmem:s10+$0x6720];
	_ =	sdelay $0x4  }
0x362: {  	v0 =	vmul.f32 $8.000000000e+00, v0;
	_ =	sdelay $0x1  }
0x363: {  	[tilespmem:s12+$0xFFFFFF20] =	vst v0  }
0x364: {  	v0 =	vld [tilespmem:s10+$0x6730];
	_ =	sdelay $0x4  }
0x365: {  	v0 =	vmul.f32 $8.000000000e+00, v0;
	_ =	sdelay $0x1  }
0x366: {  	[tilespmem:s12+$0xFFFFFF30] =	vst v0  }
0x367: {  	v0 =	vld [tilespmem:s10+$0x340];
	_ =	sdelay $0x4  }
0x368: {  	v0 =	vmul.f32 $8.000000000e+00, v0;
	_ =	sdelay $0x1  }
0x369: {  	[tilespmem:s12+$0xFFFFFF40] =	vst v0  }
0x36a: {  	v0 =	vld [tilespmem:s10+$0x350];
	_ =	sdelay $0x4  }
0x36b: {  	v0 =	vmul.f32 $8.000000000e+00, v0;
	_ =	sdelay $0x1  }
0x36c: {  	[tilespmem:s12+$0xFFFFFF50] =	vst v0  }
0x36d: {  	v0 =	vld [tilespmem:s10+$0x6740];
	_ =	sdelay $0x4  }
0x36e: {  	v0 =	vmul.f32 $8.000000000e+00, v0;
	_ =	sdelay $0x1  }
0x36f: {  	[tilespmem:s12+$0xFFFFFF60] =	vst v0  }
0x370: {  	v0 =	vld [tilespmem:s10+$0x6750];
	_ =	sdelay $0x4  }
0x371: {  	v0 =	vmul.f32 $8.000000000e+00, v0;
	_ =	sdelay $0x1  }
0x372: {  	[tilespmem:s12+$0xFFFFFF70] =	vst v0  }
0x373: {  	v0 =	vld [tilespmem:s10+$0x360];
	_ =	sdelay $0x4  }
0x374: {  	v0 =	vmul.f32 $8.000000000e+00, v0;
	_ =	sdelay $0x1  }
0x375: {  	[tilespmem:s12+$0xFFFFFF80] =	vst v0  }
0x376: {  	v0 =	vld [tilespmem:s10+$0x370];
	_ =	sdelay $0x4  }
0x377: {  	v0 =	vmul.f32 $8.000000000e+00, v0;
	_ =	sdelay $0x1  }
0x378: {  	[tilespmem:s12+$0xFFFFFF90] =	vst v0  }
0x379: {  	v0 =	vld [tilespmem:s10+$0x6760];
	_ =	sdelay $0x4  }
0x37a: {  	v0 =	vmul.f32 $8.000000000e+00, v0;
	_ =	sdelay $0x1  }
0x37b: {  	[tilespmem:s12+$0xFFFFFFA0] =	vst v0  }
0x37c: {  	v0 =	vld [tilespmem:s10+$0x6770];
	_ =	sdelay $0x4  }
0x37d: {  	v0 =	vmul.f32 $8.000000000e+00, v0;
	_ =	sdelay $0x1  }
0x37e: {  	[tilespmem:s12+$0xFFFFFFB0] =	vst v0  }
0x37f: {  	v0 =	vld [tilespmem:s10+$0x380];
	_ =	sdelay $0x4  }
0x380: {  	v0 =	vmul.f32 $8.000000000e+00, v0;
	_ =	sdelay $0x1  }
0x381: {  	[tilespmem:s12+$0xFFFFFFC0] =	vst v0  }
0x382: {  	v0 =	vld [tilespmem:s10+$0x390];
	_ =	sdelay $0x4  }
0x383: {  	v0 =	vmul.f32 $8.000000000e+00, v0;
	_ =	sdelay $0x1  }
0x384: {  	[tilespmem:s12+$0xFFFFFFD0] =	vst v0  }
0x385: {  	v0 =	vld [tilespmem:s10+$0x6780];
	_ =	sdelay $0x4  }
0x386: {  	v0 =	vmul.f32 $8.000000000e+00, v0;
	_ =	sdelay $0x1  }
0x387: {  	[tilespmem:s12+$0xFFFFFFE0] =	vst v0  }
0x388: {  	v0 =	vld [tilespmem:s10+$0x6790];
	_ =	sdelay $0x4  }
0x389: {  	v0 =	vmul.f32 $8.000000000e+00, v0;
	_ =	sdelay $0x1  }
0x38a: {  	[tilespmem:s12+$0xFFFFFFF0] =	vst v0  }
0x38b: {  	v0 =	vld [tilespmem:s10+$0x3A0];
	_ =	sdelay $0x4  }
0x38c: {  	v0 =	vmul.f32 $8.000000000e+00, v0;
	_ =	sdelay $0x1  }
0x38d: {  	[tilespmem:s12+$0x0] =	vst v0  }
0x38e: {  	v0 =	vld [tilespmem:s10+$0x3B0];
	_ =	sdelay $0x4  }
0x38f: {  	v0 =	vmul.f32 $8.000000000e+00, v0;
	_ =	sdelay $0x1  }
0x390: {  	[tilespmem:s12+$0x10] =	vst v0  }
0x391: {  	v0 =	vld [tilespmem:s10+$0x67A0];
	_ =	sdelay $0x4  }
0x392: {  	v0 =	vmul.f32 $8.000000000e+00, v0;
	_ =	sdelay $0x1  }
0x393: {  	[tilespmem:s12+$0x20] =	vst v0  }
0x394: {  	v0 =	vld [tilespmem:s10+$0x67B0];
	_ =	sdelay $0x4  }
0x395: {  	v0 =	vmul.f32 $8.000000000e+00, v0;
	_ =	sdelay $0x1  }
0x396: {  	[tilespmem:s12+$0x30] =	vst v0  }
0x397: {  	v0 =	vld [tilespmem:s10+$0x3C0];
	_ =	sdelay $0x4  }
0x398: {  	v0 =	vmul.f32 $8.000000000e+00, v0;
	_ =	sdelay $0x1  }
0x399: {  	[tilespmem:s12+$0x40] =	vst v0  }
0x39a: {  	v0 =	vld [tilespmem:s10+$0x3D0];
	_ =	sdelay $0x4  }
0x39b: {  	v0 =	vmul.f32 $8.000000000e+00, v0;
	_ =	sdelay $0x1  }
0x39c: {  	[tilespmem:s12+$0x50] =	vst v0  }
0x39d: {  	v0 =	vld [tilespmem:s10+$0x67C0];
	_ =	sdelay $0x4  }
0x39e: {  	v0 =	vmul.f32 $8.000000000e+00, v0;
	_ =	sdelay $0x1  }
0x39f: {  	[tilespmem:s12+$0x60] =	vst v0  }
0x3a0: {  	v0 =	vld [tilespmem:s10+$0x67D0];
	_ =	sdelay $0x4  }
0x3a1: {  	v0 =	vmul.f32 $8.000000000e+00, v0;
	_ =	sdelay $0x1  }
0x3a2: {  	[tilespmem:s12+$0x70] =	vst v0  }
0x3a3: {  	v0 =	vld [tilespmem:s10+$0x3E0];
	_ =	sdelay $0x4  }
0x3a4: {  	v0 =	vmul.f32 $8.000000000e+00, v0;
	_ =	sdelay $0x1  }
0x3a5: {  	[tilespmem:s12+$0x80] =	vst v0  }
0x3a6: {  	v0 =	vld [tilespmem:s10+$0x3F0];
	_ =	sdelay $0x4  }
0x3a7: {  	v0 =	vmul.f32 $8.000000000e+00, v0;
	_ =	sdelay $0x1  }
0x3a8: {  	[tilespmem:s12+$0x90] =	vst v0  }
0x3a9: {  	v0 =	vld [tilespmem:s10+$0x67E0];
	_ =	sdelay $0x4  }
0x3aa: {  	v0 =	vmul.f32 $8.000000000e+00, v0;
	_ =	sdelay $0x1  }
0x3ab: {  	[tilespmem:s12+$0xA0] =	vst v0  }
0x3ac: {  	v0 =	vld [tilespmem:s10+$0x67F0];
	_ =	sdelay $0x4  }
0x3ad: {  	v0 =	vmul.f32 $8.000000000e+00, v0;
	_ =	sdelay $0x1  }
0x3ae: {  	[tilespmem:s12+$0xB0] =	vst v0  }
0x3af: {  	v0 =	vld [tilespmem:s10+$0x400];
	_ =	sdelay $0x4  }
0x3b0: {  	v0 =	vmul.f32 $8.000000000e+00, v0;
	_ =	sdelay $0x1  }
0x3b1: {  	[tilespmem:s12+$0xC0] =	vst v0  }
0x3b2: {  	v0 =	vld [tilespmem:s10+$0x410];
	_ =	sdelay $0x4  }
0x3b3: {  	v0 =	vmul.f32 $8.000000000e+00, v0;
	_ =	sdelay $0x1  }
0x3b4: {  	[tilespmem:s12+$0xD0] =	vst v0  }
0x3b5: {  	v0 =	vld [tilespmem:s10+$0x6800];
	_ =	sdelay $0x4  }
0x3b6: {  	v0 =	vmul.f32 $8.000000000e+00, v0;
	_ =	sdelay $0x1  }
0x3b7: {  	[tilespmem:s12+$0xE0] =	vst v0  }
0x3b8: {  	v0 =	vld [tilespmem:s10+$0x6810];
	_ =	sdelay $0x1  }
0x3b9: {  	s9 =	smul.u32 $0x320, s8;
	_ =	sdelay $0x1  }
0x3ba: {  	s13 =	sadd.s32 s9, s14  }
0x3bb: {  	s10 =	sshll.u32 s13, $0x3;
	v0 =	vmul.f32 $8.000000000e+00, v0  }
0x3bc: {  	s10 =	sand.u32 $0x1FFFFF00, s10  }
0x3bd: {  	s13 =	sadd.s32 s9, s15;
	s10 =	sadd.s32 s3, s10;
	[tilespmem:s12+$0xF0] =	vst v0;
	s12 =	simm.s32 $0x0  }
0x3be: {  	[hbm4b:s10+s12] =	stream.linear.scatter [tilespmem:s28], [sflag:$0x3], $0x6400, $0x38;
	[tilespmem:$0x19320] =	vst v63  }
0x3bf: {  	s10 =	sshrl.u32 s13, $0x3  }
0x3c0: {  	s10 =	sadd.s32 s1, s10  }
0x3c1: {  	[tilespmem:s12], [sflag:$0x5] =	stream.linear.gather [hbm4b:s10+s12], $0x190, $0x38;
	[tilespmem:$0x19320] =	vst v63  }
0x3c2: {  	_ =	swait.ge [sflag:s20], $0x190  }
0x3c3: {  	[sflag:s20] =	ssyncset.done $0x0  }
0x3c4: {  	[sflag:s20] =	ssyncadd.s32 $0xFFFFFE70  }
0x3c5: {  	[tilespmem:s22], [sflag:$0x1] =	stream.indirect.gather [hbm4b:s5+s21], $0x20, s12, s21, $0xb8;
	[tilespmem:$0x19320] =	vst v63  }
0x3c6: {  	_ = 	snop  }
0x3c7: {  	[tilespmem:s23], [sflag:$0x1] =	stream.indirect.gather [hbm4b:s6+s21], $0x20, s12, s21, $0xb8;
	[tilespmem:$0x19320] =	vst v63  }
0x3c8: {  	_ =	swait.ge [sflag:s29], $0x3200  }
0x3c9: {  	[sflag:s29] =	ssyncset.done $0x0  }
0x3ca: {  	[sflag:s29] =	ssyncadd.s32 $0xFFFFCE00  }
0x3cb: {  	_ =	swait.ge [sflag:s29], $0x3200  }
0x3cc: {  	[sflag:s29] =	ssyncset.done $0x0  }
0x3cd: {  	[sflag:s29] =	ssyncadd.s32 $0xFFFFCE00  }
0x3ce: {  	_ =	swait.ge [sflag:s0], $0x6400  }
0x3cf: {  	[sflag:s0] =	ssyncset.done $0x0  }
0x3d0: {  	s13 =	simm.s32 $0x0;
	[sflag:s0] =	ssyncadd.s32 $0xFFFF9C00  }
0x3d1: {  	v63 =	vld [tilespmem:s13+$0x3520];
	_ =	sdelay $0x4  }
0x3d2: {  	v0 =	vmul.f32 $8.000000000e+00, v63  }
0x3d3: {  	s10 =	simm.s32 $0x13020  }
0x3d4: {  	[tilespmem:s10+$0xFFFFFF00] =	vst v0  }
0x3d5: {  	v0 =	vld [tilespmem:s13+$0x3530];
	_ =	sdelay $0x4  }
0x3d6: {  	v0 =	vmul.f32 $8.000000000e+00, v0;
	_ =	sdelay $0x1  }
0x3d7: {  	[tilespmem:s10+$0xFFFFFF10] =	vst v0  }
0x3d8: {  	v0 =	vld [tilespmem:s13+$0x9920];
	_ =	sdelay $0x4  }
0x3d9: {  	v0 =	vmul.f32 $8.000000000e+00, v0;
	_ =	sdelay $0x1  }
0x3da: {  	[tilespmem:s10+$0xFFFFFF20] =	vst v0  }
0x3db: {  	v0 =	vld [tilespmem:s13+$0x9930];
	_ =	sdelay $0x4  }
0x3dc: {  	v0 =	vmul.f32 $8.000000000e+00, v0;
	_ =	sdelay $0x1  }
0x3dd: {  	[tilespmem:s10+$0xFFFFFF30] =	vst v0  }
0x3de: {  	v0 =	vld [tilespmem:s13+$0x3540];
	_ =	sdelay $0x4  }
0x3df: {  	v0 =	vmul.f32 $8.000000000e+00, v0;
	_ =	sdelay $0x1  }
0x3e0: {  	[tilespmem:s10+$0xFFFFFF40] =	vst v0  }
0x3e1: {  	v0 =	vld [tilespmem:s13+$0x3550];
	_ =	sdelay $0x4  }
0x3e2: {  	v0 =	vmul.f32 $8.000000000e+00, v0;
	_ =	sdelay $0x1  }
0x3e3: {  	[tilespmem:s10+$0xFFFFFF50] =	vst v0  }
0x3e4: {  	v0 =	vld [tilespmem:s13+$0x9940];
	_ =	sdelay $0x4  }
0x3e5: {  	v0 =	vmul.f32 $8.000000000e+00, v0;
	_ =	sdelay $0x1  }
0x3e6: {  	[tilespmem:s10+$0xFFFFFF60] =	vst v0  }
0x3e7: {  	v0 =	vld [tilespmem:s13+$0x9950];
	_ =	sdelay $0x4  }
0x3e8: {  	v0 =	vmul.f32 $8.000000000e+00, v0;
	_ =	sdelay $0x1  }
0x3e9: {  	[tilespmem:s10+$0xFFFFFF70] =	vst v0  }
0x3ea: {  	v0 =	vld [tilespmem:s13+$0x3560];
	_ =	sdelay $0x4  }
0x3eb: {  	v0 =	vmul.f32 $8.000000000e+00, v0;
	_ =	sdelay $0x1  }
0x3ec: {  	[tilespmem:s10+$0xFFFFFF80] =	vst v0  }
0x3ed: {  	v0 =	vld [tilespmem:s13+$0x3570];
	_ =	sdelay $0x4  }
0x3ee: {  	v0 =	vmul.f32 $8.000000000e+00, v0;
	_ =	sdelay $0x1  }
0x3ef: {  	[tilespmem:s10+$0xFFFFFF90] =	vst v0  }
0x3f0: {  	v0 =	vld [tilespmem:s13+$0x9960];
	_ =	sdelay $0x4  }
0x3f1: {  	v0 =	vmul.f32 $8.000000000e+00, v0;
	_ =	sdelay $0x1  }
0x3f2: {  	[tilespmem:s10+$0xFFFFFFA0] =	vst v0  }
0x3f3: {  	v0 =	vld [tilespmem:s13+$0x9970];
	_ =	sdelay $0x4  }
0x3f4: {  	v0 =	vmul.f32 $8.000000000e+00, v0;
	_ =	sdelay $0x1  }
0x3f5: {  	[tilespmem:s10+$0xFFFFFFB0] =	vst v0  }
0x3f6: {  	v0 =	vld [tilespmem:s13+$0x3580];
	_ =	sdelay $0x4  }
0x3f7: {  	v0 =	vmul.f32 $8.000000000e+00, v0;
	_ =	sdelay $0x1  }
0x3f8: {  	[tilespmem:s10+$0xFFFFFFC0] =	vst v0  }
0x3f9: {  	v0 =	vld [tilespmem:s13+$0x3590];
	_ =	sdelay $0x4  }
0x3fa: {  	v0 =	vmul.f32 $8.000000000e+00, v0;
	_ =	sdelay $0x1  }
0x3fb: {  	[tilespmem:s10+$0xFFFFFFD0] =	vst v0  }
0x3fc: {  	v0 =	vld [tilespmem:s13+$0x9980];
	_ =	sdelay $0x4  }
0x3fd: {  	v0 =	vmul.f32 $8.000000000e+00, v0;
	_ =	sdelay $0x1  }
0x3fe: {  	[tilespmem:s10+$0xFFFFFFE0] =	vst v0  }
0x3ff: {  	v0 =	vld [tilespmem:s13+$0x9990];
	_ =	sdelay $0x4  }
0x400: {  	v0 =	vmul.f32 $8.000000000e+00, v0;
	_ =	sdelay $0x1  }
0x401: {  	[tilespmem:s10+$0xFFFFFFF0] =	vst v0  }
0x402: {  	v0 =	vld [tilespmem:s13+$0x35A0];
	_ =	sdelay $0x4  }
0x403: {  	v0 =	vmul.f32 $8.000000000e+00, v0;
	_ =	sdelay $0x1  }
0x404: {  	[tilespmem:s10+$0x0] =	vst v0  }
0x405: {  	v0 =	vld [tilespmem:s13+$0x35B0];
	_ =	sdelay $0x4  }
0x406: {  	v0 =	vmul.f32 $8.000000000e+00, v0;
	_ =	sdelay $0x1  }
0x407: {  	[tilespmem:s10+$0x10] =	vst v0  }
0x408: {  	v0 =	vld [tilespmem:s13+$0x99A0];
	_ =	sdelay $0x4  }
0x409: {  	v0 =	vmul.f32 $8.000000000e+00, v0;
	_ =	sdelay $0x1  }
0x40a: {  	[tilespmem:s10+$0x20] =	vst v0  }
0x40b: {  	v0 =	vld [tilespmem:s13+$0x99B0];
	_ =	sdelay $0x4  }
0x40c: {  	v0 =	vmul.f32 $8.000000000e+00, v0;
	_ =	sdelay $0x1  }
0x40d: {  	[tilespmem:s10+$0x30] =	vst v0  }
0x40e: {  	v0 =	vld [tilespmem:s13+$0x35C0];
	_ =	sdelay $0x4  }
0x40f: {  	v0 =	vmul.f32 $8.000000000e+00, v0;
	_ =	sdelay $0x1  }
0x410: {  	[tilespmem:s10+$0x40] =	vst v0  }
0x411: {  	v0 =	vld [tilespmem:s13+$0x35D0];
	_ =	sdelay $0x4  }
0x412: {  	v0 =	vmul.f32 $8.000000000e+00, v0;
	_ =	sdelay $0x1  }
0x413: {  	[tilespmem:s10+$0x50] =	vst v0  }
0x414: {  	v0 =	vld [tilespmem:s13+$0x99C0];
	_ =	sdelay $0x4  }
0x415: {  	v0 =	vmul.f32 $8.000000000e+00, v0;
	_ =	sdelay $0x1  }
0x416: {  	[tilespmem:s10+$0x60] =	vst v0  }
0x417: {  	v0 =	vld [tilespmem:s13+$0x99D0];
	_ =	sdelay $0x4  }
0x418: {  	v0 =	vmul.f32 $8.000000000e+00, v0;
	_ =	sdelay $0x1  }
0x419: {  	[tilespmem:s10+$0x70] =	vst v0  }
0x41a: {  	v0 =	vld [tilespmem:s13+$0x35E0];
	_ =	sdelay $0x4  }
0x41b: {  	v0 =	vmul.f32 $8.000000000e+00, v0;
	_ =	sdelay $0x1  }
0x41c: {  	[tilespmem:s10+$0x80] =	vst v0  }
0x41d: {  	v0 =	vld [tilespmem:s13+$0x35F0];
	_ =	sdelay $0x4  }
0x41e: {  	v0 =	vmul.f32 $8.000000000e+00, v0;
	_ =	sdelay $0x1  }
0x41f: {  	[tilespmem:s10+$0x90] =	vst v0  }
0x420: {  	v0 =	vld [tilespmem:s13+$0x99E0];
	_ =	sdelay $0x4  }
0x421: {  	v0 =	vmul.f32 $8.000000000e+00, v0;
	_ =	sdelay $0x1  }
0x422: {  	[tilespmem:s10+$0xA0] =	vst v0  }
0x423: {  	v0 =	vld [tilespmem:s13+$0x99F0];
	_ =	sdelay $0x4  }
0x424: {  	v0 =	vmul.f32 $8.000000000e+00, v0;
	_ =	sdelay $0x1  }
0x425: {  	[tilespmem:s10+$0xB0] =	vst v0  }
0x426: {  	v0 =	vld [tilespmem:s13+$0x3600];
	_ =	sdelay $0x4  }
0x427: {  	v0 =	vmul.f32 $8.000000000e+00, v0;
	_ =	sdelay $0x1  }
0x428: {  	[tilespmem:s10+$0xC0] =	vst v0  }
0x429: {  	v0 =	vld [tilespmem:s13+$0x3610];
	_ =	sdelay $0x4  }
0x42a: {  	v0 =	vmul.f32 $8.000000000e+00, v0;
	_ =	sdelay $0x1  }
0x42b: {  	[tilespmem:s10+$0xD0] =	vst v0  }
0x42c: {  	v0 =	vld [tilespmem:s13+$0x9A00];
	_ =	sdelay $0x4  }
0x42d: {  	v0 =	vmul.f32 $8.000000000e+00, v0;
	_ =	sdelay $0x1  }
0x42e: {  	[tilespmem:s10+$0xE0] =	vst v0  }
0x42f: {  	v0 =	vld [tilespmem:s13+$0x9A10];
	_ =	sdelay $0x4  }
0x430: {  	v0 =	vmul.f32 $8.000000000e+00, v0;
	_ =	sdelay $0x1  }
0x431: {  	s12 =	simm.s32 $0x100;
	s13 =	simm.s32 $0x800;
	[tilespmem:s10+$0xF0] =	vst v0  }
.LBB2_9:
0x432: {  	p0 =	sne.s32 s13, $0xC400;
	v0 =	vld [tilespmem:s12+$0x3520];
	_ =	sdelay $0x4  }
0x433: {  	v0 =	vmul.f32 $8.000000000e+00, v0  }
0x434: {  	s10 =	sadd.s32 $0x200, s10  }
0x435: {  	[tilespmem:s10+$0xFFFFFF00] =	vst v0  }
0x436: {  	v0 =	vld [tilespmem:s12+$0x3530];
	_ =	sdelay $0x4  }
0x437: {  	v0 =	vmul.f32 $8.000000000e+00, v0;
	_ =	sdelay $0x1  }
0x438: {  	[tilespmem:s10+$0xFFFFFF10] =	vst v0  }
0x439: {  	v0 =	vld [tilespmem:s12+$0x9920];
	_ =	sdelay $0x4  }
0x43a: {  	v0 =	vmul.f32 $8.000000000e+00, v0;
	_ =	sdelay $0x1  }
0x43b: {  	[tilespmem:s10+$0xFFFFFF20] =	vst v0  }
0x43c: {  	v0 =	vld [tilespmem:s12+$0x9930];
	_ =	sdelay $0x4  }
0x43d: {  	v0 =	vmul.f32 $8.000000000e+00, v0;
	_ =	sdelay $0x1  }
0x43e: {  	[tilespmem:s10+$0xFFFFFF30] =	vst v0  }
0x43f: {  	v0 =	vld [tilespmem:s12+$0x3540];
	_ =	sdelay $0x4  }
0x440: {  	v0 =	vmul.f32 $8.000000000e+00, v0;
	_ =	sdelay $0x1  }
0x441: {  	[tilespmem:s10+$0xFFFFFF40] =	vst v0  }
0x442: {  	v0 =	vld [tilespmem:s12+$0x3550];
	_ =	sdelay $0x4  }
0x443: {  	v0 =	vmul.f32 $8.000000000e+00, v0;
	_ =	sdelay $0x1  }
0x444: {  	[tilespmem:s10+$0xFFFFFF50] =	vst v0  }
0x445: {  	v0 =	vld [tilespmem:s12+$0x9940];
	_ =	sdelay $0x4  }
0x446: {  	v0 =	vmul.f32 $8.000000000e+00, v0;
	_ =	sdelay $0x1  }
0x447: {  	[tilespmem:s10+$0xFFFFFF60] =	vst v0  }
0x448: {  	v0 =	vld [tilespmem:s12+$0x9950];
	_ =	sdelay $0x4  }
0x449: {  	v0 =	vmul.f32 $8.000000000e+00, v0;
	_ =	sdelay $0x1  }
0x44a: {  	[tilespmem:s10+$0xFFFFFF70] =	vst v0  }
0x44b: {  	v0 =	vld [tilespmem:s12+$0x3560];
	_ =	sdelay $0x4  }
0x44c: {  	v0 =	vmul.f32 $8.000000000e+00, v0;
	_ =	sdelay $0x1  }
0x44d: {  	[tilespmem:s10+$0xFFFFFF80] =	vst v0  }
0x44e: {  	v0 =	vld [tilespmem:s12+$0x3570];
	_ =	sdelay $0x4  }
0x44f: {  	v0 =	vmul.f32 $8.000000000e+00, v0;
	_ =	sdelay $0x1  }
0x450: {  	[tilespmem:s10+$0xFFFFFF90] =	vst v0  }
0x451: {  	v0 =	vld [tilespmem:s12+$0x9960];
	_ =	sdelay $0x4  }
0x452: {  	v0 =	vmul.f32 $8.000000000e+00, v0;
	_ =	sdelay $0x1  }
0x453: {  	[tilespmem:s10+$0xFFFFFFA0] =	vst v0  }
0x454: {  	v0 =	vld [tilespmem:s12+$0x9970];
	_ =	sdelay $0x4  }
0x455: {  	v0 =	vmul.f32 $8.000000000e+00, v0;
	_ =	sdelay $0x1  }
0x456: {  	[tilespmem:s10+$0xFFFFFFB0] =	vst v0  }
0x457: {  	v0 =	vld [tilespmem:s12+$0x3580];
	_ =	sdelay $0x4  }
0x458: {  	v0 =	vmul.f32 $8.000000000e+00, v0;
	_ =	sdelay $0x1  }
0x459: {  	[tilespmem:s10+$0xFFFFFFC0] =	vst v0  }
0x45a: {  	v0 =	vld [tilespmem:s12+$0x3590];
	_ =	sdelay $0x4  }
0x45b: {  	v0 =	vmul.f32 $8.000000000e+00, v0;
	_ =	sdelay $0x1  }
0x45c: {  	[tilespmem:s10+$0xFFFFFFD0] =	vst v0  }
0x45d: {  	v0 =	vld [tilespmem:s12+$0x9980];
	_ =	sdelay $0x4  }
0x45e: {  	v0 =	vmul.f32 $8.000000000e+00, v0;
	_ =	sdelay $0x1  }
0x45f: {  	[tilespmem:s10+$0xFFFFFFE0] =	vst v0  }
0x460: {  	v0 =	vld [tilespmem:s12+$0x9990];
	_ =	sdelay $0x4  }
0x461: {  	v0 =	vmul.f32 $8.000000000e+00, v0;
	_ =	sdelay $0x1  }
0x462: {  	[tilespmem:s10+$0xFFFFFFF0] =	vst v0  }
0x463: {  	v0 =	vld [tilespmem:s12+$0x35A0];
	_ =	sdelay $0x4  }
0x464: {  	v0 =	vmul.f32 $8.000000000e+00, v0;
	_ =	sdelay $0x1  }
0x465: {  	[tilespmem:s10+$0x0] =	vst v0  }
0x466: {  	v0 =	vld [tilespmem:s12+$0x35B0];
	_ =	sdelay $0x4  }
0x467: {  	v0 =	vmul.f32 $8.000000000e+00, v0;
	_ =	sdelay $0x1  }
0x468: {  	[tilespmem:s10+$0x10] =	vst v0  }
0x469: {  	v0 =	vld [tilespmem:s12+$0x99A0];
	_ =	sdelay $0x4  }
0x46a: {  	v0 =	vmul.f32 $8.000000000e+00, v0;
	_ =	sdelay $0x1  }
0x46b: {  	[tilespmem:s10+$0x20] =	vst v0  }
0x46c: {  	v0 =	vld [tilespmem:s12+$0x99B0];
	_ =	sdelay $0x4  }
0x46d: {  	v0 =	vmul.f32 $8.000000000e+00, v0;
	_ =	sdelay $0x1  }
0x46e: {  	[tilespmem:s10+$0x30] =	vst v0  }
0x46f: {  	v0 =	vld [tilespmem:s12+$0x35C0];
	_ =	sdelay $0x4  }
0x470: {  	v0 =	vmul.f32 $8.000000000e+00, v0;
	_ =	sdelay $0x1  }
0x471: {  	[tilespmem:s10+$0x40] =	vst v0  }
0x472: {  	v0 =	vld [tilespmem:s12+$0x35D0];
	_ =	sdelay $0x4  }
0x473: {  	v0 =	vmul.f32 $8.000000000e+00, v0;
	_ =	sdelay $0x1  }
0x474: {  	[tilespmem:s10+$0x50] =	vst v0  }
0x475: {  	v0 =	vld [tilespmem:s12+$0x99C0];
	_ =	sdelay $0x4  }
0x476: {  	v0 =	vmul.f32 $8.000000000e+00, v0;
	_ =	sdelay $0x1  }
0x477: {  	[tilespmem:s10+$0x60] =	vst v0  }
0x478: {  	v0 =	vld [tilespmem:s12+$0x99D0];
	_ =	sdelay $0x4  }
0x479: {  	v0 =	vmul.f32 $8.000000000e+00, v0;
	_ =	sdelay $0x1  }
0x47a: {  	[tilespmem:s10+$0x70] =	vst v0  }
0x47b: {  	v0 =	vld [tilespmem:s12+$0x35E0];
	_ =	sdelay $0x4  }
0x47c: {  	v0 =	vmul.f32 $8.000000000e+00, v0;
	_ =	sdelay $0x1  }
0x47d: {  	[tilespmem:s10+$0x80] =	vst v0  }
0x47e: {  	v0 =	vld [tilespmem:s12+$0x35F0];
	_ =	sdelay $0x4  }
0x47f: {  	v0 =	vmul.f32 $8.000000000e+00, v0;
	_ =	sdelay $0x1  }
0x480: {  	[tilespmem:s10+$0x90] =	vst v0  }
0x481: {  	v0 =	vld [tilespmem:s12+$0x99E0];
	_ =	sdelay $0x4  }
0x482: {  	v0 =	vmul.f32 $8.000000000e+00, v0;
	_ =	sdelay $0x1  }
0x483: {  	[tilespmem:s10+$0xA0] =	vst v0  }
0x484: {  	v0 =	vld [tilespmem:s12+$0x99F0];
	_ =	sdelay $0x4  }
0x485: {  	v0 =	vmul.f32 $8.000000000e+00, v0;
	_ =	sdelay $0x1  }
0x486: {  	[tilespmem:s10+$0xB0] =	vst v0  }
0x487: {  	v0 =	vld [tilespmem:s12+$0x3600];
	_ =	sdelay $0x4  }
0x488: {  	v0 =	vmul.f32 $8.000000000e+00, v0;
	_ =	sdelay $0x1  }
0x489: {  	[tilespmem:s10+$0xC0] =	vst v0  }
0x48a: {  	v0 =	vld [tilespmem:s12+$0x3610];
	_ =	sdelay $0x4  }
0x48b: {  	v0 =	vmul.f32 $8.000000000e+00, v0;
	_ =	sdelay $0x1  }
0x48c: {  	[tilespmem:s10+$0xD0] =	vst v0  }
0x48d: {  	v0 =	vld [tilespmem:s12+$0x9A00];
	_ =	sdelay $0x4  }
0x48e: {  	v0 =	vmul.f32 $8.000000000e+00, v0;
	_ =	sdelay $0x1  }
0x48f: {  	[tilespmem:s10+$0xE0] =	vst v0  }
0x490: {  	v0 =	vld [tilespmem:s12+$0x9A10];
	_ =	sdelay $0x2  }
.Ltmp3:
0x491: {  	(pc) =	sbr.rel @p0 .LBB2_9-.Ltmp3, $3  }
0x492: {  	_ = 	snop  }
0x493: {  	v0 =	vmul.f32 $8.000000000e+00, v0;
	_ =	sdelay $0x1  }
0x494: {  	s12 =	sshra.s32 s13, $0x2;
	s13 =	sadd.s32 $0x400, s13;
	[tilespmem:s10+$0xF0] =	vst v0  }
0x495: {  	v0 =	vld [tilespmem:s12+$0x3520];
	_ =	sdelay $0x4  }
0x496: {  	v0 =	vmul.f32 $8.000000000e+00, v0  }
0x497: {  	s10 =	sadd.s32 $0x200, s10  }
0x498: {  	[tilespmem:s10+$0xFFFFFF00] =	vst v0  }
0x499: {  	v0 =	vld [tilespmem:s12+$0x3530];
	_ =	sdelay $0x4  }
0x49a: {  	v0 =	vmul.f32 $8.000000000e+00, v0;
	_ =	sdelay $0x1  }
0x49b: {  	[tilespmem:s10+$0xFFFFFF10] =	vst v0  }
0x49c: {  	v0 =	vld [tilespmem:s12+$0x9920];
	_ =	sdelay $0x4  }
0x49d: {  	v0 =	vmul.f32 $8.000000000e+00, v0;
	_ =	sdelay $0x1  }
0x49e: {  	[tilespmem:s10+$0xFFFFFF20] =	vst v0  }
0x49f: {  	v0 =	vld [tilespmem:s12+$0x9930];
	_ =	sdelay $0x4  }
0x4a0: {  	v0 =	vmul.f32 $8.000000000e+00, v0;
	_ =	sdelay $0x1  }
0x4a1: {  	[tilespmem:s10+$0xFFFFFF30] =	vst v0  }
0x4a2: {  	v0 =	vld [tilespmem:s12+$0x3540];
	_ =	sdelay $0x4  }
0x4a3: {  	v0 =	vmul.f32 $8.000000000e+00, v0;
	_ =	sdelay $0x1  }
0x4a4: {  	[tilespmem:s10+$0xFFFFFF40] =	vst v0  }
0x4a5: {  	v0 =	vld [tilespmem:s12+$0x3550];
	_ =	sdelay $0x4  }
0x4a6: {  	v0 =	vmul.f32 $8.000000000e+00, v0;
	_ =	sdelay $0x1  }
0x4a7: {  	[tilespmem:s10+$0xFFFFFF50] =	vst v0  }
0x4a8: {  	v0 =	vld [tilespmem:s12+$0x9940];
	_ =	sdelay $0x4  }
0x4a9: {  	v0 =	vmul.f32 $8.000000000e+00, v0;
	_ =	sdelay $0x1  }
0x4aa: {  	[tilespmem:s10+$0xFFFFFF60] =	vst v0  }
0x4ab: {  	v0 =	vld [tilespmem:s12+$0x9950];
	_ =	sdelay $0x4  }
0x4ac: {  	v0 =	vmul.f32 $8.000000000e+00, v0;
	_ =	sdelay $0x1  }
0x4ad: {  	[tilespmem:s10+$0xFFFFFF70] =	vst v0  }
0x4ae: {  	v0 =	vld [tilespmem:s12+$0x3560];
	_ =	sdelay $0x4  }
0x4af: {  	v0 =	vmul.f32 $8.000000000e+00, v0;
	_ =	sdelay $0x1  }
0x4b0: {  	[tilespmem:s10+$0xFFFFFF80] =	vst v0  }
0x4b1: {  	v0 =	vld [tilespmem:s12+$0x3570];
	_ =	sdelay $0x4  }
0x4b2: {  	v0 =	vmul.f32 $8.000000000e+00, v0;
	_ =	sdelay $0x1  }
0x4b3: {  	[tilespmem:s10+$0xFFFFFF90] =	vst v0  }
0x4b4: {  	v0 =	vld [tilespmem:s12+$0x9960];
	_ =	sdelay $0x4  }
0x4b5: {  	v0 =	vmul.f32 $8.000000000e+00, v0;
	_ =	sdelay $0x1  }
0x4b6: {  	[tilespmem:s10+$0xFFFFFFA0] =	vst v0  }
0x4b7: {  	v0 =	vld [tilespmem:s12+$0x9970];
	_ =	sdelay $0x4  }
0x4b8: {  	v0 =	vmul.f32 $8.000000000e+00, v0;
	_ =	sdelay $0x1  }
0x4b9: {  	[tilespmem:s10+$0xFFFFFFB0] =	vst v0  }
0x4ba: {  	v0 =	vld [tilespmem:s12+$0x3580];
	_ =	sdelay $0x4  }
0x4bb: {  	v0 =	vmul.f32 $8.000000000e+00, v0;
	_ =	sdelay $0x1  }
0x4bc: {  	[tilespmem:s10+$0xFFFFFFC0] =	vst v0  }
0x4bd: {  	v0 =	vld [tilespmem:s12+$0x3590];
	_ =	sdelay $0x4  }
0x4be: {  	v0 =	vmul.f32 $8.000000000e+00, v0;
	_ =	sdelay $0x1  }
0x4bf: {  	[tilespmem:s10+$0xFFFFFFD0] =	vst v0  }
0x4c0: {  	v0 =	vld [tilespmem:s12+$0x9980];
	_ =	sdelay $0x4  }
0x4c1: {  	v0 =	vmul.f32 $8.000000000e+00, v0;
	_ =	sdelay $0x1  }
0x4c2: {  	[tilespmem:s10+$0xFFFFFFE0] =	vst v0  }
0x4c3: {  	v0 =	vld [tilespmem:s12+$0x9990];
	_ =	sdelay $0x4  }
0x4c4: {  	v0 =	vmul.f32 $8.000000000e+00, v0;
	_ =	sdelay $0x1  }
0x4c5: {  	[tilespmem:s10+$0xFFFFFFF0] =	vst v0  }
0x4c6: {  	v0 =	vld [tilespmem:s12+$0x35A0];
	_ =	sdelay $0x4  }
0x4c7: {  	v0 =	vmul.f32 $8.000000000e+00, v0;
	_ =	sdelay $0x1  }
0x4c8: {  	[tilespmem:s10+$0x0] =	vst v0  }
0x4c9: {  	v0 =	vld [tilespmem:s12+$0x35B0];
	_ =	sdelay $0x4  }
0x4ca: {  	v0 =	vmul.f32 $8.000000000e+00, v0;
	_ =	sdelay $0x1  }
0x4cb: {  	[tilespmem:s10+$0x10] =	vst v0  }
0x4cc: {  	v0 =	vld [tilespmem:s12+$0x99A0];
	_ =	sdelay $0x4  }
0x4cd: {  	v0 =	vmul.f32 $8.000000000e+00, v0;
	_ =	sdelay $0x1  }
0x4ce: {  	[tilespmem:s10+$0x20] =	vst v0  }
0x4cf: {  	v0 =	vld [tilespmem:s12+$0x99B0];
	_ =	sdelay $0x4  }
0x4d0: {  	v0 =	vmul.f32 $8.000000000e+00, v0;
	_ =	sdelay $0x1  }
0x4d1: {  	[tilespmem:s10+$0x30] =	vst v0  }
0x4d2: {  	v0 =	vld [tilespmem:s12+$0x35C0];
	_ =	sdelay $0x4  }
0x4d3: {  	v0 =	vmul.f32 $8.000000000e+00, v0;
	_ =	sdelay $0x1  }
0x4d4: {  	[tilespmem:s10+$0x40] =	vst v0  }
0x4d5: {  	v0 =	vld [tilespmem:s12+$0x35D0];
	_ =	sdelay $0x4  }
0x4d6: {  	v0 =	vmul.f32 $8.000000000e+00, v0;
	_ =	sdelay $0x1  }
0x4d7: {  	[tilespmem:s10+$0x50] =	vst v0  }
0x4d8: {  	v0 =	vld [tilespmem:s12+$0x99C0];
	_ =	sdelay $0x4  }
0x4d9: {  	v0 =	vmul.f32 $8.000000000e+00, v0;
	_ =	sdelay $0x1  }
0x4da: {  	[tilespmem:s10+$0x60] =	vst v0  }
0x4db: {  	v0 =	vld [tilespmem:s12+$0x99D0];
	_ =	sdelay $0x4  }
0x4dc: {  	v0 =	vmul.f32 $8.000000000e+00, v0;
	_ =	sdelay $0x1  }
0x4dd: {  	[tilespmem:s10+$0x70] =	vst v0  }
0x4de: {  	v0 =	vld [tilespmem:s12+$0x35E0];
	_ =	sdelay $0x4  }
0x4df: {  	v0 =	vmul.f32 $8.000000000e+00, v0;
	_ =	sdelay $0x1  }
0x4e0: {  	[tilespmem:s10+$0x80] =	vst v0  }
0x4e1: {  	v0 =	vld [tilespmem:s12+$0x35F0];
	_ =	sdelay $0x4  }
0x4e2: {  	v0 =	vmul.f32 $8.000000000e+00, v0;
	_ =	sdelay $0x1  }
0x4e3: {  	[tilespmem:s10+$0x90] =	vst v0  }
0x4e4: {  	v0 =	vld [tilespmem:s12+$0x99E0];
	_ =	sdelay $0x4  }
0x4e5: {  	v0 =	vmul.f32 $8.000000000e+00, v0;
	_ =	sdelay $0x1  }
0x4e6: {  	[tilespmem:s10+$0xA0] =	vst v0  }
0x4e7: {  	v0 =	vld [tilespmem:s12+$0x99F0];
	_ =	sdelay $0x4  }
0x4e8: {  	v0 =	vmul.f32 $8.000000000e+00, v0;
	_ =	sdelay $0x1  }
0x4e9: {  	[tilespmem:s10+$0xB0] =	vst v0  }
0x4ea: {  	v0 =	vld [tilespmem:s12+$0x3600];
	_ =	sdelay $0x4  }
0x4eb: {  	v0 =	vmul.f32 $8.000000000e+00, v0;
	_ =	sdelay $0x1  }
0x4ec: {  	[tilespmem:s10+$0xC0] =	vst v0  }
0x4ed: {  	v0 =	vld [tilespmem:s12+$0x3610];
	_ =	sdelay $0x4  }
0x4ee: {  	v0 =	vmul.f32 $8.000000000e+00, v0;
	_ =	sdelay $0x1  }
0x4ef: {  	[tilespmem:s10+$0xD0] =	vst v0  }
0x4f0: {  	v0 =	vld [tilespmem:s12+$0x9A00];
	_ =	sdelay $0x4  }
0x4f1: {  	v0 =	vmul.f32 $8.000000000e+00, v0;
	_ =	sdelay $0x1  }
0x4f2: {  	[tilespmem:s10+$0xE0] =	vst v0  }
0x4f3: {  	v0 =	vld [tilespmem:s12+$0x9A10];
	_ =	sdelay $0x3  }
0x4f4: {  	s13 =	sadd.s32 s9, s11  }
0x4f5: {  	s12 =	sshll.u32 s13, $0x3;
	v0 =	vmul.f32 $8.000000000e+00, v0  }
0x4f6: {  	s13 =	sadd.s32 s9, s16;
	s12 =	sand.u32 $0x1FFFFF80, s12  }
0x4f7: {  	s9 =	sshrl.u32 s13, $0x3;
	s12 =	sadd.s32 s3, s12;
	[tilespmem:s10+$0xF0] =	vst v0  }
0x4f8: {  	[hbm4b:s12+s4] =	stream.linear.scatter [tilespmem:s30], [sflag:$0x4], $0x6400, $0x38;
	[tilespmem:$0x19320] =	vst v63  }
0x4f9: {  	s8 =	sadd.s32 $0x1, s8;
	s9 =	sadd.s32 s1, s9  }
0x4fa: {  	[tilespmem:s21], [sflag:$0x5] =	stream.linear.gather [hbm4b:s9+s4], $0x190, $0x38;
	[tilespmem:$0x19320] =	vst v63  }
0x4fb: {  	p0 =	sne.s32 s8, $0x1E;
	_ =	swait.ge [sflag:s20], $0x190  }
.Ltmp4:
0x4fc: {  	[sflag:s20] =	ssyncset.done $0x0;
	(pc) =	sbr.rel @p0 .LBB2_6-.Ltmp4, $4  }
0x4fd: {  	[sflag:s20] =	ssyncadd.s32 $0xFFFFFE70  }
0x4fe: {  	[tilespmem:s24], [sflag:$0x2] =	stream.indirect.gather [hbm4b:s5+s21], $0x20, s21, s21, $0xb8;
	[tilespmem:$0x19320] =	vst v63  }
0x4ff: {  	_ = 	snop  }
0x500: {  	[tilespmem:s25], [sflag:$0x2] =	stream.indirect.gather [hbm4b:s6+s21], $0x20, s21, s21, $0xb8;
	[tilespmem:$0x19320] =	vst v63  }
0x501: {  	_ =	swait.ge [sflag:s26], $0x3200  }
0x502: {  	[sflag:s26] =	ssyncset.done $0x0  }
0x503: {  	[sflag:s26] =	ssyncadd.s32 $0xFFFFCE00  }
0x504: {  	_ =	swait.ge [sflag:s26], $0x3200  }
0x505: {  	[sflag:s26] =	ssyncset.done $0x0  }
0x506: {  	[sflag:s26] =	ssyncadd.s32 $0xFFFFCE00  }
0x507: {  	_ =	swait.ge [sflag:s31], $0x6400  }
0x508: {  	[sflag:s31] =	ssyncset.done $0x0  }
0x509: {  	s9 =	simm.s32 $0x0;
	[sflag:s31] =	ssyncadd.s32 $0xFFFF9C00  }
0x50a: {  	v0 =	vld [tilespmem:s9+$0x320];
	_ =	sdelay $0x4  }
0x50b: {  	v0 =	vmul.f32 $8.000000000e+00, v0  }
0x50c: {  	s8 =	simm.s32 $0xCC20  }
0x50d: {  	[tilespmem:s8+$0xFFFFFF00] =	vst v0  }
0x50e: {  	v0 =	vld [tilespmem:s9+$0x330];
	_ =	sdelay $0x4  }
0x50f: {  	v0 =	vmul.f32 $8.000000000e+00, v0;
	_ =	sdelay $0x1  }
0x510: {  	[tilespmem:s8+$0xFFFFFF10] =	vst v0  }
0x511: {  	v0 =	vld [tilespmem:s9+$0x6720];
	_ =	sdelay $0x4  }
0x512: {  	v0 =	vmul.f32 $8.000000000e+00, v0;
	_ =	sdelay $0x1  }
0x513: {  	[tilespmem:s8+$0xFFFFFF20] =	vst v0  }
0x514: {  	v0 =	vld [tilespmem:s9+$0x6730];
	_ =	sdelay $0x4  }
0x515: {  	v0 =	vmul.f32 $8.000000000e+00, v0;
	_ =	sdelay $0x1  }
0x516: {  	[tilespmem:s8+$0xFFFFFF30] =	vst v0  }
0x517: {  	v0 =	vld [tilespmem:s9+$0x340];
	_ =	sdelay $0x4  }
0x518: {  	v0 =	vmul.f32 $8.000000000e+00, v0;
	_ =	sdelay $0x1  }
0x519: {  	[tilespmem:s8+$0xFFFFFF40] =	vst v0  }
0x51a: {  	v0 =	vld [tilespmem:s9+$0x350];
	_ =	sdelay $0x4  }
0x51b: {  	v0 =	vmul.f32 $8.000000000e+00, v0;
	_ =	sdelay $0x1  }
0x51c: {  	[tilespmem:s8+$0xFFFFFF50] =	vst v0  }
0x51d: {  	v0 =	vld [tilespmem:s9+$0x6740];
	_ =	sdelay $0x4  }
0x51e: {  	v0 =	vmul.f32 $8.000000000e+00, v0;
	_ =	sdelay $0x1  }
0x51f: {  	[tilespmem:s8+$0xFFFFFF60] =	vst v0  }
0x520: {  	v0 =	vld [tilespmem:s9+$0x6750];
	_ =	sdelay $0x4  }
0x521: {  	v0 =	vmul.f32 $8.000000000e+00, v0;
	_ =	sdelay $0x1  }
0x522: {  	[tilespmem:s8+$0xFFFFFF70] =	vst v0  }
0x523: {  	v0 =	vld [tilespmem:s9+$0x360];
	_ =	sdelay $0x4  }
0x524: {  	v0 =	vmul.f32 $8.000000000e+00, v0;
	_ =	sdelay $0x1  }
0x525: {  	[tilespmem:s8+$0xFFFFFF80] =	vst v0  }
0x526: {  	v0 =	vld [tilespmem:s9+$0x370];
	_ =	sdelay $0x4  }
0x527: {  	v0 =	vmul.f32 $8.000000000e+00, v0;
	_ =	sdelay $0x1  }
0x528: {  	[tilespmem:s8+$0xFFFFFF90] =	vst v0  }
0x529: {  	v0 =	vld [tilespmem:s9+$0x6760];
	_ =	sdelay $0x4  }
0x52a: {  	v0 =	vmul.f32 $8.000000000e+00, v0;
	_ =	sdelay $0x1  }
0x52b: {  	[tilespmem:s8+$0xFFFFFFA0] =	vst v0  }
0x52c: {  	v0 =	vld [tilespmem:s9+$0x6770];
	_ =	sdelay $0x4  }
0x52d: {  	v0 =	vmul.f32 $8.000000000e+00, v0;
	_ =	sdelay $0x1  }
0x52e: {  	[tilespmem:s8+$0xFFFFFFB0] =	vst v0  }
0x52f: {  	v0 =	vld [tilespmem:s9+$0x380];
	_ =	sdelay $0x4  }
0x530: {  	v0 =	vmul.f32 $8.000000000e+00, v0;
	_ =	sdelay $0x1  }
0x531: {  	[tilespmem:s8+$0xFFFFFFC0] =	vst v0  }
0x532: {  	v0 =	vld [tilespmem:s9+$0x390];
	_ =	sdelay $0x4  }
0x533: {  	v0 =	vmul.f32 $8.000000000e+00, v0;
	_ =	sdelay $0x1  }
0x534: {  	[tilespmem:s8+$0xFFFFFFD0] =	vst v0  }
0x535: {  	v0 =	vld [tilespmem:s9+$0x6780];
	_ =	sdelay $0x4  }
0x536: {  	v0 =	vmul.f32 $8.000000000e+00, v0;
	_ =	sdelay $0x1  }
0x537: {  	[tilespmem:s8+$0xFFFFFFE0] =	vst v0  }
0x538: {  	v0 =	vld [tilespmem:s9+$0x6790];
	_ =	sdelay $0x4  }
0x539: {  	v0 =	vmul.f32 $8.000000000e+00, v0;
	_ =	sdelay $0x1  }
0x53a: {  	[tilespmem:s8+$0xFFFFFFF0] =	vst v0  }
0x53b: {  	v0 =	vld [tilespmem:s9+$0x3A0];
	_ =	sdelay $0x4  }
0x53c: {  	v0 =	vmul.f32 $8.000000000e+00, v0;
	_ =	sdelay $0x1  }
0x53d: {  	[tilespmem:s8+$0x0] =	vst v0  }
0x53e: {  	v0 =	vld [tilespmem:s9+$0x3B0];
	_ =	sdelay $0x4  }
0x53f: {  	v0 =	vmul.f32 $8.000000000e+00, v0;
	_ =	sdelay $0x1  }
0x540: {  	[tilespmem:s8+$0x10] =	vst v0  }
0x541: {  	v0 =	vld [tilespmem:s9+$0x67A0];
	_ =	sdelay $0x4  }
0x542: {  	v0 =	vmul.f32 $8.000000000e+00, v0;
	_ =	sdelay $0x1  }
0x543: {  	[tilespmem:s8+$0x20] =	vst v0  }
0x544: {  	v0 =	vld [tilespmem:s9+$0x67B0];
	_ =	sdelay $0x4  }
0x545: {  	v0 =	vmul.f32 $8.000000000e+00, v0;
	_ =	sdelay $0x1  }
0x546: {  	[tilespmem:s8+$0x30] =	vst v0  }
0x547: {  	v0 =	vld [tilespmem:s9+$0x3C0];
	_ =	sdelay $0x4  }
0x548: {  	v0 =	vmul.f32 $8.000000000e+00, v0;
	_ =	sdelay $0x1  }
0x549: {  	[tilespmem:s8+$0x40] =	vst v0  }
0x54a: {  	v0 =	vld [tilespmem:s9+$0x3D0];
	_ =	sdelay $0x4  }
0x54b: {  	v0 =	vmul.f32 $8.000000000e+00, v0;
	_ =	sdelay $0x1  }
0x54c: {  	[tilespmem:s8+$0x50] =	vst v0  }
0x54d: {  	v0 =	vld [tilespmem:s9+$0x67C0];
	_ =	sdelay $0x4  }
0x54e: {  	v0 =	vmul.f32 $8.000000000e+00, v0;
	_ =	sdelay $0x1  }
0x54f: {  	[tilespmem:s8+$0x60] =	vst v0  }
0x550: {  	v0 =	vld [tilespmem:s9+$0x67D0];
	_ =	sdelay $0x4  }
0x551: {  	v0 =	vmul.f32 $8.000000000e+00, v0;
	_ =	sdelay $0x1  }
0x552: {  	[tilespmem:s8+$0x70] =	vst v0  }
0x553: {  	v0 =	vld [tilespmem:s9+$0x3E0];
	_ =	sdelay $0x4  }
0x554: {  	v0 =	vmul.f32 $8.000000000e+00, v0;
	_ =	sdelay $0x1  }
0x555: {  	[tilespmem:s8+$0x80] =	vst v0  }
0x556: {  	v0 =	vld [tilespmem:s9+$0x3F0];
	_ =	sdelay $0x4  }
0x557: {  	v0 =	vmul.f32 $8.000000000e+00, v0;
	_ =	sdelay $0x1  }
0x558: {  	[tilespmem:s8+$0x90] =	vst v0  }
0x559: {  	v0 =	vld [tilespmem:s9+$0x67E0];
	_ =	sdelay $0x4  }
0x55a: {  	v0 =	vmul.f32 $8.000000000e+00, v0;
	_ =	sdelay $0x1  }
0x55b: {  	[tilespmem:s8+$0xA0] =	vst v0  }
0x55c: {  	v0 =	vld [tilespmem:s9+$0x67F0];
	_ =	sdelay $0x4  }
0x55d: {  	v0 =	vmul.f32 $8.000000000e+00, v0;
	_ =	sdelay $0x1  }
0x55e: {  	[tilespmem:s8+$0xB0] =	vst v0  }
0x55f: {  	v0 =	vld [tilespmem:s9+$0x400];
	_ =	sdelay $0x4  }
0x560: {  	v0 =	vmul.f32 $8.000000000e+00, v0;
	_ =	sdelay $0x1  }
0x561: {  	[tilespmem:s8+$0xC0] =	vst v0  }
0x562: {  	v0 =	vld [tilespmem:s9+$0x410];
	_ =	sdelay $0x4  }
0x563: {  	v0 =	vmul.f32 $8.000000000e+00, v0;
	_ =	sdelay $0x1  }
0x564: {  	[tilespmem:s8+$0xD0] =	vst v0  }
0x565: {  	v0 =	vld [tilespmem:s9+$0x6800];
	_ =	sdelay $0x4  }
0x566: {  	v0 =	vmul.f32 $8.000000000e+00, v0;
	_ =	sdelay $0x1  }
0x567: {  	[tilespmem:s8+$0xE0] =	vst v0  }
0x568: {  	v0 =	vld [tilespmem:s9+$0x6810];
	_ =	sdelay $0x4  }
0x569: {  	v0 =	vmul.f32 $8.000000000e+00, v0;
	_ =	sdelay $0x1  }
0x56a: {  	s10 =	simm.s32 $0x800;
	s9 =	simm.s32 $0x100;
	[tilespmem:s8+$0xF0] =	vst v0  }
.LBB2_12:
0x56b: {  	p0 =	sne.s32 s10, $0xC400;
	v0 =	vld [tilespmem:s9+$0x320];
	_ =	sdelay $0x4  }
0x56c: {  	v0 =	vmul.f32 $8.000000000e+00, v0  }
0x56d: {  	s8 =	sadd.s32 $0x200, s8  }
0x56e: {  	[tilespmem:s8+$0xFFFFFF00] =	vst v0  }
0x56f: {  	v0 =	vld [tilespmem:s9+$0x330];
	_ =	sdelay $0x4  }
0x570: {  	v0 =	vmul.f32 $8.000000000e+00, v0;
	_ =	sdelay $0x1  }
0x571: {  	[tilespmem:s8+$0xFFFFFF10] =	vst v0  }
0x572: {  	v0 =	vld [tilespmem:s9+$0x6720];
	_ =	sdelay $0x4  }
0x573: {  	v0 =	vmul.f32 $8.000000000e+00, v0;
	_ =	sdelay $0x1  }
0x574: {  	[tilespmem:s8+$0xFFFFFF20] =	vst v0  }
0x575: {  	v0 =	vld [tilespmem:s9+$0x6730];
	_ =	sdelay $0x4  }
0x576: {  	v0 =	vmul.f32 $8.000000000e+00, v0;
	_ =	sdelay $0x1  }
0x577: {  	[tilespmem:s8+$0xFFFFFF30] =	vst v0  }
0x578: {  	v0 =	vld [tilespmem:s9+$0x340];
	_ =	sdelay $0x4  }
0x579: {  	v0 =	vmul.f32 $8.000000000e+00, v0;
	_ =	sdelay $0x1  }
0x57a: {  	[tilespmem:s8+$0xFFFFFF40] =	vst v0  }
0x57b: {  	v0 =	vld [tilespmem:s9+$0x350];
	_ =	sdelay $0x4  }
0x57c: {  	v0 =	vmul.f32 $8.000000000e+00, v0;
	_ =	sdelay $0x1  }
0x57d: {  	[tilespmem:s8+$0xFFFFFF50] =	vst v0  }
0x57e: {  	v0 =	vld [tilespmem:s9+$0x6740];
	_ =	sdelay $0x4  }
0x57f: {  	v0 =	vmul.f32 $8.000000000e+00, v0;
	_ =	sdelay $0x1  }
0x580: {  	[tilespmem:s8+$0xFFFFFF60] =	vst v0  }
0x581: {  	v0 =	vld [tilespmem:s9+$0x6750];
	_ =	sdelay $0x4  }
0x582: {  	v0 =	vmul.f32 $8.000000000e+00, v0;
	_ =	sdelay $0x1  }
0x583: {  	[tilespmem:s8+$0xFFFFFF70] =	vst v0  }
0x584: {  	v0 =	vld [tilespmem:s9+$0x360];
	_ =	sdelay $0x4  }
0x585: {  	v0 =	vmul.f32 $8.000000000e+00, v0;
	_ =	sdelay $0x1  }
0x586: {  	[tilespmem:s8+$0xFFFFFF80] =	vst v0  }
0x587: {  	v0 =	vld [tilespmem:s9+$0x370];
	_ =	sdelay $0x4  }
0x588: {  	v0 =	vmul.f32 $8.000000000e+00, v0;
	_ =	sdelay $0x1  }
0x589: {  	[tilespmem:s8+$0xFFFFFF90] =	vst v0  }
0x58a: {  	v0 =	vld [tilespmem:s9+$0x6760];
	_ =	sdelay $0x4  }
0x58b: {  	v0 =	vmul.f32 $8.000000000e+00, v0;
	_ =	sdelay $0x1  }
0x58c: {  	[tilespmem:s8+$0xFFFFFFA0] =	vst v0  }
0x58d: {  	v0 =	vld [tilespmem:s9+$0x6770];
	_ =	sdelay $0x4  }
0x58e: {  	v0 =	vmul.f32 $8.000000000e+00, v0;
	_ =	sdelay $0x1  }
0x58f: {  	[tilespmem:s8+$0xFFFFFFB0] =	vst v0  }
0x590: {  	v0 =	vld [tilespmem:s9+$0x380];
	_ =	sdelay $0x4  }
0x591: {  	v0 =	vmul.f32 $8.000000000e+00, v0;
	_ =	sdelay $0x1  }
0x592: {  	[tilespmem:s8+$0xFFFFFFC0] =	vst v0  }
0x593: {  	v0 =	vld [tilespmem:s9+$0x390];
	_ =	sdelay $0x4  }
0x594: {  	v0 =	vmul.f32 $8.000000000e+00, v0;
	_ =	sdelay $0x1  }
0x595: {  	[tilespmem:s8+$0xFFFFFFD0] =	vst v0  }
0x596: {  	v0 =	vld [tilespmem:s9+$0x6780];
	_ =	sdelay $0x4  }
0x597: {  	v0 =	vmul.f32 $8.000000000e+00, v0;
	_ =	sdelay $0x1  }
0x598: {  	[tilespmem:s8+$0xFFFFFFE0] =	vst v0  }
0x599: {  	v0 =	vld [tilespmem:s9+$0x6790];
	_ =	sdelay $0x4  }
0x59a: {  	v0 =	vmul.f32 $8.000000000e+00, v0;
	_ =	sdelay $0x1  }
0x59b: {  	[tilespmem:s8+$0xFFFFFFF0] =	vst v0  }
0x59c: {  	v0 =	vld [tilespmem:s9+$0x3A0];
	_ =	sdelay $0x4  }
0x59d: {  	v0 =	vmul.f32 $8.000000000e+00, v0;
	_ =	sdelay $0x1  }
0x59e: {  	[tilespmem:s8+$0x0] =	vst v0  }
0x59f: {  	v0 =	vld [tilespmem:s9+$0x3B0];
	_ =	sdelay $0x4  }
0x5a0: {  	v0 =	vmul.f32 $8.000000000e+00, v0;
	_ =	sdelay $0x1  }
0x5a1: {  	[tilespmem:s8+$0x10] =	vst v0  }
0x5a2: {  	v0 =	vld [tilespmem:s9+$0x67A0];
	_ =	sdelay $0x4  }
0x5a3: {  	v0 =	vmul.f32 $8.000000000e+00, v0;
	_ =	sdelay $0x1  }
0x5a4: {  	[tilespmem:s8+$0x20] =	vst v0  }
0x5a5: {  	v0 =	vld [tilespmem:s9+$0x67B0];
	_ =	sdelay $0x4  }
0x5a6: {  	v0 =	vmul.f32 $8.000000000e+00, v0;
	_ =	sdelay $0x1  }
0x5a7: {  	[tilespmem:s8+$0x30] =	vst v0  }
0x5a8: {  	v0 =	vld [tilespmem:s9+$0x3C0];
	_ =	sdelay $0x4  }
0x5a9: {  	v0 =	vmul.f32 $8.000000000e+00, v0;
	_ =	sdelay $0x1  }
0x5aa: {  	[tilespmem:s8+$0x40] =	vst v0  }
0x5ab: {  	v0 =	vld [tilespmem:s9+$0x3D0];
	_ =	sdelay $0x4  }
0x5ac: {  	v0 =	vmul.f32 $8.000000000e+00, v0;
	_ =	sdelay $0x1  }
0x5ad: {  	[tilespmem:s8+$0x50] =	vst v0  }
0x5ae: {  	v0 =	vld [tilespmem:s9+$0x67C0];
	_ =	sdelay $0x4  }
0x5af: {  	v0 =	vmul.f32 $8.000000000e+00, v0;
	_ =	sdelay $0x1  }
0x5b0: {  	[tilespmem:s8+$0x60] =	vst v0  }
0x5b1: {  	v0 =	vld [tilespmem:s9+$0x67D0];
	_ =	sdelay $0x4  }
0x5b2: {  	v0 =	vmul.f32 $8.000000000e+00, v0;
	_ =	sdelay $0x1  }
0x5b3: {  	[tilespmem:s8+$0x70] =	vst v0  }
0x5b4: {  	v0 =	vld [tilespmem:s9+$0x3E0];
	_ =	sdelay $0x4  }
0x5b5: {  	v0 =	vmul.f32 $8.000000000e+00, v0;
	_ =	sdelay $0x1  }
0x5b6: {  	[tilespmem:s8+$0x80] =	vst v0  }
0x5b7: {  	v0 =	vld [tilespmem:s9+$0x3F0];
	_ =	sdelay $0x4  }
0x5b8: {  	v0 =	vmul.f32 $8.000000000e+00, v0;
	_ =	sdelay $0x1  }
0x5b9: {  	[tilespmem:s8+$0x90] =	vst v0  }
0x5ba: {  	v0 =	vld [tilespmem:s9+$0x67E0];
	_ =	sdelay $0x4  }
0x5bb: {  	v0 =	vmul.f32 $8.000000000e+00, v0;
	_ =	sdelay $0x1  }
0x5bc: {  	[tilespmem:s8+$0xA0] =	vst v0  }
0x5bd: {  	v0 =	vld [tilespmem:s9+$0x67F0];
	_ =	sdelay $0x4  }
0x5be: {  	v0 =	vmul.f32 $8.000000000e+00, v0;
	_ =	sdelay $0x1  }
0x5bf: {  	[tilespmem:s8+$0xB0] =	vst v0  }
0x5c0: {  	v0 =	vld [tilespmem:s9+$0x400];
	_ =	sdelay $0x4  }
0x5c1: {  	v0 =	vmul.f32 $8.000000000e+00, v0;
	_ =	sdelay $0x1  }
0x5c2: {  	[tilespmem:s8+$0xC0] =	vst v0  }
0x5c3: {  	v0 =	vld [tilespmem:s9+$0x410];
	_ =	sdelay $0x4  }
0x5c4: {  	v0 =	vmul.f32 $8.000000000e+00, v0;
	_ =	sdelay $0x1  }
0x5c5: {  	[tilespmem:s8+$0xD0] =	vst v0  }
0x5c6: {  	v0 =	vld [tilespmem:s9+$0x6800];
	_ =	sdelay $0x4  }
0x5c7: {  	v0 =	vmul.f32 $8.000000000e+00, v0;
	_ =	sdelay $0x1  }
0x5c8: {  	[tilespmem:s8+$0xE0] =	vst v0  }
0x5c9: {  	v0 =	vld [tilespmem:s9+$0x6810];
	_ =	sdelay $0x2  }
.Ltmp5:
0x5ca: {  	(pc) =	sbr.rel @p0 .LBB2_12-.Ltmp5, $3  }
0x5cb: {  	_ = 	snop  }
0x5cc: {  	v0 =	vmul.f32 $8.000000000e+00, v0;
	_ =	sdelay $0x1  }
0x5cd: {  	s9 =	sshra.s32 s10, $0x2;
	s10 =	sadd.s32 $0x400, s10;
	[tilespmem:s8+$0xF0] =	vst v0  }
0x5ce: {  	v0 =	vld [tilespmem:s9+$0x320];
	_ =	sdelay $0x4  }
0x5cf: {  	v0 =	vmul.f32 $8.000000000e+00, v0  }
0x5d0: {  	s8 =	sadd.s32 $0x200, s8  }
0x5d1: {  	[tilespmem:s8+$0xFFFFFF00] =	vst v0  }
0x5d2: {  	v0 =	vld [tilespmem:s9+$0x330];
	_ =	sdelay $0x4  }
0x5d3: {  	v0 =	vmul.f32 $8.000000000e+00, v0;
	_ =	sdelay $0x1  }
0x5d4: {  	[tilespmem:s8+$0xFFFFFF10] =	vst v0  }
0x5d5: {  	v0 =	vld [tilespmem:s9+$0x6720];
	_ =	sdelay $0x4  }
0x5d6: {  	v0 =	vmul.f32 $8.000000000e+00, v0;
	_ =	sdelay $0x1  }
0x5d7: {  	[tilespmem:s8+$0xFFFFFF20] =	vst v0  }
0x5d8: {  	v0 =	vld [tilespmem:s9+$0x6730];
	_ =	sdelay $0x4  }
0x5d9: {  	v0 =	vmul.f32 $8.000000000e+00, v0;
	_ =	sdelay $0x1  }
0x5da: {  	[tilespmem:s8+$0xFFFFFF30] =	vst v0  }
0x5db: {  	v0 =	vld [tilespmem:s9+$0x340];
	_ =	sdelay $0x4  }
0x5dc: {  	v0 =	vmul.f32 $8.000000000e+00, v0;
	_ =	sdelay $0x1  }
0x5dd: {  	[tilespmem:s8+$0xFFFFFF40] =	vst v0  }
0x5de: {  	v0 =	vld [tilespmem:s9+$0x350];
	_ =	sdelay $0x4  }
0x5df: {  	v0 =	vmul.f32 $8.000000000e+00, v0;
	_ =	sdelay $0x1  }
0x5e0: {  	[tilespmem:s8+$0xFFFFFF50] =	vst v0  }
0x5e1: {  	v0 =	vld [tilespmem:s9+$0x6740];
	_ =	sdelay $0x4  }
0x5e2: {  	v0 =	vmul.f32 $8.000000000e+00, v0;
	_ =	sdelay $0x1  }
0x5e3: {  	[tilespmem:s8+$0xFFFFFF60] =	vst v0  }
0x5e4: {  	v0 =	vld [tilespmem:s9+$0x6750];
	_ =	sdelay $0x4  }
0x5e5: {  	v0 =	vmul.f32 $8.000000000e+00, v0;
	_ =	sdelay $0x1  }
0x5e6: {  	[tilespmem:s8+$0xFFFFFF70] =	vst v0  }
0x5e7: {  	v0 =	vld [tilespmem:s9+$0x360];
	_ =	sdelay $0x4  }
0x5e8: {  	v0 =	vmul.f32 $8.000000000e+00, v0;
	_ =	sdelay $0x1  }
0x5e9: {  	[tilespmem:s8+$0xFFFFFF80] =	vst v0  }
0x5ea: {  	v0 =	vld [tilespmem:s9+$0x370];
	_ =	sdelay $0x4  }
0x5eb: {  	v0 =	vmul.f32 $8.000000000e+00, v0;
	_ =	sdelay $0x1  }
0x5ec: {  	[tilespmem:s8+$0xFFFFFF90] =	vst v0  }
0x5ed: {  	v0 =	vld [tilespmem:s9+$0x6760];
	_ =	sdelay $0x4  }
0x5ee: {  	v0 =	vmul.f32 $8.000000000e+00, v0;
	_ =	sdelay $0x1  }
0x5ef: {  	[tilespmem:s8+$0xFFFFFFA0] =	vst v0  }
0x5f0: {  	v0 =	vld [tilespmem:s9+$0x6770];
	_ =	sdelay $0x4  }
0x5f1: {  	v0 =	vmul.f32 $8.000000000e+00, v0;
	_ =	sdelay $0x1  }
0x5f2: {  	[tilespmem:s8+$0xFFFFFFB0] =	vst v0  }
0x5f3: {  	v0 =	vld [tilespmem:s9+$0x380];
	_ =	sdelay $0x4  }
0x5f4: {  	v0 =	vmul.f32 $8.000000000e+00, v0;
	_ =	sdelay $0x1  }
0x5f5: {  	[tilespmem:s8+$0xFFFFFFC0] =	vst v0  }
0x5f6: {  	v0 =	vld [tilespmem:s9+$0x390];
	_ =	sdelay $0x4  }
0x5f7: {  	v0 =	vmul.f32 $8.000000000e+00, v0;
	_ =	sdelay $0x1  }
0x5f8: {  	[tilespmem:s8+$0xFFFFFFD0] =	vst v0  }
0x5f9: {  	v0 =	vld [tilespmem:s9+$0x6780];
	_ =	sdelay $0x4  }
0x5fa: {  	v0 =	vmul.f32 $8.000000000e+00, v0;
	_ =	sdelay $0x1  }
0x5fb: {  	[tilespmem:s8+$0xFFFFFFE0] =	vst v0  }
0x5fc: {  	v0 =	vld [tilespmem:s9+$0x6790];
	_ =	sdelay $0x4  }
0x5fd: {  	v0 =	vmul.f32 $8.000000000e+00, v0;
	_ =	sdelay $0x1  }
0x5fe: {  	[tilespmem:s8+$0xFFFFFFF0] =	vst v0  }
0x5ff: {  	v0 =	vld [tilespmem:s9+$0x3A0];
	_ =	sdelay $0x4  }
0x600: {  	v0 =	vmul.f32 $8.000000000e+00, v0;
	_ =	sdelay $0x1  }
0x601: {  	[tilespmem:s8+$0x0] =	vst v0  }
0x602: {  	v0 =	vld [tilespmem:s9+$0x3B0];
	_ =	sdelay $0x4  }
0x603: {  	v0 =	vmul.f32 $8.000000000e+00, v0;
	_ =	sdelay $0x1  }
0x604: {  	[tilespmem:s8+$0x10] =	vst v0  }
0x605: {  	v0 =	vld [tilespmem:s9+$0x67A0];
	_ =	sdelay $0x4  }
0x606: {  	v0 =	vmul.f32 $8.000000000e+00, v0;
	_ =	sdelay $0x1  }
0x607: {  	[tilespmem:s8+$0x20] =	vst v0  }
0x608: {  	v0 =	vld [tilespmem:s9+$0x67B0];
	_ =	sdelay $0x4  }
0x609: {  	v0 =	vmul.f32 $8.000000000e+00, v0;
	_ =	sdelay $0x1  }
0x60a: {  	[tilespmem:s8+$0x30] =	vst v0  }
0x60b: {  	v0 =	vld [tilespmem:s9+$0x3C0];
	_ =	sdelay $0x4  }
0x60c: {  	v0 =	vmul.f32 $8.000000000e+00, v0;
	_ =	sdelay $0x1  }
0x60d: {  	[tilespmem:s8+$0x40] =	vst v0  }
0x60e: {  	v0 =	vld [tilespmem:s9+$0x3D0];
	_ =	sdelay $0x4  }
0x60f: {  	v0 =	vmul.f32 $8.000000000e+00, v0;
	_ =	sdelay $0x1  }
0x610: {  	[tilespmem:s8+$0x50] =	vst v0  }
0x611: {  	v0 =	vld [tilespmem:s9+$0x67C0];
	_ =	sdelay $0x4  }
0x612: {  	v0 =	vmul.f32 $8.000000000e+00, v0;
	_ =	sdelay $0x1  }
0x613: {  	[tilespmem:s8+$0x60] =	vst v0  }
0x614: {  	v0 =	vld [tilespmem:s9+$0x67D0];
	_ =	sdelay $0x4  }
0x615: {  	v0 =	vmul.f32 $8.000000000e+00, v0;
	_ =	sdelay $0x1  }
0x616: {  	[tilespmem:s8+$0x70] =	vst v0  }
0x617: {  	v0 =	vld [tilespmem:s9+$0x3E0];
	_ =	sdelay $0x4  }
0x618: {  	v0 =	vmul.f32 $8.000000000e+00, v0;
	_ =	sdelay $0x1  }
0x619: {  	[tilespmem:s8+$0x80] =	vst v0  }
0x61a: {  	v0 =	vld [tilespmem:s9+$0x3F0];
	_ =	sdelay $0x4  }
0x61b: {  	v0 =	vmul.f32 $8.000000000e+00, v0;
	_ =	sdelay $0x1  }
0x61c: {  	[tilespmem:s8+$0x90] =	vst v0  }
0x61d: {  	v0 =	vld [tilespmem:s9+$0x67E0];
	_ =	sdelay $0x4  }
0x61e: {  	v0 =	vmul.f32 $8.000000000e+00, v0;
	_ =	sdelay $0x1  }
0x61f: {  	[tilespmem:s8+$0xA0] =	vst v0  }
0x620: {  	v0 =	vld [tilespmem:s9+$0x67F0];
	_ =	sdelay $0x4  }
0x621: {  	v0 =	vmul.f32 $8.000000000e+00, v0;
	_ =	sdelay $0x1  }
0x622: {  	[tilespmem:s8+$0xB0] =	vst v0  }
0x623: {  	v0 =	vld [tilespmem:s9+$0x400];
	_ =	sdelay $0x4  }
0x624: {  	v0 =	vmul.f32 $8.000000000e+00, v0;
	_ =	sdelay $0x1  }
0x625: {  	[tilespmem:s8+$0xC0] =	vst v0  }
0x626: {  	v0 =	vld [tilespmem:s9+$0x410];
	_ =	sdelay $0x4  }
0x627: {  	v0 =	vmul.f32 $8.000000000e+00, v0;
	_ =	sdelay $0x1  }
0x628: {  	[tilespmem:s8+$0xD0] =	vst v0  }
0x629: {  	v0 =	vld [tilespmem:s9+$0x6800];
	_ =	sdelay $0x4  }
0x62a: {  	v0 =	vmul.f32 $8.000000000e+00, v0;
	_ =	sdelay $0x1  }
0x62b: {  	[tilespmem:s8+$0xE0] =	vst v0  }
0x62c: {  	v0 =	vld [tilespmem:s9+$0x6810];
	_ =	sdelay $0x4  }
0x62d: {  	v0 =	vmul.f32 $8.000000000e+00, v0;
	_ =	sdelay $0x1  }
0x62e: {  	s12 =	simm.s32 $0x0;
	[tilespmem:s8+$0xF0] =	vst v0  }
0x62f: {  	[hbm4b:s17+s12] =	stream.linear.scatter [tilespmem:s28], [sflag:$0x3], $0x6400, $0x38;
	[tilespmem:$0x19320] =	vst v63  }
0x630: {  	_ =	swait.ge [sflag:s29], $0x3200  }
0x631: {  	[sflag:s29] =	ssyncset.done $0x0  }
0x632: {  	[sflag:s29] =	ssyncadd.s32 $0xFFFFCE00  }
0x633: {  	_ =	swait.ge [sflag:s29], $0x3200  }
0x634: {  	[sflag:s29] =	ssyncset.done $0x0  }
0x635: {  	[sflag:s29] =	ssyncadd.s32 $0xFFFFCE00  }
0x636: {  	_ =	swait.ge [sflag:s0], $0x6400  }
0x637: {  	[sflag:s0] =	ssyncset.done $0x0  }
0x638: {  	s13 =	simm.s32 $0x0;
	[sflag:s0] =	ssyncadd.s32 $0xFFFF9C00  }
0x639: {  	v63 =	vld [tilespmem:s13+$0x3520];
	_ =	sdelay $0x4  }
0x63a: {  	v0 =	vmul.f32 $8.000000000e+00, v63  }
0x63b: {  	s8 =	simm.s32 $0x13020  }
0x63c: {  	[tilespmem:s8+$0xFFFFFF00] =	vst v0  }
0x63d: {  	v0 =	vld [tilespmem:s13+$0x3530];
	_ =	sdelay $0x4  }
0x63e: {  	v0 =	vmul.f32 $8.000000000e+00, v0;
	_ =	sdelay $0x1  }
0x63f: {  	[tilespmem:s8+$0xFFFFFF10] =	vst v0  }
0x640: {  	v0 =	vld [tilespmem:s13+$0x9920];
	_ =	sdelay $0x4  }
0x641: {  	v0 =	vmul.f32 $8.000000000e+00, v0;
	_ =	sdelay $0x1  }
0x642: {  	[tilespmem:s8+$0xFFFFFF20] =	vst v0  }
0x643: {  	v0 =	vld [tilespmem:s13+$0x9930];
	_ =	sdelay $0x4  }
0x644: {  	v0 =	vmul.f32 $8.000000000e+00, v0;
	_ =	sdelay $0x1  }
0x645: {  	[tilespmem:s8+$0xFFFFFF30] =	vst v0  }
0x646: {  	v0 =	vld [tilespmem:s13+$0x3540];
	_ =	sdelay $0x4  }
0x647: {  	v0 =	vmul.f32 $8.000000000e+00, v0;
	_ =	sdelay $0x1  }
0x648: {  	[tilespmem:s8+$0xFFFFFF40] =	vst v0  }
0x649: {  	v0 =	vld [tilespmem:s13+$0x3550];
	_ =	sdelay $0x4  }
0x64a: {  	v0 =	vmul.f32 $8.000000000e+00, v0;
	_ =	sdelay $0x1  }
0x64b: {  	[tilespmem:s8+$0xFFFFFF50] =	vst v0  }
0x64c: {  	v0 =	vld [tilespmem:s13+$0x9940];
	_ =	sdelay $0x4  }
0x64d: {  	v0 =	vmul.f32 $8.000000000e+00, v0;
	_ =	sdelay $0x1  }
0x64e: {  	[tilespmem:s8+$0xFFFFFF60] =	vst v0  }
0x64f: {  	v0 =	vld [tilespmem:s13+$0x9950];
	_ =	sdelay $0x4  }
0x650: {  	v0 =	vmul.f32 $8.000000000e+00, v0;
	_ =	sdelay $0x1  }
0x651: {  	[tilespmem:s8+$0xFFFFFF70] =	vst v0  }
0x652: {  	v0 =	vld [tilespmem:s13+$0x3560];
	_ =	sdelay $0x4  }
0x653: {  	v0 =	vmul.f32 $8.000000000e+00, v0;
	_ =	sdelay $0x1  }
0x654: {  	[tilespmem:s8+$0xFFFFFF80] =	vst v0  }
0x655: {  	v0 =	vld [tilespmem:s13+$0x3570];
	_ =	sdelay $0x4  }
0x656: {  	v0 =	vmul.f32 $8.000000000e+00, v0;
	_ =	sdelay $0x1  }
0x657: {  	[tilespmem:s8+$0xFFFFFF90] =	vst v0  }
0x658: {  	v0 =	vld [tilespmem:s13+$0x9960];
	_ =	sdelay $0x4  }
0x659: {  	v0 =	vmul.f32 $8.000000000e+00, v0;
	_ =	sdelay $0x1  }
0x65a: {  	[tilespmem:s8+$0xFFFFFFA0] =	vst v0  }
0x65b: {  	v0 =	vld [tilespmem:s13+$0x9970];
	_ =	sdelay $0x4  }
0x65c: {  	v0 =	vmul.f32 $8.000000000e+00, v0;
	_ =	sdelay $0x1  }
0x65d: {  	[tilespmem:s8+$0xFFFFFFB0] =	vst v0  }
0x65e: {  	v0 =	vld [tilespmem:s13+$0x3580];
	_ =	sdelay $0x4  }
0x65f: {  	v0 =	vmul.f32 $8.000000000e+00, v0;
	_ =	sdelay $0x1  }
0x660: {  	[tilespmem:s8+$0xFFFFFFC0] =	vst v0  }
0x661: {  	v0 =	vld [tilespmem:s13+$0x3590];
	_ =	sdelay $0x4  }
0x662: {  	v0 =	vmul.f32 $8.000000000e+00, v0;
	_ =	sdelay $0x1  }
0x663: {  	[tilespmem:s8+$0xFFFFFFD0] =	vst v0  }
0x664: {  	v0 =	vld [tilespmem:s13+$0x9980];
	_ =	sdelay $0x4  }
0x665: {  	v0 =	vmul.f32 $8.000000000e+00, v0;
	_ =	sdelay $0x1  }
0x666: {  	[tilespmem:s8+$0xFFFFFFE0] =	vst v0  }
0x667: {  	v0 =	vld [tilespmem:s13+$0x9990];
	_ =	sdelay $0x4  }
0x668: {  	v0 =	vmul.f32 $8.000000000e+00, v0;
	_ =	sdelay $0x1  }
0x669: {  	[tilespmem:s8+$0xFFFFFFF0] =	vst v0  }
0x66a: {  	v0 =	vld [tilespmem:s13+$0x35A0];
	_ =	sdelay $0x4  }
0x66b: {  	v0 =	vmul.f32 $8.000000000e+00, v0;
	_ =	sdelay $0x1  }
0x66c: {  	[tilespmem:s8+$0x0] =	vst v0  }
0x66d: {  	v0 =	vld [tilespmem:s13+$0x35B0];
	_ =	sdelay $0x4  }
0x66e: {  	v0 =	vmul.f32 $8.000000000e+00, v0;
	_ =	sdelay $0x1  }
0x66f: {  	[tilespmem:s8+$0x10] =	vst v0  }
0x670: {  	v0 =	vld [tilespmem:s13+$0x99A0];
	_ =	sdelay $0x4  }
0x671: {  	v0 =	vmul.f32 $8.000000000e+00, v0;
	_ =	sdelay $0x1  }
0x672: {  	[tilespmem:s8+$0x20] =	vst v0  }
0x673: {  	v0 =	vld [tilespmem:s13+$0x99B0];
	_ =	sdelay $0x4  }
0x674: {  	v0 =	vmul.f32 $8.000000000e+00, v0;
	_ =	sdelay $0x1  }
0x675: {  	[tilespmem:s8+$0x30] =	vst v0  }
0x676: {  	v0 =	vld [tilespmem:s13+$0x35C0];
	_ =	sdelay $0x4  }
0x677: {  	v0 =	vmul.f32 $8.000000000e+00, v0;
	_ =	sdelay $0x1  }
0x678: {  	[tilespmem:s8+$0x40] =	vst v0  }
0x679: {  	v0 =	vld [tilespmem:s13+$0x35D0];
	_ =	sdelay $0x4  }
0x67a: {  	v0 =	vmul.f32 $8.000000000e+00, v0;
	_ =	sdelay $0x1  }
0x67b: {  	[tilespmem:s8+$0x50] =	vst v0  }
0x67c: {  	v0 =	vld [tilespmem:s13+$0x99C0];
	_ =	sdelay $0x4  }
0x67d: {  	v0 =	vmul.f32 $8.000000000e+00, v0;
	_ =	sdelay $0x1  }
0x67e: {  	[tilespmem:s8+$0x60] =	vst v0  }
0x67f: {  	v0 =	vld [tilespmem:s13+$0x99D0];
	_ =	sdelay $0x4  }
0x680: {  	v0 =	vmul.f32 $8.000000000e+00, v0;
	_ =	sdelay $0x1  }
0x681: {  	[tilespmem:s8+$0x70] =	vst v0  }
0x682: {  	v0 =	vld [tilespmem:s13+$0x35E0];
	_ =	sdelay $0x4  }
0x683: {  	v0 =	vmul.f32 $8.000000000e+00, v0;
	_ =	sdelay $0x1  }
0x684: {  	[tilespmem:s8+$0x80] =	vst v0  }
0x685: {  	v0 =	vld [tilespmem:s13+$0x35F0];
	_ =	sdelay $0x4  }
0x686: {  	v0 =	vmul.f32 $8.000000000e+00, v0;
	_ =	sdelay $0x1  }
0x687: {  	[tilespmem:s8+$0x90] =	vst v0  }
0x688: {  	v0 =	vld [tilespmem:s13+$0x99E0];
	_ =	sdelay $0x4  }
0x689: {  	v0 =	vmul.f32 $8.000000000e+00, v0;
	_ =	sdelay $0x1  }
0x68a: {  	[tilespmem:s8+$0xA0] =	vst v0  }
0x68b: {  	v0 =	vld [tilespmem:s13+$0x99F0];
	_ =	sdelay $0x4  }
0x68c: {  	v0 =	vmul.f32 $8.000000000e+00, v0;
	_ =	sdelay $0x1  }
0x68d: {  	[tilespmem:s8+$0xB0] =	vst v0  }
0x68e: {  	v0 =	vld [tilespmem:s13+$0x3600];
	_ =	sdelay $0x4  }
0x68f: {  	v0 =	vmul.f32 $8.000000000e+00, v0;
	_ =	sdelay $0x1  }
0x690: {  	[tilespmem:s8+$0xC0] =	vst v0  }
0x691: {  	v0 =	vld [tilespmem:s13+$0x3610];
	_ =	sdelay $0x4  }
0x692: {  	v0 =	vmul.f32 $8.000000000e+00, v0;
	_ =	sdelay $0x1  }
0x693: {  	[tilespmem:s8+$0xD0] =	vst v0  }
0x694: {  	v0 =	vld [tilespmem:s13+$0x9A00];
	_ =	sdelay $0x4  }
0x695: {  	v0 =	vmul.f32 $8.000000000e+00, v0;
	_ =	sdelay $0x1  }
0x696: {  	[tilespmem:s8+$0xE0] =	vst v0  }
0x697: {  	v0 =	vld [tilespmem:s13+$0x9A10];
	_ =	sdelay $0x4  }
0x698: {  	v0 =	vmul.f32 $8.000000000e+00, v0;
	_ =	sdelay $0x1  }
0x699: {  	s10 =	simm.s32 $0x800;
	s9 =	simm.s32 $0x100;
	[tilespmem:s8+$0xF0] =	vst v0  }
.LBB2_14:
0x69a: {  	p0 =	sne.s32 s10, $0xC400;
	v0 =	vld [tilespmem:s9+$0x3520];
	_ =	sdelay $0x4  }
0x69b: {  	v0 =	vmul.f32 $8.000000000e+00, v0  }
0x69c: {  	s8 =	sadd.s32 $0x200, s8  }
0x69d: {  	[tilespmem:s8+$0xFFFFFF00] =	vst v0  }
0x69e: {  	v0 =	vld [tilespmem:s9+$0x3530];
	_ =	sdelay $0x4  }
0x69f: {  	v0 =	vmul.f32 $8.000000000e+00, v0;
	_ =	sdelay $0x1  }
0x6a0: {  	[tilespmem:s8+$0xFFFFFF10] =	vst v0  }
0x6a1: {  	v0 =	vld [tilespmem:s9+$0x9920];
	_ =	sdelay $0x4  }
0x6a2: {  	v0 =	vmul.f32 $8.000000000e+00, v0;
	_ =	sdelay $0x1  }
0x6a3: {  	[tilespmem:s8+$0xFFFFFF20] =	vst v0  }
0x6a4: {  	v0 =	vld [tilespmem:s9+$0x9930];
	_ =	sdelay $0x4  }
0x6a5: {  	v0 =	vmul.f32 $8.000000000e+00, v0;
	_ =	sdelay $0x1  }
0x6a6: {  	[tilespmem:s8+$0xFFFFFF30] =	vst v0  }
0x6a7: {  	v0 =	vld [tilespmem:s9+$0x3540];
	_ =	sdelay $0x4  }
0x6a8: {  	v0 =	vmul.f32 $8.000000000e+00, v0;
	_ =	sdelay $0x1  }
0x6a9: {  	[tilespmem:s8+$0xFFFFFF40] =	vst v0  }
0x6aa: {  	v0 =	vld [tilespmem:s9+$0x3550];
	_ =	sdelay $0x4  }
0x6ab: {  	v0 =	vmul.f32 $8.000000000e+00, v0;
	_ =	sdelay $0x1  }
0x6ac: {  	[tilespmem:s8+$0xFFFFFF50] =	vst v0  }
0x6ad: {  	v0 =	vld [tilespmem:s9+$0x9940];
	_ =	sdelay $0x4  }
0x6ae: {  	v0 =	vmul.f32 $8.000000000e+00, v0;
	_ =	sdelay $0x1  }
0x6af: {  	[tilespmem:s8+$0xFFFFFF60] =	vst v0  }
0x6b0: {  	v0 =	vld [tilespmem:s9+$0x9950];
	_ =	sdelay $0x4  }
0x6b1: {  	v0 =	vmul.f32 $8.000000000e+00, v0;
	_ =	sdelay $0x1  }
0x6b2: {  	[tilespmem:s8+$0xFFFFFF70] =	vst v0  }
0x6b3: {  	v0 =	vld [tilespmem:s9+$0x3560];
	_ =	sdelay $0x4  }
0x6b4: {  	v0 =	vmul.f32 $8.000000000e+00, v0;
	_ =	sdelay $0x1  }
0x6b5: {  	[tilespmem:s8+$0xFFFFFF80] =	vst v0  }
0x6b6: {  	v0 =	vld [tilespmem:s9+$0x3570];
	_ =	sdelay $0x4  }
0x6b7: {  	v0 =	vmul.f32 $8.000000000e+00, v0;
	_ =	sdelay $0x1  }
0x6b8: {  	[tilespmem:s8+$0xFFFFFF90] =	vst v0  }
0x6b9: {  	v0 =	vld [tilespmem:s9+$0x9960];
	_ =	sdelay $0x4  }
0x6ba: {  	v0 =	vmul.f32 $8.000000000e+00, v0;
	_ =	sdelay $0x1  }
0x6bb: {  	[tilespmem:s8+$0xFFFFFFA0] =	vst v0  }
0x6bc: {  	v0 =	vld [tilespmem:s9+$0x9970];
	_ =	sdelay $0x4  }
0x6bd: {  	v0 =	vmul.f32 $8.000000000e+00, v0;
	_ =	sdelay $0x1  }
0x6be: {  	[tilespmem:s8+$0xFFFFFFB0] =	vst v0  }
0x6bf: {  	v0 =	vld [tilespmem:s9+$0x3580];
	_ =	sdelay $0x4  }
0x6c0: {  	v0 =	vmul.f32 $8.000000000e+00, v0;
	_ =	sdelay $0x1  }
0x6c1: {  	[tilespmem:s8+$0xFFFFFFC0] =	vst v0  }
0x6c2: {  	v0 =	vld [tilespmem:s9+$0x3590];
	_ =	sdelay $0x4  }
0x6c3: {  	v0 =	vmul.f32 $8.000000000e+00, v0;
	_ =	sdelay $0x1  }
0x6c4: {  	[tilespmem:s8+$0xFFFFFFD0] =	vst v0  }
0x6c5: {  	v0 =	vld [tilespmem:s9+$0x9980];
	_ =	sdelay $0x4  }
0x6c6: {  	v0 =	vmul.f32 $8.000000000e+00, v0;
	_ =	sdelay $0x1  }
0x6c7: {  	[tilespmem:s8+$0xFFFFFFE0] =	vst v0  }
0x6c8: {  	v0 =	vld [tilespmem:s9+$0x9990];
	_ =	sdelay $0x4  }
0x6c9: {  	v0 =	vmul.f32 $8.000000000e+00, v0;
	_ =	sdelay $0x1  }
0x6ca: {  	[tilespmem:s8+$0xFFFFFFF0] =	vst v0  }
0x6cb: {  	v0 =	vld [tilespmem:s9+$0x35A0];
	_ =	sdelay $0x4  }
0x6cc: {  	v0 =	vmul.f32 $8.000000000e+00, v0;
	_ =	sdelay $0x1  }
0x6cd: {  	[tilespmem:s8+$0x0] =	vst v0  }
0x6ce: {  	v0 =	vld [tilespmem:s9+$0x35B0];
	_ =	sdelay $0x4  }
0x6cf: {  	v0 =	vmul.f32 $8.000000000e+00, v0;
	_ =	sdelay $0x1  }
0x6d0: {  	[tilespmem:s8+$0x10] =	vst v0  }
0x6d1: {  	v0 =	vld [tilespmem:s9+$0x99A0];
	_ =	sdelay $0x4  }
0x6d2: {  	v0 =	vmul.f32 $8.000000000e+00, v0;
	_ =	sdelay $0x1  }
0x6d3: {  	[tilespmem:s8+$0x20] =	vst v0  }
0x6d4: {  	v0 =	vld [tilespmem:s9+$0x99B0];
	_ =	sdelay $0x4  }
0x6d5: {  	v0 =	vmul.f32 $8.000000000e+00, v0;
	_ =	sdelay $0x1  }
0x6d6: {  	[tilespmem:s8+$0x30] =	vst v0  }
0x6d7: {  	v0 =	vld [tilespmem:s9+$0x35C0];
	_ =	sdelay $0x4  }
0x6d8: {  	v0 =	vmul.f32 $8.000000000e+00, v0;
	_ =	sdelay $0x1  }
0x6d9: {  	[tilespmem:s8+$0x40] =	vst v0  }
0x6da: {  	v0 =	vld [tilespmem:s9+$0x35D0];
	_ =	sdelay $0x4  }
0x6db: {  	v0 =	vmul.f32 $8.000000000e+00, v0;
	_ =	sdelay $0x1  }
0x6dc: {  	[tilespmem:s8+$0x50] =	vst v0  }
0x6dd: {  	v0 =	vld [tilespmem:s9+$0x99C0];
	_ =	sdelay $0x4  }
0x6de: {  	v0 =	vmul.f32 $8.000000000e+00, v0;
	_ =	sdelay $0x1  }
0x6df: {  	[tilespmem:s8+$0x60] =	vst v0  }
0x6e0: {  	v0 =	vld [tilespmem:s9+$0x99D0];
	_ =	sdelay $0x4  }
0x6e1: {  	v0 =	vmul.f32 $8.000000000e+00, v0;
	_ =	sdelay $0x1  }
0x6e2: {  	[tilespmem:s8+$0x70] =	vst v0  }
0x6e3: {  	v0 =	vld [tilespmem:s9+$0x35E0];
	_ =	sdelay $0x4  }
0x6e4: {  	v0 =	vmul.f32 $8.000000000e+00, v0;
	_ =	sdelay $0x1  }
0x6e5: {  	[tilespmem:s8+$0x80] =	vst v0  }
0x6e6: {  	v0 =	vld [tilespmem:s9+$0x35F0];
	_ =	sdelay $0x4  }
0x6e7: {  	v0 =	vmul.f32 $8.000000000e+00, v0;
	_ =	sdelay $0x1  }
0x6e8: {  	[tilespmem:s8+$0x90] =	vst v0  }
0x6e9: {  	v0 =	vld [tilespmem:s9+$0x99E0];
	_ =	sdelay $0x4  }
0x6ea: {  	v0 =	vmul.f32 $8.000000000e+00, v0;
	_ =	sdelay $0x1  }
0x6eb: {  	[tilespmem:s8+$0xA0] =	vst v0  }
0x6ec: {  	v0 =	vld [tilespmem:s9+$0x99F0];
	_ =	sdelay $0x4  }
0x6ed: {  	v0 =	vmul.f32 $8.000000000e+00, v0;
	_ =	sdelay $0x1  }
0x6ee: {  	[tilespmem:s8+$0xB0] =	vst v0  }
0x6ef: {  	v0 =	vld [tilespmem:s9+$0x3600];
	_ =	sdelay $0x4  }
0x6f0: {  	v0 =	vmul.f32 $8.000000000e+00, v0;
	_ =	sdelay $0x1  }
0x6f1: {  	[tilespmem:s8+$0xC0] =	vst v0  }
0x6f2: {  	v0 =	vld [tilespmem:s9+$0x3610];
	_ =	sdelay $0x4  }
0x6f3: {  	v0 =	vmul.f32 $8.000000000e+00, v0;
	_ =	sdelay $0x1  }
0x6f4: {  	[tilespmem:s8+$0xD0] =	vst v0  }
0x6f5: {  	v0 =	vld [tilespmem:s9+$0x9A00];
	_ =	sdelay $0x4  }
0x6f6: {  	v0 =	vmul.f32 $8.000000000e+00, v0;
	_ =	sdelay $0x1  }
0x6f7: {  	[tilespmem:s8+$0xE0] =	vst v0  }
0x6f8: {  	v0 =	vld [tilespmem:s9+$0x9A10];
	_ =	sdelay $0x2  }
.Ltmp6:
0x6f9: {  	(pc) =	sbr.rel @p0 .LBB2_14-.Ltmp6, $3  }
0x6fa: {  	_ = 	snop  }
0x6fb: {  	v0 =	vmul.f32 $8.000000000e+00, v0;
	_ =	sdelay $0x1  }
0x6fc: {  	s9 =	sshra.s32 s10, $0x2;
	s10 =	sadd.s32 $0x400, s10;
	[tilespmem:s8+$0xF0] =	vst v0  }
0x6fd: {  	v0 =	vld [tilespmem:s9+$0x3520];
	_ =	sdelay $0x4  }
0x6fe: {  	v0 =	vmul.f32 $8.000000000e+00, v0  }
0x6ff: {  	s8 =	sadd.s32 $0x200, s8  }
0x700: {  	[tilespmem:s8+$0xFFFFFF00] =	vst v0  }
0x701: {  	v0 =	vld [tilespmem:s9+$0x3530];
	_ =	sdelay $0x4  }
0x702: {  	v0 =	vmul.f32 $8.000000000e+00, v0;
	_ =	sdelay $0x1  }
0x703: {  	[tilespmem:s8+$0xFFFFFF10] =	vst v0  }
0x704: {  	v0 =	vld [tilespmem:s9+$0x9920];
	_ =	sdelay $0x4  }
0x705: {  	v0 =	vmul.f32 $8.000000000e+00, v0;
	_ =	sdelay $0x1  }
0x706: {  	[tilespmem:s8+$0xFFFFFF20] =	vst v0  }
0x707: {  	v0 =	vld [tilespmem:s9+$0x9930];
	_ =	sdelay $0x4  }
0x708: {  	v0 =	vmul.f32 $8.000000000e+00, v0;
	_ =	sdelay $0x1  }
0x709: {  	[tilespmem:s8+$0xFFFFFF30] =	vst v0  }
0x70a: {  	v0 =	vld [tilespmem:s9+$0x3540];
	_ =	sdelay $0x4  }
0x70b: {  	v0 =	vmul.f32 $8.000000000e+00, v0;
	_ =	sdelay $0x1  }
0x70c: {  	[tilespmem:s8+$0xFFFFFF40] =	vst v0  }
0x70d: {  	v0 =	vld [tilespmem:s9+$0x3550];
	_ =	sdelay $0x4  }
0x70e: {  	v0 =	vmul.f32 $8.000000000e+00, v0;
	_ =	sdelay $0x1  }
0x70f: {  	[tilespmem:s8+$0xFFFFFF50] =	vst v0  }
0x710: {  	v0 =	vld [tilespmem:s9+$0x9940];
	_ =	sdelay $0x4  }
0x711: {  	v0 =	vmul.f32 $8.000000000e+00, v0;
	_ =	sdelay $0x1  }
0x712: {  	[tilespmem:s8+$0xFFFFFF60] =	vst v0  }
0x713: {  	v0 =	vld [tilespmem:s9+$0x9950];
	_ =	sdelay $0x4  }
0x714: {  	v0 =	vmul.f32 $8.000000000e+00, v0;
	_ =	sdelay $0x1  }
0x715: {  	[tilespmem:s8+$0xFFFFFF70] =	vst v0  }
0x716: {  	v0 =	vld [tilespmem:s9+$0x3560];
	_ =	sdelay $0x4  }
0x717: {  	v0 =	vmul.f32 $8.000000000e+00, v0;
	_ =	sdelay $0x1  }
0x718: {  	[tilespmem:s8+$0xFFFFFF80] =	vst v0  }
0x719: {  	v0 =	vld [tilespmem:s9+$0x3570];
	_ =	sdelay $0x4  }
0x71a: {  	v0 =	vmul.f32 $8.000000000e+00, v0;
	_ =	sdelay $0x1  }
0x71b: {  	[tilespmem:s8+$0xFFFFFF90] =	vst v0  }
0x71c: {  	v0 =	vld [tilespmem:s9+$0x9960];
	_ =	sdelay $0x4  }
0x71d: {  	v0 =	vmul.f32 $8.000000000e+00, v0;
	_ =	sdelay $0x1  }
0x71e: {  	[tilespmem:s8+$0xFFFFFFA0] =	vst v0  }
0x71f: {  	v0 =	vld [tilespmem:s9+$0x9970];
	_ =	sdelay $0x4  }
0x720: {  	v0 =	vmul.f32 $8.000000000e+00, v0;
	_ =	sdelay $0x1  }
0x721: {  	[tilespmem:s8+$0xFFFFFFB0] =	vst v0  }
0x722: {  	v0 =	vld [tilespmem:s9+$0x3580];
	_ =	sdelay $0x4  }
0x723: {  	v0 =	vmul.f32 $8.000000000e+00, v0;
	_ =	sdelay $0x1  }
0x724: {  	[tilespmem:s8+$0xFFFFFFC0] =	vst v0  }
0x725: {  	v0 =	vld [tilespmem:s9+$0x3590];
	_ =	sdelay $0x4  }
0x726: {  	v0 =	vmul.f32 $8.000000000e+00, v0;
	_ =	sdelay $0x1  }
0x727: {  	[tilespmem:s8+$0xFFFFFFD0] =	vst v0  }
0x728: {  	v0 =	vld [tilespmem:s9+$0x9980];
	_ =	sdelay $0x4  }
0x729: {  	v0 =	vmul.f32 $8.000000000e+00, v0;
	_ =	sdelay $0x1  }
0x72a: {  	[tilespmem:s8+$0xFFFFFFE0] =	vst v0  }
0x72b: {  	v0 =	vld [tilespmem:s9+$0x9990];
	_ =	sdelay $0x4  }
0x72c: {  	v0 =	vmul.f32 $8.000000000e+00, v0;
	_ =	sdelay $0x1  }
0x72d: {  	[tilespmem:s8+$0xFFFFFFF0] =	vst v0  }
0x72e: {  	v0 =	vld [tilespmem:s9+$0x35A0];
	_ =	sdelay $0x4  }
0x72f: {  	v0 =	vmul.f32 $8.000000000e+00, v0;
	_ =	sdelay $0x1  }
0x730: {  	[tilespmem:s8+$0x0] =	vst v0  }
0x731: {  	v0 =	vld [tilespmem:s9+$0x35B0];
	_ =	sdelay $0x4  }
0x732: {  	v0 =	vmul.f32 $8.000000000e+00, v0;
	_ =	sdelay $0x1  }
0x733: {  	[tilespmem:s8+$0x10] =	vst v0  }
0x734: {  	v0 =	vld [tilespmem:s9+$0x99A0];
	_ =	sdelay $0x4  }
0x735: {  	v0 =	vmul.f32 $8.000000000e+00, v0;
	_ =	sdelay $0x1  }
0x736: {  	[tilespmem:s8+$0x20] =	vst v0  }
0x737: {  	v0 =	vld [tilespmem:s9+$0x99B0];
	_ =	sdelay $0x4  }
0x738: {  	v0 =	vmul.f32 $8.000000000e+00, v0;
	_ =	sdelay $0x1  }
0x739: {  	[tilespmem:s8+$0x30] =	vst v0  }
0x73a: {  	v0 =	vld [tilespmem:s9+$0x35C0];
	_ =	sdelay $0x4  }
0x73b: {  	v0 =	vmul.f32 $8.000000000e+00, v0;
	_ =	sdelay $0x1  }
0x73c: {  	[tilespmem:s8+$0x40] =	vst v0  }
0x73d: {  	v0 =	vld [tilespmem:s9+$0x35D0];
	_ =	sdelay $0x4  }
0x73e: {  	v0 =	vmul.f32 $8.000000000e+00, v0;
	_ =	sdelay $0x1  }
0x73f: {  	[tilespmem:s8+$0x50] =	vst v0  }
0x740: {  	v0 =	vld [tilespmem:s9+$0x99C0];
	_ =	sdelay $0x4  }
0x741: {  	v0 =	vmul.f32 $8.000000000e+00, v0;
	_ =	sdelay $0x1  }
0x742: {  	[tilespmem:s8+$0x60] =	vst v0  }
0x743: {  	v0 =	vld [tilespmem:s9+$0x99D0];
	_ =	sdelay $0x4  }
0x744: {  	v0 =	vmul.f32 $8.000000000e+00, v0;
	_ =	sdelay $0x1  }
0x745: {  	[tilespmem:s8+$0x70] =	vst v0  }
0x746: {  	v0 =	vld [tilespmem:s9+$0x35E0];
	_ =	sdelay $0x4  }
0x747: {  	v0 =	vmul.f32 $8.000000000e+00, v0;
	_ =	sdelay $0x1  }
0x748: {  	[tilespmem:s8+$0x80] =	vst v0  }
0x749: {  	v0 =	vld [tilespmem:s9+$0x35F0];
	_ =	sdelay $0x4  }
0x74a: {  	v0 =	vmul.f32 $8.000000000e+00, v0;
	_ =	sdelay $0x1  }
0x74b: {  	[tilespmem:s8+$0x90] =	vst v0  }
0x74c: {  	v0 =	vld [tilespmem:s9+$0x99E0];
	_ =	sdelay $0x4  }
0x74d: {  	v0 =	vmul.f32 $8.000000000e+00, v0;
	_ =	sdelay $0x1  }
0x74e: {  	[tilespmem:s8+$0xA0] =	vst v0  }
0x74f: {  	v0 =	vld [tilespmem:s9+$0x99F0];
	_ =	sdelay $0x4  }
0x750: {  	v0 =	vmul.f32 $8.000000000e+00, v0;
	_ =	sdelay $0x1  }
0x751: {  	[tilespmem:s8+$0xB0] =	vst v0  }
0x752: {  	v0 =	vld [tilespmem:s9+$0x3600];
	_ =	sdelay $0x4  }
0x753: {  	v0 =	vmul.f32 $8.000000000e+00, v0;
	_ =	sdelay $0x1  }
0x754: {  	[tilespmem:s8+$0xC0] =	vst v0  }
0x755: {  	v0 =	vld [tilespmem:s9+$0x3610];
	_ =	sdelay $0x4  }
0x756: {  	v0 =	vmul.f32 $8.000000000e+00, v0;
	_ =	sdelay $0x1  }
0x757: {  	[tilespmem:s8+$0xD0] =	vst v0  }
0x758: {  	v0 =	vld [tilespmem:s9+$0x9A00];
	_ =	sdelay $0x4  }
0x759: {  	v0 =	vmul.f32 $8.000000000e+00, v0;
	_ =	sdelay $0x1  }
0x75a: {  	[tilespmem:s8+$0xE0] =	vst v0  }
0x75b: {  	v0 =	vld [tilespmem:s9+$0x9A10];
	_ =	sdelay $0x4  }
0x75c: {  	v0 =	vmul.f32 $8.000000000e+00, v0;
	_ =	sdelay $0x1  }
0x75d: {  	s2 =	sadd.s32 $0x1, s2;
	[tilespmem:s8+$0xF0] =	vst v0  }
0x75e: {  	[hbm4b:s18+s4] =	stream.linear.scatter [tilespmem:s30], [sflag:$0x4], $0x6400, $0x38;
	[tilespmem:$0x19320] =	vst v63  }
0x75f: {  	p0 =	sne.s32 s2, s19;
	_ =	swait.ge [sflag:s31], $0x6400  }
.Ltmp7:
0x760: {  	[sflag:s31] =	ssyncset.done $0x0;
	(pc) =	sbr.rel @p0 .LBB2_1-.Ltmp7, $4  }
0x761: {  	[sflag:s31] =	ssyncadd.s32 $0xFFFF9C00  }
0x762: {  	_ =	swait.ge [sflag:s0], $0x6400  }
0x763: {  	[sflag:s0] =	ssyncset.done $0x0  }
0x764: {  	[sflag:s0] =	ssyncadd.s32 $0xFFFF9C00  }
0x765: {  	_ =	sfence.sel $0x180000  }
0x766: {  	[bflag:$0x0] =	sbarrier.arrive $0xFFFF  }
0x767: {  	_ =	strace $0x90000047  }
0x768: {  	s0 =	stileid.u32;
	[bflag:$0x2] =	sbarrier.arrive $0xFFFF  }
0x769: {  	p0 =	sne.s32 s0, $0x0;
	s0 =	rddreg [dreg:$0x3]  }
0x76a: {  	s0 =	sadd.s32 @!p0 $0x100000, s0  }
0x76b: {  	[sflag:s0] =	ssyncadd.tile.s32 @!p0 $0x1;
	_ =	shalt  }
.Lfunc_end2:
_tile_overlayer_lowered:
.L_overlay_start_2:
0x76c: {  	(tag) =	ssettag $0x2  }
0x76d: {  	s0 =	rddreg [dreg:$0x0];
	s2 =	stileid.u32  }
0x76e: {  	s1 =	rddreg [dreg:$0x1];
	p0 =	sne.s32 s2, $0x0  }
0x76f: {  	s3 =	rddreg [dreg:$0x2];
	[bflag:$0x3] =	sbarrier.arrive $0xFFFF;
	s2 =	simm.s32 @!p0 $0x1C05  }
0x770: {  	[timem:s3], [sflag:s2] =	dma.local @!p0 [hbm:s0], s1  }
0x771: {  	s0 =	simm.s32 @!p0 $0x5  }
0x772: {  	_ =	swait.ge @!p0 [sflag:s0], s1  }
0x773: {  	s1 =	ssub.s32 @!p0 $0x0, s1;
	[sflag:s0] =	ssyncset.done @!p0 $0x0  }
0x774: {  	[sflag:s0] =	ssyncadd.s32 @!p0 s1  }
0x775: {  	[bflag:$0x3] =	sbarrier.arrive $0xFFFF  }
0x776: {  	_ =	shalt  }

// kernel: sparse-core-data-format-call.cloned.1.call-start
scs
called_computation_lowered:
.L_overlay_start_0:
0x0: {  	s2 =	sld [smem:$0x3FD9]  }
0x1: {  	s3 =	sld [smem:$0x3FFE];
	_ =	sdelay $0x1  }
0x2: {  	s1 =	srdreg.scid  }
0x3: {  	s0 =	sand.u32 $0x1, s1  }
0x4: {  	s18 =	sshll.u32 s0, $0xA;
	s2 =	sadd.s32 s3, s2  }
0x5: {  	s2 =	sadd.s32 s2, s18  }
0x6: {  	[smem:$0x3FC5] =	sst s2  }
0x7: {  	_ = 	snop  }
0x8: {  	s2 =	sld [smem:$0x3FD0];
	(tm) =	ssettm $0x1  }
0x9: {  	s19 =	sld [smem:$0x3FFB];
	_ =	sdelay $0x3  }
0xa: {  	_ =	strace s19  }
0xb: {  	s3 =	sld [smem:$0x3FFC];
	_ =	sdelay $0x3  }
0xc: {  	_ =	strace s3  }
0xd: {  	s3 =	sld [smem:$0x3FFD];
	_ =	sdelay $0x3  }
0xe: {  	_ =	strace s3  }
0xf: {  	_ =	strace $0x8FFFFFFF  }
0x10: {  	s20 =	sld [smem:$0x3FDB];
	_ =	sdelay $0x1  }
0x11: {  	s4 =	simm.s32 $_scs_section_size  }
0x12: {  	s5 =	simm.s32 $_size__tile_overlayer_lowered;
	s6 =	simm.s32 $_tile_overlayer_lowered  }
0x13: {  	s23 =	simm.s32 $0x1BFF;
	s22 =	sshll.u32 s6, $0x1;
	s3 =	sadd.s32 s4, s20  }
0x14: {  	s7 =	simm.s32 $0x0;
	s21 =	sshll.u32 s5, $0x1;
	s5 =	sadd.s32 s22, s3  }
0x15: {  	[timem:s7], [sflag:s23] =	dma.local [hbm:s5], s21  }
0x16: {  	_ =	swait.ge [sflag:s23], s21  }
0x17: {  	s4 =	ssub.s32 $0x0, s21;
	[sflag:s23] =	ssyncset.done $0x0  }
0x18: {  	[sflag:s23] =	ssyncadd.s32 s4;
	_ =	sdelay $0x1  }
0x19: {  	s24 =	simm.s32 $0x1B8B  }
0x1a: {  	_ =	swait.ge [sflag:s24], $0x1  }
0x1b: {  	[sflag:s24] =	ssyncset.done $0x0  }
0x1c: {  	s26 =	simm.s32 $0x1B8E;
	s25 =	sld [smem:$0x3FFE];
	[sflag:s24] =	ssyncadd.s32 $0xFFFFFFFF  }
0x1d: {  	s27 =	simm.s32 $execute0_lowered;
	[smem:$0x3FD2] =	sst s26  }
0x1e: {  	s5 =	sshll.u32 s27, $0x1;
	_ =	strace $0x80000049;
	[dreg:$0x1] =	wrdreg $0xFFFFFFFF  }
0x1f: {  	s28 =	simm.s32 $_size_execute0_lowered;
	s3 =	sadd.s32 s3, s5;
	[dreg:$0x0] =	wrdreg $0x0  }
0x20: {  	s5 =	sshll.u32 s28, $0x1;
	[dreg:$0x2] =	wrdreg s3  }
0x21: {  	[dreg:$0x3] =	wrdreg s5  }
0x22: {  	[dreg:$0x4] =	wrdreg $0xC0  }
0x23: {  	_ =	task [dreg:s7], $0x5FFFF  }
0x24: {  	[dreg:$0x1] =	wrdreg $0xFFFFFFFF  }
0x25: {  	[dreg:$0x0] =	wrdreg $0x60  }
0x26: {  	[dreg:$0x2] =	wrdreg s25  }
0x27: {  	[dreg:$0x3] =	wrdreg s2  }
0x28: {  	[dreg:$0x4] =	wrdreg $0x9  }
0x29: {  	_ =	task.clear_ibuf [dreg:s7], $0x5FFFF;
	_ =	strace $0x90000049  }
0x2a: {  	s29 =	simm.s32 $0x9;
	_ =	strace $0x8000004B  }
0x2b: {  	_ =	swait.ge [sflag:s29], $0x1  }
0x2c: {  	[sflag:s29] =	ssyncadd.s32 $0xFFFFFFFF  }
0x2d: {  	_ =	strace $0x9000004B  }
0x2e: {  	_ =	sfence  }
0x2f: {  	s30 =	sld [smem:$0x0];
	_ =	sdelay $0x2  }
0x30: {  	s31 =	sshll.u32 s1, $0xD;
	s1 =	sshrl.u32 s1, $0x2  }
0x31: {  	s3 =	sand.u32 $0x4000, s31;
	s1 =	sadd.s32 s1, s30  }
0x32: {  	s0 =	sor.u32 s3, s0;
	s1 =	sshll.u32 s1, $0x11  }
0x33: {  	s0 =	sor.u32 s1, s0  }
0x34: {  	s0 =	sadd.s32 $0x8F2B, s0  }
0x35: {  	[sflag:s0] =	ssyncadd.remote.s32 $0x1  }
0x36: {  	_ =	sfence.sel $0xFFFF  }
0x37: {  	[dreg:$0x0] =	wrdreg $0xFFFFFFFF;
	(pc) =	sbr.abs _section_cstart, $3  }
0x38: {  	[dreg:$0x1] =	wrdreg $0xFFFFFFFF  }
0x39: {  	_ =	task.clear_ibuf [dreg:s7], $0x2FFFF;
	_ =	strace $0x9FFFFFFF  }
0x3a: {  	(tm) =	ssettm $0x7FFFFFFF  }
0x3b: {  	_ =	shalt  }
tec
execute0_lowered:
.L_overlay_start_1:
0x0: {  	(tag) =	ssettag $0x1  }
0x1: {  	s0 =	srdreg.scid  }
0x2: {  	s1 =	sshll.u32 s0, $0x4  }
0x3: {  	s4 =	rddreg [dreg:$0x0];
	s0 =	stileid.u32;
	s1 =	sand.u32 $0x10, s1  }
0x4: {  	s2 =	rddreg [dreg:$0x1];
	s7 =	simm.s32 $0x1;
	s1 =	sor.u32 s0, s1  }
0x5: {  	s8 =	simm.s32 $0x2;
	s11 =	simm.s32 $0x0;
	s3 =	sshll.u32 s1, $0x7  }
0x6: {  	s10 =	simm.s32 $0x0;
	s4 =	sadd.s32 $0x800, s4;
	s6 =	ssub.s32 $0xC8000, s3  }
.Ltmp0:
0x7: {  	s1 =	rddreg [dreg:$0x2];
	s5 =	sand.u32 $0xF80, s6;
	(pc) =	sbr.rel .LBB1_1-.Ltmp0, $4  }
0x8: {  	_ =	strace $0x8000004A;
	s9 =	smov.u32 s3;
	p0 =	sne.s32 s5, $0x0  }
0x9: {  	s6 =	sshrl.u32 s6, $0xC;
	s5 =	simm.s32 $0x1;
	s7 =	simm.s32 @!p0 $0x0  }
0xa: {  	[sflag:s5] =	ssyncpa.u1 $0x0;
	p0 =	por $0x0, $0x0;
	s6 =	sadd.s32 s7, s6  }
0xb: {  	[sflag:s8] =	ssyncpa.u1 $0x0;
	s8 =	simm.s32 $0x640000;
	s7 =	sadd.s32 $0x1, s6  }
.LBB1_4:
0xc: {  	s14 =	sshll.u32 s11, $0x3  }
0xd: {  	s30 =	sand.u32 $0x7F, s11;
	s15 =	sand.u32 $0xFFFFFC00, s14  }
0xe: {  	s11 =	sor.u32 s30, s15  }
0xf: {  	s15 =	smulhi.u32 $0x51EB851F, s11  }
0x10: {  	s14 =	smulhi.u32 $0x51EB851F, s14  }
0x11: {  	s15 =	sshrl.u32 s15, $0x12  }
0x12: {  	s14 =	sshrl.u32 s14, $0x12;
	s15 =	smul.u32 $0xC8000, s15  }
0x13: {  	s14 =	sand.u32 $0x3F, s14  }
0x14: {  	s14 =	smul.u32 $0x19000, s14;
	s11 =	ssub.s32 s11, s15  }
0x15: {  	[tilespmem:s13+$0x810 ss:$0x81] =	vst.msk $0xffff, v2;
	s15 =	sand.u32 $0x7, s11  }
0x16: {  	[tilespmem:s13+$0x1020 ss:$0x81] =	vst.msk $0xffff, v0;
	s14 =	sadd.s32 s2, s14;
	s11 =	sshrl.u32 s11, $0x3;
	s15 =	sshll.u32 s15, $0x12  }
0x17: {  	[tilespmem:s13+$0x0 ss:$0x81] =	vst.msk $0xffff, v1;
	s11 =	sadd.s32 s11, s14;
	s31 =	sor.u32 $0x400, s15  }
0x18: {  	[hbm4b:s11+s31] =	stream.strided.scatter [tilespmem:s12], [sflag:$0x2], $0x2000, s8, s31, $0x20;
	[tilespmem:$0x8080] =	vst v63  }
.LBB1_5:
0x19: {  	s13 =	sadd.s32 $0x1000, s9  }
0x1a: {  	p2 =	sgt.s32 s13, $0xC7FFF  }
0x1b: {  	s13 =	smov.u32 @p2 s3;
	p2 =	sne.s32 s10, s7  }
.Ltmp1:
0x1c: {  	p1 =	slt.u32 s10, $0x2;
	(pc) =	sbr.rel @!p2 .LBB1_6-.Ltmp1, $4  }
0x1d: {  	s12 =	simm.s32 @!p1 $0x2  }
0x1e: {  	s14 =	sadd.s32 $0x1, s10;
	_ =	swait.ge @!p1 [sflag:s12], $0x2000  }
0x1f: {  	s11 =	smov.u32 s9;
	p0 =	por !p0, !p0;
	[sflag:s12] =	ssyncset.done @!p1 $0x0  }
0x20: {  	s10 =	smov.u32 s14;
	s9 =	smov.u32 s13;
	[sflag:s12] =	ssyncadd.s32 @!p1 $0xFFFFE000  }
.LBB1_1:
0x21: {  	p1 =	sge.u32 s10, s6  }
0x22: {  	s12 =	sand.u32 @!p1 $0x1FFFFFF, s9  }
0x23: {  	s13 =	smulhi.u32 @!p1 $0x147AE15, s12;
	_ =	sdelay $0x1  }
0x24: {  	s13 =	sshrl.u32 @!p1 s13, $0xC  }
0x25: {  	s13 =	smul.u32 @!p1 $0xC8000, s13;
	_ =	sdelay $0x1  }
0x26: {  	s31 =	sadd.s32 $0xFFFFFFFF, s10;
	s14 =	sxor.u32 @!p1 $0xFFFFFFFF, s10;
	s12 =	ssub.s32 @!p1 s12, s13  }
0x27: {  	s15 =	simm.s32 @!p1 $0x80;
	s14 =	sshll.u32 @!p1 s14, $0xD;
	s12 =	sshll.u32 @!p1 s12, $0x4  }
0x28: {  	s13 =	sand.u32 @!p1 $0x2000, s14;
	s14 =	simm.s32 @!p1 $0x40;
	s12 =	sadd.s32 @!p1 s4, s12  }
0x29: {  	[tilespmem:s13], [sflag:$0x1] =	stream.strided.gather @!p1 [hbm4b:s12+s14], $0x2000, s15, s14, $0x38;
	[tilespmem:$0x8080] =	vst v63  }
0x2a: {  	p1 =	sge.u32 s31, s6  }
.Ltmp2:
0x2b: {  	_ = 	snop;
	(pc) =	sbr.rel @p1 .LBB1_5-.Ltmp2, $1  }
0x2c: {  	_ =	sdelay $0x3  }
0x2d: {  	s12 =	simm.s32 $0x1  }
0x2e: {  	_ =	swait.ge [sflag:s5], $0x2000;
	s12 =	simm.s32 @!p0 $0x0  }
0x2f: {  	[sflag:s5] =	ssyncset.done $0x0;
	s13 =	sshll.u32 s12, $0xD  }
0x30: {  	[sflag:s5] =	ssyncadd.s32 $0xFFFFE000;
	s16 =	sor.u32 $0x20, s13  }
0x31: {  	s12 =	smul.u32 $0x8100, s12;
	v3 =	vld [tilespmem:s16+$0x10]  }
0x32: {  	s30 =	sand.u32 $0x1, s10;
	v2 =	vld [tilespmem:s16+$0xFFFFFFF0]  }
0x33: {  	s13 =	smul.u32 $0x8100, s30;
	s12 =	sshrl.u32 s12, $0x2;
	v0 =	vld [tilespmem:s16+$0x0]  }
0x34: {  	v1 =	vld [tilespmem:s16+$0xFFFFFFE0];
	s14 =	sor.u32 $0x4000, s12  }
0x35: {  	s31 =	sshrl.u32 s13, $0x2;
	s13 =	sadd.s32 $0x0, s14  }
0x36: {  	s15 =	simm.s32 $0x4;
	s16 =	sadd.s32 $0x40, s16;
	s12 =	sor.u32 $0x4000, s31;
	[tilespmem:s13+$0x1830 ss:$0x81] =	vst.msk $0xffff, v3  }
.LBB1_3:
0x37: {  	v3 =	vld [tilespmem:s16+$0x10];
	p1 =	sne.s32 s15, $0x1FC;
	[tilespmem:s13+$0x810 ss:$0x81] =	vst.msk $0xffff, v2;
	s17 =	smov.u32 s15;
	s15 =	sadd.s32 $0x4, s15  }
.Ltmp3:
0x38: {  	v2 =	vld [tilespmem:s16+$0xFFFFFFF0];
	[tilespmem:s13+$0x1020 ss:$0x81] =	vst.msk $0xffff, v0;
	(pc) =	sbr.rel @p1 .LBB1_3-.Ltmp3, $4  }
0x39: {  	v0 =	vld [tilespmem:s16+$0x0];
	[tilespmem:s13+$0x0 ss:$0x81] =	vst.msk $0xffff, v1  }
0x3a: {  	s13 =	sshra.s32 s17, $0x2;
	v1 =	vld [tilespmem:s16+$0xFFFFFFE0]  }
0x3b: {  	s13 =	sadd.s32 s13, s14  }
0x3c: {  	s16 =	sadd.s32 $0x40, s16;
	[tilespmem:s13+$0x1830 ss:$0x81] =	vst.msk $0xffff, v3  }
.Ltmp4:
0x3d: {  	_ = 	snop;
	(pc) =	sbr.rel .LBB1_4-.Ltmp4, $1  }
0x3e: {  	_ =	sdelay $0x3  }
.LBB1_6:
0x3f: {  	_ =	sfence.sel $0x180000  }
0x40: {  	s2 =	simm.s32 $0x1;
	[bflag:$0x0] =	sbarrier.arrive $0xFFFF  }
0x41: {  	s31 =	simm.s32 $0x2;
	[sflag:s2] =	ssyncpa.u1 $0x1  }
0x42: {  	[sflag:s31] =	ssyncpa.u1 $0x1  }
0x43: {  	p0 =	sne.s32 s0, $0x0;
	_ =	strace $0x9000004A  }
0x44: {  	s0 =	sadd.s32 @!p0 $0x100000, s1;
	[bflag:$0x2] =	sbarrier.arrive $0xFFFF  }
0x45: {  	[sflag:s0] =	ssyncadd.tile.s32 @!p0 $0x1;
	_ =	shalt  }
.Lfunc_end1:
_tile_overlayer_lowered:
.L_overlay_start_2:
0x46: {  	(tag) =	ssettag $0x2  }
0x47: {  	s0 =	rddreg [dreg:$0x0];
	s2 =	stileid.u32  }
0x48: {  	s1 =	rddreg [dreg:$0x1];
	p0 =	sne.s32 s2, $0x0  }
0x49: {  	s3 =	rddreg [dreg:$0x2];
	[bflag:$0x3] =	sbarrier.arrive $0xFFFF;
	s2 =	simm.s32 @!p0 $0x1C01  }
0x4a: {  	[timem:s3], [sflag:s2] =	dma.local @!p0 [hbm:s0], s1  }
0x4b: {  	s0 =	simm.s32 @!p0 $0x1  }
0x4c: {  	_ =	swait.ge @!p0 [sflag:s0], s1  }
0x4d: {  	s1 =	ssub.s32 @!p0 $0x0, s1;
	[sflag:s0] =	ssyncset.done @!p0 $0x0  }
0x4e: {  	[sflag:s0] =	ssyncadd.s32 @!p0 s1  }
0x4f: {  	[bflag:$0x3] =	sbarrier.arrive $0xFFFF  }
0x50: {  	_ =	shalt  }

</sc_bundles>
